<compile_context>
chip_gen: v7x
topology: tpu7x:2x2x1
jax: 0.10.2.dev20260603
libtpu: 0.0.44.dev20260713+nightly
codegen_flags: <defaults>
</compile_context>

<pallas_src>
import functools

import jax
import jax.numpy as jnp
from jax import lax
from jax.experimental import pallas as pl
from jax.experimental.pallas import tpu as pltpu
from jax.experimental.pallas import tpu_sc as plsc

L = 16


def _body(idx_hbm, tableT_hbm, w1t_hbm, b1_hbm, w2t_hbm, b2_hbm,
          w3t_hbm, b3_hbm, out_hbm,
          idx_v, blk0_v, blk1_v, tail_v, w1t_v, b1_v, w2t_v, b2_v,
          w3t_v, b3_v, out_v, sem_w, sem_g0, sem_g1):
  cid = lax.axis_index("c")
  sid = lax.axis_index("s")
  V = tableT_hbm.shape[1]
  tail = (V // 128) * 128
  last_full = tail - 128

  @pl.when((cid == 0) & (sid == 0))
  def _():
    wcps = [pltpu.async_copy(src, dst, sem_w) for src, dst in (
        (w1t_hbm, w1t_v), (b1_hbm, b1_v), (w2t_hbm, w2t_v), (b2_hbm, b2_v),
        (w3t_hbm, w3t_v), (b3_hbm, b3_v),
        (tableT_hbm.at[:, pl.ds(tail, V - tail)], tail_v),
    )]
    pltpu.sync_copy(idx_hbm, idx_v.at[pl.ds(0, 2)])
    iv = idx_v[pl.ds(0, L)]
    i0 = iv[0]
    i1 = iv[1]
    a0 = pl.multiple_of(jnp.minimum((i0 // 128) * 128, last_full), 128)
    a1 = pl.multiple_of(jnp.minimum((i1 // 128) * 128, last_full), 128)
    g0 = pltpu.async_copy(tableT_hbm.at[:, pl.ds(a0, 128)], blk0_v, sem_g0)
    g1 = pltpu.async_copy(tableT_hbm.at[:, pl.ds(a1, 128)], blk1_v, sem_g1)
    g0.wait()
    g1.wait()
    for cp in wcps:
      cp.wait()

    lanes = lax.broadcasted_iota(jnp.int32, (L,), 0)

    def column(blk, i, a):
      in_main = i < tail
      lane_m = jnp.full((L,), jnp.minimum(i - a, 127), dtype=jnp.int32)
      lane_t = jnp.full((L,), jnp.clip(i - tail, 0, V - tail - 1),
                        dtype=jnp.int32)
      sel = jnp.full((L,), in_main)
      return [jnp.where(sel,
                        plsc.load_gather(blk, [c * L + lanes, lane_m]),
                        plsc.load_gather(tail_v, [c * L + lanes, lane_t]))
              for c in range(4)]

    xv = column(blk0_v, i0, a0) + column(blk1_v, i1, a1)

    acc1 = [b1_v[pl.ds(c * L, L)] for c in range(2)]
    for k in range(128):
      s = xv[k // L][k % L]
      for c in range(2):
        acc1[c] = acc1[c] + s * w1t_v[k, pl.ds(c * L, L)]
    h1 = [jnp.maximum(a, 0.0) for a in acc1]

    acc2 = [b2_v[pl.ds(c * L, L)] for c in range(2)]
    for k in range(32):
      s = h1[k // L][k % L]
      for c in range(2):
        acc2[c] = acc2[c] + s * w2t_v[k, pl.ds(c * L, L)]
    h2 = [jnp.maximum(a, 0.0) for a in acc2]

    acc3 = [b3_v[pl.ds(c * L, L)] for c in range(4)]
    for k in range(32):
      s = h2[k // L][k % L]
      for c in range(4):
        acc3[c] = acc3[c] + s * w3t_v[k, pl.ds(c * L, L)]
    for c in range(4):
      out_v[0, pl.ds(c * L, L)] = jnp.maximum(acc3[c], 0.0)

    pltpu.sync_copy(out_v, out_hbm)


@jax.jit
def _run(idx, tableT, w1t, b1, w2t, b2, w3t, b3):
  mesh = plsc.VectorSubcoreMesh(
      core_axis_name="c", subcore_axis_name="s", num_cores=2, num_subcores=16)
  return pl.kernel(
      _body,
      out_type=jax.ShapeDtypeStruct((1, 64), jnp.float32),
      mesh=mesh,
      scratch_types=[
          pltpu.VMEM((L,), jnp.int32),
          pltpu.VMEM((64, 128), jnp.float32),
          pltpu.VMEM((64, 128), jnp.float32),
          pltpu.VMEM((64, 64), jnp.float32),
          pltpu.VMEM((128, 32), jnp.float32),
          pltpu.VMEM((32,), jnp.float32),
          pltpu.VMEM((32, 32), jnp.float32),
          pltpu.VMEM((32,), jnp.float32),
          pltpu.VMEM((32, 64), jnp.float32),
          pltpu.VMEM((64,), jnp.float32),
          pltpu.VMEM((1, 64), jnp.float32),
          pltpu.SemaphoreType.DMA,
          pltpu.SemaphoreType.DMA,
          pltpu.SemaphoreType.DMA,
      ],
      compiler_params=pltpu.CompilerParams(needs_layout_passes=False),
  )(idx, tableT, w1t, b1, w2t, b2, w3t, b3)


def kernel(inputs, table, W1, b1, W2, b2, W3, b3):
  return _run(inputs.astype(jnp.int32), table.T, W1.T, b1, W2.T, b2, W3.T, b3)

# --- scband reference (transcript-rebuilt; emitter-appended) ---
"""Pipeline reference for scband-sentence-81595788689742 (READ-ONLY COPY).

The authoritative reference and input builder live on the scoring server;
editing this copy changes nothing except your own understanding.
"""

import jax, jax.numpy as jnp
import numpy as np

VOCAB = 1000000
EMBED_DIM = 64

def setup_inputs(seed: int = 0) -> dict:
    key = jax.random.key(seed)
    k_idx, k_tab, k_w1, k_b1, k_w2, k_b2, k_w3, k_b3 = jax.random.split(key, 8)
    inputs = jax.random.randint(k_idx, (2,), 0, VOCAB, dtype=jnp.int64) if jax.config.jax_enable_x64 else jax.random.randint(k_idx, (2,), 0, VOCAB, dtype=jnp.int32)
    table = jax.random.normal(k_tab, (VOCAB, EMBED_DIM), dtype=jnp.float32)
    fan1 = EMBED_DIM * 2
    W1 = jax.random.uniform(k_w1, (32, fan1), dtype=jnp.float32, minval=-1.0, maxval=1.0) / np.sqrt(fan1)
    b1 = jax.random.uniform(k_b1, (32,), dtype=jnp.float32, minval=-1.0, maxval=1.0) / np.sqrt(fan1)
    W2 = jax.random.uniform(k_w2, (32, 32), dtype=jnp.float32, minval=-1.0, maxval=1.0) / np.sqrt(32)
    b2 = jax.random.uniform(k_b2, (32,), dtype=jnp.float32, minval=-1.0, maxval=1.0) / np.sqrt(32)
    W3 = jax.random.uniform(k_w3, (64, 32), dtype=jnp.float32, minval=-1.0, maxval=1.0) / np.sqrt(32)
    b3 = jax.random.uniform(k_b3, (64,), dtype=jnp.float32, minval=-1.0, maxval=1.0) / np.sqrt(32)
    return {"inputs": inputs, "table": table, "W1": W1, "b1": b1, "W2": W2, "b2": b2, "W3": W3, "b3": b3}

def reference(inputs, table, W1, b1, W2, b2, W3, b3):
    sentence_embed = jnp.take(table, inputs, axis=0).reshape((1, -1))
    out = jax.nn.relu(sentence_embed @ W1.T + b1)
    out = jax.nn.relu(out @ W2.T + b2)
    out = jax.nn.relu(out @ W3.T + b3)
    return out

if __name__ == "__main__":
    import jax
    _d = setup_inputs()
    print(jax.jit(kernel)(*tuple(_d.values())))

</pallas_src>

<mosaic_0001>
#map = affine_map<(d0, d1) -> (0)>
#map1 = affine_map<(d0, d1) -> (0, 0)>
module attributes {stable_mosaic.version = 14 : i64} {
  func.func @_body(%arg0: i32, %arg1: i32, %arg2: memref<2xi32, #tpu.memory_space<hbm>>, %arg3: memref<64x1000000xf32, #tpu.memory_space<hbm>>, %arg4: memref<128x32xf32, #tpu.memory_space<hbm>>, %arg5: memref<32xf32, #tpu.memory_space<hbm>>, %arg6: memref<32x32xf32, #tpu.memory_space<hbm>>, %arg7: memref<32xf32, #tpu.memory_space<hbm>>, %arg8: memref<32x64xf32, #tpu.memory_space<hbm>>, %arg9: memref<64xf32, #tpu.memory_space<hbm>>, %arg10: memref<1x64xf32, #tpu.memory_space<hbm>>, %arg11: memref<16xi32, #tpu.memory_space<vmem>>, %arg12: memref<64x128xf32, #tpu.memory_space<vmem>>, %arg13: memref<64x128xf32, #tpu.memory_space<vmem>>, %arg14: memref<64x64xf32, #tpu.memory_space<vmem>>, %arg15: memref<128x32xf32, #tpu.memory_space<vmem>>, %arg16: memref<32xf32, #tpu.memory_space<vmem>>, %arg17: memref<32x32xf32, #tpu.memory_space<vmem>>, %arg18: memref<32xf32, #tpu.memory_space<vmem>>, %arg19: memref<32x64xf32, #tpu.memory_space<vmem>>, %arg20: memref<64xf32, #tpu.memory_space<vmem>>, %arg21: memref<1x64xf32, #tpu.memory_space<vmem>>, %arg22: memref<!tpu.dma_semaphore, #tpu.memory_space<semaphore_mem>>, %arg23: memref<!tpu.dma_semaphore, #tpu.memory_space<semaphore_mem>>, %arg24: memref<!tpu.dma_semaphore, #tpu.memory_space<semaphore_mem>>) attributes {dimension_semantics = [#tpu.dimension_semantics<core_parallel>, #tpu.dimension_semantics<subcore_parallel>], iteration_bounds = array<i64: 2, 16>, scalar_prefetch = 0 : i64, scratch_operands = 14 : i64, tpu.core_type = #tpu.core_type<sc_vector_subcore>, window_params = [{transform_indices = #map}, {transform_indices = #map1}, {transform_indices = #map1}, {transform_indices = #map}, {transform_indices = #map1}, {transform_indices = #map}, {transform_indices = #map1}, {transform_indices = #map}, {transform_indices = #map1}]} {
    %eq3A = arith.constant 0 : i32
    %eq3A_0 = arith.cmpi eq, %arg0, %eq3A : i32
    %eq3A_1 = arith.constant 0 : i32
    %eq3A_2 = arith.cmpi eq, %arg1, %eq3A_1 : i32
    %and3A = arith.andi %eq3A_0, %eq3A_2 : i1
    %convert_element_type3A = arith.extui %and3A : i1 to i32
    %cond3A = arith.constant 0 : i32
    %cond3A_3 = arith.cmpi ne, %convert_element_type3A, %cond3A : i32
    scf.if %cond3A_3 {
      tpu.enqueue_dma source(%arg4 : memref<128x32xf32, #tpu.memory_space<hbm>>) target(%arg15 : memref<128x32xf32, #tpu.memory_space<vmem>>) target_semaphore(%arg22 : memref<!tpu.dma_semaphore, #tpu.memory_space<semaphore_mem>>)
      tpu.enqueue_dma source(%arg5 : memref<32xf32, #tpu.memory_space<hbm>>) target(%arg16 : memref<32xf32, #tpu.memory_space<vmem>>) target_semaphore(%arg22 : memref<!tpu.dma_semaphore, #tpu.memory_space<semaphore_mem>>)
      tpu.enqueue_dma source(%arg6 : memref<32x32xf32, #tpu.memory_space<hbm>>) target(%arg17 : memref<32x32xf32, #tpu.memory_space<vmem>>) target_semaphore(%arg22 : memref<!tpu.dma_semaphore, #tpu.memory_space<semaphore_mem>>)
      tpu.enqueue_dma source(%arg7 : memref<32xf32, #tpu.memory_space<hbm>>) target(%arg18 : memref<32xf32, #tpu.memory_space<vmem>>) target_semaphore(%arg22 : memref<!tpu.dma_semaphore, #tpu.memory_space<semaphore_mem>>)
      tpu.enqueue_dma source(%arg8 : memref<32x64xf32, #tpu.memory_space<hbm>>) target(%arg19 : memref<32x64xf32, #tpu.memory_space<vmem>>) target_semaphore(%arg22 : memref<!tpu.dma_semaphore, #tpu.memory_space<semaphore_mem>>)
      tpu.enqueue_dma source(%arg9 : memref<64xf32, #tpu.memory_space<hbm>>) target(%arg20 : memref<64xf32, #tpu.memory_space<vmem>>) target_semaphore(%arg22 : memref<!tpu.dma_semaphore, #tpu.memory_space<semaphore_mem>>)
      %dma_start3A = arith.constant 0 : i32
      %dma_start3A_4 = arith.constant 999936 : i32
      %dma_start3A_5 = tpu.memref_slice %arg3[%dma_start3A, %dma_start3A_4] : memref<64x1000000xf32, #tpu.memory_space<hbm>> -> memref<64x64xf32, #tpu.memory_space<hbm>>
      %dma_start3A_6 = arith.constant 0 : i32
      %dma_start3A_7 = arith.constant 999936 : i32
      %dma_start3A_8 = tpu.memref_slice %arg3[%dma_start3A_6, %dma_start3A_7] : memref<64x1000000xf32, #tpu.memory_space<hbm>> -> memref<64x64xf32, #tpu.memory_space<hbm>>
      tpu.enqueue_dma source(%dma_start3A_8 : memref<64x64xf32, #tpu.memory_space<hbm>>) target(%arg14 : memref<64x64xf32, #tpu.memory_space<vmem>>) target_semaphore(%arg22 : memref<!tpu.dma_semaphore, #tpu.memory_space<semaphore_mem>>)
      "tpu.region"() ({
        %run_scoped3A = tpu.sem_alloc : memref<!tpu.dma_semaphore, #tpu.memory_space<semaphore_mem>>
        %dma_start3A_3751 = arith.constant 0 : i32
        %dma_start3A_3752 = tpu.memref_slice %arg11[%dma_start3A_3751] : memref<16xi32, #tpu.memory_space<vmem>> -> memref<2xi32, #tpu.memory_space<vmem>>
        %dma_start3A_3753 = arith.constant 0 : i32
        %dma_start3A_3754 = tpu.memref_slice %arg11[%dma_start3A_3753] : memref<16xi32, #tpu.memory_space<vmem>> -> memref<2xi32, #tpu.memory_space<vmem>>
        tpu.enqueue_dma source(%arg2 : memref<2xi32, #tpu.memory_space<hbm>>) target(%dma_start3A_3754 : memref<2xi32, #tpu.memory_space<vmem>>) target_semaphore(%run_scoped3A : memref<!tpu.dma_semaphore, #tpu.memory_space<semaphore_mem>>)
        %dma_wait3A_3755 = arith.constant 0 : i32
        %dma_wait3A_3756 = tpu.memref_slice %arg11[%dma_wait3A_3755] : memref<16xi32, #tpu.memory_space<vmem>> -> memref<2xi32, #tpu.memory_space<vmem>>
        %dma_wait3A_3757 = arith.constant 0 : i32
        %dma_wait3A_3758 = tpu.memref_slice %arg11[%dma_wait3A_3757] : memref<16xi32, #tpu.memory_space<vmem>> -> memref<2xi32, #tpu.memory_space<vmem>>
        tpu.wait_dma2 semaphore(%run_scoped3A : memref<!tpu.dma_semaphore, #tpu.memory_space<semaphore_mem>>) src(%arg2 : memref<2xi32, #tpu.memory_space<hbm>>) dst(%dma_wait3A_3758 : memref<2xi32, #tpu.memory_space<vmem>>)
        tpu.yield
      }) : () -> ()
      %get3A = arith.constant 0 : index
      %get3A_9 = tpu.vector_load %arg11[%get3A] {strides = array<i32>} : memref<16xi32, #tpu.memory_space<vmem>>, vector<16xi32>,
      %slice3A = vector.extract_strided_slice %get3A_9 {offsets = [0], sizes = [1], strides = [1]} : vector<16xi32> to vector<1xi32>
      %squeeze3A = vector.extract %slice3A[0] : i32 from vector<1xi32>
      %slice3A_10 = vector.extract_strided_slice %get3A_9 {offsets = [1], sizes = [1], strides = [1]} : vector<16xi32> to vector<1xi32>
      %squeeze3A_11 = vector.extract %slice3A_10[0] : i32 from vector<1xi32>
      %jit3A = arith.constant 128 : i32
      %div3A = arith.divsi %squeeze3A, %jit3A : i32
      %sign3A = arith.constant 0 : i32
      %sign3A_12 = arith.cmpi sgt, %squeeze3A, %sign3A : i32
      %sign3A_13 = arith.extui %sign3A_12 : i1 to i32
      %sign3A_14 = arith.constant 0 : i32
      %sign3A_15 = arith.cmpi slt, %squeeze3A, %sign3A_14 : i32
      %sign3A_16 = arith.extui %sign3A_15 : i1 to i32
      %sign3A_17 = arith.subi %sign3A_13, %sign3A_16 : i32
      %sign3A_18 = arith.constant 0 : i32
      %sign3A_19 = arith.cmpi sgt, %jit3A, %sign3A_18 : i32
      %sign3A_20 = arith.extui %sign3A_19 : i1 to i32
      %sign3A_21 = arith.constant 0 : i32
      %sign3A_22 = arith.cmpi slt, %jit3A, %sign3A_21 : i32
      %sign3A_23 = arith.extui %sign3A_22 : i1 to i32
      %sign3A_24 = arith.subi %sign3A_20, %sign3A_23 : i32
      %ne3A = arith.cmpi ne, %sign3A_17, %sign3A_24 : i32
      %rem3A = arith.remsi %squeeze3A, %jit3A : i32
      %ne3A_25 = arith.constant 0 : i32
      %ne3A_26 = arith.cmpi ne, %rem3A, %ne3A_25 : i32
      %and3A_27 = arith.andi %ne3A, %ne3A_26 : i1
      %sub3A = arith.constant 1 : i32
      %sub3A_28 = arith.subi %div3A, %sub3A : i32
      %select_n3A = arith.select %and3A_27, %sub3A_28, %div3A : i32
      %mul3A = arith.constant 128 : i32
      %mul3A_29 = arith.muli %select_n3A, %mul3A : i32
      %min3A = arith.constant 999808 : i32
      %min3A_30 = arith.minsi %mul3A_29, %min3A : i32
      %multiple_of3A = tpu.assume_multiple %min3A_30, 128 : i32
      %jit3A_31 = arith.constant 128 : i32
      %div3A_32 = arith.divsi %squeeze3A_11, %jit3A_31 : i32
      %sign3A_33 = arith.constant 0 : i32
      %sign3A_34 = arith.cmpi sgt, %squeeze3A_11, %sign3A_33 : i32
      %sign3A_35 = arith.extui %sign3A_34 : i1 to i32
      %sign3A_36 = arith.constant 0 : i32
      %sign3A_37 = arith.cmpi slt, %squeeze3A_11, %sign3A_36 : i32
      %sign3A_38 = arith.extui %sign3A_37 : i1 to i32
      %sign3A_39 = arith.subi %sign3A_35, %sign3A_38 : i32
      %sign3A_40 = arith.constant 0 : i32
      %sign3A_41 = arith.cmpi sgt, %jit3A_31, %sign3A_40 : i32
      %sign3A_42 = arith.extui %sign3A_41 : i1 to i32
      %sign3A_43 = arith.constant 0 : i32
      %sign3A_44 = arith.cmpi slt, %jit3A_31, %sign3A_43 : i32
      %sign3A_45 = arith.extui %sign3A_44 : i1 to i32
      %sign3A_46 = arith.subi %sign3A_42, %sign3A_45 : i32
      %ne3A_47 = arith.cmpi ne, %sign3A_39, %sign3A_46 : i32
      %rem3A_48 = arith.remsi %squeeze3A_11, %jit3A_31 : i32
      %ne3A_49 = arith.constant 0 : i32
      %ne3A_50 = arith.cmpi ne, %rem3A_48, %ne3A_49 : i32
      %and3A_51 = arith.andi %ne3A_47, %ne3A_50 : i1
      %sub3A_52 = arith.constant 1 : i32
      %sub3A_53 = arith.subi %div3A_32, %sub3A_52 : i32
      %select_n3A_54 = arith.select %and3A_51, %sub3A_53, %div3A_32 : i32
      %mul3A_55 = arith.constant 128 : i32
      %mul3A_56 = arith.muli %select_n3A_54, %mul3A_55 : i32
      %min3A_57 = arith.constant 999808 : i32
      %min3A_58 = arith.minsi %mul3A_56, %min3A_57 : i32
      %multiple_of3A_59 = tpu.assume_multiple %min3A_58, 128 : i32
      %dma_start3A_60 = arith.constant 0 : i32
      %dma_start3A_61 = tpu.memref_slice %arg3[%dma_start3A_60, %multiple_of3A] : memref<64x1000000xf32, #tpu.memory_space<hbm>> -> memref<64x128xf32, #tpu.memory_space<hbm>>
      %dma_start3A_62 = arith.constant 0 : i32
      %dma_start3A_63 = tpu.memref_slice %arg3[%dma_start3A_62, %multiple_of3A] : memref<64x1000000xf32, #tpu.memory_space<hbm>> -> memref<64x128xf32, #tpu.memory_space<hbm>>
      tpu.enqueue_dma source(%dma_start3A_63 : memref<64x128xf32, #tpu.memory_space<hbm>>) target(%arg12 : memref<64x128xf32, #tpu.memory_space<vmem>>) target_semaphore(%arg23 : memref<!tpu.dma_semaphore, #tpu.memory_space<semaphore_mem>>)
      %dma_start3A_64 = arith.constant 0 : i32
      %dma_start3A_65 = tpu.memref_slice %arg3[%dma_start3A_64, %multiple_of3A_59] : memref<64x1000000xf32, #tpu.memory_space<hbm>> -> memref<64x128xf32, #tpu.memory_space<hbm>>
      %dma_start3A_66 = arith.constant 0 : i32
      %dma_start3A_67 = tpu.memref_slice %arg3[%dma_start3A_66, %multiple_of3A_59] : memref<64x1000000xf32, #tpu.memory_space<hbm>> -> memref<64x128xf32, #tpu.memory_space<hbm>>
      tpu.enqueue_dma source(%dma_start3A_67 : memref<64x128xf32, #tpu.memory_space<hbm>>) target(%arg13 : memref<64x128xf32, #tpu.memory_space<vmem>>) target_semaphore(%arg24 : memref<!tpu.dma_semaphore, #tpu.memory_space<semaphore_mem>>)
      %dma_wait3A = arith.constant 0 : i32
      %dma_wait3A_68 = tpu.memref_slice %arg3[%dma_wait3A, %multiple_of3A] : memref<64x1000000xf32, #tpu.memory_space<hbm>> -> memref<64x128xf32, #tpu.memory_space<hbm>>
      %dma_wait3A_69 = arith.constant 0 : i32
      %dma_wait3A_70 = tpu.memref_slice %arg3[%dma_wait3A_69, %multiple_of3A] : memref<64x1000000xf32, #tpu.memory_space<hbm>> -> memref<64x128xf32, #tpu.memory_space<hbm>>
      tpu.wait_dma2 semaphore(%arg23 : memref<!tpu.dma_semaphore, #tpu.memory_space<semaphore_mem>>) src(%dma_wait3A_70 : memref<64x128xf32, #tpu.memory_space<hbm>>) dst(%arg12 : memref<64x128xf32, #tpu.memory_space<vmem>>)
      %dma_wait3A_71 = arith.constant 0 : i32
      %dma_wait3A_72 = tpu.memref_slice %arg3[%dma_wait3A_71, %multiple_of3A_59] : memref<64x1000000xf32, #tpu.memory_space<hbm>> -> memref<64x128xf32, #tpu.memory_space<hbm>>
      %dma_wait3A_73 = arith.constant 0 : i32
      %dma_wait3A_74 = tpu.memref_slice %arg3[%dma_wait3A_73, %multiple_of3A_59] : memref<64x1000000xf32, #tpu.memory_space<hbm>> -> memref<64x128xf32, #tpu.memory_space<hbm>>
      tpu.wait_dma2 semaphore(%arg24 : memref<!tpu.dma_semaphore, #tpu.memory_space<semaphore_mem>>) src(%dma_wait3A_74 : memref<64x128xf32, #tpu.memory_space<hbm>>) dst(%arg13 : memref<64x128xf32, #tpu.memory_space<vmem>>)
      tpu.wait_dma2 semaphore(%arg22 : memref<!tpu.dma_semaphore, #tpu.memory_space<semaphore_mem>>) src(%arg4 : memref<128x32xf32, #tpu.memory_space<hbm>>) dst(%arg15 : memref<128x32xf32, #tpu.memory_space<vmem>>)
      tpu.wait_dma2 semaphore(%arg22 : memref<!tpu.dma_semaphore, #tpu.memory_space<semaphore_mem>>) src(%arg5 : memref<32xf32, #tpu.memory_space<hbm>>) dst(%arg16 : memref<32xf32, #tpu.memory_space<vmem>>)
      tpu.wait_dma2 semaphore(%arg22 : memref<!tpu.dma_semaphore, #tpu.memory_space<semaphore_mem>>) src(%arg6 : memref<32x32xf32, #tpu.memory_space<hbm>>) dst(%arg17 : memref<32x32xf32, #tpu.memory_space<vmem>>)
      tpu.wait_dma2 semaphore(%arg22 : memref<!tpu.dma_semaphore, #tpu.memory_space<semaphore_mem>>) src(%arg7 : memref<32xf32, #tpu.memory_space<hbm>>) dst(%arg18 : memref<32xf32, #tpu.memory_space<vmem>>)
      tpu.wait_dma2 semaphore(%arg22 : memref<!tpu.dma_semaphore, #tpu.memory_space<semaphore_mem>>) src(%arg8 : memref<32x64xf32, #tpu.memory_space<hbm>>) dst(%arg19 : memref<32x64xf32, #tpu.memory_space<vmem>>)
      tpu.wait_dma2 semaphore(%arg22 : memref<!tpu.dma_semaphore, #tpu.memory_space<semaphore_mem>>) src(%arg9 : memref<64xf32, #tpu.memory_space<hbm>>) dst(%arg20 : memref<64xf32, #tpu.memory_space<vmem>>)
      %dma_wait3A_75 = arith.constant 0 : i32
      %dma_wait3A_76 = arith.constant 999936 : i32
      %dma_wait3A_77 = tpu.memref_slice %arg3[%dma_wait3A_75, %dma_wait3A_76] : memref<64x1000000xf32, #tpu.memory_space<hbm>> -> memref<64x64xf32, #tpu.memory_space<hbm>>
      %dma_wait3A_78 = arith.constant 0 : i32
      %dma_wait3A_79 = arith.constant 999936 : i32
      %dma_wait3A_80 = tpu.memref_slice %arg3[%dma_wait3A_78, %dma_wait3A_79] : memref<64x1000000xf32, #tpu.memory_space<hbm>> -> memref<64x64xf32, #tpu.memory_space<hbm>>
      tpu.wait_dma2 semaphore(%arg22 : memref<!tpu.dma_semaphore, #tpu.memory_space<semaphore_mem>>) src(%dma_wait3A_80 : memref<64x64xf32, #tpu.memory_space<hbm>>) dst(%arg14 : memref<64x64xf32, #tpu.memory_space<vmem>>)
      %iota3A = tpu.iota {dimensions = array<i32: 0>} : vector<16xi32>
      %lt3A = arith.constant 999936 : i32
      %lt3A_81 = arith.cmpi slt, %squeeze3A, %lt3A : i32
      %sub3A_82 = arith.subi %squeeze3A, %multiple_of3A : i32
      %min3A_83 = arith.constant 127 : i32
      %min3A_84 = arith.minsi %sub3A_82, %min3A_83 : i32
      %broadcast_in_dim3A = vector.broadcast %min3A_84 : i32 to vector<16xi32>
      %sub3A_85 = arith.constant 999936 : i32
      %sub3A_86 = arith.subi %squeeze3A, %sub3A_85 : i32
      %jit3A_87 = arith.constant 0 : i32
      %jit3A_88 = arith.constant 63 : i32
      %max3A = arith.maxsi %jit3A_87, %sub3A_86 : i32
      %min3A_89 = arith.minsi %jit3A_88, %max3A : i32
      %broadcast_in_dim3A_90 = vector.broadcast %min3A_89 : i32 to vector<16xi32>
      %broadcast_in_dim3A_91 = vector.broadcast %lt3A_81 : i1 to vector<16xi1>
      %add3A = arith.constant 0 : i32
      %add3A_92 = vector.broadcast %add3A : i32 to vector<16xi32>
      %add3A_93 = arith.addi %add3A_92, %iota3A : vector<16xi32>
      %gather3A = tpu.vector_load_idx %arg12[%add3A_93, %broadcast_in_dim3A] : memref<64x128xf32, #tpu.memory_space<vmem>>[vector<16xi32>, vector<16xi32>], vector<16xf32>,
      %add3A_94 = arith.constant 0 : i32
      %add3A_95 = vector.broadcast %add3A_94 : i32 to vector<16xi32>
      %add3A_96 = arith.addi %add3A_95, %iota3A : vector<16xi32>
      %gather3A_97 = tpu.vector_load_idx %arg14[%add3A_96, %broadcast_in_dim3A_90] : memref<64x64xf32, #tpu.memory_space<vmem>>[vector<16xi32>, vector<16xi32>], vector<16xf32>,
      %select_n3A_98 = arith.select %broadcast_in_dim3A_91, %gather3A, %gather3A_97 : vector<16xi1>, vector<16xf32>
      %add3A_99 = arith.constant 16 : i32
      %add3A_100 = vector.broadcast %add3A_99 : i32 to vector<16xi32>
      %add3A_101 = arith.addi %add3A_100, %iota3A : vector<16xi32>
      %gather3A_102 = tpu.vector_load_idx %arg12[%add3A_101, %broadcast_in_dim3A] : memref<64x128xf32, #tpu.memory_space<vmem>>[vector<16xi32>, vector<16xi32>], vector<16xf32>,
      %add3A_103 = arith.constant 16 : i32
      %add3A_104 = vector.broadcast %add3A_103 : i32 to vector<16xi32>
      %add3A_105 = arith.addi %add3A_104, %iota3A : vector<16xi32>
      %gather3A_106 = tpu.vector_load_idx %arg14[%add3A_105, %broadcast_in_dim3A_90] : memref<64x64xf32, #tpu.memory_space<vmem>>[vector<16xi32>, vector<16xi32>], vector<16xf32>,
      %select_n3A_107 = arith.select %broadcast_in_dim3A_91, %gather3A_102, %gather3A_106 : vector<16xi1>, vector<16xf32>
      %add3A_108 = arith.constant 32 : i32
      %add3A_109 = vector.broadcast %add3A_108 : i32 to vector<16xi32>
      %add3A_110 = arith.addi %add3A_109, %iota3A : vector<16xi32>
      %gather3A_111 = tpu.vector_load_idx %arg12[%add3A_110, %broadcast_in_dim3A] : memref<64x128xf32, #tpu.memory_space<vmem>>[vector<16xi32>, vector<16xi32>], vector<16xf32>,
      %add3A_112 = arith.constant 32 : i32
      %add3A_113 = vector.broadcast %add3A_112 : i32 to vector<16xi32>
      %add3A_114 = arith.addi %add3A_113, %iota3A : vector<16xi32>
      %gather3A_115 = tpu.vector_load_idx %arg14[%add3A_114, %broadcast_in_dim3A_90] : memref<64x64xf32, #tpu.memory_space<vmem>>[vector<16xi32>, vector<16xi32>], vector<16xf32>,
      %select_n3A_116 = arith.select %broadcast_in_dim3A_91, %gather3A_111, %gather3A_115 : vector<16xi1>, vector<16xf32>
      %add3A_117 = arith.constant 48 : i32
      %add3A_118 = vector.broadcast %add3A_117 : i32 to vector<16xi32>
      %add3A_119 = arith.addi %add3A_118, %iota3A : vector<16xi32>
      %gather3A_120 = tpu.vector_load_idx %arg12[%add3A_119, %broadcast_in_dim3A] : memref<64x128xf32, #tpu.memory_space<vmem>>[vector<16xi32>, vector<16xi32>], vector<16xf32>,
      %add3A_121 = arith.constant 48 : i32
      %add3A_122 = vector.broadcast %add3A_121 : i32 to vector<16xi32>
      %add3A_123 = arith.addi %add3A_122, %iota3A : vector<16xi32>
      %gather3A_124 = tpu.vector_load_idx %arg14[%add3A_123, %broadcast_in_dim3A_90] : memref<64x64xf32, #tpu.memory_space<vmem>>[vector<16xi32>, vector<16xi32>], vector<16xf32>,
      %select_n3A_125 = arith.select %broadcast_in_dim3A_91, %gather3A_120, %gather3A_124 : vector<16xi1>, vector<16xf32>
      %lt3A_126 = arith.constant 999936 : i32
      %lt3A_127 = arith.cmpi slt, %squeeze3A_11, %lt3A_126 : i32
      %sub3A_128 = arith.subi %squeeze3A_11, %multiple_of3A_59 : i32
      %min3A_129 = arith.constant 127 : i32
      %min3A_130 = arith.minsi %sub3A_128, %min3A_129 : i32
      %broadcast_in_dim3A_131 = vector.broadcast %min3A_130 : i32 to vector<16xi32>
      %sub3A_132 = arith.constant 999936 : i32
      %sub3A_133 = arith.subi %squeeze3A_11, %sub3A_132 : i32
      %jit3A_134 = arith.constant 0 : i32
      %jit3A_135 = arith.constant 63 : i32
      %max3A_136 = arith.maxsi %jit3A_134, %sub3A_133 : i32
      %min3A_137 = arith.minsi %jit3A_135, %max3A_136 : i32
      %broadcast_in_dim3A_138 = vector.broadcast %min3A_137 : i32 to vector<16xi32>
      %broadcast_in_dim3A_139 = vector.broadcast %lt3A_127 : i1 to vector<16xi1>
      %add3A_140 = arith.constant 0 : i32
      %add3A_141 = vector.broadcast %add3A_140 : i32 to vector<16xi32>
      %add3A_142 = arith.addi %add3A_141, %iota3A : vector<16xi32>
      %gather3A_143 = tpu.vector_load_idx %arg13[%add3A_142, %broadcast_in_dim3A_131] : memref<64x128xf32, #tpu.memory_space<vmem>>[vector<16xi32>, vector<16xi32>], vector<16xf32>,
      %add3A_144 = arith.constant 0 : i32
      %add3A_145 = vector.broadcast %add3A_144 : i32 to vector<16xi32>
      %add3A_146 = arith.addi %add3A_145, %iota3A : vector<16xi32>
      %gather3A_147 = tpu.vector_load_idx %arg14[%add3A_146, %broadcast_in_dim3A_138] : memref<64x64xf32, #tpu.memory_space<vmem>>[vector<16xi32>, vector<16xi32>], vector<16xf32>,
      %select_n3A_148 = arith.select %broadcast_in_dim3A_139, %gather3A_143, %gather3A_147 : vector<16xi1>, vector<16xf32>
      %add3A_149 = arith.constant 16 : i32
      %add3A_150 = vector.broadcast %add3A_149 : i32 to vector<16xi32>
      %add3A_151 = arith.addi %add3A_150, %iota3A : vector<16xi32>
      %gather3A_152 = tpu.vector_load_idx %arg13[%add3A_151, %broadcast_in_dim3A_131] : memref<64x128xf32, #tpu.memory_space<vmem>>[vector<16xi32>, vector<16xi32>], vector<16xf32>,
      %add3A_153 = arith.constant 16 : i32
      %add3A_154 = vector.broadcast %add3A_153 : i32 to vector<16xi32>
      %add3A_155 = arith.addi %add3A_154, %iota3A : vector<16xi32>
      %gather3A_156 = tpu.vector_load_idx %arg14[%add3A_155, %broadcast_in_dim3A_138] : memref<64x64xf32, #tpu.memory_space<vmem>>[vector<16xi32>, vector<16xi32>], vector<16xf32>,
      %select_n3A_157 = arith.select %broadcast_in_dim3A_139, %gather3A_152, %gather3A_156 : vector<16xi1>, vector<16xf32>
      %add3A_158 = arith.constant 32 : i32
      %add3A_159 = vector.broadcast %add3A_158 : i32 to vector<16xi32>
      %add3A_160 = arith.addi %add3A_159, %iota3A : vector<16xi32>
      %gather3A_161 = tpu.vector_load_idx %arg13[%add3A_160, %broadcast_in_dim3A_131] : memref<64x128xf32, #tpu.memory_space<vmem>>[vector<16xi32>, vector<16xi32>], vector<16xf32>,
      %add3A_162 = arith.constant 32 : i32
      %add3A_163 = vector.broadcast %add3A_162 : i32 to vector<16xi32>
      %add3A_164 = arith.addi %add3A_163, %iota3A : vector<16xi32>
      %gather3A_165 = tpu.vector_load_idx %arg14[%add3A_164, %broadcast_in_dim3A_138] : memref<64x64xf32, #tpu.memory_space<vmem>>[vector<16xi32>, vector<16xi32>], vector<16xf32>,
      %select_n3A_166 = arith.select %broadcast_in_dim3A_139, %gather3A_161, %gather3A_165 : vector<16xi1>, vector<16xf32>
      %add3A_167 = arith.constant 48 : i32
      %add3A_168 = vector.broadcast %add3A_167 : i32 to vector<16xi32>
      %add3A_169 = arith.addi %add3A_168, %iota3A : vector<16xi32>
      %gather3A_170 = tpu.vector_load_idx %arg13[%add3A_169, %broadcast_in_dim3A_131] : memref<64x128xf32, #tpu.memory_space<vmem>>[vector<16xi32>, vector<16xi32>], vector<16xf32>,
      %add3A_171 = arith.constant 48 : i32
      %add3A_172 = vector.broadcast %add3A_171 : i32 to vector<16xi32>
      %add3A_173 = arith.addi %add3A_172, %iota3A : vector<16xi32>
      %gather3A_174 = tpu.vector_load_idx %arg14[%add3A_173, %broadcast_in_dim3A_138] : memref<64x64xf32, #tpu.memory_space<vmem>>[vector<16xi32>, vector<16xi32>], vector<16xf32>,
      %select_n3A_175 = arith.select %broadcast_in_dim3A_139, %gather3A_170, %gather3A_174 : vector<16xi1>, vector<16xf32>
      %get3A_176 = arith.constant 0 : index
      %get3A_177 = tpu.vector_load %arg16[%get3A_176] {strides = array<i32>} : memref<32xf32, #tpu.memory_space<vmem>>, vector<16xf32>,
      %get3A_178 = arith.constant 16 : index
      %get3A_179 = tpu.vector_load %arg16[%get3A_178] {strides = array<i32>} : memref<32xf32, #tpu.memory_space<vmem>>, vector<16xf32>,
      %slice3A_180 = vector.extract_strided_slice %select_n3A_98 {offsets = [0], sizes = [1], strides = [1]} : vector<16xf32> to vector<1xf32>
      %squeeze3A_181 = vector.extract %slice3A_180[0] : f32 from vector<1xf32>
      %get3A_182 = arith.constant 0 : i32
      %get3A_183 = arith.index_cast %get3A_182 : i32 to index
      %get3A_184 = arith.constant 0 : index
      %get3A_185 = tpu.vector_load %arg15[%get3A_183, %get3A_184] {strides = array<i32>} : memref<128x32xf32, #tpu.memory_space<vmem>>, vector<16xf32>,
      %mul3A_186 = vector.broadcast %squeeze3A_181 : f32 to vector<16xf32>
      %mul3A_187 = arith.mulf %mul3A_186, %get3A_185 : vector<16xf32>
      %add3A_188 = arith.addf %get3A_177, %mul3A_187 : vector<16xf32>
      %get3A_189 = arith.constant 0 : i32
      %get3A_190 = arith.index_cast %get3A_189 : i32 to index
      %get3A_191 = arith.constant 16 : index
      %get3A_192 = tpu.vector_load %arg15[%get3A_190, %get3A_191] {strides = array<i32>} : memref<128x32xf32, #tpu.memory_space<vmem>>, vector<16xf32>,
      %mul3A_193 = vector.broadcast %squeeze3A_181 : f32 to vector<16xf32>
      %mul3A_194 = arith.mulf %mul3A_193, %get3A_192 : vector<16xf32>
      %add3A_195 = arith.addf %get3A_179, %mul3A_194 : vector<16xf32>
      %slice3A_196 = vector.extract_strided_slice %select_n3A_98 {offsets = [1], sizes = [1], strides = [1]} : vector<16xf32> to vector<1xf32>
      %squeeze3A_197 = vector.extract %slice3A_196[0] : f32 from vector<1xf32>
      %get3A_198 = arith.constant 1 : i32
      %get3A_199 = arith.index_cast %get3A_198 : i32 to index
      %get3A_200 = arith.constant 0 : index
      %get3A_201 = tpu.vector_load %arg15[%get3A_199, %get3A_200] {strides = array<i32>} : memref<128x32xf32, #tpu.memory_space<vmem>>, vector<16xf32>,
      %mul3A_202 = vector.broadcast %squeeze3A_197 : f32 to vector<16xf32>
      %mul3A_203 = arith.mulf %mul3A_202, %get3A_201 : vector<16xf32>
      %add3A_204 = arith.addf %add3A_188, %mul3A_203 : vector<16xf32>
      %get3A_205 = arith.constant 1 : i32
      %get3A_206 = arith.index_cast %get3A_205 : i32 to index
      %get3A_207 = arith.constant 16 : index
      %get3A_208 = tpu.vector_load %arg15[%get3A_206, %get3A_207] {strides = array<i32>} : memref<128x32xf32, #tpu.memory_space<vmem>>, vector<16xf32>,
      %mul3A_209 = vector.broadcast %squeeze3A_197 : f32 to vector<16xf32>
      %mul3A_210 = arith.mulf %mul3A_209, %get3A_208 : vector<16xf32>
      %add3A_211 = arith.addf %add3A_195, %mul3A_210 : vector<16xf32>
      %slice3A_212 = vector.extract_strided_slice %select_n3A_98 {offsets = [2], sizes = [1], strides = [1]} : vector<16xf32> to vector<1xf32>
      %squeeze3A_213 = vector.extract %slice3A_212[0] : f32 from vector<1xf32>
      %get3A_214 = arith.constant 2 : i32
      %get3A_215 = arith.index_cast %get3A_214 : i32 to index
      %get3A_216 = arith.constant 0 : index
      %get3A_217 = tpu.vector_load %arg15[%get3A_215, %get3A_216] {strides = array<i32>} : memref<128x32xf32, #tpu.memory_space<vmem>>, vector<16xf32>,
      %mul3A_218 = vector.broadcast %squeeze3A_213 : f32 to vector<16xf32>
      %mul3A_219 = arith.mulf %mul3A_218, %get3A_217 : vector<16xf32>
      %add3A_220 = arith.addf %add3A_204, %mul3A_219 : vector<16xf32>
      %get3A_221 = arith.constant 2 : i32
      %get3A_222 = arith.index_cast %get3A_221 : i32 to index
      %get3A_223 = arith.constant 16 : index
      %get3A_224 = tpu.vector_load %arg15[%get3A_222, %get3A_223] {strides = array<i32>} : memref<128x32xf32, #tpu.memory_space<vmem>>, vector<16xf32>,
      %mul3A_225 = vector.broadcast %squeeze3A_213 : f32 to vector<16xf32>
      %mul3A_226 = arith.mulf %mul3A_225, %get3A_224 : vector<16xf32>
      %add3A_227 = arith.addf %add3A_211, %mul3A_226 : vector<16xf32>
      %slice3A_228 = vector.extract_strided_slice %select_n3A_98 {offsets = [3], sizes = [1], strides = [1]} : vector<16xf32> to vector<1xf32>
      %squeeze3A_229 = vector.extract %slice3A_228[0] : f32 from vector<1xf32>
      %get3A_230 = arith.constant 3 : i32
      %get3A_231 = arith.index_cast %get3A_230 : i32 to index
      %get3A_232 = arith.constant 0 : index
      %get3A_233 = tpu.vector_load %arg15[%get3A_231, %get3A_232] {strides = array<i32>} : memref<128x32xf32, #tpu.memory_space<vmem>>, vector<16xf32>,
      %mul3A_234 = vector.broadcast %squeeze3A_229 : f32 to vector<16xf32>
      %mul3A_235 = arith.mulf %mul3A_234, %get3A_233 : vector<16xf32>
      %add3A_236 = arith.addf %add3A_220, %mul3A_235 : vector<16xf32>
      %get3A_237 = arith.constant 3 : i32
      %get3A_238 = arith.index_cast %get3A_237 : i32 to index
      %get3A_239 = arith.constant 16 : index
      %get3A_240 = tpu.vector_load %arg15[%get3A_238, %get3A_239] {strides = array<i32>} : memref<128x32xf32, #tpu.memory_space<vmem>>, vector<16xf32>,
      %mul3A_241 = vector.broadcast %squeeze3A_229 : f32 to vector<16xf32>
      %mul3A_242 = arith.mulf %mul3A_241, %get3A_240 : vector<16xf32>
      %add3A_243 = arith.addf %add3A_227, %mul3A_242 : vector<16xf32>
      %slice3A_244 = vector.extract_strided_slice %select_n3A_98 {offsets = [4], sizes = [1], strides = [1]} : vector<16xf32> to vector<1xf32>
      %squeeze3A_245 = vector.extract %slice3A_244[0] : f32 from vector<1xf32>
      %get3A_246 = arith.constant 4 : i32
      %get3A_247 = arith.index_cast %get3A_246 : i32 to index
      %get3A_248 = arith.constant 0 : index
      %get3A_249 = tpu.vector_load %arg15[%get3A_247, %get3A_248] {strides = array<i32>} : memref<128x32xf32, #tpu.memory_space<vmem>>, vector<16xf32>,
      %mul3A_250 = vector.broadcast %squeeze3A_245 : f32 to vector<16xf32>
      %mul3A_251 = arith.mulf %mul3A_250, %get3A_249 : vector<16xf32>
      %add3A_252 = arith.addf %add3A_236, %mul3A_251 : vector<16xf32>
      %get3A_253 = arith.constant 4 : i32
      %get3A_254 = arith.index_cast %get3A_253 : i32 to index
      %get3A_255 = arith.constant 16 : index
      %get3A_256 = tpu.vector_load %arg15[%get3A_254, %get3A_255] {strides = array<i32>} : memref<128x32xf32, #tpu.memory_space<vmem>>, vector<16xf32>,
      %mul3A_257 = vector.broadcast %squeeze3A_245 : f32 to vector<16xf32>
      %mul3A_258 = arith.mulf %mul3A_257, %get3A_256 : vector<16xf32>
      %add3A_259 = arith.addf %add3A_243, %mul3A_258 : vector<16xf32>
      %slice3A_260 = vector.extract_strided_slice %select_n3A_98 {offsets = [5], sizes = [1], strides = [1]} : vector<16xf32> to vector<1xf32>
      %squeeze3A_261 = vector.extract %slice3A_260[0] : f32 from vector<1xf32>
      %get3A_262 = arith.constant 5 : i32
      %get3A_263 = arith.index_cast %get3A_262 : i32 to index
      %get3A_264 = arith.constant 0 : index
      %get3A_265 = tpu.vector_load %arg15[%get3A_263, %get3A_264] {strides = array<i32>} : memref<128x32xf32, #tpu.memory_space<vmem>>, vector<16xf32>,
      %mul3A_266 = vector.broadcast %squeeze3A_261 : f32 to vector<16xf32>
      %mul3A_267 = arith.mulf %mul3A_266, %get3A_265 : vector<16xf32>
      %add3A_268 = arith.addf %add3A_252, %mul3A_267 : vector<16xf32>
      %get3A_269 = arith.constant 5 : i32
      %get3A_270 = arith.index_cast %get3A_269 : i32 to index
      %get3A_271 = arith.constant 16 : index
      %get3A_272 = tpu.vector_load %arg15[%get3A_270, %get3A_271] {strides = array<i32>} : memref<128x32xf32, #tpu.memory_space<vmem>>, vector<16xf32>,
      %mul3A_273 = vector.broadcast %squeeze3A_261 : f32 to vector<16xf32>
      %mul3A_274 = arith.mulf %mul3A_273, %get3A_272 : vector<16xf32>
      %add3A_275 = arith.addf %add3A_259, %mul3A_274 : vector<16xf32>
      %slice3A_276 = vector.extract_strided_slice %select_n3A_98 {offsets = [6], sizes = [1], strides = [1]} : vector<16xf32> to vector<1xf32>
      %squeeze3A_277 = vector.extract %slice3A_276[0] : f32 from vector<1xf32>
      %get3A_278 = arith.constant 6 : i32
      %get3A_279 = arith.index_cast %get3A_278 : i32 to index
      %get3A_280 = arith.constant 0 : index
      %get3A_281 = tpu.vector_load %arg15[%get3A_279, %get3A_280] {strides = array<i32>} : memref<128x32xf32, #tpu.memory_space<vmem>>, vector<16xf32>,
      %mul3A_282 = vector.broadcast %squeeze3A_277 : f32 to vector<16xf32>
      %mul3A_283 = arith.mulf %mul3A_282, %get3A_281 : vector<16xf32>
      %add3A_284 = arith.addf %add3A_268, %mul3A_283 : vector<16xf32>
      %get3A_285 = arith.constant 6 : i32
      %get3A_286 = arith.index_cast %get3A_285 : i32 to index
      %get3A_287 = arith.constant 16 : index
      %get3A_288 = tpu.vector_load %arg15[%get3A_286, %get3A_287] {strides = array<i32>} : memref<128x32xf32, #tpu.memory_space<vmem>>, vector<16xf32>,
      %mul3A_289 = vector.broadcast %squeeze3A_277 : f32 to vector<16xf32>
      %mul3A_290 = arith.mulf %mul3A_289, %get3A_288 : vector<16xf32>
      %add3A_291 = arith.addf %add3A_275, %mul3A_290 : vector<16xf32>
      %slice3A_292 = vector.extract_strided_slice %select_n3A_98 {offsets = [7], sizes = [1], strides = [1]} : vector<16xf32> to vector<1xf32>
      %squeeze3A_293 = vector.extract %slice3A_292[0] : f32 from vector<1xf32>
      %get3A_294 = arith.constant 7 : i32
      %get3A_295 = arith.index_cast %get3A_294 : i32 to index
      %get3A_296 = arith.constant 0 : index
      %get3A_297 = tpu.vector_load %arg15[%get3A_295, %get3A_296] {strides = array<i32>} : memref<128x32xf32, #tpu.memory_space<vmem>>, vector<16xf32>,
      %mul3A_298 = vector.broadcast %squeeze3A_293 : f32 to vector<16xf32>
      %mul3A_299 = arith.mulf %mul3A_298, %get3A_297 : vector<16xf32>
      %add3A_300 = arith.addf %add3A_284, %mul3A_299 : vector<16xf32>
      %get3A_301 = arith.constant 7 : i32
      %get3A_302 = arith.index_cast %get3A_301 : i32 to index
      %get3A_303 = arith.constant 16 : index
      %get3A_304 = tpu.vector_load %arg15[%get3A_302, %get3A_303] {strides = array<i32>} : memref<128x32xf32, #tpu.memory_space<vmem>>, vector<16xf32>,
      %mul3A_305 = vector.broadcast %squeeze3A_293 : f32 to vector<16xf32>
      %mul3A_306 = arith.mulf %mul3A_305, %get3A_304 : vector<16xf32>
      %add3A_307 = arith.addf %add3A_291, %mul3A_306 : vector<16xf32>
      %slice3A_308 = vector.extract_strided_slice %select_n3A_98 {offsets = [8], sizes = [1], strides = [1]} : vector<16xf32> to vector<1xf32>
      %squeeze3A_309 = vector.extract %slice3A_308[0] : f32 from vector<1xf32>
      %get3A_310 = arith.constant 8 : i32
      %get3A_311 = arith.index_cast %get3A_310 : i32 to index
      %get3A_312 = arith.constant 0 : index
      %get3A_313 = tpu.vector_load %arg15[%get3A_311, %get3A_312] {strides = array<i32>} : memref<128x32xf32, #tpu.memory_space<vmem>>, vector<16xf32>,
      %mul3A_314 = vector.broadcast %squeeze3A_309 : f32 to vector<16xf32>
      %mul3A_315 = arith.mulf %mul3A_314, %get3A_313 : vector<16xf32>
      %add3A_316 = arith.addf %add3A_300, %mul3A_315 : vector<16xf32>
      %get3A_317 = arith.constant 8 : i32
      %get3A_318 = arith.index_cast %get3A_317 : i32 to index
      %get3A_319 = arith.constant 16 : index
      %get3A_320 = tpu.vector_load %arg15[%get3A_318, %get3A_319] {strides = array<i32>} : memref<128x32xf32, #tpu.memory_space<vmem>>, vector<16xf32>,
      %mul3A_321 = vector.broadcast %squeeze3A_309 : f32 to vector<16xf32>
      %mul3A_322 = arith.mulf %mul3A_321, %get3A_320 : vector<16xf32>
      %add3A_323 = arith.addf %add3A_307, %mul3A_322 : vector<16xf32>
      %slice3A_324 = vector.extract_strided_slice %select_n3A_98 {offsets = [9], sizes = [1], strides = [1]} : vector<16xf32> to vector<1xf32>
      %squeeze3A_325 = vector.extract %slice3A_324[0] : f32 from vector<1xf32>
      %get3A_326 = arith.constant 9 : i32
      %get3A_327 = arith.index_cast %get3A_326 : i32 to index
      %get3A_328 = arith.constant 0 : index
      %get3A_329 = tpu.vector_load %arg15[%get3A_327, %get3A_328] {strides = array<i32>} : memref<128x32xf32, #tpu.memory_space<vmem>>, vector<16xf32>,
      %mul3A_330 = vector.broadcast %squeeze3A_325 : f32 to vector<16xf32>
      %mul3A_331 = arith.mulf %mul3A_330, %get3A_329 : vector<16xf32>
      %add3A_332 = arith.addf %add3A_316, %mul3A_331 : vector<16xf32>
      %get3A_333 = arith.constant 9 : i32
      %get3A_334 = arith.index_cast %get3A_333 : i32 to index
      %get3A_335 = arith.constant 16 : index
      %get3A_336 = tpu.vector_load %arg15[%get3A_334, %get3A_335] {strides = array<i32>} : memref<128x32xf32, #tpu.memory_space<vmem>>, vector<16xf32>,
      %mul3A_337 = vector.broadcast %squeeze3A_325 : f32 to vector<16xf32>
      %mul3A_338 = arith.mulf %mul3A_337, %get3A_336 : vector<16xf32>
      %add3A_339 = arith.addf %add3A_323, %mul3A_338 : vector<16xf32>
      %slice3A_340 = vector.extract_strided_slice %select_n3A_98 {offsets = [10], sizes = [1], strides = [1]} : vector<16xf32> to vector<1xf32>
      %squeeze3A_341 = vector.extract %slice3A_340[0] : f32 from vector<1xf32>
      %get3A_342 = arith.constant 10 : i32
      %get3A_343 = arith.index_cast %get3A_342 : i32 to index
      %get3A_344 = arith.constant 0 : index
      %get3A_345 = tpu.vector_load %arg15[%get3A_343, %get3A_344] {strides = array<i32>} : memref<128x32xf32, #tpu.memory_space<vmem>>, vector<16xf32>,
      %mul3A_346 = vector.broadcast %squeeze3A_341 : f32 to vector<16xf32>
      %mul3A_347 = arith.mulf %mul3A_346, %get3A_345 : vector<16xf32>
      %add3A_348 = arith.addf %add3A_332, %mul3A_347 : vector<16xf32>
      %get3A_349 = arith.constant 10 : i32
      %get3A_350 = arith.index_cast %get3A_349 : i32 to index
      %get3A_351 = arith.constant 16 : index
      %get3A_352 = tpu.vector_load %arg15[%get3A_350, %get3A_351] {strides = array<i32>} : memref<128x32xf32, #tpu.memory_space<vmem>>, vector<16xf32>,
      %mul3A_353 = vector.broadcast %squeeze3A_341 : f32 to vector<16xf32>
      %mul3A_354 = arith.mulf %mul3A_353, %get3A_352 : vector<16xf32>
      %add3A_355 = arith.addf %add3A_339, %mul3A_354 : vector<16xf32>
      %slice3A_356 = vector.extract_strided_slice %select_n3A_98 {offsets = [11], sizes = [1], strides = [1]} : vector<16xf32> to vector<1xf32>
      %squeeze3A_357 = vector.extract %slice3A_356[0] : f32 from vector<1xf32>
      %get3A_358 = arith.constant 11 : i32
      %get3A_359 = arith.index_cast %get3A_358 : i32 to index
      %get3A_360 = arith.constant 0 : index
      %get3A_361 = tpu.vector_load %arg15[%get3A_359, %get3A_360] {strides = array<i32>} : memref<128x32xf32, #tpu.memory_space<vmem>>, vector<16xf32>,
      %mul3A_362 = vector.broadcast %squeeze3A_357 : f32 to vector<16xf32>
      %mul3A_363 = arith.mulf %mul3A_362, %get3A_361 : vector<16xf32>
      %add3A_364 = arith.addf %add3A_348, %mul3A_363 : vector<16xf32>
      %get3A_365 = arith.constant 11 : i32
      %get3A_366 = arith.index_cast %get3A_365 : i32 to index
      %get3A_367 = arith.constant 16 : index
      %get3A_368 = tpu.vector_load %arg15[%get3A_366, %get3A_367] {strides = array<i32>} : memref<128x32xf32, #tpu.memory_space<vmem>>, vector<16xf32>,
      %mul3A_369 = vector.broadcast %squeeze3A_357 : f32 to vector<16xf32>
      %mul3A_370 = arith.mulf %mul3A_369, %get3A_368 : vector<16xf32>
      %add3A_371 = arith.addf %add3A_355, %mul3A_370 : vector<16xf32>
      %slice3A_372 = vector.extract_strided_slice %select_n3A_98 {offsets = [12], sizes = [1], strides = [1]} : vector<16xf32> to vector<1xf32>
      %squeeze3A_373 = vector.extract %slice3A_372[0] : f32 from vector<1xf32>
      %get3A_374 = arith.constant 12 : i32
      %get3A_375 = arith.index_cast %get3A_374 : i32 to index
      %get3A_376 = arith.constant 0 : index
      %get3A_377 = tpu.vector_load %arg15[%get3A_375, %get3A_376] {strides = array<i32>} : memref<128x32xf32, #tpu.memory_space<vmem>>, vector<16xf32>,
      %mul3A_378 = vector.broadcast %squeeze3A_373 : f32 to vector<16xf32>
      %mul3A_379 = arith.mulf %mul3A_378, %get3A_377 : vector<16xf32>
      %add3A_380 = arith.addf %add3A_364, %mul3A_379 : vector<16xf32>
      %get3A_381 = arith.constant 12 : i32
      %get3A_382 = arith.index_cast %get3A_381 : i32 to index
      %get3A_383 = arith.constant 16 : index
      %get3A_384 = tpu.vector_load %arg15[%get3A_382, %get3A_383] {strides = array<i32>} : memref<128x32xf32, #tpu.memory_space<vmem>>, vector<16xf32>,
      %mul3A_385 = vector.broadcast %squeeze3A_373 : f32 to vector<16xf32>
      %mul3A_386 = arith.mulf %mul3A_385, %get3A_384 : vector<16xf32>
      %add3A_387 = arith.addf %add3A_371, %mul3A_386 : vector<16xf32>
      %slice3A_388 = vector.extract_strided_slice %select_n3A_98 {offsets = [13], sizes = [1], strides = [1]} : vector<16xf32> to vector<1xf32>
      %squeeze3A_389 = vector.extract %slice3A_388[0] : f32 from vector<1xf32>
      %get3A_390 = arith.constant 13 : i32
      %get3A_391 = arith.index_cast %get3A_390 : i32 to index
      %get3A_392 = arith.constant 0 : index
      %get3A_393 = tpu.vector_load %arg15[%get3A_391, %get3A_392] {strides = array<i32>} : memref<128x32xf32, #tpu.memory_space<vmem>>, vector<16xf32>,
      %mul3A_394 = vector.broadcast %squeeze3A_389 : f32 to vector<16xf32>
      %mul3A_395 = arith.mulf %mul3A_394, %get3A_393 : vector<16xf32>
      %add3A_396 = arith.addf %add3A_380, %mul3A_395 : vector<16xf32>
      %get3A_397 = arith.constant 13 : i32
      %get3A_398 = arith.index_cast %get3A_397 : i32 to index
      %get3A_399 = arith.constant 16 : index
      %get3A_400 = tpu.vector_load %arg15[%get3A_398, %get3A_399] {strides = array<i32>} : memref<128x32xf32, #tpu.memory_space<vmem>>, vector<16xf32>,
      %mul3A_401 = vector.broadcast %squeeze3A_389 : f32 to vector<16xf32>
      %mul3A_402 = arith.mulf %mul3A_401, %get3A_400 : vector<16xf32>
      %add3A_403 = arith.addf %add3A_387, %mul3A_402 : vector<16xf32>
      %slice3A_404 = vector.extract_strided_slice %select_n3A_98 {offsets = [14], sizes = [1], strides = [1]} : vector<16xf32> to vector<1xf32>
      %squeeze3A_405 = vector.extract %slice3A_404[0] : f32 from vector<1xf32>
      %get3A_406 = arith.constant 14 : i32
      %get3A_407 = arith.index_cast %get3A_406 : i32 to index
      %get3A_408 = arith.constant 0 : index
      %get3A_409 = tpu.vector_load %arg15[%get3A_407, %get3A_408] {strides = array<i32>} : memref<128x32xf32, #tpu.memory_space<vmem>>, vector<16xf32>,
      %mul3A_410 = vector.broadcast %squeeze3A_405 : f32 to vector<16xf32>
      %mul3A_411 = arith.mulf %mul3A_410, %get3A_409 : vector<16xf32>
      %add3A_412 = arith.addf %add3A_396, %mul3A_411 : vector<16xf32>
      %get3A_413 = arith.constant 14 : i32
      %get3A_414 = arith.index_cast %get3A_413 : i32 to index
      %get3A_415 = arith.constant 16 : index
      %get3A_416 = tpu.vector_load %arg15[%get3A_414, %get3A_415] {strides = array<i32>} : memref<128x32xf32, #tpu.memory_space<vmem>>, vector<16xf32>,
      %mul3A_417 = vector.broadcast %squeeze3A_405 : f32 to vector<16xf32>
      %mul3A_418 = arith.mulf %mul3A_417, %get3A_416 : vector<16xf32>
      %add3A_419 = arith.addf %add3A_403, %mul3A_418 : vector<16xf32>
      %slice3A_420 = vector.extract_strided_slice %select_n3A_98 {offsets = [15], sizes = [1], strides = [1]} : vector<16xf32> to vector<1xf32>
      %squeeze3A_421 = vector.extract %slice3A_420[0] : f32 from vector<1xf32>
      %get3A_422 = arith.constant 15 : i32
      %get3A_423 = arith.index_cast %get3A_422 : i32 to index
      %get3A_424 = arith.constant 0 : index
      %get3A_425 = tpu.vector_load %arg15[%get3A_423, %get3A_424] {strides = array<i32>} : memref<128x32xf32, #tpu.memory_space<vmem>>, vector<16xf32>,
      %mul3A_426 = vector.broadcast %squeeze3A_421 : f32 to vector<16xf32>
      %mul3A_427 = arith.mulf %mul3A_426, %get3A_425 : vector<16xf32>
      %add3A_428 = arith.addf %add3A_412, %mul3A_427 : vector<16xf32>
      %get3A_429 = arith.constant 15 : i32
      %get3A_430 = arith.index_cast %get3A_429 : i32 to index
      %get3A_431 = arith.constant 16 : index
      %get3A_432 = tpu.vector_load %arg15[%get3A_430, %get3A_431] {strides = array<i32>} : memref<128x32xf32, #tpu.memory_space<vmem>>, vector<16xf32>,
      %mul3A_433 = vector.broadcast %squeeze3A_421 : f32 to vector<16xf32>
      %mul3A_434 = arith.mulf %mul3A_433, %get3A_432 : vector<16xf32>
      %add3A_435 = arith.addf %add3A_419, %mul3A_434 : vector<16xf32>
      %slice3A_436 = vector.extract_strided_slice %select_n3A_107 {offsets = [0], sizes = [1], strides = [1]} : vector<16xf32> to vector<1xf32>
      %squeeze3A_437 = vector.extract %slice3A_436[0] : f32 from vector<1xf32>
      %get3A_438 = arith.constant 16 : i32
      %get3A_439 = arith.index_cast %get3A_438 : i32 to index
      %get3A_440 = arith.constant 0 : index
      %get3A_441 = tpu.vector_load %arg15[%get3A_439, %get3A_440] {strides = array<i32>} : memref<128x32xf32, #tpu.memory_space<vmem>>, vector<16xf32>,
      %mul3A_442 = vector.broadcast %squeeze3A_437 : f32 to vector<16xf32>
      %mul3A_443 = arith.mulf %mul3A_442, %get3A_441 : vector<16xf32>
      %add3A_444 = arith.addf %add3A_428, %mul3A_443 : vector<16xf32>
      %get3A_445 = arith.constant 16 : i32
      %get3A_446 = arith.index_cast %get3A_445 : i32 to index
      %get3A_447 = arith.constant 16 : index
      %get3A_448 = tpu.vector_load %arg15[%get3A_446, %get3A_447] {strides = array<i32>} : memref<128x32xf32, #tpu.memory_space<vmem>>, vector<16xf32>,
      %mul3A_449 = vector.broadcast %squeeze3A_437 : f32 to vector<16xf32>
      %mul3A_450 = arith.mulf %mul3A_449, %get3A_448 : vector<16xf32>
      %add3A_451 = arith.addf %add3A_435, %mul3A_450 : vector<16xf32>
      %slice3A_452 = vector.extract_strided_slice %select_n3A_107 {offsets = [1], sizes = [1], strides = [1]} : vector<16xf32> to vector<1xf32>
      %squeeze3A_453 = vector.extract %slice3A_452[0] : f32 from vector<1xf32>
      %get3A_454 = arith.constant 17 : i32
      %get3A_455 = arith.index_cast %get3A_454 : i32 to index
      %get3A_456 = arith.constant 0 : index
      %get3A_457 = tpu.vector_load %arg15[%get3A_455, %get3A_456] {strides = array<i32>} : memref<128x32xf32, #tpu.memory_space<vmem>>, vector<16xf32>,
      %mul3A_458 = vector.broadcast %squeeze3A_453 : f32 to vector<16xf32>
      %mul3A_459 = arith.mulf %mul3A_458, %get3A_457 : vector<16xf32>
      %add3A_460 = arith.addf %add3A_444, %mul3A_459 : vector<16xf32>
      %get3A_461 = arith.constant 17 : i32
      %get3A_462 = arith.index_cast %get3A_461 : i32 to index
      %get3A_463 = arith.constant 16 : index
      %get3A_464 = tpu.vector_load %arg15[%get3A_462, %get3A_463] {strides = array<i32>} : memref<128x32xf32, #tpu.memory_space<vmem>>, vector<16xf32>,
      %mul3A_465 = vector.broadcast %squeeze3A_453 : f32 to vector<16xf32>
      %mul3A_466 = arith.mulf %mul3A_465, %get3A_464 : vector<16xf32>
      %add3A_467 = arith.addf %add3A_451, %mul3A_466 : vector<16xf32>
      %slice3A_468 = vector.extract_strided_slice %select_n3A_107 {offsets = [2], sizes = [1], strides = [1]} : vector<16xf32> to vector<1xf32>
      %squeeze3A_469 = vector.extract %slice3A_468[0] : f32 from vector<1xf32>
      %get3A_470 = arith.constant 18 : i32
      %get3A_471 = arith.index_cast %get3A_470 : i32 to index
      %get3A_472 = arith.constant 0 : index
      %get3A_473 = tpu.vector_load %arg15[%get3A_471, %get3A_472] {strides = array<i32>} : memref<128x32xf32, #tpu.memory_space<vmem>>, vector<16xf32>,
      %mul3A_474 = vector.broadcast %squeeze3A_469 : f32 to vector<16xf32>
      %mul3A_475 = arith.mulf %mul3A_474, %get3A_473 : vector<16xf32>
      %add3A_476 = arith.addf %add3A_460, %mul3A_475 : vector<16xf32>
      %get3A_477 = arith.constant 18 : i32
      %get3A_478 = arith.index_cast %get3A_477 : i32 to index
      %get3A_479 = arith.constant 16 : index
      %get3A_480 = tpu.vector_load %arg15[%get3A_478, %get3A_479] {strides = array<i32>} : memref<128x32xf32, #tpu.memory_space<vmem>>, vector<16xf32>,
      %mul3A_481 = vector.broadcast %squeeze3A_469 : f32 to vector<16xf32>
      %mul3A_482 = arith.mulf %mul3A_481, %get3A_480 : vector<16xf32>
      %add3A_483 = arith.addf %add3A_467, %mul3A_482 : vector<16xf32>
      %slice3A_484 = vector.extract_strided_slice %select_n3A_107 {offsets = [3], sizes = [1], strides = [1]} : vector<16xf32> to vector<1xf32>
      %squeeze3A_485 = vector.extract %slice3A_484[0] : f32 from vector<1xf32>
      %get3A_486 = arith.constant 19 : i32
      %get3A_487 = arith.index_cast %get3A_486 : i32 to index
      %get3A_488 = arith.constant 0 : index
      %get3A_489 = tpu.vector_load %arg15[%get3A_487, %get3A_488] {strides = array<i32>} : memref<128x32xf32, #tpu.memory_space<vmem>>, vector<16xf32>,
      %mul3A_490 = vector.broadcast %squeeze3A_485 : f32 to vector<16xf32>
      %mul3A_491 = arith.mulf %mul3A_490, %get3A_489 : vector<16xf32>
      %add3A_492 = arith.addf %add3A_476, %mul3A_491 : vector<16xf32>
      %get3A_493 = arith.constant 19 : i32
      %get3A_494 = arith.index_cast %get3A_493 : i32 to index
      %get3A_495 = arith.constant 16 : index
      %get3A_496 = tpu.vector_load %arg15[%get3A_494, %get3A_495] {strides = array<i32>} : memref<128x32xf32, #tpu.memory_space<vmem>>, vector<16xf32>,
      %mul3A_497 = vector.broadcast %squeeze3A_485 : f32 to vector<16xf32>
      %mul3A_498 = arith.mulf %mul3A_497, %get3A_496 : vector<16xf32>
      %add3A_499 = arith.addf %add3A_483, %mul3A_498 : vector<16xf32>
      %slice3A_500 = vector.extract_strided_slice %select_n3A_107 {offsets = [4], sizes = [1], strides = [1]} : vector<16xf32> to vector<1xf32>
      %squeeze3A_501 = vector.extract %slice3A_500[0] : f32 from vector<1xf32>
      %get3A_502 = arith.constant 20 : i32
      %get3A_503 = arith.index_cast %get3A_502 : i32 to index
      %get3A_504 = arith.constant 0 : index
      %get3A_505 = tpu.vector_load %arg15[%get3A_503, %get3A_504] {strides = array<i32>} : memref<128x32xf32, #tpu.memory_space<vmem>>, vector<16xf32>,
      %mul3A_506 = vector.broadcast %squeeze3A_501 : f32 to vector<16xf32>
      %mul3A_507 = arith.mulf %mul3A_506, %get3A_505 : vector<16xf32>
      %add3A_508 = arith.addf %add3A_492, %mul3A_507 : vector<16xf32>
      %get3A_509 = arith.constant 20 : i32
      %get3A_510 = arith.index_cast %get3A_509 : i32 to index
      %get3A_511 = arith.constant 16 : index
      %get3A_512 = tpu.vector_load %arg15[%get3A_510, %get3A_511] {strides = array<i32>} : memref<128x32xf32, #tpu.memory_space<vmem>>, vector<16xf32>,
      %mul3A_513 = vector.broadcast %squeeze3A_501 : f32 to vector<16xf32>
      %mul3A_514 = arith.mulf %mul3A_513, %get3A_512 : vector<16xf32>
      %add3A_515 = arith.addf %add3A_499, %mul3A_514 : vector<16xf32>
      %slice3A_516 = vector.extract_strided_slice %select_n3A_107 {offsets = [5], sizes = [1], strides = [1]} : vector<16xf32> to vector<1xf32>
      %squeeze3A_517 = vector.extract %slice3A_516[0] : f32 from vector<1xf32>
      %get3A_518 = arith.constant 21 : i32
      %get3A_519 = arith.index_cast %get3A_518 : i32 to index
      %get3A_520 = arith.constant 0 : index
      %get3A_521 = tpu.vector_load %arg15[%get3A_519, %get3A_520] {strides = array<i32>} : memref<128x32xf32, #tpu.memory_space<vmem>>, vector<16xf32>,
      %mul3A_522 = vector.broadcast %squeeze3A_517 : f32 to vector<16xf32>
      %mul3A_523 = arith.mulf %mul3A_522, %get3A_521 : vector<16xf32>
      %add3A_524 = arith.addf %add3A_508, %mul3A_523 : vector<16xf32>
      %get3A_525 = arith.constant 21 : i32
      %get3A_526 = arith.index_cast %get3A_525 : i32 to index
      %get3A_527 = arith.constant 16 : index
      %get3A_528 = tpu.vector_load %arg15[%get3A_526, %get3A_527] {strides = array<i32>} : memref<128x32xf32, #tpu.memory_space<vmem>>, vector<16xf32>,
      %mul3A_529 = vector.broadcast %squeeze3A_517 : f32 to vector<16xf32>
      %mul3A_530 = arith.mulf %mul3A_529, %get3A_528 : vector<16xf32>
      %add3A_531 = arith.addf %add3A_515, %mul3A_530 : vector<16xf32>
      %slice3A_532 = vector.extract_strided_slice %select_n3A_107 {offsets = [6], sizes = [1], strides = [1]} : vector<16xf32> to vector<1xf32>
      %squeeze3A_533 = vector.extract %slice3A_532[0] : f32 from vector<1xf32>
      %get3A_534 = arith.constant 22 : i32
      %get3A_535 = arith.index_cast %get3A_534 : i32 to index
      %get3A_536 = arith.constant 0 : index
      %get3A_537 = tpu.vector_load %arg15[%get3A_535, %get3A_536] {strides = array<i32>} : memref<128x32xf32, #tpu.memory_space<vmem>>, vector<16xf32>,
      %mul3A_538 = vector.broadcast %squeeze3A_533 : f32 to vector<16xf32>
      %mul3A_539 = arith.mulf %mul3A_538, %get3A_537 : vector<16xf32>
      %add3A_540 = arith.addf %add3A_524, %mul3A_539 : vector<16xf32>
      %get3A_541 = arith.constant 22 : i32
      %get3A_542 = arith.index_cast %get3A_541 : i32 to index
      %get3A_543 = arith.constant 16 : index
      %get3A_544 = tpu.vector_load %arg15[%get3A_542, %get3A_543] {strides = array<i32>} : memref<128x32xf32, #tpu.memory_space<vmem>>, vector<16xf32>,
      %mul3A_545 = vector.broadcast %squeeze3A_533 : f32 to vector<16xf32>
      %mul3A_546 = arith.mulf %mul3A_545, %get3A_544 : vector<16xf32>
      %add3A_547 = arith.addf %add3A_531, %mul3A_546 : vector<16xf32>
      %slice3A_548 = vector.extract_strided_slice %select_n3A_107 {offsets = [7], sizes = [1], strides = [1]} : vector<16xf32> to vector<1xf32>
      %squeeze3A_549 = vector.extract %slice3A_548[0] : f32 from vector<1xf32>
      %get3A_550 = arith.constant 23 : i32
      %get3A_551 = arith.index_cast %get3A_550 : i32 to index
      %get3A_552 = arith.constant 0 : index
      %get3A_553 = tpu.vector_load %arg15[%get3A_551, %get3A_552] {strides = array<i32>} : memref<128x32xf32, #tpu.memory_space<vmem>>, vector<16xf32>,
      %mul3A_554 = vector.broadcast %squeeze3A_549 : f32 to vector<16xf32>
      %mul3A_555 = arith.mulf %mul3A_554, %get3A_553 : vector<16xf32>
      %add3A_556 = arith.addf %add3A_540, %mul3A_555 : vector<16xf32>
      %get3A_557 = arith.constant 23 : i32
      %get3A_558 = arith.index_cast %get3A_557 : i32 to index
      %get3A_559 = arith.constant 16 : index
      %get3A_560 = tpu.vector_load %arg15[%get3A_558, %get3A_559] {strides = array<i32>} : memref<128x32xf32, #tpu.memory_space<vmem>>, vector<16xf32>,
      %mul3A_561 = vector.broadcast %squeeze3A_549 : f32 to vector<16xf32>
      %mul3A_562 = arith.mulf %mul3A_561, %get3A_560 : vector<16xf32>
      %add3A_563 = arith.addf %add3A_547, %mul3A_562 : vector<16xf32>
      %slice3A_564 = vector.extract_strided_slice %select_n3A_107 {offsets = [8], sizes = [1], strides = [1]} : vector<16xf32> to vector<1xf32>
      %squeeze3A_565 = vector.extract %slice3A_564[0] : f32 from vector<1xf32>
      %get3A_566 = arith.constant 24 : i32
      %get3A_567 = arith.index_cast %get3A_566 : i32 to index
      %get3A_568 = arith.constant 0 : index
      %get3A_569 = tpu.vector_load %arg15[%get3A_567, %get3A_568] {strides = array<i32>} : memref<128x32xf32, #tpu.memory_space<vmem>>, vector<16xf32>,
      %mul3A_570 = vector.broadcast %squeeze3A_565 : f32 to vector<16xf32>
      %mul3A_571 = arith.mulf %mul3A_570, %get3A_569 : vector<16xf32>
      %add3A_572 = arith.addf %add3A_556, %mul3A_571 : vector<16xf32>
      %get3A_573 = arith.constant 24 : i32
      %get3A_574 = arith.index_cast %get3A_573 : i32 to index
      %get3A_575 = arith.constant 16 : index
      %get3A_576 = tpu.vector_load %arg15[%get3A_574, %get3A_575] {strides = array<i32>} : memref<128x32xf32, #tpu.memory_space<vmem>>, vector<16xf32>,
      %mul3A_577 = vector.broadcast %squeeze3A_565 : f32 to vector<16xf32>
      %mul3A_578 = arith.mulf %mul3A_577, %get3A_576 : vector<16xf32>
      %add3A_579 = arith.addf %add3A_563, %mul3A_578 : vector<16xf32>
      %slice3A_580 = vector.extract_strided_slice %select_n3A_107 {offsets = [9], sizes = [1], strides = [1]} : vector<16xf32> to vector<1xf32>
      %squeeze3A_581 = vector.extract %slice3A_580[0] : f32 from vector<1xf32>
      %get3A_582 = arith.constant 25 : i32
      %get3A_583 = arith.index_cast %get3A_582 : i32 to index
      %get3A_584 = arith.constant 0 : index
      %get3A_585 = tpu.vector_load %arg15[%get3A_583, %get3A_584] {strides = array<i32>} : memref<128x32xf32, #tpu.memory_space<vmem>>, vector<16xf32>,
      %mul3A_586 = vector.broadcast %squeeze3A_581 : f32 to vector<16xf32>
      %mul3A_587 = arith.mulf %mul3A_586, %get3A_585 : vector<16xf32>
      %add3A_588 = arith.addf %add3A_572, %mul3A_587 : vector<16xf32>
      %get3A_589 = arith.constant 25 : i32
      %get3A_590 = arith.index_cast %get3A_589 : i32 to index
      %get3A_591 = arith.constant 16 : index
      %get3A_592 = tpu.vector_load %arg15[%get3A_590, %get3A_591] {strides = array<i32>} : memref<128x32xf32, #tpu.memory_space<vmem>>, vector<16xf32>,
      %mul3A_593 = vector.broadcast %squeeze3A_581 : f32 to vector<16xf32>
      %mul3A_594 = arith.mulf %mul3A_593, %get3A_592 : vector<16xf32>
      %add3A_595 = arith.addf %add3A_579, %mul3A_594 : vector<16xf32>
      %slice3A_596 = vector.extract_strided_slice %select_n3A_107 {offsets = [10], sizes = [1], strides = [1]} : vector<16xf32> to vector<1xf32>
      %squeeze3A_597 = vector.extract %slice3A_596[0] : f32 from vector<1xf32>
      %get3A_598 = arith.constant 26 : i32
      %get3A_599 = arith.index_cast %get3A_598 : i32 to index
      %get3A_600 = arith.constant 0 : index
      %get3A_601 = tpu.vector_load %arg15[%get3A_599, %get3A_600] {strides = array<i32>} : memref<128x32xf32, #tpu.memory_space<vmem>>, vector<16xf32>,
      %mul3A_602 = vector.broadcast %squeeze3A_597 : f32 to vector<16xf32>
      %mul3A_603 = arith.mulf %mul3A_602, %get3A_601 : vector<16xf32>
      %add3A_604 = arith.addf %add3A_588, %mul3A_603 : vector<16xf32>
      %get3A_605 = arith.constant 26 : i32
      %get3A_606 = arith.index_cast %get3A_605 : i32 to index
      %get3A_607 = arith.constant 16 : index
      %get3A_608 = tpu.vector_load %arg15[%get3A_606, %get3A_607] {strides = array<i32>} : memref<128x32xf32, #tpu.memory_space<vmem>>, vector<16xf32>,
      %mul3A_609 = vector.broadcast %squeeze3A_597 : f32 to vector<16xf32>
      %mul3A_610 = arith.mulf %mul3A_609, %get3A_608 : vector<16xf32>
      %add3A_611 = arith.addf %add3A_595, %mul3A_610 : vector<16xf32>
      %slice3A_612 = vector.extract_strided_slice %select_n3A_107 {offsets = [11], sizes = [1], strides = [1]} : vector<16xf32> to vector<1xf32>
      %squeeze3A_613 = vector.extract %slice3A_612[0] : f32 from vector<1xf32>
      %get3A_614 = arith.constant 27 : i32
      %get3A_615 = arith.index_cast %get3A_614 : i32 to index
      %get3A_616 = arith.constant 0 : index
      %get3A_617 = tpu.vector_load %arg15[%get3A_615, %get3A_616] {strides = array<i32>} : memref<128x32xf32, #tpu.memory_space<vmem>>, vector<16xf32>,
      %mul3A_618 = vector.broadcast %squeeze3A_613 : f32 to vector<16xf32>
      %mul3A_619 = arith.mulf %mul3A_618, %get3A_617 : vector<16xf32>
      %add3A_620 = arith.addf %add3A_604, %mul3A_619 : vector<16xf32>
      %get3A_621 = arith.constant 27 : i32
      %get3A_622 = arith.index_cast %get3A_621 : i32 to index
      %get3A_623 = arith.constant 16 : index
      %get3A_624 = tpu.vector_load %arg15[%get3A_622, %get3A_623] {strides = array<i32>} : memref<128x32xf32, #tpu.memory_space<vmem>>, vector<16xf32>,
      %mul3A_625 = vector.broadcast %squeeze3A_613 : f32 to vector<16xf32>
      %mul3A_626 = arith.mulf %mul3A_625, %get3A_624 : vector<16xf32>
      %add3A_627 = arith.addf %add3A_611, %mul3A_626 : vector<16xf32>
      %slice3A_628 = vector.extract_strided_slice %select_n3A_107 {offsets = [12], sizes = [1], strides = [1]} : vector<16xf32> to vector<1xf32>
      %squeeze3A_629 = vector.extract %slice3A_628[0] : f32 from vector<1xf32>
      %get3A_630 = arith.constant 28 : i32
      %get3A_631 = arith.index_cast %get3A_630 : i32 to index
      %get3A_632 = arith.constant 0 : index
      %get3A_633 = tpu.vector_load %arg15[%get3A_631, %get3A_632] {strides = array<i32>} : memref<128x32xf32, #tpu.memory_space<vmem>>, vector<16xf32>,
      %mul3A_634 = vector.broadcast %squeeze3A_629 : f32 to vector<16xf32>
      %mul3A_635 = arith.mulf %mul3A_634, %get3A_633 : vector<16xf32>
      %add3A_636 = arith.addf %add3A_620, %mul3A_635 : vector<16xf32>
      %get3A_637 = arith.constant 28 : i32
      %get3A_638 = arith.index_cast %get3A_637 : i32 to index
      %get3A_639 = arith.constant 16 : index
      %get3A_640 = tpu.vector_load %arg15[%get3A_638, %get3A_639] {strides = array<i32>} : memref<128x32xf32, #tpu.memory_space<vmem>>, vector<16xf32>,
      %mul3A_641 = vector.broadcast %squeeze3A_629 : f32 to vector<16xf32>
      %mul3A_642 = arith.mulf %mul3A_641, %get3A_640 : vector<16xf32>
      %add3A_643 = arith.addf %add3A_627, %mul3A_642 : vector<16xf32>
      %slice3A_644 = vector.extract_strided_slice %select_n3A_107 {offsets = [13], sizes = [1], strides = [1]} : vector<16xf32> to vector<1xf32>
      %squeeze3A_645 = vector.extract %slice3A_644[0] : f32 from vector<1xf32>
      %get3A_646 = arith.constant 29 : i32
      %get3A_647 = arith.index_cast %get3A_646 : i32 to index
      %get3A_648 = arith.constant 0 : index
      %get3A_649 = tpu.vector_load %arg15[%get3A_647, %get3A_648] {strides = array<i32>} : memref<128x32xf32, #tpu.memory_space<vmem>>, vector<16xf32>,
      %mul3A_650 = vector.broadcast %squeeze3A_645 : f32 to vector<16xf32>
      %mul3A_651 = arith.mulf %mul3A_650, %get3A_649 : vector<16xf32>
      %add3A_652 = arith.addf %add3A_636, %mul3A_651 : vector<16xf32>
      %get3A_653 = arith.constant 29 : i32
      %get3A_654 = arith.index_cast %get3A_653 : i32 to index
      %get3A_655 = arith.constant 16 : index
      %get3A_656 = tpu.vector_load %arg15[%get3A_654, %get3A_655] {strides = array<i32>} : memref<128x32xf32, #tpu.memory_space<vmem>>, vector<16xf32>,
      %mul3A_657 = vector.broadcast %squeeze3A_645 : f32 to vector<16xf32>
      %mul3A_658 = arith.mulf %mul3A_657, %get3A_656 : vector<16xf32>
      %add3A_659 = arith.addf %add3A_643, %mul3A_658 : vector<16xf32>
      %slice3A_660 = vector.extract_strided_slice %select_n3A_107 {offsets = [14], sizes = [1], strides = [1]} : vector<16xf32> to vector<1xf32>
      %squeeze3A_661 = vector.extract %slice3A_660[0] : f32 from vector<1xf32>
      %get3A_662 = arith.constant 30 : i32
      %get3A_663 = arith.index_cast %get3A_662 : i32 to index
      %get3A_664 = arith.constant 0 : index
      %get3A_665 = tpu.vector_load %arg15[%get3A_663, %get3A_664] {strides = array<i32>} : memref<128x32xf32, #tpu.memory_space<vmem>>, vector<16xf32>,
      %mul3A_666 = vector.broadcast %squeeze3A_661 : f32 to vector<16xf32>
      %mul3A_667 = arith.mulf %mul3A_666, %get3A_665 : vector<16xf32>
      %add3A_668 = arith.addf %add3A_652, %mul3A_667 : vector<16xf32>
      %get3A_669 = arith.constant 30 : i32
      %get3A_670 = arith.index_cast %get3A_669 : i32 to index
      %get3A_671 = arith.constant 16 : index
      %get3A_672 = tpu.vector_load %arg15[%get3A_670, %get3A_671] {strides = array<i32>} : memref<128x32xf32, #tpu.memory_space<vmem>>, vector<16xf32>,
      %mul3A_673 = vector.broadcast %squeeze3A_661 : f32 to vector<16xf32>
      %mul3A_674 = arith.mulf %mul3A_673, %get3A_672 : vector<16xf32>
      %add3A_675 = arith.addf %add3A_659, %mul3A_674 : vector<16xf32>
      %slice3A_676 = vector.extract_strided_slice %select_n3A_107 {offsets = [15], sizes = [1], strides = [1]} : vector<16xf32> to vector<1xf32>
      %squeeze3A_677 = vector.extract %slice3A_676[0] : f32 from vector<1xf32>
      %get3A_678 = arith.constant 31 : i32
      %get3A_679 = arith.index_cast %get3A_678 : i32 to index
      %get3A_680 = arith.constant 0 : index
      %get3A_681 = tpu.vector_load %arg15[%get3A_679, %get3A_680] {strides = array<i32>} : memref<128x32xf32, #tpu.memory_space<vmem>>, vector<16xf32>,
      %mul3A_682 = vector.broadcast %squeeze3A_677 : f32 to vector<16xf32>
      %mul3A_683 = arith.mulf %mul3A_682, %get3A_681 : vector<16xf32>
      %add3A_684 = arith.addf %add3A_668, %mul3A_683 : vector<16xf32>
      %get3A_685 = arith.constant 31 : i32
      %get3A_686 = arith.index_cast %get3A_685 : i32 to index
      %get3A_687 = arith.constant 16 : index
      %get3A_688 = tpu.vector_load %arg15[%get3A_686, %get3A_687] {strides = array<i32>} : memref<128x32xf32, #tpu.memory_space<vmem>>, vector<16xf32>,
      %mul3A_689 = vector.broadcast %squeeze3A_677 : f32 to vector<16xf32>
      %mul3A_690 = arith.mulf %mul3A_689, %get3A_688 : vector<16xf32>
      %add3A_691 = arith.addf %add3A_675, %mul3A_690 : vector<16xf32>
      %slice3A_692 = vector.extract_strided_slice %select_n3A_116 {offsets = [0], sizes = [1], strides = [1]} : vector<16xf32> to vector<1xf32>
      %squeeze3A_693 = vector.extract %slice3A_692[0] : f32 from vector<1xf32>
      %get3A_694 = arith.constant 32 : i32
      %get3A_695 = arith.index_cast %get3A_694 : i32 to index
      %get3A_696 = arith.constant 0 : index
      %get3A_697 = tpu.vector_load %arg15[%get3A_695, %get3A_696] {strides = array<i32>} : memref<128x32xf32, #tpu.memory_space<vmem>>, vector<16xf32>,
      %mul3A_698 = vector.broadcast %squeeze3A_693 : f32 to vector<16xf32>
      %mul3A_699 = arith.mulf %mul3A_698, %get3A_697 : vector<16xf32>
      %add3A_700 = arith.addf %add3A_684, %mul3A_699 : vector<16xf32>
      %get3A_701 = arith.constant 32 : i32
      %get3A_702 = arith.index_cast %get3A_701 : i32 to index
      %get3A_703 = arith.constant 16 : index
      %get3A_704 = tpu.vector_load %arg15[%get3A_702, %get3A_703] {strides = array<i32>} : memref<128x32xf32, #tpu.memory_space<vmem>>, vector<16xf32>,
      %mul3A_705 = vector.broadcast %squeeze3A_693 : f32 to vector<16xf32>
      %mul3A_706 = arith.mulf %mul3A_705, %get3A_704 : vector<16xf32>
      %add3A_707 = arith.addf %add3A_691, %mul3A_706 : vector<16xf32>
      %slice3A_708 = vector.extract_strided_slice %select_n3A_116 {offsets = [1], sizes = [1], strides = [1]} : vector<16xf32> to vector<1xf32>
      %squeeze3A_709 = vector.extract %slice3A_708[0] : f32 from vector<1xf32>
      %get3A_710 = arith.constant 33 : i32
      %get3A_711 = arith.index_cast %get3A_710 : i32 to index
      %get3A_712 = arith.constant 0 : index
      %get3A_713 = tpu.vector_load %arg15[%get3A_711, %get3A_712] {strides = array<i32>} : memref<128x32xf32, #tpu.memory_space<vmem>>, vector<16xf32>,
      %mul3A_714 = vector.broadcast %squeeze3A_709 : f32 to vector<16xf32>
      %mul3A_715 = arith.mulf %mul3A_714, %get3A_713 : vector<16xf32>
      %add3A_716 = arith.addf %add3A_700, %mul3A_715 : vector<16xf32>
      %get3A_717 = arith.constant 33 : i32
      %get3A_718 = arith.index_cast %get3A_717 : i32 to index
      %get3A_719 = arith.constant 16 : index
      %get3A_720 = tpu.vector_load %arg15[%get3A_718, %get3A_719] {strides = array<i32>} : memref<128x32xf32, #tpu.memory_space<vmem>>, vector<16xf32>,
      %mul3A_721 = vector.broadcast %squeeze3A_709 : f32 to vector<16xf32>
      %mul3A_722 = arith.mulf %mul3A_721, %get3A_720 : vector<16xf32>
      %add3A_723 = arith.addf %add3A_707, %mul3A_722 : vector<16xf32>
      %slice3A_724 = vector.extract_strided_slice %select_n3A_116 {offsets = [2], sizes = [1], strides = [1]} : vector<16xf32> to vector<1xf32>
      %squeeze3A_725 = vector.extract %slice3A_724[0] : f32 from vector<1xf32>
      %get3A_726 = arith.constant 34 : i32
      %get3A_727 = arith.index_cast %get3A_726 : i32 to index
      %get3A_728 = arith.constant 0 : index
      %get3A_729 = tpu.vector_load %arg15[%get3A_727, %get3A_728] {strides = array<i32>} : memref<128x32xf32, #tpu.memory_space<vmem>>, vector<16xf32>,
      %mul3A_730 = vector.broadcast %squeeze3A_725 : f32 to vector<16xf32>
      %mul3A_731 = arith.mulf %mul3A_730, %get3A_729 : vector<16xf32>
      %add3A_732 = arith.addf %add3A_716, %mul3A_731 : vector<16xf32>
      %get3A_733 = arith.constant 34 : i32
      %get3A_734 = arith.index_cast %get3A_733 : i32 to index
      %get3A_735 = arith.constant 16 : index
      %get3A_736 = tpu.vector_load %arg15[%get3A_734, %get3A_735] {strides = array<i32>} : memref<128x32xf32, #tpu.memory_space<vmem>>, vector<16xf32>,
      %mul3A_737 = vector.broadcast %squeeze3A_725 : f32 to vector<16xf32>
      %mul3A_738 = arith.mulf %mul3A_737, %get3A_736 : vector<16xf32>
      %add3A_739 = arith.addf %add3A_723, %mul3A_738 : vector<16xf32>
      %slice3A_740 = vector.extract_strided_slice %select_n3A_116 {offsets = [3], sizes = [1], strides = [1]} : vector<16xf32> to vector<1xf32>
      %squeeze3A_741 = vector.extract %slice3A_740[0] : f32 from vector<1xf32>
      %get3A_742 = arith.constant 35 : i32
      %get3A_743 = arith.index_cast %get3A_742 : i32 to index
      %get3A_744 = arith.constant 0 : index
      %get3A_745 = tpu.vector_load %arg15[%get3A_743, %get3A_744] {strides = array<i32>} : memref<128x32xf32, #tpu.memory_space<vmem>>, vector<16xf32>,
      %mul3A_746 = vector.broadcast %squeeze3A_741 : f32 to vector<16xf32>
      %mul3A_747 = arith.mulf %mul3A_746, %get3A_745 : vector<16xf32>
      %add3A_748 = arith.addf %add3A_732, %mul3A_747 : vector<16xf32>
      %get3A_749 = arith.constant 35 : i32
      %get3A_750 = arith.index_cast %get3A_749 : i32 to index
      %get3A_751 = arith.constant 16 : index
      %get3A_752 = tpu.vector_load %arg15[%get3A_750, %get3A_751] {strides = array<i32>} : memref<128x32xf32, #tpu.memory_space<vmem>>, vector<16xf32>,
      %mul3A_753 = vector.broadcast %squeeze3A_741 : f32 to vector<16xf32>
      %mul3A_754 = arith.mulf %mul3A_753, %get3A_752 : vector<16xf32>
      %add3A_755 = arith.addf %add3A_739, %mul3A_754 : vector<16xf32>
      %slice3A_756 = vector.extract_strided_slice %select_n3A_116 {offsets = [4], sizes = [1], strides = [1]} : vector<16xf32> to vector<1xf32>
      %squeeze3A_757 = vector.extract %slice3A_756[0] : f32 from vector<1xf32>
      %get3A_758 = arith.constant 36 : i32
      %get3A_759 = arith.index_cast %get3A_758 : i32 to index
      %get3A_760 = arith.constant 0 : index
      %get3A_761 = tpu.vector_load %arg15[%get3A_759, %get3A_760] {strides = array<i32>} : memref<128x32xf32, #tpu.memory_space<vmem>>, vector<16xf32>,
      %mul3A_762 = vector.broadcast %squeeze3A_757 : f32 to vector<16xf32>
      %mul3A_763 = arith.mulf %mul3A_762, %get3A_761 : vector<16xf32>
      %add3A_764 = arith.addf %add3A_748, %mul3A_763 : vector<16xf32>
      %get3A_765 = arith.constant 36 : i32
      %get3A_766 = arith.index_cast %get3A_765 : i32 to index
      %get3A_767 = arith.constant 16 : index
      %get3A_768 = tpu.vector_load %arg15[%get3A_766, %get3A_767] {strides = array<i32>} : memref<128x32xf32, #tpu.memory_space<vmem>>, vector<16xf32>,
      %mul3A_769 = vector.broadcast %squeeze3A_757 : f32 to vector<16xf32>
      %mul3A_770 = arith.mulf %mul3A_769, %get3A_768 : vector<16xf32>
      %add3A_771 = arith.addf %add3A_755, %mul3A_770 : vector<16xf32>
      %slice3A_772 = vector.extract_strided_slice %select_n3A_116 {offsets = [5], sizes = [1], strides = [1]} : vector<16xf32> to vector<1xf32>
      %squeeze3A_773 = vector.extract %slice3A_772[0] : f32 from vector<1xf32>
      %get3A_774 = arith.constant 37 : i32
      %get3A_775 = arith.index_cast %get3A_774 : i32 to index
      %get3A_776 = arith.constant 0 : index
      %get3A_777 = tpu.vector_load %arg15[%get3A_775, %get3A_776] {strides = array<i32>} : memref<128x32xf32, #tpu.memory_space<vmem>>, vector<16xf32>,
      %mul3A_778 = vector.broadcast %squeeze3A_773 : f32 to vector<16xf32>
      %mul3A_779 = arith.mulf %mul3A_778, %get3A_777 : vector<16xf32>
      %add3A_780 = arith.addf %add3A_764, %mul3A_779 : vector<16xf32>
      %get3A_781 = arith.constant 37 : i32
      %get3A_782 = arith.index_cast %get3A_781 : i32 to index
      %get3A_783 = arith.constant 16 : index
      %get3A_784 = tpu.vector_load %arg15[%get3A_782, %get3A_783] {strides = array<i32>} : memref<128x32xf32, #tpu.memory_space<vmem>>, vector<16xf32>,
      %mul3A_785 = vector.broadcast %squeeze3A_773 : f32 to vector<16xf32>
      %mul3A_786 = arith.mulf %mul3A_785, %get3A_784 : vector<16xf32>
      %add3A_787 = arith.addf %add3A_771, %mul3A_786 : vector<16xf32>
      %slice3A_788 = vector.extract_strided_slice %select_n3A_116 {offsets = [6], sizes = [1], strides = [1]} : vector<16xf32> to vector<1xf32>
      %squeeze3A_789 = vector.extract %slice3A_788[0] : f32 from vector<1xf32>
      %get3A_790 = arith.constant 38 : i32
      %get3A_791 = arith.index_cast %get3A_790 : i32 to index
      %get3A_792 = arith.constant 0 : index
      %get3A_793 = tpu.vector_load %arg15[%get3A_791, %get3A_792] {strides = array<i32>} : memref<128x32xf32, #tpu.memory_space<vmem>>, vector<16xf32>,
      %mul3A_794 = vector.broadcast %squeeze3A_789 : f32 to vector<16xf32>
      %mul3A_795 = arith.mulf %mul3A_794, %get3A_793 : vector<16xf32>
      %add3A_796 = arith.addf %add3A_780, %mul3A_795 : vector<16xf32>
      %get3A_797 = arith.constant 38 : i32
      %get3A_798 = arith.index_cast %get3A_797 : i32 to index
      %get3A_799 = arith.constant 16 : index
      %get3A_800 = tpu.vector_load %arg15[%get3A_798, %get3A_799] {strides = array<i32>} : memref<128x32xf32, #tpu.memory_space<vmem>>, vector<16xf32>,
      %mul3A_801 = vector.broadcast %squeeze3A_789 : f32 to vector<16xf32>
      %mul3A_802 = arith.mulf %mul3A_801, %get3A_800 : vector<16xf32>
      %add3A_803 = arith.addf %add3A_787, %mul3A_802 : vector<16xf32>
      %slice3A_804 = vector.extract_strided_slice %select_n3A_116 {offsets = [7], sizes = [1], strides = [1]} : vector<16xf32> to vector<1xf32>
      %squeeze3A_805 = vector.extract %slice3A_804[0] : f32 from vector<1xf32>
      %get3A_806 = arith.constant 39 : i32
      %get3A_807 = arith.index_cast %get3A_806 : i32 to index
      %get3A_808 = arith.constant 0 : index
      %get3A_809 = tpu.vector_load %arg15[%get3A_807, %get3A_808] {strides = array<i32>} : memref<128x32xf32, #tpu.memory_space<vmem>>, vector<16xf32>,
      %mul3A_810 = vector.broadcast %squeeze3A_805 : f32 to vector<16xf32>
      %mul3A_811 = arith.mulf %mul3A_810, %get3A_809 : vector<16xf32>
      %add3A_812 = arith.addf %add3A_796, %mul3A_811 : vector<16xf32>
      %get3A_813 = arith.constant 39 : i32
      %get3A_814 = arith.index_cast %get3A_813 : i32 to index
      %get3A_815 = arith.constant 16 : index
      %get3A_816 = tpu.vector_load %arg15[%get3A_814, %get3A_815] {strides = array<i32>} : memref<128x32xf32, #tpu.memory_space<vmem>>, vector<16xf32>,
      %mul3A_817 = vector.broadcast %squeeze3A_805 : f32 to vector<16xf32>
      %mul3A_818 = arith.mulf %mul3A_817, %get3A_816 : vector<16xf32>
      %add3A_819 = arith.addf %add3A_803, %mul3A_818 : vector<16xf32>
      %slice3A_820 = vector.extract_strided_slice %select_n3A_116 {offsets = [8], sizes = [1], strides = [1]} : vector<16xf32> to vector<1xf32>
      %squeeze3A_821 = vector.extract %slice3A_820[0] : f32 from vector<1xf32>
      %get3A_822 = arith.constant 40 : i32
      %get3A_823 = arith.index_cast %get3A_822 : i32 to index
      %get3A_824 = arith.constant 0 : index
      %get3A_825 = tpu.vector_load %arg15[%get3A_823, %get3A_824] {strides = array<i32>} : memref<128x32xf32, #tpu.memory_space<vmem>>, vector<16xf32>,
      %mul3A_826 = vector.broadcast %squeeze3A_821 : f32 to vector<16xf32>
      %mul3A_827 = arith.mulf %mul3A_826, %get3A_825 : vector<16xf32>
      %add3A_828 = arith.addf %add3A_812, %mul3A_827 : vector<16xf32>
      %get3A_829 = arith.constant 40 : i32
      %get3A_830 = arith.index_cast %get3A_829 : i32 to index
      %get3A_831 = arith.constant 16 : index
      %get3A_832 = tpu.vector_load %arg15[%get3A_830, %get3A_831] {strides = array<i32>} : memref<128x32xf32, #tpu.memory_space<vmem>>, vector<16xf32>,
      %mul3A_833 = vector.broadcast %squeeze3A_821 : f32 to vector<16xf32>
      %mul3A_834 = arith.mulf %mul3A_833, %get3A_832 : vector<16xf32>
      %add3A_835 = arith.addf %add3A_819, %mul3A_834 : vector<16xf32>
      %slice3A_836 = vector.extract_strided_slice %select_n3A_116 {offsets = [9], sizes = [1], strides = [1]} : vector<16xf32> to vector<1xf32>
      %squeeze3A_837 = vector.extract %slice3A_836[0] : f32 from vector<1xf32>
      %get3A_838 = arith.constant 41 : i32
      %get3A_839 = arith.index_cast %get3A_838 : i32 to index
      %get3A_840 = arith.constant 0 : index
      %get3A_841 = tpu.vector_load %arg15[%get3A_839, %get3A_840] {strides = array<i32>} : memref<128x32xf32, #tpu.memory_space<vmem>>, vector<16xf32>,
      %mul3A_842 = vector.broadcast %squeeze3A_837 : f32 to vector<16xf32>
      %mul3A_843 = arith.mulf %mul3A_842, %get3A_841 : vector<16xf32>
      %add3A_844 = arith.addf %add3A_828, %mul3A_843 : vector<16xf32>
      %get3A_845 = arith.constant 41 : i32
      %get3A_846 = arith.index_cast %get3A_845 : i32 to index
      %get3A_847 = arith.constant 16 : index
      %get3A_848 = tpu.vector_load %arg15[%get3A_846, %get3A_847] {strides = array<i32>} : memref<128x32xf32, #tpu.memory_space<vmem>>, vector<16xf32>,
      %mul3A_849 = vector.broadcast %squeeze3A_837 : f32 to vector<16xf32>
      %mul3A_850 = arith.mulf %mul3A_849, %get3A_848 : vector<16xf32>
      %add3A_851 = arith.addf %add3A_835, %mul3A_850 : vector<16xf32>
      %slice3A_852 = vector.extract_strided_slice %select_n3A_116 {offsets = [10], sizes = [1], strides = [1]} : vector<16xf32> to vector<1xf32>
      %squeeze3A_853 = vector.extract %slice3A_852[0] : f32 from vector<1xf32>
      %get3A_854 = arith.constant 42 : i32
      %get3A_855 = arith.index_cast %get3A_854 : i32 to index
      %get3A_856 = arith.constant 0 : index
      %get3A_857 = tpu.vector_load %arg15[%get3A_855, %get3A_856] {strides = array<i32>} : memref<128x32xf32, #tpu.memory_space<vmem>>, vector<16xf32>,
      %mul3A_858 = vector.broadcast %squeeze3A_853 : f32 to vector<16xf32>
      %mul3A_859 = arith.mulf %mul3A_858, %get3A_857 : vector<16xf32>
      %add3A_860 = arith.addf %add3A_844, %mul3A_859 : vector<16xf32>
      %get3A_861 = arith.constant 42 : i32
      %get3A_862 = arith.index_cast %get3A_861 : i32 to index
      %get3A_863 = arith.constant 16 : index
      %get3A_864 = tpu.vector_load %arg15[%get3A_862, %get3A_863] {strides = array<i32>} : memref<128x32xf32, #tpu.memory_space<vmem>>, vector<16xf32>,
      %mul3A_865 = vector.broadcast %squeeze3A_853 : f32 to vector<16xf32>
      %mul3A_866 = arith.mulf %mul3A_865, %get3A_864 : vector<16xf32>
      %add3A_867 = arith.addf %add3A_851, %mul3A_866 : vector<16xf32>
      %slice3A_868 = vector.extract_strided_slice %select_n3A_116 {offsets = [11], sizes = [1], strides = [1]} : vector<16xf32> to vector<1xf32>
      %squeeze3A_869 = vector.extract %slice3A_868[0] : f32 from vector<1xf32>
      %get3A_870 = arith.constant 43 : i32
      %get3A_871 = arith.index_cast %get3A_870 : i32 to index
      %get3A_872 = arith.constant 0 : index
      %get3A_873 = tpu.vector_load %arg15[%get3A_871, %get3A_872] {strides = array<i32>} : memref<128x32xf32, #tpu.memory_space<vmem>>, vector<16xf32>,
      %mul3A_874 = vector.broadcast %squeeze3A_869 : f32 to vector<16xf32>
      %mul3A_875 = arith.mulf %mul3A_874, %get3A_873 : vector<16xf32>
      %add3A_876 = arith.addf %add3A_860, %mul3A_875 : vector<16xf32>
      %get3A_877 = arith.constant 43 : i32
      %get3A_878 = arith.index_cast %get3A_877 : i32 to index
      %get3A_879 = arith.constant 16 : index
      %get3A_880 = tpu.vector_load %arg15[%get3A_878, %get3A_879] {strides = array<i32>} : memref<128x32xf32, #tpu.memory_space<vmem>>, vector<16xf32>,
      %mul3A_881 = vector.broadcast %squeeze3A_869 : f32 to vector<16xf32>
      %mul3A_882 = arith.mulf %mul3A_881, %get3A_880 : vector<16xf32>
      %add3A_883 = arith.addf %add3A_867, %mul3A_882 : vector<16xf32>
      %slice3A_884 = vector.extract_strided_slice %select_n3A_116 {offsets = [12], sizes = [1], strides = [1]} : vector<16xf32> to vector<1xf32>
      %squeeze3A_885 = vector.extract %slice3A_884[0] : f32 from vector<1xf32>
      %get3A_886 = arith.constant 44 : i32
      %get3A_887 = arith.index_cast %get3A_886 : i32 to index
      %get3A_888 = arith.constant 0 : index
      %get3A_889 = tpu.vector_load %arg15[%get3A_887, %get3A_888] {strides = array<i32>} : memref<128x32xf32, #tpu.memory_space<vmem>>, vector<16xf32>,
      %mul3A_890 = vector.broadcast %squeeze3A_885 : f32 to vector<16xf32>
      %mul3A_891 = arith.mulf %mul3A_890, %get3A_889 : vector<16xf32>
      %add3A_892 = arith.addf %add3A_876, %mul3A_891 : vector<16xf32>
      %get3A_893 = arith.constant 44 : i32
      %get3A_894 = arith.index_cast %get3A_893 : i32 to index
      %get3A_895 = arith.constant 16 : index
      %get3A_896 = tpu.vector_load %arg15[%get3A_894, %get3A_895] {strides = array<i32>} : memref<128x32xf32, #tpu.memory_space<vmem>>, vector<16xf32>,
      %mul3A_897 = vector.broadcast %squeeze3A_885 : f32 to vector<16xf32>
      %mul3A_898 = arith.mulf %mul3A_897, %get3A_896 : vector<16xf32>
      %add3A_899 = arith.addf %add3A_883, %mul3A_898 : vector<16xf32>
      %slice3A_900 = vector.extract_strided_slice %select_n3A_116 {offsets = [13], sizes = [1], strides = [1]} : vector<16xf32> to vector<1xf32>
      %squeeze3A_901 = vector.extract %slice3A_900[0] : f32 from vector<1xf32>
      %get3A_902 = arith.constant 45 : i32
      %get3A_903 = arith.index_cast %get3A_902 : i32 to index
      %get3A_904 = arith.constant 0 : index
      %get3A_905 = tpu.vector_load %arg15[%get3A_903, %get3A_904] {strides = array<i32>} : memref<128x32xf32, #tpu.memory_space<vmem>>, vector<16xf32>,
      %mul3A_906 = vector.broadcast %squeeze3A_901 : f32 to vector<16xf32>
      %mul3A_907 = arith.mulf %mul3A_906, %get3A_905 : vector<16xf32>
      %add3A_908 = arith.addf %add3A_892, %mul3A_907 : vector<16xf32>
      %get3A_909 = arith.constant 45 : i32
      %get3A_910 = arith.index_cast %get3A_909 : i32 to index
      %get3A_911 = arith.constant 16 : index
      %get3A_912 = tpu.vector_load %arg15[%get3A_910, %get3A_911] {strides = array<i32>} : memref<128x32xf32, #tpu.memory_space<vmem>>, vector<16xf32>,
      %mul3A_913 = vector.broadcast %squeeze3A_901 : f32 to vector<16xf32>
      %mul3A_914 = arith.mulf %mul3A_913, %get3A_912 : vector<16xf32>
      %add3A_915 = arith.addf %add3A_899, %mul3A_914 : vector<16xf32>
      %slice3A_916 = vector.extract_strided_slice %select_n3A_116 {offsets = [14], sizes = [1], strides = [1]} : vector<16xf32> to vector<1xf32>
      %squeeze3A_917 = vector.extract %slice3A_916[0] : f32 from vector<1xf32>
      %get3A_918 = arith.constant 46 : i32
      %get3A_919 = arith.index_cast %get3A_918 : i32 to index
      %get3A_920 = arith.constant 0 : index
      %get3A_921 = tpu.vector_load %arg15[%get3A_919, %get3A_920] {strides = array<i32>} : memref<128x32xf32, #tpu.memory_space<vmem>>, vector<16xf32>,
      %mul3A_922 = vector.broadcast %squeeze3A_917 : f32 to vector<16xf32>
      %mul3A_923 = arith.mulf %mul3A_922, %get3A_921 : vector<16xf32>
      %add3A_924 = arith.addf %add3A_908, %mul3A_923 : vector<16xf32>
      %get3A_925 = arith.constant 46 : i32
      %get3A_926 = arith.index_cast %get3A_925 : i32 to index
      %get3A_927 = arith.constant 16 : index
      %get3A_928 = tpu.vector_load %arg15[%get3A_926, %get3A_927] {strides = array<i32>} : memref<128x32xf32, #tpu.memory_space<vmem>>, vector<16xf32>,
      %mul3A_929 = vector.broadcast %squeeze3A_917 : f32 to vector<16xf32>
      %mul3A_930 = arith.mulf %mul3A_929, %get3A_928 : vector<16xf32>
      %add3A_931 = arith.addf %add3A_915, %mul3A_930 : vector<16xf32>
      %slice3A_932 = vector.extract_strided_slice %select_n3A_116 {offsets = [15], sizes = [1], strides = [1]} : vector<16xf32> to vector<1xf32>
      %squeeze3A_933 = vector.extract %slice3A_932[0] : f32 from vector<1xf32>
      %get3A_934 = arith.constant 47 : i32
      %get3A_935 = arith.index_cast %get3A_934 : i32 to index
      %get3A_936 = arith.constant 0 : index
      %get3A_937 = tpu.vector_load %arg15[%get3A_935, %get3A_936] {strides = array<i32>} : memref<128x32xf32, #tpu.memory_space<vmem>>, vector<16xf32>,
      %mul3A_938 = vector.broadcast %squeeze3A_933 : f32 to vector<16xf32>
      %mul3A_939 = arith.mulf %mul3A_938, %get3A_937 : vector<16xf32>
      %add3A_940 = arith.addf %add3A_924, %mul3A_939 : vector<16xf32>
      %get3A_941 = arith.constant 47 : i32
      %get3A_942 = arith.index_cast %get3A_941 : i32 to index
      %get3A_943 = arith.constant 16 : index
      %get3A_944 = tpu.vector_load %arg15[%get3A_942, %get3A_943] {strides = array<i32>} : memref<128x32xf32, #tpu.memory_space<vmem>>, vector<16xf32>,
      %mul3A_945 = vector.broadcast %squeeze3A_933 : f32 to vector<16xf32>
      %mul3A_946 = arith.mulf %mul3A_945, %get3A_944 : vector<16xf32>
      %add3A_947 = arith.addf %add3A_931, %mul3A_946 : vector<16xf32>
      %slice3A_948 = vector.extract_strided_slice %select_n3A_125 {offsets = [0], sizes = [1], strides = [1]} : vector<16xf32> to vector<1xf32>
      %squeeze3A_949 = vector.extract %slice3A_948[0] : f32 from vector<1xf32>
      %get3A_950 = arith.constant 48 : i32
      %get3A_951 = arith.index_cast %get3A_950 : i32 to index
      %get3A_952 = arith.constant 0 : index
      %get3A_953 = tpu.vector_load %arg15[%get3A_951, %get3A_952] {strides = array<i32>} : memref<128x32xf32, #tpu.memory_space<vmem>>, vector<16xf32>,
      %mul3A_954 = vector.broadcast %squeeze3A_949 : f32 to vector<16xf32>
      %mul3A_955 = arith.mulf %mul3A_954, %get3A_953 : vector<16xf32>
      %add3A_956 = arith.addf %add3A_940, %mul3A_955 : vector<16xf32>
      %get3A_957 = arith.constant 48 : i32
      %get3A_958 = arith.index_cast %get3A_957 : i32 to index
      %get3A_959 = arith.constant 16 : index
      %get3A_960 = tpu.vector_load %arg15[%get3A_958, %get3A_959] {strides = array<i32>} : memref<128x32xf32, #tpu.memory_space<vmem>>, vector<16xf32>,
      %mul3A_961 = vector.broadcast %squeeze3A_949 : f32 to vector<16xf32>
      %mul3A_962 = arith.mulf %mul3A_961, %get3A_960 : vector<16xf32>
      %add3A_963 = arith.addf %add3A_947, %mul3A_962 : vector<16xf32>
      %slice3A_964 = vector.extract_strided_slice %select_n3A_125 {offsets = [1], sizes = [1], strides = [1]} : vector<16xf32> to vector<1xf32>
      %squeeze3A_965 = vector.extract %slice3A_964[0] : f32 from vector<1xf32>
      %get3A_966 = arith.constant 49 : i32
      %get3A_967 = arith.index_cast %get3A_966 : i32 to index
      %get3A_968 = arith.constant 0 : index
      %get3A_969 = tpu.vector_load %arg15[%get3A_967, %get3A_968] {strides = array<i32>} : memref<128x32xf32, #tpu.memory_space<vmem>>, vector<16xf32>,
      %mul3A_970 = vector.broadcast %squeeze3A_965 : f32 to vector<16xf32>
      %mul3A_971 = arith.mulf %mul3A_970, %get3A_969 : vector<16xf32>
      %add3A_972 = arith.addf %add3A_956, %mul3A_971 : vector<16xf32>
      %get3A_973 = arith.constant 49 : i32
      %get3A_974 = arith.index_cast %get3A_973 : i32 to index
      %get3A_975 = arith.constant 16 : index
      %get3A_976 = tpu.vector_load %arg15[%get3A_974, %get3A_975] {strides = array<i32>} : memref<128x32xf32, #tpu.memory_space<vmem>>, vector<16xf32>,
      %mul3A_977 = vector.broadcast %squeeze3A_965 : f32 to vector<16xf32>
      %mul3A_978 = arith.mulf %mul3A_977, %get3A_976 : vector<16xf32>
      %add3A_979 = arith.addf %add3A_963, %mul3A_978 : vector<16xf32>
      %slice3A_980 = vector.extract_strided_slice %select_n3A_125 {offsets = [2], sizes = [1], strides = [1]} : vector<16xf32> to vector<1xf32>
      %squeeze3A_981 = vector.extract %slice3A_980[0] : f32 from vector<1xf32>
      %get3A_982 = arith.constant 50 : i32
      %get3A_983 = arith.index_cast %get3A_982 : i32 to index
      %get3A_984 = arith.constant 0 : index
      %get3A_985 = tpu.vector_load %arg15[%get3A_983, %get3A_984] {strides = array<i32>} : memref<128x32xf32, #tpu.memory_space<vmem>>, vector<16xf32>,
      %mul3A_986 = vector.broadcast %squeeze3A_981 : f32 to vector<16xf32>
      %mul3A_987 = arith.mulf %mul3A_986, %get3A_985 : vector<16xf32>
      %add3A_988 = arith.addf %add3A_972, %mul3A_987 : vector<16xf32>
      %get3A_989 = arith.constant 50 : i32
      %get3A_990 = arith.index_cast %get3A_989 : i32 to index
      %get3A_991 = arith.constant 16 : index
      %get3A_992 = tpu.vector_load %arg15[%get3A_990, %get3A_991] {strides = array<i32>} : memref<128x32xf32, #tpu.memory_space<vmem>>, vector<16xf32>,
      %mul3A_993 = vector.broadcast %squeeze3A_981 : f32 to vector<16xf32>
      %mul3A_994 = arith.mulf %mul3A_993, %get3A_992 : vector<16xf32>
      %add3A_995 = arith.addf %add3A_979, %mul3A_994 : vector<16xf32>
      %slice3A_996 = vector.extract_strided_slice %select_n3A_125 {offsets = [3], sizes = [1], strides = [1]} : vector<16xf32> to vector<1xf32>
      %squeeze3A_997 = vector.extract %slice3A_996[0] : f32 from vector<1xf32>
      %get3A_998 = arith.constant 51 : i32
      %get3A_999 = arith.index_cast %get3A_998 : i32 to index
      %get3A_1000 = arith.constant 0 : index
      %get3A_1001 = tpu.vector_load %arg15[%get3A_999, %get3A_1000] {strides = array<i32>} : memref<128x32xf32, #tpu.memory_space<vmem>>, vector<16xf32>,
      %mul3A_1002 = vector.broadcast %squeeze3A_997 : f32 to vector<16xf32>
      %mul3A_1003 = arith.mulf %mul3A_1002, %get3A_1001 : vector<16xf32>
      %add3A_1004 = arith.addf %add3A_988, %mul3A_1003 : vector<16xf32>
      %get3A_1005 = arith.constant 51 : i32
      %get3A_1006 = arith.index_cast %get3A_1005 : i32 to index
      %get3A_1007 = arith.constant 16 : index
      %get3A_1008 = tpu.vector_load %arg15[%get3A_1006, %get3A_1007] {strides = array<i32>} : memref<128x32xf32, #tpu.memory_space<vmem>>, vector<16xf32>,
      %mul3A_1009 = vector.broadcast %squeeze3A_997 : f32 to vector<16xf32>
      %mul3A_1010 = arith.mulf %mul3A_1009, %get3A_1008 : vector<16xf32>
      %add3A_1011 = arith.addf %add3A_995, %mul3A_1010 : vector<16xf32>
      %slice3A_1012 = vector.extract_strided_slice %select_n3A_125 {offsets = [4], sizes = [1], strides = [1]} : vector<16xf32> to vector<1xf32>
      %squeeze3A_1013 = vector.extract %slice3A_1012[0] : f32 from vector<1xf32>
      %get3A_1014 = arith.constant 52 : i32
      %get3A_1015 = arith.index_cast %get3A_1014 : i32 to index
      %get3A_1016 = arith.constant 0 : index
      %get3A_1017 = tpu.vector_load %arg15[%get3A_1015, %get3A_1016] {strides = array<i32>} : memref<128x32xf32, #tpu.memory_space<vmem>>, vector<16xf32>,
      %mul3A_1018 = vector.broadcast %squeeze3A_1013 : f32 to vector<16xf32>
      %mul3A_1019 = arith.mulf %mul3A_1018, %get3A_1017 : vector<16xf32>
      %add3A_1020 = arith.addf %add3A_1004, %mul3A_1019 : vector<16xf32>
      %get3A_1021 = arith.constant 52 : i32
      %get3A_1022 = arith.index_cast %get3A_1021 : i32 to index
      %get3A_1023 = arith.constant 16 : index
      %get3A_1024 = tpu.vector_load %arg15[%get3A_1022, %get3A_1023] {strides = array<i32>} : memref<128x32xf32, #tpu.memory_space<vmem>>, vector<16xf32>,
      %mul3A_1025 = vector.broadcast %squeeze3A_1013 : f32 to vector<16xf32>
      %mul3A_1026 = arith.mulf %mul3A_1025, %get3A_1024 : vector<16xf32>
      %add3A_1027 = arith.addf %add3A_1011, %mul3A_1026 : vector<16xf32>
      %slice3A_1028 = vector.extract_strided_slice %select_n3A_125 {offsets = [5], sizes = [1], strides = [1]} : vector<16xf32> to vector<1xf32>
      %squeeze3A_1029 = vector.extract %slice3A_1028[0] : f32 from vector<1xf32>
      %get3A_1030 = arith.constant 53 : i32
      %get3A_1031 = arith.index_cast %get3A_1030 : i32 to index
      %get3A_1032 = arith.constant 0 : index
      %get3A_1033 = tpu.vector_load %arg15[%get3A_1031, %get3A_1032] {strides = array<i32>} : memref<128x32xf32, #tpu.memory_space<vmem>>, vector<16xf32>,
      %mul3A_1034 = vector.broadcast %squeeze3A_1029 : f32 to vector<16xf32>
      %mul3A_1035 = arith.mulf %mul3A_1034, %get3A_1033 : vector<16xf32>
      %add3A_1036 = arith.addf %add3A_1020, %mul3A_1035 : vector<16xf32>
      %get3A_1037 = arith.constant 53 : i32
      %get3A_1038 = arith.index_cast %get3A_1037 : i32 to index
      %get3A_1039 = arith.constant 16 : index
      %get3A_1040 = tpu.vector_load %arg15[%get3A_1038, %get3A_1039] {strides = array<i32>} : memref<128x32xf32, #tpu.memory_space<vmem>>, vector<16xf32>,
      %mul3A_1041 = vector.broadcast %squeeze3A_1029 : f32 to vector<16xf32>
      %mul3A_1042 = arith.mulf %mul3A_1041, %get3A_1040 : vector<16xf32>
      %add3A_1043 = arith.addf %add3A_1027, %mul3A_1042 : vector<16xf32>
      %slice3A_1044 = vector.extract_strided_slice %select_n3A_125 {offsets = [6], sizes = [1], strides = [1]} : vector<16xf32> to vector<1xf32>
      %squeeze3A_1045 = vector.extract %slice3A_1044[0] : f32 from vector<1xf32>
      %get3A_1046 = arith.constant 54 : i32
      %get3A_1047 = arith.index_cast %get3A_1046 : i32 to index
      %get3A_1048 = arith.constant 0 : index
      %get3A_1049 = tpu.vector_load %arg15[%get3A_1047, %get3A_1048] {strides = array<i32>} : memref<128x32xf32, #tpu.memory_space<vmem>>, vector<16xf32>,
      %mul3A_1050 = vector.broadcast %squeeze3A_1045 : f32 to vector<16xf32>
      %mul3A_1051 = arith.mulf %mul3A_1050, %get3A_1049 : vector<16xf32>
      %add3A_1052 = arith.addf %add3A_1036, %mul3A_1051 : vector<16xf32>
      %get3A_1053 = arith.constant 54 : i32
      %get3A_1054 = arith.index_cast %get3A_1053 : i32 to index
      %get3A_1055 = arith.constant 16 : index
      %get3A_1056 = tpu.vector_load %arg15[%get3A_1054, %get3A_1055] {strides = array<i32>} : memref<128x32xf32, #tpu.memory_space<vmem>>, vector<16xf32>,
      %mul3A_1057 = vector.broadcast %squeeze3A_1045 : f32 to vector<16xf32>
      %mul3A_1058 = arith.mulf %mul3A_1057, %get3A_1056 : vector<16xf32>
      %add3A_1059 = arith.addf %add3A_1043, %mul3A_1058 : vector<16xf32>
      %slice3A_1060 = vector.extract_strided_slice %select_n3A_125 {offsets = [7], sizes = [1], strides = [1]} : vector<16xf32> to vector<1xf32>
      %squeeze3A_1061 = vector.extract %slice3A_1060[0] : f32 from vector<1xf32>
      %get3A_1062 = arith.constant 55 : i32
      %get3A_1063 = arith.index_cast %get3A_1062 : i32 to index
      %get3A_1064 = arith.constant 0 : index
      %get3A_1065 = tpu.vector_load %arg15[%get3A_1063, %get3A_1064] {strides = array<i32>} : memref<128x32xf32, #tpu.memory_space<vmem>>, vector<16xf32>,
      %mul3A_1066 = vector.broadcast %squeeze3A_1061 : f32 to vector<16xf32>
      %mul3A_1067 = arith.mulf %mul3A_1066, %get3A_1065 : vector<16xf32>
      %add3A_1068 = arith.addf %add3A_1052, %mul3A_1067 : vector<16xf32>
      %get3A_1069 = arith.constant 55 : i32
      %get3A_1070 = arith.index_cast %get3A_1069 : i32 to index
      %get3A_1071 = arith.constant 16 : index
      %get3A_1072 = tpu.vector_load %arg15[%get3A_1070, %get3A_1071] {strides = array<i32>} : memref<128x32xf32, #tpu.memory_space<vmem>>, vector<16xf32>,
      %mul3A_1073 = vector.broadcast %squeeze3A_1061 : f32 to vector<16xf32>
      %mul3A_1074 = arith.mulf %mul3A_1073, %get3A_1072 : vector<16xf32>
      %add3A_1075 = arith.addf %add3A_1059, %mul3A_1074 : vector<16xf32>
      %slice3A_1076 = vector.extract_strided_slice %select_n3A_125 {offsets = [8], sizes = [1], strides = [1]} : vector<16xf32> to vector<1xf32>
      %squeeze3A_1077 = vector.extract %slice3A_1076[0] : f32 from vector<1xf32>
      %get3A_1078 = arith.constant 56 : i32
      %get3A_1079 = arith.index_cast %get3A_1078 : i32 to index
      %get3A_1080 = arith.constant 0 : index
      %get3A_1081 = tpu.vector_load %arg15[%get3A_1079, %get3A_1080] {strides = array<i32>} : memref<128x32xf32, #tpu.memory_space<vmem>>, vector<16xf32>,
      %mul3A_1082 = vector.broadcast %squeeze3A_1077 : f32 to vector<16xf32>
      %mul3A_1083 = arith.mulf %mul3A_1082, %get3A_1081 : vector<16xf32>
      %add3A_1084 = arith.addf %add3A_1068, %mul3A_1083 : vector<16xf32>
      %get3A_1085 = arith.constant 56 : i32
      %get3A_1086 = arith.index_cast %get3A_1085 : i32 to index
      %get3A_1087 = arith.constant 16 : index
      %get3A_1088 = tpu.vector_load %arg15[%get3A_1086, %get3A_1087] {strides = array<i32>} : memref<128x32xf32, #tpu.memory_space<vmem>>, vector<16xf32>,
      %mul3A_1089 = vector.broadcast %squeeze3A_1077 : f32 to vector<16xf32>
      %mul3A_1090 = arith.mulf %mul3A_1089, %get3A_1088 : vector<16xf32>
      %add3A_1091 = arith.addf %add3A_1075, %mul3A_1090 : vector<16xf32>
      %slice3A_1092 = vector.extract_strided_slice %select_n3A_125 {offsets = [9], sizes = [1], strides = [1]} : vector<16xf32> to vector<1xf32>
      %squeeze3A_1093 = vector.extract %slice3A_1092[0] : f32 from vector<1xf32>
      %get3A_1094 = arith.constant 57 : i32
      %get3A_1095 = arith.index_cast %get3A_1094 : i32 to index
      %get3A_1096 = arith.constant 0 : index
      %get3A_1097 = tpu.vector_load %arg15[%get3A_1095, %get3A_1096] {strides = array<i32>} : memref<128x32xf32, #tpu.memory_space<vmem>>, vector<16xf32>,
      %mul3A_1098 = vector.broadcast %squeeze3A_1093 : f32 to vector<16xf32>
      %mul3A_1099 = arith.mulf %mul3A_1098, %get3A_1097 : vector<16xf32>
      %add3A_1100 = arith.addf %add3A_1084, %mul3A_1099 : vector<16xf32>
      %get3A_1101 = arith.constant 57 : i32
      %get3A_1102 = arith.index_cast %get3A_1101 : i32 to index
      %get3A_1103 = arith.constant 16 : index
      %get3A_1104 = tpu.vector_load %arg15[%get3A_1102, %get3A_1103] {strides = array<i32>} : memref<128x32xf32, #tpu.memory_space<vmem>>, vector<16xf32>,
      %mul3A_1105 = vector.broadcast %squeeze3A_1093 : f32 to vector<16xf32>
      %mul3A_1106 = arith.mulf %mul3A_1105, %get3A_1104 : vector<16xf32>
      %add3A_1107 = arith.addf %add3A_1091, %mul3A_1106 : vector<16xf32>
      %slice3A_1108 = vector.extract_strided_slice %select_n3A_125 {offsets = [10], sizes = [1], strides = [1]} : vector<16xf32> to vector<1xf32>
      %squeeze3A_1109 = vector.extract %slice3A_1108[0] : f32 from vector<1xf32>
      %get3A_1110 = arith.constant 58 : i32
      %get3A_1111 = arith.index_cast %get3A_1110 : i32 to index
      %get3A_1112 = arith.constant 0 : index
      %get3A_1113 = tpu.vector_load %arg15[%get3A_1111, %get3A_1112] {strides = array<i32>} : memref<128x32xf32, #tpu.memory_space<vmem>>, vector<16xf32>,
      %mul3A_1114 = vector.broadcast %squeeze3A_1109 : f32 to vector<16xf32>
      %mul3A_1115 = arith.mulf %mul3A_1114, %get3A_1113 : vector<16xf32>
      %add3A_1116 = arith.addf %add3A_1100, %mul3A_1115 : vector<16xf32>
      %get3A_1117 = arith.constant 58 : i32
      %get3A_1118 = arith.index_cast %get3A_1117 : i32 to index
      %get3A_1119 = arith.constant 16 : index
      %get3A_1120 = tpu.vector_load %arg15[%get3A_1118, %get3A_1119] {strides = array<i32>} : memref<128x32xf32, #tpu.memory_space<vmem>>, vector<16xf32>,
      %mul3A_1121 = vector.broadcast %squeeze3A_1109 : f32 to vector<16xf32>
      %mul3A_1122 = arith.mulf %mul3A_1121, %get3A_1120 : vector<16xf32>
      %add3A_1123 = arith.addf %add3A_1107, %mul3A_1122 : vector<16xf32>
      %slice3A_1124 = vector.extract_strided_slice %select_n3A_125 {offsets = [11], sizes = [1], strides = [1]} : vector<16xf32> to vector<1xf32>
      %squeeze3A_1125 = vector.extract %slice3A_1124[0] : f32 from vector<1xf32>
      %get3A_1126 = arith.constant 59 : i32
      %get3A_1127 = arith.index_cast %get3A_1126 : i32 to index
      %get3A_1128 = arith.constant 0 : index
      %get3A_1129 = tpu.vector_load %arg15[%get3A_1127, %get3A_1128] {strides = array<i32>} : memref<128x32xf32, #tpu.memory_space<vmem>>, vector<16xf32>,
      %mul3A_1130 = vector.broadcast %squeeze3A_1125 : f32 to vector<16xf32>
      %mul3A_1131 = arith.mulf %mul3A_1130, %get3A_1129 : vector<16xf32>
      %add3A_1132 = arith.addf %add3A_1116, %mul3A_1131 : vector<16xf32>
      %get3A_1133 = arith.constant 59 : i32
      %get3A_1134 = arith.index_cast %get3A_1133 : i32 to index
      %get3A_1135 = arith.constant 16 : index
      %get3A_1136 = tpu.vector_load %arg15[%get3A_1134, %get3A_1135] {strides = array<i32>} : memref<128x32xf32, #tpu.memory_space<vmem>>, vector<16xf32>,
      %mul3A_1137 = vector.broadcast %squeeze3A_1125 : f32 to vector<16xf32>
      %mul3A_1138 = arith.mulf %mul3A_1137, %get3A_1136 : vector<16xf32>
      %add3A_1139 = arith.addf %add3A_1123, %mul3A_1138 : vector<16xf32>
      %slice3A_1140 = vector.extract_strided_slice %select_n3A_125 {offsets = [12], sizes = [1], strides = [1]} : vector<16xf32> to vector<1xf32>
      %squeeze3A_1141 = vector.extract %slice3A_1140[0] : f32 from vector<1xf32>
      %get3A_1142 = arith.constant 60 : i32
      %get3A_1143 = arith.index_cast %get3A_1142 : i32 to index
      %get3A_1144 = arith.constant 0 : index
      %get3A_1145 = tpu.vector_load %arg15[%get3A_1143, %get3A_1144] {strides = array<i32>} : memref<128x32xf32, #tpu.memory_space<vmem>>, vector<16xf32>,
      %mul3A_1146 = vector.broadcast %squeeze3A_1141 : f32 to vector<16xf32>
      %mul3A_1147 = arith.mulf %mul3A_1146, %get3A_1145 : vector<16xf32>
      %add3A_1148 = arith.addf %add3A_1132, %mul3A_1147 : vector<16xf32>
      %get3A_1149 = arith.constant 60 : i32
      %get3A_1150 = arith.index_cast %get3A_1149 : i32 to index
      %get3A_1151 = arith.constant 16 : index
      %get3A_1152 = tpu.vector_load %arg15[%get3A_1150, %get3A_1151] {strides = array<i32>} : memref<128x32xf32, #tpu.memory_space<vmem>>, vector<16xf32>,
      %mul3A_1153 = vector.broadcast %squeeze3A_1141 : f32 to vector<16xf32>
      %mul3A_1154 = arith.mulf %mul3A_1153, %get3A_1152 : vector<16xf32>
      %add3A_1155 = arith.addf %add3A_1139, %mul3A_1154 : vector<16xf32>
      %slice3A_1156 = vector.extract_strided_slice %select_n3A_125 {offsets = [13], sizes = [1], strides = [1]} : vector<16xf32> to vector<1xf32>
      %squeeze3A_1157 = vector.extract %slice3A_1156[0] : f32 from vector<1xf32>
      %get3A_1158 = arith.constant 61 : i32
      %get3A_1159 = arith.index_cast %get3A_1158 : i32 to index
      %get3A_1160 = arith.constant 0 : index
      %get3A_1161 = tpu.vector_load %arg15[%get3A_1159, %get3A_1160] {strides = array<i32>} : memref<128x32xf32, #tpu.memory_space<vmem>>, vector<16xf32>,
      %mul3A_1162 = vector.broadcast %squeeze3A_1157 : f32 to vector<16xf32>
      %mul3A_1163 = arith.mulf %mul3A_1162, %get3A_1161 : vector<16xf32>
      %add3A_1164 = arith.addf %add3A_1148, %mul3A_1163 : vector<16xf32>
      %get3A_1165 = arith.constant 61 : i32
      %get3A_1166 = arith.index_cast %get3A_1165 : i32 to index
      %get3A_1167 = arith.constant 16 : index
      %get3A_1168 = tpu.vector_load %arg15[%get3A_1166, %get3A_1167] {strides = array<i32>} : memref<128x32xf32, #tpu.memory_space<vmem>>, vector<16xf32>,
      %mul3A_1169 = vector.broadcast %squeeze3A_1157 : f32 to vector<16xf32>
      %mul3A_1170 = arith.mulf %mul3A_1169, %get3A_1168 : vector<16xf32>
      %add3A_1171 = arith.addf %add3A_1155, %mul3A_1170 : vector<16xf32>
      %slice3A_1172 = vector.extract_strided_slice %select_n3A_125 {offsets = [14], sizes = [1], strides = [1]} : vector<16xf32> to vector<1xf32>
      %squeeze3A_1173 = vector.extract %slice3A_1172[0] : f32 from vector<1xf32>
      %get3A_1174 = arith.constant 62 : i32
      %get3A_1175 = arith.index_cast %get3A_1174 : i32 to index
      %get3A_1176 = arith.constant 0 : index
      %get3A_1177 = tpu.vector_load %arg15[%get3A_1175, %get3A_1176] {strides = array<i32>} : memref<128x32xf32, #tpu.memory_space<vmem>>, vector<16xf32>,
      %mul3A_1178 = vector.broadcast %squeeze3A_1173 : f32 to vector<16xf32>
      %mul3A_1179 = arith.mulf %mul3A_1178, %get3A_1177 : vector<16xf32>
      %add3A_1180 = arith.addf %add3A_1164, %mul3A_1179 : vector<16xf32>
      %get3A_1181 = arith.constant 62 : i32
      %get3A_1182 = arith.index_cast %get3A_1181 : i32 to index
      %get3A_1183 = arith.constant 16 : index
      %get3A_1184 = tpu.vector_load %arg15[%get3A_1182, %get3A_1183] {strides = array<i32>} : memref<128x32xf32, #tpu.memory_space<vmem>>, vector<16xf32>,
      %mul3A_1185 = vector.broadcast %squeeze3A_1173 : f32 to vector<16xf32>
      %mul3A_1186 = arith.mulf %mul3A_1185, %get3A_1184 : vector<16xf32>
      %add3A_1187 = arith.addf %add3A_1171, %mul3A_1186 : vector<16xf32>
      %slice3A_1188 = vector.extract_strided_slice %select_n3A_125 {offsets = [15], sizes = [1], strides = [1]} : vector<16xf32> to vector<1xf32>
      %squeeze3A_1189 = vector.extract %slice3A_1188[0] : f32 from vector<1xf32>
      %get3A_1190 = arith.constant 63 : i32
      %get3A_1191 = arith.index_cast %get3A_1190 : i32 to index
      %get3A_1192 = arith.constant 0 : index
      %get3A_1193 = tpu.vector_load %arg15[%get3A_1191, %get3A_1192] {strides = array<i32>} : memref<128x32xf32, #tpu.memory_space<vmem>>, vector<16xf32>,
      %mul3A_1194 = vector.broadcast %squeeze3A_1189 : f32 to vector<16xf32>
      %mul3A_1195 = arith.mulf %mul3A_1194, %get3A_1193 : vector<16xf32>
      %add3A_1196 = arith.addf %add3A_1180, %mul3A_1195 : vector<16xf32>
      %get3A_1197 = arith.constant 63 : i32
      %get3A_1198 = arith.index_cast %get3A_1197 : i32 to index
      %get3A_1199 = arith.constant 16 : index
      %get3A_1200 = tpu.vector_load %arg15[%get3A_1198, %get3A_1199] {strides = array<i32>} : memref<128x32xf32, #tpu.memory_space<vmem>>, vector<16xf32>,
      %mul3A_1201 = vector.broadcast %squeeze3A_1189 : f32 to vector<16xf32>
      %mul3A_1202 = arith.mulf %mul3A_1201, %get3A_1200 : vector<16xf32>
      %add3A_1203 = arith.addf %add3A_1187, %mul3A_1202 : vector<16xf32>
      %slice3A_1204 = vector.extract_strided_slice %select_n3A_148 {offsets = [0], sizes = [1], strides = [1]} : vector<16xf32> to vector<1xf32>
      %squeeze3A_1205 = vector.extract %slice3A_1204[0] : f32 from vector<1xf32>
      %get3A_1206 = arith.constant 64 : i32
      %get3A_1207 = arith.index_cast %get3A_1206 : i32 to index
      %get3A_1208 = arith.constant 0 : index
      %get3A_1209 = tpu.vector_load %arg15[%get3A_1207, %get3A_1208] {strides = array<i32>} : memref<128x32xf32, #tpu.memory_space<vmem>>, vector<16xf32>,
      %mul3A_1210 = vector.broadcast %squeeze3A_1205 : f32 to vector<16xf32>
      %mul3A_1211 = arith.mulf %mul3A_1210, %get3A_1209 : vector<16xf32>
      %add3A_1212 = arith.addf %add3A_1196, %mul3A_1211 : vector<16xf32>
      %get3A_1213 = arith.constant 64 : i32
      %get3A_1214 = arith.index_cast %get3A_1213 : i32 to index
      %get3A_1215 = arith.constant 16 : index
      %get3A_1216 = tpu.vector_load %arg15[%get3A_1214, %get3A_1215] {strides = array<i32>} : memref<128x32xf32, #tpu.memory_space<vmem>>, vector<16xf32>,
      %mul3A_1217 = vector.broadcast %squeeze3A_1205 : f32 to vector<16xf32>
      %mul3A_1218 = arith.mulf %mul3A_1217, %get3A_1216 : vector<16xf32>
      %add3A_1219 = arith.addf %add3A_1203, %mul3A_1218 : vector<16xf32>
      %slice3A_1220 = vector.extract_strided_slice %select_n3A_148 {offsets = [1], sizes = [1], strides = [1]} : vector<16xf32> to vector<1xf32>
      %squeeze3A_1221 = vector.extract %slice3A_1220[0] : f32 from vector<1xf32>
      %get3A_1222 = arith.constant 65 : i32
      %get3A_1223 = arith.index_cast %get3A_1222 : i32 to index
      %get3A_1224 = arith.constant 0 : index
      %get3A_1225 = tpu.vector_load %arg15[%get3A_1223, %get3A_1224] {strides = array<i32>} : memref<128x32xf32, #tpu.memory_space<vmem>>, vector<16xf32>,
      %mul3A_1226 = vector.broadcast %squeeze3A_1221 : f32 to vector<16xf32>
      %mul3A_1227 = arith.mulf %mul3A_1226, %get3A_1225 : vector<16xf32>
      %add3A_1228 = arith.addf %add3A_1212, %mul3A_1227 : vector<16xf32>
      %get3A_1229 = arith.constant 65 : i32
      %get3A_1230 = arith.index_cast %get3A_1229 : i32 to index
      %get3A_1231 = arith.constant 16 : index
      %get3A_1232 = tpu.vector_load %arg15[%get3A_1230, %get3A_1231] {strides = array<i32>} : memref<128x32xf32, #tpu.memory_space<vmem>>, vector<16xf32>,
      %mul3A_1233 = vector.broadcast %squeeze3A_1221 : f32 to vector<16xf32>
      %mul3A_1234 = arith.mulf %mul3A_1233, %get3A_1232 : vector<16xf32>
      %add3A_1235 = arith.addf %add3A_1219, %mul3A_1234 : vector<16xf32>
      %slice3A_1236 = vector.extract_strided_slice %select_n3A_148 {offsets = [2], sizes = [1], strides = [1]} : vector<16xf32> to vector<1xf32>
      %squeeze3A_1237 = vector.extract %slice3A_1236[0] : f32 from vector<1xf32>
      %get3A_1238 = arith.constant 66 : i32
      %get3A_1239 = arith.index_cast %get3A_1238 : i32 to index
      %get3A_1240 = arith.constant 0 : index
      %get3A_1241 = tpu.vector_load %arg15[%get3A_1239, %get3A_1240] {strides = array<i32>} : memref<128x32xf32, #tpu.memory_space<vmem>>, vector<16xf32>,
      %mul3A_1242 = vector.broadcast %squeeze3A_1237 : f32 to vector<16xf32>
      %mul3A_1243 = arith.mulf %mul3A_1242, %get3A_1241 : vector<16xf32>
      %add3A_1244 = arith.addf %add3A_1228, %mul3A_1243 : vector<16xf32>
      %get3A_1245 = arith.constant 66 : i32
      %get3A_1246 = arith.index_cast %get3A_1245 : i32 to index
      %get3A_1247 = arith.constant 16 : index
      %get3A_1248 = tpu.vector_load %arg15[%get3A_1246, %get3A_1247] {strides = array<i32>} : memref<128x32xf32, #tpu.memory_space<vmem>>, vector<16xf32>,
      %mul3A_1249 = vector.broadcast %squeeze3A_1237 : f32 to vector<16xf32>
      %mul3A_1250 = arith.mulf %mul3A_1249, %get3A_1248 : vector<16xf32>
      %add3A_1251 = arith.addf %add3A_1235, %mul3A_1250 : vector<16xf32>
      %slice3A_1252 = vector.extract_strided_slice %select_n3A_148 {offsets = [3], sizes = [1], strides = [1]} : vector<16xf32> to vector<1xf32>
      %squeeze3A_1253 = vector.extract %slice3A_1252[0] : f32 from vector<1xf32>
      %get3A_1254 = arith.constant 67 : i32
      %get3A_1255 = arith.index_cast %get3A_1254 : i32 to index
      %get3A_1256 = arith.constant 0 : index
      %get3A_1257 = tpu.vector_load %arg15[%get3A_1255, %get3A_1256] {strides = array<i32>} : memref<128x32xf32, #tpu.memory_space<vmem>>, vector<16xf32>,
      %mul3A_1258 = vector.broadcast %squeeze3A_1253 : f32 to vector<16xf32>
      %mul3A_1259 = arith.mulf %mul3A_1258, %get3A_1257 : vector<16xf32>
      %add3A_1260 = arith.addf %add3A_1244, %mul3A_1259 : vector<16xf32>
      %get3A_1261 = arith.constant 67 : i32
      %get3A_1262 = arith.index_cast %get3A_1261 : i32 to index
      %get3A_1263 = arith.constant 16 : index
      %get3A_1264 = tpu.vector_load %arg15[%get3A_1262, %get3A_1263] {strides = array<i32>} : memref<128x32xf32, #tpu.memory_space<vmem>>, vector<16xf32>,
      %mul3A_1265 = vector.broadcast %squeeze3A_1253 : f32 to vector<16xf32>
      %mul3A_1266 = arith.mulf %mul3A_1265, %get3A_1264 : vector<16xf32>
      %add3A_1267 = arith.addf %add3A_1251, %mul3A_1266 : vector<16xf32>
      %slice3A_1268 = vector.extract_strided_slice %select_n3A_148 {offsets = [4], sizes = [1], strides = [1]} : vector<16xf32> to vector<1xf32>
      %squeeze3A_1269 = vector.extract %slice3A_1268[0] : f32 from vector<1xf32>
      %get3A_1270 = arith.constant 68 : i32
      %get3A_1271 = arith.index_cast %get3A_1270 : i32 to index
      %get3A_1272 = arith.constant 0 : index
      %get3A_1273 = tpu.vector_load %arg15[%get3A_1271, %get3A_1272] {strides = array<i32>} : memref<128x32xf32, #tpu.memory_space<vmem>>, vector<16xf32>,
      %mul3A_1274 = vector.broadcast %squeeze3A_1269 : f32 to vector<16xf32>
      %mul3A_1275 = arith.mulf %mul3A_1274, %get3A_1273 : vector<16xf32>
      %add3A_1276 = arith.addf %add3A_1260, %mul3A_1275 : vector<16xf32>
      %get3A_1277 = arith.constant 68 : i32
      %get3A_1278 = arith.index_cast %get3A_1277 : i32 to index
      %get3A_1279 = arith.constant 16 : index
      %get3A_1280 = tpu.vector_load %arg15[%get3A_1278, %get3A_1279] {strides = array<i32>} : memref<128x32xf32, #tpu.memory_space<vmem>>, vector<16xf32>,
      %mul3A_1281 = vector.broadcast %squeeze3A_1269 : f32 to vector<16xf32>
      %mul3A_1282 = arith.mulf %mul3A_1281, %get3A_1280 : vector<16xf32>
      %add3A_1283 = arith.addf %add3A_1267, %mul3A_1282 : vector<16xf32>
      %slice3A_1284 = vector.extract_strided_slice %select_n3A_148 {offsets = [5], sizes = [1], strides = [1]} : vector<16xf32> to vector<1xf32>
      %squeeze3A_1285 = vector.extract %slice3A_1284[0] : f32 from vector<1xf32>
      %get3A_1286 = arith.constant 69 : i32
      %get3A_1287 = arith.index_cast %get3A_1286 : i32 to index
      %get3A_1288 = arith.constant 0 : index
      %get3A_1289 = tpu.vector_load %arg15[%get3A_1287, %get3A_1288] {strides = array<i32>} : memref<128x32xf32, #tpu.memory_space<vmem>>, vector<16xf32>,
      %mul3A_1290 = vector.broadcast %squeeze3A_1285 : f32 to vector<16xf32>
      %mul3A_1291 = arith.mulf %mul3A_1290, %get3A_1289 : vector<16xf32>
      %add3A_1292 = arith.addf %add3A_1276, %mul3A_1291 : vector<16xf32>
      %get3A_1293 = arith.constant 69 : i32
      %get3A_1294 = arith.index_cast %get3A_1293 : i32 to index
      %get3A_1295 = arith.constant 16 : index
      %get3A_1296 = tpu.vector_load %arg15[%get3A_1294, %get3A_1295] {strides = array<i32>} : memref<128x32xf32, #tpu.memory_space<vmem>>, vector<16xf32>,
      %mul3A_1297 = vector.broadcast %squeeze3A_1285 : f32 to vector<16xf32>
      %mul3A_1298 = arith.mulf %mul3A_1297, %get3A_1296 : vector<16xf32>
      %add3A_1299 = arith.addf %add3A_1283, %mul3A_1298 : vector<16xf32>
      %slice3A_1300 = vector.extract_strided_slice %select_n3A_148 {offsets = [6], sizes = [1], strides = [1]} : vector<16xf32> to vector<1xf32>
      %squeeze3A_1301 = vector.extract %slice3A_1300[0] : f32 from vector<1xf32>
      %get3A_1302 = arith.constant 70 : i32
      %get3A_1303 = arith.index_cast %get3A_1302 : i32 to index
      %get3A_1304 = arith.constant 0 : index
      %get3A_1305 = tpu.vector_load %arg15[%get3A_1303, %get3A_1304] {strides = array<i32>} : memref<128x32xf32, #tpu.memory_space<vmem>>, vector<16xf32>,
      %mul3A_1306 = vector.broadcast %squeeze3A_1301 : f32 to vector<16xf32>
      %mul3A_1307 = arith.mulf %mul3A_1306, %get3A_1305 : vector<16xf32>
      %add3A_1308 = arith.addf %add3A_1292, %mul3A_1307 : vector<16xf32>
      %get3A_1309 = arith.constant 70 : i32
      %get3A_1310 = arith.index_cast %get3A_1309 : i32 to index
      %get3A_1311 = arith.constant 16 : index
      %get3A_1312 = tpu.vector_load %arg15[%get3A_1310, %get3A_1311] {strides = array<i32>} : memref<128x32xf32, #tpu.memory_space<vmem>>, vector<16xf32>,
      %mul3A_1313 = vector.broadcast %squeeze3A_1301 : f32 to vector<16xf32>
      %mul3A_1314 = arith.mulf %mul3A_1313, %get3A_1312 : vector<16xf32>
      %add3A_1315 = arith.addf %add3A_1299, %mul3A_1314 : vector<16xf32>
      %slice3A_1316 = vector.extract_strided_slice %select_n3A_148 {offsets = [7], sizes = [1], strides = [1]} : vector<16xf32> to vector<1xf32>
      %squeeze3A_1317 = vector.extract %slice3A_1316[0] : f32 from vector<1xf32>
      %get3A_1318 = arith.constant 71 : i32
      %get3A_1319 = arith.index_cast %get3A_1318 : i32 to index
      %get3A_1320 = arith.constant 0 : index
      %get3A_1321 = tpu.vector_load %arg15[%get3A_1319, %get3A_1320] {strides = array<i32>} : memref<128x32xf32, #tpu.memory_space<vmem>>, vector<16xf32>,
      %mul3A_1322 = vector.broadcast %squeeze3A_1317 : f32 to vector<16xf32>
      %mul3A_1323 = arith.mulf %mul3A_1322, %get3A_1321 : vector<16xf32>
      %add3A_1324 = arith.addf %add3A_1308, %mul3A_1323 : vector<16xf32>
      %get3A_1325 = arith.constant 71 : i32
      %get3A_1326 = arith.index_cast %get3A_1325 : i32 to index
      %get3A_1327 = arith.constant 16 : index
      %get3A_1328 = tpu.vector_load %arg15[%get3A_1326, %get3A_1327] {strides = array<i32>} : memref<128x32xf32, #tpu.memory_space<vmem>>, vector<16xf32>,
      %mul3A_1329 = vector.broadcast %squeeze3A_1317 : f32 to vector<16xf32>
      %mul3A_1330 = arith.mulf %mul3A_1329, %get3A_1328 : vector<16xf32>
      %add3A_1331 = arith.addf %add3A_1315, %mul3A_1330 : vector<16xf32>
      %slice3A_1332 = vector.extract_strided_slice %select_n3A_148 {offsets = [8], sizes = [1], strides = [1]} : vector<16xf32> to vector<1xf32>
      %squeeze3A_1333 = vector.extract %slice3A_1332[0] : f32 from vector<1xf32>
      %get3A_1334 = arith.constant 72 : i32
      %get3A_1335 = arith.index_cast %get3A_1334 : i32 to index
      %get3A_1336 = arith.constant 0 : index
      %get3A_1337 = tpu.vector_load %arg15[%get3A_1335, %get3A_1336] {strides = array<i32>} : memref<128x32xf32, #tpu.memory_space<vmem>>, vector<16xf32>,
      %mul3A_1338 = vector.broadcast %squeeze3A_1333 : f32 to vector<16xf32>
      %mul3A_1339 = arith.mulf %mul3A_1338, %get3A_1337 : vector<16xf32>
      %add3A_1340 = arith.addf %add3A_1324, %mul3A_1339 : vector<16xf32>
      %get3A_1341 = arith.constant 72 : i32
      %get3A_1342 = arith.index_cast %get3A_1341 : i32 to index
      %get3A_1343 = arith.constant 16 : index
      %get3A_1344 = tpu.vector_load %arg15[%get3A_1342, %get3A_1343] {strides = array<i32>} : memref<128x32xf32, #tpu.memory_space<vmem>>, vector<16xf32>,
      %mul3A_1345 = vector.broadcast %squeeze3A_1333 : f32 to vector<16xf32>
      %mul3A_1346 = arith.mulf %mul3A_1345, %get3A_1344 : vector<16xf32>
      %add3A_1347 = arith.addf %add3A_1331, %mul3A_1346 : vector<16xf32>
      %slice3A_1348 = vector.extract_strided_slice %select_n3A_148 {offsets = [9], sizes = [1], strides = [1]} : vector<16xf32> to vector<1xf32>
      %squeeze3A_1349 = vector.extract %slice3A_1348[0] : f32 from vector<1xf32>
      %get3A_1350 = arith.constant 73 : i32
      %get3A_1351 = arith.index_cast %get3A_1350 : i32 to index
      %get3A_1352 = arith.constant 0 : index
      %get3A_1353 = tpu.vector_load %arg15[%get3A_1351, %get3A_1352] {strides = array<i32>} : memref<128x32xf32, #tpu.memory_space<vmem>>, vector<16xf32>,
      %mul3A_1354 = vector.broadcast %squeeze3A_1349 : f32 to vector<16xf32>
      %mul3A_1355 = arith.mulf %mul3A_1354, %get3A_1353 : vector<16xf32>
      %add3A_1356 = arith.addf %add3A_1340, %mul3A_1355 : vector<16xf32>
      %get3A_1357 = arith.constant 73 : i32
      %get3A_1358 = arith.index_cast %get3A_1357 : i32 to index
      %get3A_1359 = arith.constant 16 : index
      %get3A_1360 = tpu.vector_load %arg15[%get3A_1358, %get3A_1359] {strides = array<i32>} : memref<128x32xf32, #tpu.memory_space<vmem>>, vector<16xf32>,
      %mul3A_1361 = vector.broadcast %squeeze3A_1349 : f32 to vector<16xf32>
      %mul3A_1362 = arith.mulf %mul3A_1361, %get3A_1360 : vector<16xf32>
      %add3A_1363 = arith.addf %add3A_1347, %mul3A_1362 : vector<16xf32>
      %slice3A_1364 = vector.extract_strided_slice %select_n3A_148 {offsets = [10], sizes = [1], strides = [1]} : vector<16xf32> to vector<1xf32>
      %squeeze3A_1365 = vector.extract %slice3A_1364[0] : f32 from vector<1xf32>
      %get3A_1366 = arith.constant 74 : i32
      %get3A_1367 = arith.index_cast %get3A_1366 : i32 to index
      %get3A_1368 = arith.constant 0 : index
      %get3A_1369 = tpu.vector_load %arg15[%get3A_1367, %get3A_1368] {strides = array<i32>} : memref<128x32xf32, #tpu.memory_space<vmem>>, vector<16xf32>,
      %mul3A_1370 = vector.broadcast %squeeze3A_1365 : f32 to vector<16xf32>
      %mul3A_1371 = arith.mulf %mul3A_1370, %get3A_1369 : vector<16xf32>
      %add3A_1372 = arith.addf %add3A_1356, %mul3A_1371 : vector<16xf32>
      %get3A_1373 = arith.constant 74 : i32
      %get3A_1374 = arith.index_cast %get3A_1373 : i32 to index
      %get3A_1375 = arith.constant 16 : index
      %get3A_1376 = tpu.vector_load %arg15[%get3A_1374, %get3A_1375] {strides = array<i32>} : memref<128x32xf32, #tpu.memory_space<vmem>>, vector<16xf32>,
      %mul3A_1377 = vector.broadcast %squeeze3A_1365 : f32 to vector<16xf32>
      %mul3A_1378 = arith.mulf %mul3A_1377, %get3A_1376 : vector<16xf32>
      %add3A_1379 = arith.addf %add3A_1363, %mul3A_1378 : vector<16xf32>
      %slice3A_1380 = vector.extract_strided_slice %select_n3A_148 {offsets = [11], sizes = [1], strides = [1]} : vector<16xf32> to vector<1xf32>
      %squeeze3A_1381 = vector.extract %slice3A_1380[0] : f32 from vector<1xf32>
      %get3A_1382 = arith.constant 75 : i32
      %get3A_1383 = arith.index_cast %get3A_1382 : i32 to index
      %get3A_1384 = arith.constant 0 : index
      %get3A_1385 = tpu.vector_load %arg15[%get3A_1383, %get3A_1384] {strides = array<i32>} : memref<128x32xf32, #tpu.memory_space<vmem>>, vector<16xf32>,
      %mul3A_1386 = vector.broadcast %squeeze3A_1381 : f32 to vector<16xf32>
      %mul3A_1387 = arith.mulf %mul3A_1386, %get3A_1385 : vector<16xf32>
      %add3A_1388 = arith.addf %add3A_1372, %mul3A_1387 : vector<16xf32>
      %get3A_1389 = arith.constant 75 : i32
      %get3A_1390 = arith.index_cast %get3A_1389 : i32 to index
      %get3A_1391 = arith.constant 16 : index
      %get3A_1392 = tpu.vector_load %arg15[%get3A_1390, %get3A_1391] {strides = array<i32>} : memref<128x32xf32, #tpu.memory_space<vmem>>, vector<16xf32>,
      %mul3A_1393 = vector.broadcast %squeeze3A_1381 : f32 to vector<16xf32>
      %mul3A_1394 = arith.mulf %mul3A_1393, %get3A_1392 : vector<16xf32>
      %add3A_1395 = arith.addf %add3A_1379, %mul3A_1394 : vector<16xf32>
      %slice3A_1396 = vector.extract_strided_slice %select_n3A_148 {offsets = [12], sizes = [1], strides = [1]} : vector<16xf32> to vector<1xf32>
      %squeeze3A_1397 = vector.extract %slice3A_1396[0] : f32 from vector<1xf32>
      %get3A_1398 = arith.constant 76 : i32
      %get3A_1399 = arith.index_cast %get3A_1398 : i32 to index
      %get3A_1400 = arith.constant 0 : index
      %get3A_1401 = tpu.vector_load %arg15[%get3A_1399, %get3A_1400] {strides = array<i32>} : memref<128x32xf32, #tpu.memory_space<vmem>>, vector<16xf32>,
      %mul3A_1402 = vector.broadcast %squeeze3A_1397 : f32 to vector<16xf32>
      %mul3A_1403 = arith.mulf %mul3A_1402, %get3A_1401 : vector<16xf32>
      %add3A_1404 = arith.addf %add3A_1388, %mul3A_1403 : vector<16xf32>
      %get3A_1405 = arith.constant 76 : i32
      %get3A_1406 = arith.index_cast %get3A_1405 : i32 to index
      %get3A_1407 = arith.constant 16 : index
      %get3A_1408 = tpu.vector_load %arg15[%get3A_1406, %get3A_1407] {strides = array<i32>} : memref<128x32xf32, #tpu.memory_space<vmem>>, vector<16xf32>,
      %mul3A_1409 = vector.broadcast %squeeze3A_1397 : f32 to vector<16xf32>
      %mul3A_1410 = arith.mulf %mul3A_1409, %get3A_1408 : vector<16xf32>
      %add3A_1411 = arith.addf %add3A_1395, %mul3A_1410 : vector<16xf32>
      %slice3A_1412 = vector.extract_strided_slice %select_n3A_148 {offsets = [13], sizes = [1], strides = [1]} : vector<16xf32> to vector<1xf32>
      %squeeze3A_1413 = vector.extract %slice3A_1412[0] : f32 from vector<1xf32>
      %get3A_1414 = arith.constant 77 : i32
      %get3A_1415 = arith.index_cast %get3A_1414 : i32 to index
      %get3A_1416 = arith.constant 0 : index
      %get3A_1417 = tpu.vector_load %arg15[%get3A_1415, %get3A_1416] {strides = array<i32>} : memref<128x32xf32, #tpu.memory_space<vmem>>, vector<16xf32>,
      %mul3A_1418 = vector.broadcast %squeeze3A_1413 : f32 to vector<16xf32>
      %mul3A_1419 = arith.mulf %mul3A_1418, %get3A_1417 : vector<16xf32>
      %add3A_1420 = arith.addf %add3A_1404, %mul3A_1419 : vector<16xf32>
      %get3A_1421 = arith.constant 77 : i32
      %get3A_1422 = arith.index_cast %get3A_1421 : i32 to index
      %get3A_1423 = arith.constant 16 : index
      %get3A_1424 = tpu.vector_load %arg15[%get3A_1422, %get3A_1423] {strides = array<i32>} : memref<128x32xf32, #tpu.memory_space<vmem>>, vector<16xf32>,
      %mul3A_1425 = vector.broadcast %squeeze3A_1413 : f32 to vector<16xf32>
      %mul3A_1426 = arith.mulf %mul3A_1425, %get3A_1424 : vector<16xf32>
      %add3A_1427 = arith.addf %add3A_1411, %mul3A_1426 : vector<16xf32>
      %slice3A_1428 = vector.extract_strided_slice %select_n3A_148 {offsets = [14], sizes = [1], strides = [1]} : vector<16xf32> to vector<1xf32>
      %squeeze3A_1429 = vector.extract %slice3A_1428[0] : f32 from vector<1xf32>
      %get3A_1430 = arith.constant 78 : i32
      %get3A_1431 = arith.index_cast %get3A_1430 : i32 to index
      %get3A_1432 = arith.constant 0 : index
      %get3A_1433 = tpu.vector_load %arg15[%get3A_1431, %get3A_1432] {strides = array<i32>} : memref<128x32xf32, #tpu.memory_space<vmem>>, vector<16xf32>,
      %mul3A_1434 = vector.broadcast %squeeze3A_1429 : f32 to vector<16xf32>
      %mul3A_1435 = arith.mulf %mul3A_1434, %get3A_1433 : vector<16xf32>
      %add3A_1436 = arith.addf %add3A_1420, %mul3A_1435 : vector<16xf32>
      %get3A_1437 = arith.constant 78 : i32
      %get3A_1438 = arith.index_cast %get3A_1437 : i32 to index
      %get3A_1439 = arith.constant 16 : index
      %get3A_1440 = tpu.vector_load %arg15[%get3A_1438, %get3A_1439] {strides = array<i32>} : memref<128x32xf32, #tpu.memory_space<vmem>>, vector<16xf32>,
      %mul3A_1441 = vector.broadcast %squeeze3A_1429 : f32 to vector<16xf32>
      %mul3A_1442 = arith.mulf %mul3A_1441, %get3A_1440 : vector<16xf32>
      %add3A_1443 = arith.addf %add3A_1427, %mul3A_1442 : vector<16xf32>
      %slice3A_1444 = vector.extract_strided_slice %select_n3A_148 {offsets = [15], sizes = [1], strides = [1]} : vector<16xf32> to vector<1xf32>
      %squeeze3A_1445 = vector.extract %slice3A_1444[0] : f32 from vector<1xf32>
      %get3A_1446 = arith.constant 79 : i32
      %get3A_1447 = arith.index_cast %get3A_1446 : i32 to index
      %get3A_1448 = arith.constant 0 : index
      %get3A_1449 = tpu.vector_load %arg15[%get3A_1447, %get3A_1448] {strides = array<i32>} : memref<128x32xf32, #tpu.memory_space<vmem>>, vector<16xf32>,
      %mul3A_1450 = vector.broadcast %squeeze3A_1445 : f32 to vector<16xf32>
      %mul3A_1451 = arith.mulf %mul3A_1450, %get3A_1449 : vector<16xf32>
      %add3A_1452 = arith.addf %add3A_1436, %mul3A_1451 : vector<16xf32>
      %get3A_1453 = arith.constant 79 : i32
      %get3A_1454 = arith.index_cast %get3A_1453 : i32 to index
      %get3A_1455 = arith.constant 16 : index
      %get3A_1456 = tpu.vector_load %arg15[%get3A_1454, %get3A_1455] {strides = array<i32>} : memref<128x32xf32, #tpu.memory_space<vmem>>, vector<16xf32>,
      %mul3A_1457 = vector.broadcast %squeeze3A_1445 : f32 to vector<16xf32>
      %mul3A_1458 = arith.mulf %mul3A_1457, %get3A_1456 : vector<16xf32>
      %add3A_1459 = arith.addf %add3A_1443, %mul3A_1458 : vector<16xf32>
      %slice3A_1460 = vector.extract_strided_slice %select_n3A_157 {offsets = [0], sizes = [1], strides = [1]} : vector<16xf32> to vector<1xf32>
      %squeeze3A_1461 = vector.extract %slice3A_1460[0] : f32 from vector<1xf32>
      %get3A_1462 = arith.constant 80 : i32
      %get3A_1463 = arith.index_cast %get3A_1462 : i32 to index
      %get3A_1464 = arith.constant 0 : index
      %get3A_1465 = tpu.vector_load %arg15[%get3A_1463, %get3A_1464] {strides = array<i32>} : memref<128x32xf32, #tpu.memory_space<vmem>>, vector<16xf32>,
      %mul3A_1466 = vector.broadcast %squeeze3A_1461 : f32 to vector<16xf32>
      %mul3A_1467 = arith.mulf %mul3A_1466, %get3A_1465 : vector<16xf32>
      %add3A_1468 = arith.addf %add3A_1452, %mul3A_1467 : vector<16xf32>
      %get3A_1469 = arith.constant 80 : i32
      %get3A_1470 = arith.index_cast %get3A_1469 : i32 to index
      %get3A_1471 = arith.constant 16 : index
      %get3A_1472 = tpu.vector_load %arg15[%get3A_1470, %get3A_1471] {strides = array<i32>} : memref<128x32xf32, #tpu.memory_space<vmem>>, vector<16xf32>,
      %mul3A_1473 = vector.broadcast %squeeze3A_1461 : f32 to vector<16xf32>
      %mul3A_1474 = arith.mulf %mul3A_1473, %get3A_1472 : vector<16xf32>
      %add3A_1475 = arith.addf %add3A_1459, %mul3A_1474 : vector<16xf32>
      %slice3A_1476 = vector.extract_strided_slice %select_n3A_157 {offsets = [1], sizes = [1], strides = [1]} : vector<16xf32> to vector<1xf32>
      %squeeze3A_1477 = vector.extract %slice3A_1476[0] : f32 from vector<1xf32>
      %get3A_1478 = arith.constant 81 : i32
      %get3A_1479 = arith.index_cast %get3A_1478 : i32 to index
      %get3A_1480 = arith.constant 0 : index
      %get3A_1481 = tpu.vector_load %arg15[%get3A_1479, %get3A_1480] {strides = array<i32>} : memref<128x32xf32, #tpu.memory_space<vmem>>, vector<16xf32>,
      %mul3A_1482 = vector.broadcast %squeeze3A_1477 : f32 to vector<16xf32>
      %mul3A_1483 = arith.mulf %mul3A_1482, %get3A_1481 : vector<16xf32>
      %add3A_1484 = arith.addf %add3A_1468, %mul3A_1483 : vector<16xf32>
      %get3A_1485 = arith.constant 81 : i32
      %get3A_1486 = arith.index_cast %get3A_1485 : i32 to index
      %get3A_1487 = arith.constant 16 : index
      %get3A_1488 = tpu.vector_load %arg15[%get3A_1486, %get3A_1487] {strides = array<i32>} : memref<128x32xf32, #tpu.memory_space<vmem>>, vector<16xf32>,
      %mul3A_1489 = vector.broadcast %squeeze3A_1477 : f32 to vector<16xf32>
      %mul3A_1490 = arith.mulf %mul3A_1489, %get3A_1488 : vector<16xf32>
      %add3A_1491 = arith.addf %add3A_1475, %mul3A_1490 : vector<16xf32>
      %slice3A_1492 = vector.extract_strided_slice %select_n3A_157 {offsets = [2], sizes = [1], strides = [1]} : vector<16xf32> to vector<1xf32>
      %squeeze3A_1493 = vector.extract %slice3A_1492[0] : f32 from vector<1xf32>
      %get3A_1494 = arith.constant 82 : i32
      %get3A_1495 = arith.index_cast %get3A_1494 : i32 to index
      %get3A_1496 = arith.constant 0 : index
      %get3A_1497 = tpu.vector_load %arg15[%get3A_1495, %get3A_1496] {strides = array<i32>} : memref<128x32xf32, #tpu.memory_space<vmem>>, vector<16xf32>,
      %mul3A_1498 = vector.broadcast %squeeze3A_1493 : f32 to vector<16xf32>
      %mul3A_1499 = arith.mulf %mul3A_1498, %get3A_1497 : vector<16xf32>
      %add3A_1500 = arith.addf %add3A_1484, %mul3A_1499 : vector<16xf32>
      %get3A_1501 = arith.constant 82 : i32
      %get3A_1502 = arith.index_cast %get3A_1501 : i32 to index
      %get3A_1503 = arith.constant 16 : index
      %get3A_1504 = tpu.vector_load %arg15[%get3A_1502, %get3A_1503] {strides = array<i32>} : memref<128x32xf32, #tpu.memory_space<vmem>>, vector<16xf32>,
      %mul3A_1505 = vector.broadcast %squeeze3A_1493 : f32 to vector<16xf32>
      %mul3A_1506 = arith.mulf %mul3A_1505, %get3A_1504 : vector<16xf32>
      %add3A_1507 = arith.addf %add3A_1491, %mul3A_1506 : vector<16xf32>
      %slice3A_1508 = vector.extract_strided_slice %select_n3A_157 {offsets = [3], sizes = [1], strides = [1]} : vector<16xf32> to vector<1xf32>
      %squeeze3A_1509 = vector.extract %slice3A_1508[0] : f32 from vector<1xf32>
      %get3A_1510 = arith.constant 83 : i32
      %get3A_1511 = arith.index_cast %get3A_1510 : i32 to index
      %get3A_1512 = arith.constant 0 : index
      %get3A_1513 = tpu.vector_load %arg15[%get3A_1511, %get3A_1512] {strides = array<i32>} : memref<128x32xf32, #tpu.memory_space<vmem>>, vector<16xf32>,
      %mul3A_1514 = vector.broadcast %squeeze3A_1509 : f32 to vector<16xf32>
      %mul3A_1515 = arith.mulf %mul3A_1514, %get3A_1513 : vector<16xf32>
      %add3A_1516 = arith.addf %add3A_1500, %mul3A_1515 : vector<16xf32>
      %get3A_1517 = arith.constant 83 : i32
      %get3A_1518 = arith.index_cast %get3A_1517 : i32 to index
      %get3A_1519 = arith.constant 16 : index
      %get3A_1520 = tpu.vector_load %arg15[%get3A_1518, %get3A_1519] {strides = array<i32>} : memref<128x32xf32, #tpu.memory_space<vmem>>, vector<16xf32>,
      %mul3A_1521 = vector.broadcast %squeeze3A_1509 : f32 to vector<16xf32>
      %mul3A_1522 = arith.mulf %mul3A_1521, %get3A_1520 : vector<16xf32>
      %add3A_1523 = arith.addf %add3A_1507, %mul3A_1522 : vector<16xf32>
      %slice3A_1524 = vector.extract_strided_slice %select_n3A_157 {offsets = [4], sizes = [1], strides = [1]} : vector<16xf32> to vector<1xf32>
      %squeeze3A_1525 = vector.extract %slice3A_1524[0] : f32 from vector<1xf32>
      %get3A_1526 = arith.constant 84 : i32
      %get3A_1527 = arith.index_cast %get3A_1526 : i32 to index
      %get3A_1528 = arith.constant 0 : index
      %get3A_1529 = tpu.vector_load %arg15[%get3A_1527, %get3A_1528] {strides = array<i32>} : memref<128x32xf32, #tpu.memory_space<vmem>>, vector<16xf32>,
      %mul3A_1530 = vector.broadcast %squeeze3A_1525 : f32 to vector<16xf32>
      %mul3A_1531 = arith.mulf %mul3A_1530, %get3A_1529 : vector<16xf32>
      %add3A_1532 = arith.addf %add3A_1516, %mul3A_1531 : vector<16xf32>
      %get3A_1533 = arith.constant 84 : i32
      %get3A_1534 = arith.index_cast %get3A_1533 : i32 to index
      %get3A_1535 = arith.constant 16 : index
      %get3A_1536 = tpu.vector_load %arg15[%get3A_1534, %get3A_1535] {strides = array<i32>} : memref<128x32xf32, #tpu.memory_space<vmem>>, vector<16xf32>,
      %mul3A_1537 = vector.broadcast %squeeze3A_1525 : f32 to vector<16xf32>
      %mul3A_1538 = arith.mulf %mul3A_1537, %get3A_1536 : vector<16xf32>
      %add3A_1539 = arith.addf %add3A_1523, %mul3A_1538 : vector<16xf32>
      %slice3A_1540 = vector.extract_strided_slice %select_n3A_157 {offsets = [5], sizes = [1], strides = [1]} : vector<16xf32> to vector<1xf32>
      %squeeze3A_1541 = vector.extract %slice3A_1540[0] : f32 from vector<1xf32>
      %get3A_1542 = arith.constant 85 : i32
      %get3A_1543 = arith.index_cast %get3A_1542 : i32 to index
      %get3A_1544 = arith.constant 0 : index
      %get3A_1545 = tpu.vector_load %arg15[%get3A_1543, %get3A_1544] {strides = array<i32>} : memref<128x32xf32, #tpu.memory_space<vmem>>, vector<16xf32>,
      %mul3A_1546 = vector.broadcast %squeeze3A_1541 : f32 to vector<16xf32>
      %mul3A_1547 = arith.mulf %mul3A_1546, %get3A_1545 : vector<16xf32>
      %add3A_1548 = arith.addf %add3A_1532, %mul3A_1547 : vector<16xf32>
      %get3A_1549 = arith.constant 85 : i32
      %get3A_1550 = arith.index_cast %get3A_1549 : i32 to index
      %get3A_1551 = arith.constant 16 : index
      %get3A_1552 = tpu.vector_load %arg15[%get3A_1550, %get3A_1551] {strides = array<i32>} : memref<128x32xf32, #tpu.memory_space<vmem>>, vector<16xf32>,
      %mul3A_1553 = vector.broadcast %squeeze3A_1541 : f32 to vector<16xf32>
      %mul3A_1554 = arith.mulf %mul3A_1553, %get3A_1552 : vector<16xf32>
      %add3A_1555 = arith.addf %add3A_1539, %mul3A_1554 : vector<16xf32>
      %slice3A_1556 = vector.extract_strided_slice %select_n3A_157 {offsets = [6], sizes = [1], strides = [1]} : vector<16xf32> to vector<1xf32>
      %squeeze3A_1557 = vector.extract %slice3A_1556[0] : f32 from vector<1xf32>
      %get3A_1558 = arith.constant 86 : i32
      %get3A_1559 = arith.index_cast %get3A_1558 : i32 to index
      %get3A_1560 = arith.constant 0 : index
      %get3A_1561 = tpu.vector_load %arg15[%get3A_1559, %get3A_1560] {strides = array<i32>} : memref<128x32xf32, #tpu.memory_space<vmem>>, vector<16xf32>,
      %mul3A_1562 = vector.broadcast %squeeze3A_1557 : f32 to vector<16xf32>
      %mul3A_1563 = arith.mulf %mul3A_1562, %get3A_1561 : vector<16xf32>
      %add3A_1564 = arith.addf %add3A_1548, %mul3A_1563 : vector<16xf32>
      %get3A_1565 = arith.constant 86 : i32
      %get3A_1566 = arith.index_cast %get3A_1565 : i32 to index
      %get3A_1567 = arith.constant 16 : index
      %get3A_1568 = tpu.vector_load %arg15[%get3A_1566, %get3A_1567] {strides = array<i32>} : memref<128x32xf32, #tpu.memory_space<vmem>>, vector<16xf32>,
      %mul3A_1569 = vector.broadcast %squeeze3A_1557 : f32 to vector<16xf32>
      %mul3A_1570 = arith.mulf %mul3A_1569, %get3A_1568 : vector<16xf32>
      %add3A_1571 = arith.addf %add3A_1555, %mul3A_1570 : vector<16xf32>
      %slice3A_1572 = vector.extract_strided_slice %select_n3A_157 {offsets = [7], sizes = [1], strides = [1]} : vector<16xf32> to vector<1xf32>
      %squeeze3A_1573 = vector.extract %slice3A_1572[0] : f32 from vector<1xf32>
      %get3A_1574 = arith.constant 87 : i32
      %get3A_1575 = arith.index_cast %get3A_1574 : i32 to index
      %get3A_1576 = arith.constant 0 : index
      %get3A_1577 = tpu.vector_load %arg15[%get3A_1575, %get3A_1576] {strides = array<i32>} : memref<128x32xf32, #tpu.memory_space<vmem>>, vector<16xf32>,
      %mul3A_1578 = vector.broadcast %squeeze3A_1573 : f32 to vector<16xf32>
      %mul3A_1579 = arith.mulf %mul3A_1578, %get3A_1577 : vector<16xf32>
      %add3A_1580 = arith.addf %add3A_1564, %mul3A_1579 : vector<16xf32>
      %get3A_1581 = arith.constant 87 : i32
      %get3A_1582 = arith.index_cast %get3A_1581 : i32 to index
      %get3A_1583 = arith.constant 16 : index
      %get3A_1584 = tpu.vector_load %arg15[%get3A_1582, %get3A_1583] {strides = array<i32>} : memref<128x32xf32, #tpu.memory_space<vmem>>, vector<16xf32>,
      %mul3A_1585 = vector.broadcast %squeeze3A_1573 : f32 to vector<16xf32>
      %mul3A_1586 = arith.mulf %mul3A_1585, %get3A_1584 : vector<16xf32>
      %add3A_1587 = arith.addf %add3A_1571, %mul3A_1586 : vector<16xf32>
      %slice3A_1588 = vector.extract_strided_slice %select_n3A_157 {offsets = [8], sizes = [1], strides = [1]} : vector<16xf32> to vector<1xf32>
      %squeeze3A_1589 = vector.extract %slice3A_1588[0] : f32 from vector<1xf32>
      %get3A_1590 = arith.constant 88 : i32
      %get3A_1591 = arith.index_cast %get3A_1590 : i32 to index
      %get3A_1592 = arith.constant 0 : index
      %get3A_1593 = tpu.vector_load %arg15[%get3A_1591, %get3A_1592] {strides = array<i32>} : memref<128x32xf32, #tpu.memory_space<vmem>>, vector<16xf32>,
      %mul3A_1594 = vector.broadcast %squeeze3A_1589 : f32 to vector<16xf32>
      %mul3A_1595 = arith.mulf %mul3A_1594, %get3A_1593 : vector<16xf32>
      %add3A_1596 = arith.addf %add3A_1580, %mul3A_1595 : vector<16xf32>
      %get3A_1597 = arith.constant 88 : i32
      %get3A_1598 = arith.index_cast %get3A_1597 : i32 to index
      %get3A_1599 = arith.constant 16 : index
      %get3A_1600 = tpu.vector_load %arg15[%get3A_1598, %get3A_1599] {strides = array<i32>} : memref<128x32xf32, #tpu.memory_space<vmem>>, vector<16xf32>,
      %mul3A_1601 = vector.broadcast %squeeze3A_1589 : f32 to vector<16xf32>
      %mul3A_1602 = arith.mulf %mul3A_1601, %get3A_1600 : vector<16xf32>
      %add3A_1603 = arith.addf %add3A_1587, %mul3A_1602 : vector<16xf32>
      %slice3A_1604 = vector.extract_strided_slice %select_n3A_157 {offsets = [9], sizes = [1], strides = [1]} : vector<16xf32> to vector<1xf32>
      %squeeze3A_1605 = vector.extract %slice3A_1604[0] : f32 from vector<1xf32>
      %get3A_1606 = arith.constant 89 : i32
      %get3A_1607 = arith.index_cast %get3A_1606 : i32 to index
      %get3A_1608 = arith.constant 0 : index
      %get3A_1609 = tpu.vector_load %arg15[%get3A_1607, %get3A_1608] {strides = array<i32>} : memref<128x32xf32, #tpu.memory_space<vmem>>, vector<16xf32>,
      %mul3A_1610 = vector.broadcast %squeeze3A_1605 : f32 to vector<16xf32>
      %mul3A_1611 = arith.mulf %mul3A_1610, %get3A_1609 : vector<16xf32>
      %add3A_1612 = arith.addf %add3A_1596, %mul3A_1611 : vector<16xf32>
      %get3A_1613 = arith.constant 89 : i32
      %get3A_1614 = arith.index_cast %get3A_1613 : i32 to index
      %get3A_1615 = arith.constant 16 : index
      %get3A_1616 = tpu.vector_load %arg15[%get3A_1614, %get3A_1615] {strides = array<i32>} : memref<128x32xf32, #tpu.memory_space<vmem>>, vector<16xf32>,
      %mul3A_1617 = vector.broadcast %squeeze3A_1605 : f32 to vector<16xf32>
      %mul3A_1618 = arith.mulf %mul3A_1617, %get3A_1616 : vector<16xf32>
      %add3A_1619 = arith.addf %add3A_1603, %mul3A_1618 : vector<16xf32>
      %slice3A_1620 = vector.extract_strided_slice %select_n3A_157 {offsets = [10], sizes = [1], strides = [1]} : vector<16xf32> to vector<1xf32>
      %squeeze3A_1621 = vector.extract %slice3A_1620[0] : f32 from vector<1xf32>
      %get3A_1622 = arith.constant 90 : i32
      %get3A_1623 = arith.index_cast %get3A_1622 : i32 to index
      %get3A_1624 = arith.constant 0 : index
      %get3A_1625 = tpu.vector_load %arg15[%get3A_1623, %get3A_1624] {strides = array<i32>} : memref<128x32xf32, #tpu.memory_space<vmem>>, vector<16xf32>,
      %mul3A_1626 = vector.broadcast %squeeze3A_1621 : f32 to vector<16xf32>
      %mul3A_1627 = arith.mulf %mul3A_1626, %get3A_1625 : vector<16xf32>
      %add3A_1628 = arith.addf %add3A_1612, %mul3A_1627 : vector<16xf32>
      %get3A_1629 = arith.constant 90 : i32
      %get3A_1630 = arith.index_cast %get3A_1629 : i32 to index
      %get3A_1631 = arith.constant 16 : index
      %get3A_1632 = tpu.vector_load %arg15[%get3A_1630, %get3A_1631] {strides = array<i32>} : memref<128x32xf32, #tpu.memory_space<vmem>>, vector<16xf32>,
      %mul3A_1633 = vector.broadcast %squeeze3A_1621 : f32 to vector<16xf32>
      %mul3A_1634 = arith.mulf %mul3A_1633, %get3A_1632 : vector<16xf32>
      %add3A_1635 = arith.addf %add3A_1619, %mul3A_1634 : vector<16xf32>
      %slice3A_1636 = vector.extract_strided_slice %select_n3A_157 {offsets = [11], sizes = [1], strides = [1]} : vector<16xf32> to vector<1xf32>
      %squeeze3A_1637 = vector.extract %slice3A_1636[0] : f32 from vector<1xf32>
      %get3A_1638 = arith.constant 91 : i32
      %get3A_1639 = arith.index_cast %get3A_1638 : i32 to index
      %get3A_1640 = arith.constant 0 : index
      %get3A_1641 = tpu.vector_load %arg15[%get3A_1639, %get3A_1640] {strides = array<i32>} : memref<128x32xf32, #tpu.memory_space<vmem>>, vector<16xf32>,
      %mul3A_1642 = vector.broadcast %squeeze3A_1637 : f32 to vector<16xf32>
      %mul3A_1643 = arith.mulf %mul3A_1642, %get3A_1641 : vector<16xf32>
      %add3A_1644 = arith.addf %add3A_1628, %mul3A_1643 : vector<16xf32>
      %get3A_1645 = arith.constant 91 : i32
      %get3A_1646 = arith.index_cast %get3A_1645 : i32 to index
      %get3A_1647 = arith.constant 16 : index
      %get3A_1648 = tpu.vector_load %arg15[%get3A_1646, %get3A_1647] {strides = array<i32>} : memref<128x32xf32, #tpu.memory_space<vmem>>, vector<16xf32>,
      %mul3A_1649 = vector.broadcast %squeeze3A_1637 : f32 to vector<16xf32>
      %mul3A_1650 = arith.mulf %mul3A_1649, %get3A_1648 : vector<16xf32>
      %add3A_1651 = arith.addf %add3A_1635, %mul3A_1650 : vector<16xf32>
      %slice3A_1652 = vector.extract_strided_slice %select_n3A_157 {offsets = [12], sizes = [1], strides = [1]} : vector<16xf32> to vector<1xf32>
      %squeeze3A_1653 = vector.extract %slice3A_1652[0] : f32 from vector<1xf32>
      %get3A_1654 = arith.constant 92 : i32
      %get3A_1655 = arith.index_cast %get3A_1654 : i32 to index
      %get3A_1656 = arith.constant 0 : index
      %get3A_1657 = tpu.vector_load %arg15[%get3A_1655, %get3A_1656] {strides = array<i32>} : memref<128x32xf32, #tpu.memory_space<vmem>>, vector<16xf32>,
      %mul3A_1658 = vector.broadcast %squeeze3A_1653 : f32 to vector<16xf32>
      %mul3A_1659 = arith.mulf %mul3A_1658, %get3A_1657 : vector<16xf32>
      %add3A_1660 = arith.addf %add3A_1644, %mul3A_1659 : vector<16xf32>
      %get3A_1661 = arith.constant 92 : i32
      %get3A_1662 = arith.index_cast %get3A_1661 : i32 to index
      %get3A_1663 = arith.constant 16 : index
      %get3A_1664 = tpu.vector_load %arg15[%get3A_1662, %get3A_1663] {strides = array<i32>} : memref<128x32xf32, #tpu.memory_space<vmem>>, vector<16xf32>,
      %mul3A_1665 = vector.broadcast %squeeze3A_1653 : f32 to vector<16xf32>
      %mul3A_1666 = arith.mulf %mul3A_1665, %get3A_1664 : vector<16xf32>
      %add3A_1667 = arith.addf %add3A_1651, %mul3A_1666 : vector<16xf32>
      %slice3A_1668 = vector.extract_strided_slice %select_n3A_157 {offsets = [13], sizes = [1], strides = [1]} : vector<16xf32> to vector<1xf32>
      %squeeze3A_1669 = vector.extract %slice3A_1668[0] : f32 from vector<1xf32>
      %get3A_1670 = arith.constant 93 : i32
      %get3A_1671 = arith.index_cast %get3A_1670 : i32 to index
      %get3A_1672 = arith.constant 0 : index
      %get3A_1673 = tpu.vector_load %arg15[%get3A_1671, %get3A_1672] {strides = array<i32>} : memref<128x32xf32, #tpu.memory_space<vmem>>, vector<16xf32>,
      %mul3A_1674 = vector.broadcast %squeeze3A_1669 : f32 to vector<16xf32>
      %mul3A_1675 = arith.mulf %mul3A_1674, %get3A_1673 : vector<16xf32>
      %add3A_1676 = arith.addf %add3A_1660, %mul3A_1675 : vector<16xf32>
      %get3A_1677 = arith.constant 93 : i32
      %get3A_1678 = arith.index_cast %get3A_1677 : i32 to index
      %get3A_1679 = arith.constant 16 : index
      %get3A_1680 = tpu.vector_load %arg15[%get3A_1678, %get3A_1679] {strides = array<i32>} : memref<128x32xf32, #tpu.memory_space<vmem>>, vector<16xf32>,
      %mul3A_1681 = vector.broadcast %squeeze3A_1669 : f32 to vector<16xf32>
      %mul3A_1682 = arith.mulf %mul3A_1681, %get3A_1680 : vector<16xf32>
      %add3A_1683 = arith.addf %add3A_1667, %mul3A_1682 : vector<16xf32>
      %slice3A_1684 = vector.extract_strided_slice %select_n3A_157 {offsets = [14], sizes = [1], strides = [1]} : vector<16xf32> to vector<1xf32>
      %squeeze3A_1685 = vector.extract %slice3A_1684[0] : f32 from vector<1xf32>
      %get3A_1686 = arith.constant 94 : i32
      %get3A_1687 = arith.index_cast %get3A_1686 : i32 to index
      %get3A_1688 = arith.constant 0 : index
      %get3A_1689 = tpu.vector_load %arg15[%get3A_1687, %get3A_1688] {strides = array<i32>} : memref<128x32xf32, #tpu.memory_space<vmem>>, vector<16xf32>,
      %mul3A_1690 = vector.broadcast %squeeze3A_1685 : f32 to vector<16xf32>
      %mul3A_1691 = arith.mulf %mul3A_1690, %get3A_1689 : vector<16xf32>
      %add3A_1692 = arith.addf %add3A_1676, %mul3A_1691 : vector<16xf32>
      %get3A_1693 = arith.constant 94 : i32
      %get3A_1694 = arith.index_cast %get3A_1693 : i32 to index
      %get3A_1695 = arith.constant 16 : index
      %get3A_1696 = tpu.vector_load %arg15[%get3A_1694, %get3A_1695] {strides = array<i32>} : memref<128x32xf32, #tpu.memory_space<vmem>>, vector<16xf32>,
      %mul3A_1697 = vector.broadcast %squeeze3A_1685 : f32 to vector<16xf32>
      %mul3A_1698 = arith.mulf %mul3A_1697, %get3A_1696 : vector<16xf32>
      %add3A_1699 = arith.addf %add3A_1683, %mul3A_1698 : vector<16xf32>
      %slice3A_1700 = vector.extract_strided_slice %select_n3A_157 {offsets = [15], sizes = [1], strides = [1]} : vector<16xf32> to vector<1xf32>
      %squeeze3A_1701 = vector.extract %slice3A_1700[0] : f32 from vector<1xf32>
      %get3A_1702 = arith.constant 95 : i32
      %get3A_1703 = arith.index_cast %get3A_1702 : i32 to index
      %get3A_1704 = arith.constant 0 : index
      %get3A_1705 = tpu.vector_load %arg15[%get3A_1703, %get3A_1704] {strides = array<i32>} : memref<128x32xf32, #tpu.memory_space<vmem>>, vector<16xf32>,
      %mul3A_1706 = vector.broadcast %squeeze3A_1701 : f32 to vector<16xf32>
      %mul3A_1707 = arith.mulf %mul3A_1706, %get3A_1705 : vector<16xf32>
      %add3A_1708 = arith.addf %add3A_1692, %mul3A_1707 : vector<16xf32>
      %get3A_1709 = arith.constant 95 : i32
      %get3A_1710 = arith.index_cast %get3A_1709 : i32 to index
      %get3A_1711 = arith.constant 16 : index
      %get3A_1712 = tpu.vector_load %arg15[%get3A_1710, %get3A_1711] {strides = array<i32>} : memref<128x32xf32, #tpu.memory_space<vmem>>, vector<16xf32>,
      %mul3A_1713 = vector.broadcast %squeeze3A_1701 : f32 to vector<16xf32>
      %mul3A_1714 = arith.mulf %mul3A_1713, %get3A_1712 : vector<16xf32>
      %add3A_1715 = arith.addf %add3A_1699, %mul3A_1714 : vector<16xf32>
      %slice3A_1716 = vector.extract_strided_slice %select_n3A_166 {offsets = [0], sizes = [1], strides = [1]} : vector<16xf32> to vector<1xf32>
      %squeeze3A_1717 = vector.extract %slice3A_1716[0] : f32 from vector<1xf32>
      %get3A_1718 = arith.constant 96 : i32
      %get3A_1719 = arith.index_cast %get3A_1718 : i32 to index
      %get3A_1720 = arith.constant 0 : index
      %get3A_1721 = tpu.vector_load %arg15[%get3A_1719, %get3A_1720] {strides = array<i32>} : memref<128x32xf32, #tpu.memory_space<vmem>>, vector<16xf32>,
      %mul3A_1722 = vector.broadcast %squeeze3A_1717 : f32 to vector<16xf32>
      %mul3A_1723 = arith.mulf %mul3A_1722, %get3A_1721 : vector<16xf32>
      %add3A_1724 = arith.addf %add3A_1708, %mul3A_1723 : vector<16xf32>
      %get3A_1725 = arith.constant 96 : i32
      %get3A_1726 = arith.index_cast %get3A_1725 : i32 to index
      %get3A_1727 = arith.constant 16 : index
      %get3A_1728 = tpu.vector_load %arg15[%get3A_1726, %get3A_1727] {strides = array<i32>} : memref<128x32xf32, #tpu.memory_space<vmem>>, vector<16xf32>,
      %mul3A_1729 = vector.broadcast %squeeze3A_1717 : f32 to vector<16xf32>
      %mul3A_1730 = arith.mulf %mul3A_1729, %get3A_1728 : vector<16xf32>
      %add3A_1731 = arith.addf %add3A_1715, %mul3A_1730 : vector<16xf32>
      %slice3A_1732 = vector.extract_strided_slice %select_n3A_166 {offsets = [1], sizes = [1], strides = [1]} : vector<16xf32> to vector<1xf32>
      %squeeze3A_1733 = vector.extract %slice3A_1732[0] : f32 from vector<1xf32>
      %get3A_1734 = arith.constant 97 : i32
      %get3A_1735 = arith.index_cast %get3A_1734 : i32 to index
      %get3A_1736 = arith.constant 0 : index
      %get3A_1737 = tpu.vector_load %arg15[%get3A_1735, %get3A_1736] {strides = array<i32>} : memref<128x32xf32, #tpu.memory_space<vmem>>, vector<16xf32>,
      %mul3A_1738 = vector.broadcast %squeeze3A_1733 : f32 to vector<16xf32>
      %mul3A_1739 = arith.mulf %mul3A_1738, %get3A_1737 : vector<16xf32>
      %add3A_1740 = arith.addf %add3A_1724, %mul3A_1739 : vector<16xf32>
      %get3A_1741 = arith.constant 97 : i32
      %get3A_1742 = arith.index_cast %get3A_1741 : i32 to index
      %get3A_1743 = arith.constant 16 : index
      %get3A_1744 = tpu.vector_load %arg15[%get3A_1742, %get3A_1743] {strides = array<i32>} : memref<128x32xf32, #tpu.memory_space<vmem>>, vector<16xf32>,
      %mul3A_1745 = vector.broadcast %squeeze3A_1733 : f32 to vector<16xf32>
      %mul3A_1746 = arith.mulf %mul3A_1745, %get3A_1744 : vector<16xf32>
      %add3A_1747 = arith.addf %add3A_1731, %mul3A_1746 : vector<16xf32>
      %slice3A_1748 = vector.extract_strided_slice %select_n3A_166 {offsets = [2], sizes = [1], strides = [1]} : vector<16xf32> to vector<1xf32>
      %squeeze3A_1749 = vector.extract %slice3A_1748[0] : f32 from vector<1xf32>
      %get3A_1750 = arith.constant 98 : i32
      %get3A_1751 = arith.index_cast %get3A_1750 : i32 to index
      %get3A_1752 = arith.constant 0 : index
      %get3A_1753 = tpu.vector_load %arg15[%get3A_1751, %get3A_1752] {strides = array<i32>} : memref<128x32xf32, #tpu.memory_space<vmem>>, vector<16xf32>,
      %mul3A_1754 = vector.broadcast %squeeze3A_1749 : f32 to vector<16xf32>
      %mul3A_1755 = arith.mulf %mul3A_1754, %get3A_1753 : vector<16xf32>
      %add3A_1756 = arith.addf %add3A_1740, %mul3A_1755 : vector<16xf32>
      %get3A_1757 = arith.constant 98 : i32
      %get3A_1758 = arith.index_cast %get3A_1757 : i32 to index
      %get3A_1759 = arith.constant 16 : index
      %get3A_1760 = tpu.vector_load %arg15[%get3A_1758, %get3A_1759] {strides = array<i32>} : memref<128x32xf32, #tpu.memory_space<vmem>>, vector<16xf32>,
      %mul3A_1761 = vector.broadcast %squeeze3A_1749 : f32 to vector<16xf32>
      %mul3A_1762 = arith.mulf %mul3A_1761, %get3A_1760 : vector<16xf32>
      %add3A_1763 = arith.addf %add3A_1747, %mul3A_1762 : vector<16xf32>
      %slice3A_1764 = vector.extract_strided_slice %select_n3A_166 {offsets = [3], sizes = [1], strides = [1]} : vector<16xf32> to vector<1xf32>
      %squeeze3A_1765 = vector.extract %slice3A_1764[0] : f32 from vector<1xf32>
      %get3A_1766 = arith.constant 99 : i32
      %get3A_1767 = arith.index_cast %get3A_1766 : i32 to index
      %get3A_1768 = arith.constant 0 : index
      %get3A_1769 = tpu.vector_load %arg15[%get3A_1767, %get3A_1768] {strides = array<i32>} : memref<128x32xf32, #tpu.memory_space<vmem>>, vector<16xf32>,
      %mul3A_1770 = vector.broadcast %squeeze3A_1765 : f32 to vector<16xf32>
      %mul3A_1771 = arith.mulf %mul3A_1770, %get3A_1769 : vector<16xf32>
      %add3A_1772 = arith.addf %add3A_1756, %mul3A_1771 : vector<16xf32>
      %get3A_1773 = arith.constant 99 : i32
      %get3A_1774 = arith.index_cast %get3A_1773 : i32 to index
      %get3A_1775 = arith.constant 16 : index
      %get3A_1776 = tpu.vector_load %arg15[%get3A_1774, %get3A_1775] {strides = array<i32>} : memref<128x32xf32, #tpu.memory_space<vmem>>, vector<16xf32>,
      %mul3A_1777 = vector.broadcast %squeeze3A_1765 : f32 to vector<16xf32>
      %mul3A_1778 = arith.mulf %mul3A_1777, %get3A_1776 : vector<16xf32>
      %add3A_1779 = arith.addf %add3A_1763, %mul3A_1778 : vector<16xf32>
      %slice3A_1780 = vector.extract_strided_slice %select_n3A_166 {offsets = [4], sizes = [1], strides = [1]} : vector<16xf32> to vector<1xf32>
      %squeeze3A_1781 = vector.extract %slice3A_1780[0] : f32 from vector<1xf32>
      %get3A_1782 = arith.constant 100 : i32
      %get3A_1783 = arith.index_cast %get3A_1782 : i32 to index
      %get3A_1784 = arith.constant 0 : index
      %get3A_1785 = tpu.vector_load %arg15[%get3A_1783, %get3A_1784] {strides = array<i32>} : memref<128x32xf32, #tpu.memory_space<vmem>>, vector<16xf32>,
      %mul3A_1786 = vector.broadcast %squeeze3A_1781 : f32 to vector<16xf32>
      %mul3A_1787 = arith.mulf %mul3A_1786, %get3A_1785 : vector<16xf32>
      %add3A_1788 = arith.addf %add3A_1772, %mul3A_1787 : vector<16xf32>
      %get3A_1789 = arith.constant 100 : i32
      %get3A_1790 = arith.index_cast %get3A_1789 : i32 to index
      %get3A_1791 = arith.constant 16 : index
      %get3A_1792 = tpu.vector_load %arg15[%get3A_1790, %get3A_1791] {strides = array<i32>} : memref<128x32xf32, #tpu.memory_space<vmem>>, vector<16xf32>,
      %mul3A_1793 = vector.broadcast %squeeze3A_1781 : f32 to vector<16xf32>
      %mul3A_1794 = arith.mulf %mul3A_1793, %get3A_1792 : vector<16xf32>
      %add3A_1795 = arith.addf %add3A_1779, %mul3A_1794 : vector<16xf32>
      %slice3A_1796 = vector.extract_strided_slice %select_n3A_166 {offsets = [5], sizes = [1], strides = [1]} : vector<16xf32> to vector<1xf32>
      %squeeze3A_1797 = vector.extract %slice3A_1796[0] : f32 from vector<1xf32>
      %get3A_1798 = arith.constant 101 : i32
      %get3A_1799 = arith.index_cast %get3A_1798 : i32 to index
      %get3A_1800 = arith.constant 0 : index
      %get3A_1801 = tpu.vector_load %arg15[%get3A_1799, %get3A_1800] {strides = array<i32>} : memref<128x32xf32, #tpu.memory_space<vmem>>, vector<16xf32>,
      %mul3A_1802 = vector.broadcast %squeeze3A_1797 : f32 to vector<16xf32>
      %mul3A_1803 = arith.mulf %mul3A_1802, %get3A_1801 : vector<16xf32>
      %add3A_1804 = arith.addf %add3A_1788, %mul3A_1803 : vector<16xf32>
      %get3A_1805 = arith.constant 101 : i32
      %get3A_1806 = arith.index_cast %get3A_1805 : i32 to index
      %get3A_1807 = arith.constant 16 : index
      %get3A_1808 = tpu.vector_load %arg15[%get3A_1806, %get3A_1807] {strides = array<i32>} : memref<128x32xf32, #tpu.memory_space<vmem>>, vector<16xf32>,
      %mul3A_1809 = vector.broadcast %squeeze3A_1797 : f32 to vector<16xf32>
      %mul3A_1810 = arith.mulf %mul3A_1809, %get3A_1808 : vector<16xf32>
      %add3A_1811 = arith.addf %add3A_1795, %mul3A_1810 : vector<16xf32>
      %slice3A_1812 = vector.extract_strided_slice %select_n3A_166 {offsets = [6], sizes = [1], strides = [1]} : vector<16xf32> to vector<1xf32>
      %squeeze3A_1813 = vector.extract %slice3A_1812[0] : f32 from vector<1xf32>
      %get3A_1814 = arith.constant 102 : i32
      %get3A_1815 = arith.index_cast %get3A_1814 : i32 to index
      %get3A_1816 = arith.constant 0 : index
      %get3A_1817 = tpu.vector_load %arg15[%get3A_1815, %get3A_1816] {strides = array<i32>} : memref<128x32xf32, #tpu.memory_space<vmem>>, vector<16xf32>,
      %mul3A_1818 = vector.broadcast %squeeze3A_1813 : f32 to vector<16xf32>
      %mul3A_1819 = arith.mulf %mul3A_1818, %get3A_1817 : vector<16xf32>
      %add3A_1820 = arith.addf %add3A_1804, %mul3A_1819 : vector<16xf32>
      %get3A_1821 = arith.constant 102 : i32
      %get3A_1822 = arith.index_cast %get3A_1821 : i32 to index
      %get3A_1823 = arith.constant 16 : index
      %get3A_1824 = tpu.vector_load %arg15[%get3A_1822, %get3A_1823] {strides = array<i32>} : memref<128x32xf32, #tpu.memory_space<vmem>>, vector<16xf32>,
      %mul3A_1825 = vector.broadcast %squeeze3A_1813 : f32 to vector<16xf32>
      %mul3A_1826 = arith.mulf %mul3A_1825, %get3A_1824 : vector<16xf32>
      %add3A_1827 = arith.addf %add3A_1811, %mul3A_1826 : vector<16xf32>
      %slice3A_1828 = vector.extract_strided_slice %select_n3A_166 {offsets = [7], sizes = [1], strides = [1]} : vector<16xf32> to vector<1xf32>
      %squeeze3A_1829 = vector.extract %slice3A_1828[0] : f32 from vector<1xf32>
      %get3A_1830 = arith.constant 103 : i32
      %get3A_1831 = arith.index_cast %get3A_1830 : i32 to index
      %get3A_1832 = arith.constant 0 : index
      %get3A_1833 = tpu.vector_load %arg15[%get3A_1831, %get3A_1832] {strides = array<i32>} : memref<128x32xf32, #tpu.memory_space<vmem>>, vector<16xf32>,
      %mul3A_1834 = vector.broadcast %squeeze3A_1829 : f32 to vector<16xf32>
      %mul3A_1835 = arith.mulf %mul3A_1834, %get3A_1833 : vector<16xf32>
      %add3A_1836 = arith.addf %add3A_1820, %mul3A_1835 : vector<16xf32>
      %get3A_1837 = arith.constant 103 : i32
      %get3A_1838 = arith.index_cast %get3A_1837 : i32 to index
      %get3A_1839 = arith.constant 16 : index
      %get3A_1840 = tpu.vector_load %arg15[%get3A_1838, %get3A_1839] {strides = array<i32>} : memref<128x32xf32, #tpu.memory_space<vmem>>, vector<16xf32>,
      %mul3A_1841 = vector.broadcast %squeeze3A_1829 : f32 to vector<16xf32>
      %mul3A_1842 = arith.mulf %mul3A_1841, %get3A_1840 : vector<16xf32>
      %add3A_1843 = arith.addf %add3A_1827, %mul3A_1842 : vector<16xf32>
      %slice3A_1844 = vector.extract_strided_slice %select_n3A_166 {offsets = [8], sizes = [1], strides = [1]} : vector<16xf32> to vector<1xf32>
      %squeeze3A_1845 = vector.extract %slice3A_1844[0] : f32 from vector<1xf32>
      %get3A_1846 = arith.constant 104 : i32
      %get3A_1847 = arith.index_cast %get3A_1846 : i32 to index
      %get3A_1848 = arith.constant 0 : index
      %get3A_1849 = tpu.vector_load %arg15[%get3A_1847, %get3A_1848] {strides = array<i32>} : memref<128x32xf32, #tpu.memory_space<vmem>>, vector<16xf32>,
      %mul3A_1850 = vector.broadcast %squeeze3A_1845 : f32 to vector<16xf32>
      %mul3A_1851 = arith.mulf %mul3A_1850, %get3A_1849 : vector<16xf32>
      %add3A_1852 = arith.addf %add3A_1836, %mul3A_1851 : vector<16xf32>
      %get3A_1853 = arith.constant 104 : i32
      %get3A_1854 = arith.index_cast %get3A_1853 : i32 to index
      %get3A_1855 = arith.constant 16 : index
      %get3A_1856 = tpu.vector_load %arg15[%get3A_1854, %get3A_1855] {strides = array<i32>} : memref<128x32xf32, #tpu.memory_space<vmem>>, vector<16xf32>,
      %mul3A_1857 = vector.broadcast %squeeze3A_1845 : f32 to vector<16xf32>
      %mul3A_1858 = arith.mulf %mul3A_1857, %get3A_1856 : vector<16xf32>
      %add3A_1859 = arith.addf %add3A_1843, %mul3A_1858 : vector<16xf32>
      %slice3A_1860 = vector.extract_strided_slice %select_n3A_166 {offsets = [9], sizes = [1], strides = [1]} : vector<16xf32> to vector<1xf32>
      %squeeze3A_1861 = vector.extract %slice3A_1860[0] : f32 from vector<1xf32>
      %get3A_1862 = arith.constant 105 : i32
      %get3A_1863 = arith.index_cast %get3A_1862 : i32 to index
      %get3A_1864 = arith.constant 0 : index
      %get3A_1865 = tpu.vector_load %arg15[%get3A_1863, %get3A_1864] {strides = array<i32>} : memref<128x32xf32, #tpu.memory_space<vmem>>, vector<16xf32>,
      %mul3A_1866 = vector.broadcast %squeeze3A_1861 : f32 to vector<16xf32>
      %mul3A_1867 = arith.mulf %mul3A_1866, %get3A_1865 : vector<16xf32>
      %add3A_1868 = arith.addf %add3A_1852, %mul3A_1867 : vector<16xf32>
      %get3A_1869 = arith.constant 105 : i32
      %get3A_1870 = arith.index_cast %get3A_1869 : i32 to index
      %get3A_1871 = arith.constant 16 : index
      %get3A_1872 = tpu.vector_load %arg15[%get3A_1870, %get3A_1871] {strides = array<i32>} : memref<128x32xf32, #tpu.memory_space<vmem>>, vector<16xf32>,
      %mul3A_1873 = vector.broadcast %squeeze3A_1861 : f32 to vector<16xf32>
      %mul3A_1874 = arith.mulf %mul3A_1873, %get3A_1872 : vector<16xf32>
      %add3A_1875 = arith.addf %add3A_1859, %mul3A_1874 : vector<16xf32>
      %slice3A_1876 = vector.extract_strided_slice %select_n3A_166 {offsets = [10], sizes = [1], strides = [1]} : vector<16xf32> to vector<1xf32>
      %squeeze3A_1877 = vector.extract %slice3A_1876[0] : f32 from vector<1xf32>
      %get3A_1878 = arith.constant 106 : i32
      %get3A_1879 = arith.index_cast %get3A_1878 : i32 to index
      %get3A_1880 = arith.constant 0 : index
      %get3A_1881 = tpu.vector_load %arg15[%get3A_1879, %get3A_1880] {strides = array<i32>} : memref<128x32xf32, #tpu.memory_space<vmem>>, vector<16xf32>,
      %mul3A_1882 = vector.broadcast %squeeze3A_1877 : f32 to vector<16xf32>
      %mul3A_1883 = arith.mulf %mul3A_1882, %get3A_1881 : vector<16xf32>
      %add3A_1884 = arith.addf %add3A_1868, %mul3A_1883 : vector<16xf32>
      %get3A_1885 = arith.constant 106 : i32
      %get3A_1886 = arith.index_cast %get3A_1885 : i32 to index
      %get3A_1887 = arith.constant 16 : index
      %get3A_1888 = tpu.vector_load %arg15[%get3A_1886, %get3A_1887] {strides = array<i32>} : memref<128x32xf32, #tpu.memory_space<vmem>>, vector<16xf32>,
      %mul3A_1889 = vector.broadcast %squeeze3A_1877 : f32 to vector<16xf32>
      %mul3A_1890 = arith.mulf %mul3A_1889, %get3A_1888 : vector<16xf32>
      %add3A_1891 = arith.addf %add3A_1875, %mul3A_1890 : vector<16xf32>
      %slice3A_1892 = vector.extract_strided_slice %select_n3A_166 {offsets = [11], sizes = [1], strides = [1]} : vector<16xf32> to vector<1xf32>
      %squeeze3A_1893 = vector.extract %slice3A_1892[0] : f32 from vector<1xf32>
      %get3A_1894 = arith.constant 107 : i32
      %get3A_1895 = arith.index_cast %get3A_1894 : i32 to index
      %get3A_1896 = arith.constant 0 : index
      %get3A_1897 = tpu.vector_load %arg15[%get3A_1895, %get3A_1896] {strides = array<i32>} : memref<128x32xf32, #tpu.memory_space<vmem>>, vector<16xf32>,
      %mul3A_1898 = vector.broadcast %squeeze3A_1893 : f32 to vector<16xf32>
      %mul3A_1899 = arith.mulf %mul3A_1898, %get3A_1897 : vector<16xf32>
      %add3A_1900 = arith.addf %add3A_1884, %mul3A_1899 : vector<16xf32>
      %get3A_1901 = arith.constant 107 : i32
      %get3A_1902 = arith.index_cast %get3A_1901 : i32 to index
      %get3A_1903 = arith.constant 16 : index
      %get3A_1904 = tpu.vector_load %arg15[%get3A_1902, %get3A_1903] {strides = array<i32>} : memref<128x32xf32, #tpu.memory_space<vmem>>, vector<16xf32>,
      %mul3A_1905 = vector.broadcast %squeeze3A_1893 : f32 to vector<16xf32>
      %mul3A_1906 = arith.mulf %mul3A_1905, %get3A_1904 : vector<16xf32>
      %add3A_1907 = arith.addf %add3A_1891, %mul3A_1906 : vector<16xf32>
      %slice3A_1908 = vector.extract_strided_slice %select_n3A_166 {offsets = [12], sizes = [1], strides = [1]} : vector<16xf32> to vector<1xf32>
      %squeeze3A_1909 = vector.extract %slice3A_1908[0] : f32 from vector<1xf32>
      %get3A_1910 = arith.constant 108 : i32
      %get3A_1911 = arith.index_cast %get3A_1910 : i32 to index
      %get3A_1912 = arith.constant 0 : index
      %get3A_1913 = tpu.vector_load %arg15[%get3A_1911, %get3A_1912] {strides = array<i32>} : memref<128x32xf32, #tpu.memory_space<vmem>>, vector<16xf32>,
      %mul3A_1914 = vector.broadcast %squeeze3A_1909 : f32 to vector<16xf32>
      %mul3A_1915 = arith.mulf %mul3A_1914, %get3A_1913 : vector<16xf32>
      %add3A_1916 = arith.addf %add3A_1900, %mul3A_1915 : vector<16xf32>
      %get3A_1917 = arith.constant 108 : i32
      %get3A_1918 = arith.index_cast %get3A_1917 : i32 to index
      %get3A_1919 = arith.constant 16 : index
      %get3A_1920 = tpu.vector_load %arg15[%get3A_1918, %get3A_1919] {strides = array<i32>} : memref<128x32xf32, #tpu.memory_space<vmem>>, vector<16xf32>,
      %mul3A_1921 = vector.broadcast %squeeze3A_1909 : f32 to vector<16xf32>
      %mul3A_1922 = arith.mulf %mul3A_1921, %get3A_1920 : vector<16xf32>
      %add3A_1923 = arith.addf %add3A_1907, %mul3A_1922 : vector<16xf32>
      %slice3A_1924 = vector.extract_strided_slice %select_n3A_166 {offsets = [13], sizes = [1], strides = [1]} : vector<16xf32> to vector<1xf32>
      %squeeze3A_1925 = vector.extract %slice3A_1924[0] : f32 from vector<1xf32>
      %get3A_1926 = arith.constant 109 : i32
      %get3A_1927 = arith.index_cast %get3A_1926 : i32 to index
      %get3A_1928 = arith.constant 0 : index
      %get3A_1929 = tpu.vector_load %arg15[%get3A_1927, %get3A_1928] {strides = array<i32>} : memref<128x32xf32, #tpu.memory_space<vmem>>, vector<16xf32>,
      %mul3A_1930 = vector.broadcast %squeeze3A_1925 : f32 to vector<16xf32>
      %mul3A_1931 = arith.mulf %mul3A_1930, %get3A_1929 : vector<16xf32>
      %add3A_1932 = arith.addf %add3A_1916, %mul3A_1931 : vector<16xf32>
      %get3A_1933 = arith.constant 109 : i32
      %get3A_1934 = arith.index_cast %get3A_1933 : i32 to index
      %get3A_1935 = arith.constant 16 : index
      %get3A_1936 = tpu.vector_load %arg15[%get3A_1934, %get3A_1935] {strides = array<i32>} : memref<128x32xf32, #tpu.memory_space<vmem>>, vector<16xf32>,
      %mul3A_1937 = vector.broadcast %squeeze3A_1925 : f32 to vector<16xf32>
      %mul3A_1938 = arith.mulf %mul3A_1937, %get3A_1936 : vector<16xf32>
      %add3A_1939 = arith.addf %add3A_1923, %mul3A_1938 : vector<16xf32>
      %slice3A_1940 = vector.extract_strided_slice %select_n3A_166 {offsets = [14], sizes = [1], strides = [1]} : vector<16xf32> to vector<1xf32>
      %squeeze3A_1941 = vector.extract %slice3A_1940[0] : f32 from vector<1xf32>
      %get3A_1942 = arith.constant 110 : i32
      %get3A_1943 = arith.index_cast %get3A_1942 : i32 to index
      %get3A_1944 = arith.constant 0 : index
      %get3A_1945 = tpu.vector_load %arg15[%get3A_1943, %get3A_1944] {strides = array<i32>} : memref<128x32xf32, #tpu.memory_space<vmem>>, vector<16xf32>,
      %mul3A_1946 = vector.broadcast %squeeze3A_1941 : f32 to vector<16xf32>
      %mul3A_1947 = arith.mulf %mul3A_1946, %get3A_1945 : vector<16xf32>
      %add3A_1948 = arith.addf %add3A_1932, %mul3A_1947 : vector<16xf32>
      %get3A_1949 = arith.constant 110 : i32
      %get3A_1950 = arith.index_cast %get3A_1949 : i32 to index
      %get3A_1951 = arith.constant 16 : index
      %get3A_1952 = tpu.vector_load %arg15[%get3A_1950, %get3A_1951] {strides = array<i32>} : memref<128x32xf32, #tpu.memory_space<vmem>>, vector<16xf32>,
      %mul3A_1953 = vector.broadcast %squeeze3A_1941 : f32 to vector<16xf32>
      %mul3A_1954 = arith.mulf %mul3A_1953, %get3A_1952 : vector<16xf32>
      %add3A_1955 = arith.addf %add3A_1939, %mul3A_1954 : vector<16xf32>
      %slice3A_1956 = vector.extract_strided_slice %select_n3A_166 {offsets = [15], sizes = [1], strides = [1]} : vector<16xf32> to vector<1xf32>
      %squeeze3A_1957 = vector.extract %slice3A_1956[0] : f32 from vector<1xf32>
      %get3A_1958 = arith.constant 111 : i32
      %get3A_1959 = arith.index_cast %get3A_1958 : i32 to index
      %get3A_1960 = arith.constant 0 : index
      %get3A_1961 = tpu.vector_load %arg15[%get3A_1959, %get3A_1960] {strides = array<i32>} : memref<128x32xf32, #tpu.memory_space<vmem>>, vector<16xf32>,
      %mul3A_1962 = vector.broadcast %squeeze3A_1957 : f32 to vector<16xf32>
      %mul3A_1963 = arith.mulf %mul3A_1962, %get3A_1961 : vector<16xf32>
      %add3A_1964 = arith.addf %add3A_1948, %mul3A_1963 : vector<16xf32>
      %get3A_1965 = arith.constant 111 : i32
      %get3A_1966 = arith.index_cast %get3A_1965 : i32 to index
      %get3A_1967 = arith.constant 16 : index
      %get3A_1968 = tpu.vector_load %arg15[%get3A_1966, %get3A_1967] {strides = array<i32>} : memref<128x32xf32, #tpu.memory_space<vmem>>, vector<16xf32>,
      %mul3A_1969 = vector.broadcast %squeeze3A_1957 : f32 to vector<16xf32>
      %mul3A_1970 = arith.mulf %mul3A_1969, %get3A_1968 : vector<16xf32>
      %add3A_1971 = arith.addf %add3A_1955, %mul3A_1970 : vector<16xf32>
      %slice3A_1972 = vector.extract_strided_slice %select_n3A_175 {offsets = [0], sizes = [1], strides = [1]} : vector<16xf32> to vector<1xf32>
      %squeeze3A_1973 = vector.extract %slice3A_1972[0] : f32 from vector<1xf32>
      %get3A_1974 = arith.constant 112 : i32
      %get3A_1975 = arith.index_cast %get3A_1974 : i32 to index
      %get3A_1976 = arith.constant 0 : index
      %get3A_1977 = tpu.vector_load %arg15[%get3A_1975, %get3A_1976] {strides = array<i32>} : memref<128x32xf32, #tpu.memory_space<vmem>>, vector<16xf32>,
      %mul3A_1978 = vector.broadcast %squeeze3A_1973 : f32 to vector<16xf32>
      %mul3A_1979 = arith.mulf %mul3A_1978, %get3A_1977 : vector<16xf32>
      %add3A_1980 = arith.addf %add3A_1964, %mul3A_1979 : vector<16xf32>
      %get3A_1981 = arith.constant 112 : i32
      %get3A_1982 = arith.index_cast %get3A_1981 : i32 to index
      %get3A_1983 = arith.constant 16 : index
      %get3A_1984 = tpu.vector_load %arg15[%get3A_1982, %get3A_1983] {strides = array<i32>} : memref<128x32xf32, #tpu.memory_space<vmem>>, vector<16xf32>,
      %mul3A_1985 = vector.broadcast %squeeze3A_1973 : f32 to vector<16xf32>
      %mul3A_1986 = arith.mulf %mul3A_1985, %get3A_1984 : vector<16xf32>
      %add3A_1987 = arith.addf %add3A_1971, %mul3A_1986 : vector<16xf32>
      %slice3A_1988 = vector.extract_strided_slice %select_n3A_175 {offsets = [1], sizes = [1], strides = [1]} : vector<16xf32> to vector<1xf32>
      %squeeze3A_1989 = vector.extract %slice3A_1988[0] : f32 from vector<1xf32>
      %get3A_1990 = arith.constant 113 : i32
      %get3A_1991 = arith.index_cast %get3A_1990 : i32 to index
      %get3A_1992 = arith.constant 0 : index
      %get3A_1993 = tpu.vector_load %arg15[%get3A_1991, %get3A_1992] {strides = array<i32>} : memref<128x32xf32, #tpu.memory_space<vmem>>, vector<16xf32>,
      %mul3A_1994 = vector.broadcast %squeeze3A_1989 : f32 to vector<16xf32>
      %mul3A_1995 = arith.mulf %mul3A_1994, %get3A_1993 : vector<16xf32>
      %add3A_1996 = arith.addf %add3A_1980, %mul3A_1995 : vector<16xf32>
      %get3A_1997 = arith.constant 113 : i32
      %get3A_1998 = arith.index_cast %get3A_1997 : i32 to index
      %get3A_1999 = arith.constant 16 : index
      %get3A_2000 = tpu.vector_load %arg15[%get3A_1998, %get3A_1999] {strides = array<i32>} : memref<128x32xf32, #tpu.memory_space<vmem>>, vector<16xf32>,
      %mul3A_2001 = vector.broadcast %squeeze3A_1989 : f32 to vector<16xf32>
      %mul3A_2002 = arith.mulf %mul3A_2001, %get3A_2000 : vector<16xf32>
      %add3A_2003 = arith.addf %add3A_1987, %mul3A_2002 : vector<16xf32>
      %slice3A_2004 = vector.extract_strided_slice %select_n3A_175 {offsets = [2], sizes = [1], strides = [1]} : vector<16xf32> to vector<1xf32>
      %squeeze3A_2005 = vector.extract %slice3A_2004[0] : f32 from vector<1xf32>
      %get3A_2006 = arith.constant 114 : i32
      %get3A_2007 = arith.index_cast %get3A_2006 : i32 to index
      %get3A_2008 = arith.constant 0 : index
      %get3A_2009 = tpu.vector_load %arg15[%get3A_2007, %get3A_2008] {strides = array<i32>} : memref<128x32xf32, #tpu.memory_space<vmem>>, vector<16xf32>,
      %mul3A_2010 = vector.broadcast %squeeze3A_2005 : f32 to vector<16xf32>
      %mul3A_2011 = arith.mulf %mul3A_2010, %get3A_2009 : vector<16xf32>
      %add3A_2012 = arith.addf %add3A_1996, %mul3A_2011 : vector<16xf32>
      %get3A_2013 = arith.constant 114 : i32
      %get3A_2014 = arith.index_cast %get3A_2013 : i32 to index
      %get3A_2015 = arith.constant 16 : index
      %get3A_2016 = tpu.vector_load %arg15[%get3A_2014, %get3A_2015] {strides = array<i32>} : memref<128x32xf32, #tpu.memory_space<vmem>>, vector<16xf32>,
      %mul3A_2017 = vector.broadcast %squeeze3A_2005 : f32 to vector<16xf32>
      %mul3A_2018 = arith.mulf %mul3A_2017, %get3A_2016 : vector<16xf32>
      %add3A_2019 = arith.addf %add3A_2003, %mul3A_2018 : vector<16xf32>
      %slice3A_2020 = vector.extract_strided_slice %select_n3A_175 {offsets = [3], sizes = [1], strides = [1]} : vector<16xf32> to vector<1xf32>
      %squeeze3A_2021 = vector.extract %slice3A_2020[0] : f32 from vector<1xf32>
      %get3A_2022 = arith.constant 115 : i32
      %get3A_2023 = arith.index_cast %get3A_2022 : i32 to index
      %get3A_2024 = arith.constant 0 : index
      %get3A_2025 = tpu.vector_load %arg15[%get3A_2023, %get3A_2024] {strides = array<i32>} : memref<128x32xf32, #tpu.memory_space<vmem>>, vector<16xf32>,
      %mul3A_2026 = vector.broadcast %squeeze3A_2021 : f32 to vector<16xf32>
      %mul3A_2027 = arith.mulf %mul3A_2026, %get3A_2025 : vector<16xf32>
      %add3A_2028 = arith.addf %add3A_2012, %mul3A_2027 : vector<16xf32>
      %get3A_2029 = arith.constant 115 : i32
      %get3A_2030 = arith.index_cast %get3A_2029 : i32 to index
      %get3A_2031 = arith.constant 16 : index
      %get3A_2032 = tpu.vector_load %arg15[%get3A_2030, %get3A_2031] {strides = array<i32>} : memref<128x32xf32, #tpu.memory_space<vmem>>, vector<16xf32>,
      %mul3A_2033 = vector.broadcast %squeeze3A_2021 : f32 to vector<16xf32>
      %mul3A_2034 = arith.mulf %mul3A_2033, %get3A_2032 : vector<16xf32>
      %add3A_2035 = arith.addf %add3A_2019, %mul3A_2034 : vector<16xf32>
      %slice3A_2036 = vector.extract_strided_slice %select_n3A_175 {offsets = [4], sizes = [1], strides = [1]} : vector<16xf32> to vector<1xf32>
      %squeeze3A_2037 = vector.extract %slice3A_2036[0] : f32 from vector<1xf32>
      %get3A_2038 = arith.constant 116 : i32
      %get3A_2039 = arith.index_cast %get3A_2038 : i32 to index
      %get3A_2040 = arith.constant 0 : index
      %get3A_2041 = tpu.vector_load %arg15[%get3A_2039, %get3A_2040] {strides = array<i32>} : memref<128x32xf32, #tpu.memory_space<vmem>>, vector<16xf32>,
      %mul3A_2042 = vector.broadcast %squeeze3A_2037 : f32 to vector<16xf32>
      %mul3A_2043 = arith.mulf %mul3A_2042, %get3A_2041 : vector<16xf32>
      %add3A_2044 = arith.addf %add3A_2028, %mul3A_2043 : vector<16xf32>
      %get3A_2045 = arith.constant 116 : i32
      %get3A_2046 = arith.index_cast %get3A_2045 : i32 to index
      %get3A_2047 = arith.constant 16 : index
      %get3A_2048 = tpu.vector_load %arg15[%get3A_2046, %get3A_2047] {strides = array<i32>} : memref<128x32xf32, #tpu.memory_space<vmem>>, vector<16xf32>,
      %mul3A_2049 = vector.broadcast %squeeze3A_2037 : f32 to vector<16xf32>
      %mul3A_2050 = arith.mulf %mul3A_2049, %get3A_2048 : vector<16xf32>
      %add3A_2051 = arith.addf %add3A_2035, %mul3A_2050 : vector<16xf32>
      %slice3A_2052 = vector.extract_strided_slice %select_n3A_175 {offsets = [5], sizes = [1], strides = [1]} : vector<16xf32> to vector<1xf32>
      %squeeze3A_2053 = vector.extract %slice3A_2052[0] : f32 from vector<1xf32>
      %get3A_2054 = arith.constant 117 : i32
      %get3A_2055 = arith.index_cast %get3A_2054 : i32 to index
      %get3A_2056 = arith.constant 0 : index
      %get3A_2057 = tpu.vector_load %arg15[%get3A_2055, %get3A_2056] {strides = array<i32>} : memref<128x32xf32, #tpu.memory_space<vmem>>, vector<16xf32>,
      %mul3A_2058 = vector.broadcast %squeeze3A_2053 : f32 to vector<16xf32>
      %mul3A_2059 = arith.mulf %mul3A_2058, %get3A_2057 : vector<16xf32>
      %add3A_2060 = arith.addf %add3A_2044, %mul3A_2059 : vector<16xf32>
      %get3A_2061 = arith.constant 117 : i32
      %get3A_2062 = arith.index_cast %get3A_2061 : i32 to index
      %get3A_2063 = arith.constant 16 : index
      %get3A_2064 = tpu.vector_load %arg15[%get3A_2062, %get3A_2063] {strides = array<i32>} : memref<128x32xf32, #tpu.memory_space<vmem>>, vector<16xf32>,
      %mul3A_2065 = vector.broadcast %squeeze3A_2053 : f32 to vector<16xf32>
      %mul3A_2066 = arith.mulf %mul3A_2065, %get3A_2064 : vector<16xf32>
      %add3A_2067 = arith.addf %add3A_2051, %mul3A_2066 : vector<16xf32>
      %slice3A_2068 = vector.extract_strided_slice %select_n3A_175 {offsets = [6], sizes = [1], strides = [1]} : vector<16xf32> to vector<1xf32>
      %squeeze3A_2069 = vector.extract %slice3A_2068[0] : f32 from vector<1xf32>
      %get3A_2070 = arith.constant 118 : i32
      %get3A_2071 = arith.index_cast %get3A_2070 : i32 to index
      %get3A_2072 = arith.constant 0 : index
      %get3A_2073 = tpu.vector_load %arg15[%get3A_2071, %get3A_2072] {strides = array<i32>} : memref<128x32xf32, #tpu.memory_space<vmem>>, vector<16xf32>,
      %mul3A_2074 = vector.broadcast %squeeze3A_2069 : f32 to vector<16xf32>
      %mul3A_2075 = arith.mulf %mul3A_2074, %get3A_2073 : vector<16xf32>
      %add3A_2076 = arith.addf %add3A_2060, %mul3A_2075 : vector<16xf32>
      %get3A_2077 = arith.constant 118 : i32
      %get3A_2078 = arith.index_cast %get3A_2077 : i32 to index
      %get3A_2079 = arith.constant 16 : index
      %get3A_2080 = tpu.vector_load %arg15[%get3A_2078, %get3A_2079] {strides = array<i32>} : memref<128x32xf32, #tpu.memory_space<vmem>>, vector<16xf32>,
      %mul3A_2081 = vector.broadcast %squeeze3A_2069 : f32 to vector<16xf32>
      %mul3A_2082 = arith.mulf %mul3A_2081, %get3A_2080 : vector<16xf32>
      %add3A_2083 = arith.addf %add3A_2067, %mul3A_2082 : vector<16xf32>
      %slice3A_2084 = vector.extract_strided_slice %select_n3A_175 {offsets = [7], sizes = [1], strides = [1]} : vector<16xf32> to vector<1xf32>
      %squeeze3A_2085 = vector.extract %slice3A_2084[0] : f32 from vector<1xf32>
      %get3A_2086 = arith.constant 119 : i32
      %get3A_2087 = arith.index_cast %get3A_2086 : i32 to index
      %get3A_2088 = arith.constant 0 : index
      %get3A_2089 = tpu.vector_load %arg15[%get3A_2087, %get3A_2088] {strides = array<i32>} : memref<128x32xf32, #tpu.memory_space<vmem>>, vector<16xf32>,
      %mul3A_2090 = vector.broadcast %squeeze3A_2085 : f32 to vector<16xf32>
      %mul3A_2091 = arith.mulf %mul3A_2090, %get3A_2089 : vector<16xf32>
      %add3A_2092 = arith.addf %add3A_2076, %mul3A_2091 : vector<16xf32>
      %get3A_2093 = arith.constant 119 : i32
      %get3A_2094 = arith.index_cast %get3A_2093 : i32 to index
      %get3A_2095 = arith.constant 16 : index
      %get3A_2096 = tpu.vector_load %arg15[%get3A_2094, %get3A_2095] {strides = array<i32>} : memref<128x32xf32, #tpu.memory_space<vmem>>, vector<16xf32>,
      %mul3A_2097 = vector.broadcast %squeeze3A_2085 : f32 to vector<16xf32>
      %mul3A_2098 = arith.mulf %mul3A_2097, %get3A_2096 : vector<16xf32>
      %add3A_2099 = arith.addf %add3A_2083, %mul3A_2098 : vector<16xf32>
      %slice3A_2100 = vector.extract_strided_slice %select_n3A_175 {offsets = [8], sizes = [1], strides = [1]} : vector<16xf32> to vector<1xf32>
      %squeeze3A_2101 = vector.extract %slice3A_2100[0] : f32 from vector<1xf32>
      %get3A_2102 = arith.constant 120 : i32
      %get3A_2103 = arith.index_cast %get3A_2102 : i32 to index
      %get3A_2104 = arith.constant 0 : index
      %get3A_2105 = tpu.vector_load %arg15[%get3A_2103, %get3A_2104] {strides = array<i32>} : memref<128x32xf32, #tpu.memory_space<vmem>>, vector<16xf32>,
      %mul3A_2106 = vector.broadcast %squeeze3A_2101 : f32 to vector<16xf32>
      %mul3A_2107 = arith.mulf %mul3A_2106, %get3A_2105 : vector<16xf32>
      %add3A_2108 = arith.addf %add3A_2092, %mul3A_2107 : vector<16xf32>
      %get3A_2109 = arith.constant 120 : i32
      %get3A_2110 = arith.index_cast %get3A_2109 : i32 to index
      %get3A_2111 = arith.constant 16 : index
      %get3A_2112 = tpu.vector_load %arg15[%get3A_2110, %get3A_2111] {strides = array<i32>} : memref<128x32xf32, #tpu.memory_space<vmem>>, vector<16xf32>,
      %mul3A_2113 = vector.broadcast %squeeze3A_2101 : f32 to vector<16xf32>
      %mul3A_2114 = arith.mulf %mul3A_2113, %get3A_2112 : vector<16xf32>
      %add3A_2115 = arith.addf %add3A_2099, %mul3A_2114 : vector<16xf32>
      %slice3A_2116 = vector.extract_strided_slice %select_n3A_175 {offsets = [9], sizes = [1], strides = [1]} : vector<16xf32> to vector<1xf32>
      %squeeze3A_2117 = vector.extract %slice3A_2116[0] : f32 from vector<1xf32>
      %get3A_2118 = arith.constant 121 : i32
      %get3A_2119 = arith.index_cast %get3A_2118 : i32 to index
      %get3A_2120 = arith.constant 0 : index
      %get3A_2121 = tpu.vector_load %arg15[%get3A_2119, %get3A_2120] {strides = array<i32>} : memref<128x32xf32, #tpu.memory_space<vmem>>, vector<16xf32>,
      %mul3A_2122 = vector.broadcast %squeeze3A_2117 : f32 to vector<16xf32>
      %mul3A_2123 = arith.mulf %mul3A_2122, %get3A_2121 : vector<16xf32>
      %add3A_2124 = arith.addf %add3A_2108, %mul3A_2123 : vector<16xf32>
      %get3A_2125 = arith.constant 121 : i32
      %get3A_2126 = arith.index_cast %get3A_2125 : i32 to index
      %get3A_2127 = arith.constant 16 : index
      %get3A_2128 = tpu.vector_load %arg15[%get3A_2126, %get3A_2127] {strides = array<i32>} : memref<128x32xf32, #tpu.memory_space<vmem>>, vector<16xf32>,
      %mul3A_2129 = vector.broadcast %squeeze3A_2117 : f32 to vector<16xf32>
      %mul3A_2130 = arith.mulf %mul3A_2129, %get3A_2128 : vector<16xf32>
      %add3A_2131 = arith.addf %add3A_2115, %mul3A_2130 : vector<16xf32>
      %slice3A_2132 = vector.extract_strided_slice %select_n3A_175 {offsets = [10], sizes = [1], strides = [1]} : vector<16xf32> to vector<1xf32>
      %squeeze3A_2133 = vector.extract %slice3A_2132[0] : f32 from vector<1xf32>
      %get3A_2134 = arith.constant 122 : i32
      %get3A_2135 = arith.index_cast %get3A_2134 : i32 to index
      %get3A_2136 = arith.constant 0 : index
      %get3A_2137 = tpu.vector_load %arg15[%get3A_2135, %get3A_2136] {strides = array<i32>} : memref<128x32xf32, #tpu.memory_space<vmem>>, vector<16xf32>,
      %mul3A_2138 = vector.broadcast %squeeze3A_2133 : f32 to vector<16xf32>
      %mul3A_2139 = arith.mulf %mul3A_2138, %get3A_2137 : vector<16xf32>
      %add3A_2140 = arith.addf %add3A_2124, %mul3A_2139 : vector<16xf32>
      %get3A_2141 = arith.constant 122 : i32
      %get3A_2142 = arith.index_cast %get3A_2141 : i32 to index
      %get3A_2143 = arith.constant 16 : index
      %get3A_2144 = tpu.vector_load %arg15[%get3A_2142, %get3A_2143] {strides = array<i32>} : memref<128x32xf32, #tpu.memory_space<vmem>>, vector<16xf32>,
      %mul3A_2145 = vector.broadcast %squeeze3A_2133 : f32 to vector<16xf32>
      %mul3A_2146 = arith.mulf %mul3A_2145, %get3A_2144 : vector<16xf32>
      %add3A_2147 = arith.addf %add3A_2131, %mul3A_2146 : vector<16xf32>
      %slice3A_2148 = vector.extract_strided_slice %select_n3A_175 {offsets = [11], sizes = [1], strides = [1]} : vector<16xf32> to vector<1xf32>
      %squeeze3A_2149 = vector.extract %slice3A_2148[0] : f32 from vector<1xf32>
      %get3A_2150 = arith.constant 123 : i32
      %get3A_2151 = arith.index_cast %get3A_2150 : i32 to index
      %get3A_2152 = arith.constant 0 : index
      %get3A_2153 = tpu.vector_load %arg15[%get3A_2151, %get3A_2152] {strides = array<i32>} : memref<128x32xf32, #tpu.memory_space<vmem>>, vector<16xf32>,
      %mul3A_2154 = vector.broadcast %squeeze3A_2149 : f32 to vector<16xf32>
      %mul3A_2155 = arith.mulf %mul3A_2154, %get3A_2153 : vector<16xf32>
      %add3A_2156 = arith.addf %add3A_2140, %mul3A_2155 : vector<16xf32>
      %get3A_2157 = arith.constant 123 : i32
      %get3A_2158 = arith.index_cast %get3A_2157 : i32 to index
      %get3A_2159 = arith.constant 16 : index
      %get3A_2160 = tpu.vector_load %arg15[%get3A_2158, %get3A_2159] {strides = array<i32>} : memref<128x32xf32, #tpu.memory_space<vmem>>, vector<16xf32>,
      %mul3A_2161 = vector.broadcast %squeeze3A_2149 : f32 to vector<16xf32>
      %mul3A_2162 = arith.mulf %mul3A_2161, %get3A_2160 : vector<16xf32>
      %add3A_2163 = arith.addf %add3A_2147, %mul3A_2162 : vector<16xf32>
      %slice3A_2164 = vector.extract_strided_slice %select_n3A_175 {offsets = [12], sizes = [1], strides = [1]} : vector<16xf32> to vector<1xf32>
      %squeeze3A_2165 = vector.extract %slice3A_2164[0] : f32 from vector<1xf32>
      %get3A_2166 = arith.constant 124 : i32
      %get3A_2167 = arith.index_cast %get3A_2166 : i32 to index
      %get3A_2168 = arith.constant 0 : index
      %get3A_2169 = tpu.vector_load %arg15[%get3A_2167, %get3A_2168] {strides = array<i32>} : memref<128x32xf32, #tpu.memory_space<vmem>>, vector<16xf32>,
      %mul3A_2170 = vector.broadcast %squeeze3A_2165 : f32 to vector<16xf32>
      %mul3A_2171 = arith.mulf %mul3A_2170, %get3A_2169 : vector<16xf32>
      %add3A_2172 = arith.addf %add3A_2156, %mul3A_2171 : vector<16xf32>
      %get3A_2173 = arith.constant 124 : i32
      %get3A_2174 = arith.index_cast %get3A_2173 : i32 to index
      %get3A_2175 = arith.constant 16 : index
      %get3A_2176 = tpu.vector_load %arg15[%get3A_2174, %get3A_2175] {strides = array<i32>} : memref<128x32xf32, #tpu.memory_space<vmem>>, vector<16xf32>,
      %mul3A_2177 = vector.broadcast %squeeze3A_2165 : f32 to vector<16xf32>
      %mul3A_2178 = arith.mulf %mul3A_2177, %get3A_2176 : vector<16xf32>
      %add3A_2179 = arith.addf %add3A_2163, %mul3A_2178 : vector<16xf32>
      %slice3A_2180 = vector.extract_strided_slice %select_n3A_175 {offsets = [13], sizes = [1], strides = [1]} : vector<16xf32> to vector<1xf32>
      %squeeze3A_2181 = vector.extract %slice3A_2180[0] : f32 from vector<1xf32>
      %get3A_2182 = arith.constant 125 : i32
      %get3A_2183 = arith.index_cast %get3A_2182 : i32 to index
      %get3A_2184 = arith.constant 0 : index
      %get3A_2185 = tpu.vector_load %arg15[%get3A_2183, %get3A_2184] {strides = array<i32>} : memref<128x32xf32, #tpu.memory_space<vmem>>, vector<16xf32>,
      %mul3A_2186 = vector.broadcast %squeeze3A_2181 : f32 to vector<16xf32>
      %mul3A_2187 = arith.mulf %mul3A_2186, %get3A_2185 : vector<16xf32>
      %add3A_2188 = arith.addf %add3A_2172, %mul3A_2187 : vector<16xf32>
      %get3A_2189 = arith.constant 125 : i32
      %get3A_2190 = arith.index_cast %get3A_2189 : i32 to index
      %get3A_2191 = arith.constant 16 : index
      %get3A_2192 = tpu.vector_load %arg15[%get3A_2190, %get3A_2191] {strides = array<i32>} : memref<128x32xf32, #tpu.memory_space<vmem>>, vector<16xf32>,
      %mul3A_2193 = vector.broadcast %squeeze3A_2181 : f32 to vector<16xf32>
      %mul3A_2194 = arith.mulf %mul3A_2193, %get3A_2192 : vector<16xf32>
      %add3A_2195 = arith.addf %add3A_2179, %mul3A_2194 : vector<16xf32>
      %slice3A_2196 = vector.extract_strided_slice %select_n3A_175 {offsets = [14], sizes = [1], strides = [1]} : vector<16xf32> to vector<1xf32>
      %squeeze3A_2197 = vector.extract %slice3A_2196[0] : f32 from vector<1xf32>
      %get3A_2198 = arith.constant 126 : i32
      %get3A_2199 = arith.index_cast %get3A_2198 : i32 to index
      %get3A_2200 = arith.constant 0 : index
      %get3A_2201 = tpu.vector_load %arg15[%get3A_2199, %get3A_2200] {strides = array<i32>} : memref<128x32xf32, #tpu.memory_space<vmem>>, vector<16xf32>,
      %mul3A_2202 = vector.broadcast %squeeze3A_2197 : f32 to vector<16xf32>
      %mul3A_2203 = arith.mulf %mul3A_2202, %get3A_2201 : vector<16xf32>
      %add3A_2204 = arith.addf %add3A_2188, %mul3A_2203 : vector<16xf32>
      %get3A_2205 = arith.constant 126 : i32
      %get3A_2206 = arith.index_cast %get3A_2205 : i32 to index
      %get3A_2207 = arith.constant 16 : index
      %get3A_2208 = tpu.vector_load %arg15[%get3A_2206, %get3A_2207] {strides = array<i32>} : memref<128x32xf32, #tpu.memory_space<vmem>>, vector<16xf32>,
      %mul3A_2209 = vector.broadcast %squeeze3A_2197 : f32 to vector<16xf32>
      %mul3A_2210 = arith.mulf %mul3A_2209, %get3A_2208 : vector<16xf32>
      %add3A_2211 = arith.addf %add3A_2195, %mul3A_2210 : vector<16xf32>
      %slice3A_2212 = vector.extract_strided_slice %select_n3A_175 {offsets = [15], sizes = [1], strides = [1]} : vector<16xf32> to vector<1xf32>
      %squeeze3A_2213 = vector.extract %slice3A_2212[0] : f32 from vector<1xf32>
      %get3A_2214 = arith.constant 127 : i32
      %get3A_2215 = arith.index_cast %get3A_2214 : i32 to index
      %get3A_2216 = arith.constant 0 : index
      %get3A_2217 = tpu.vector_load %arg15[%get3A_2215, %get3A_2216] {strides = array<i32>} : memref<128x32xf32, #tpu.memory_space<vmem>>, vector<16xf32>,
      %mul3A_2218 = vector.broadcast %squeeze3A_2213 : f32 to vector<16xf32>
      %mul3A_2219 = arith.mulf %mul3A_2218, %get3A_2217 : vector<16xf32>
      %add3A_2220 = arith.addf %add3A_2204, %mul3A_2219 : vector<16xf32>
      %get3A_2221 = arith.constant 127 : i32
      %get3A_2222 = arith.index_cast %get3A_2221 : i32 to index
      %get3A_2223 = arith.constant 16 : index
      %get3A_2224 = tpu.vector_load %arg15[%get3A_2222, %get3A_2223] {strides = array<i32>} : memref<128x32xf32, #tpu.memory_space<vmem>>, vector<16xf32>,
      %mul3A_2225 = vector.broadcast %squeeze3A_2213 : f32 to vector<16xf32>
      %mul3A_2226 = arith.mulf %mul3A_2225, %get3A_2224 : vector<16xf32>
      %add3A_2227 = arith.addf %add3A_2211, %mul3A_2226 : vector<16xf32>
      %max3A_2228 = arith.constant 0.000000e+00 : f32
      %max3A_2229 = vector.broadcast %max3A_2228 : f32 to vector<16xf32>
      %max3A_2230 = arith.maximumf %add3A_2220, %max3A_2229 : vector<16xf32>
      %max3A_2231 = arith.constant 0.000000e+00 : f32
      %max3A_2232 = vector.broadcast %max3A_2231 : f32 to vector<16xf32>
      %max3A_2233 = arith.maximumf %add3A_2227, %max3A_2232 : vector<16xf32>
      %get3A_2234 = arith.constant 0 : index
      %get3A_2235 = tpu.vector_load %arg18[%get3A_2234] {strides = array<i32>} : memref<32xf32, #tpu.memory_space<vmem>>, vector<16xf32>,
      %get3A_2236 = arith.constant 16 : index
      %get3A_2237 = tpu.vector_load %arg18[%get3A_2236] {strides = array<i32>} : memref<32xf32, #tpu.memory_space<vmem>>, vector<16xf32>,
      %slice3A_2238 = vector.extract_strided_slice %max3A_2230 {offsets = [0], sizes = [1], strides = [1]} : vector<16xf32> to vector<1xf32>
      %squeeze3A_2239 = vector.extract %slice3A_2238[0] : f32 from vector<1xf32>
      %get3A_2240 = arith.constant 0 : i32
      %get3A_2241 = arith.index_cast %get3A_2240 : i32 to index
      %get3A_2242 = arith.constant 0 : index
      %get3A_2243 = tpu.vector_load %arg17[%get3A_2241, %get3A_2242] {strides = array<i32>} : memref<32x32xf32, #tpu.memory_space<vmem>>, vector<16xf32>,
      %mul3A_2244 = vector.broadcast %squeeze3A_2239 : f32 to vector<16xf32>
      %mul3A_2245 = arith.mulf %mul3A_2244, %get3A_2243 : vector<16xf32>
      %add3A_2246 = arith.addf %get3A_2235, %mul3A_2245 : vector<16xf32>
      %get3A_2247 = arith.constant 0 : i32
      %get3A_2248 = arith.index_cast %get3A_2247 : i32 to index
      %get3A_2249 = arith.constant 16 : index
      %get3A_2250 = tpu.vector_load %arg17[%get3A_2248, %get3A_2249] {strides = array<i32>} : memref<32x32xf32, #tpu.memory_space<vmem>>, vector<16xf32>,
      %mul3A_2251 = vector.broadcast %squeeze3A_2239 : f32 to vector<16xf32>
      %mul3A_2252 = arith.mulf %mul3A_2251, %get3A_2250 : vector<16xf32>
      %add3A_2253 = arith.addf %get3A_2237, %mul3A_2252 : vector<16xf32>
      %slice3A_2254 = vector.extract_strided_slice %max3A_2230 {offsets = [1], sizes = [1], strides = [1]} : vector<16xf32> to vector<1xf32>
      %squeeze3A_2255 = vector.extract %slice3A_2254[0] : f32 from vector<1xf32>
      %get3A_2256 = arith.constant 1 : i32
      %get3A_2257 = arith.index_cast %get3A_2256 : i32 to index
      %get3A_2258 = arith.constant 0 : index
      %get3A_2259 = tpu.vector_load %arg17[%get3A_2257, %get3A_2258] {strides = array<i32>} : memref<32x32xf32, #tpu.memory_space<vmem>>, vector<16xf32>,
      %mul3A_2260 = vector.broadcast %squeeze3A_2255 : f32 to vector<16xf32>
      %mul3A_2261 = arith.mulf %mul3A_2260, %get3A_2259 : vector<16xf32>
      %add3A_2262 = arith.addf %add3A_2246, %mul3A_2261 : vector<16xf32>
      %get3A_2263 = arith.constant 1 : i32
      %get3A_2264 = arith.index_cast %get3A_2263 : i32 to index
      %get3A_2265 = arith.constant 16 : index
      %get3A_2266 = tpu.vector_load %arg17[%get3A_2264, %get3A_2265] {strides = array<i32>} : memref<32x32xf32, #tpu.memory_space<vmem>>, vector<16xf32>,
      %mul3A_2267 = vector.broadcast %squeeze3A_2255 : f32 to vector<16xf32>
      %mul3A_2268 = arith.mulf %mul3A_2267, %get3A_2266 : vector<16xf32>
      %add3A_2269 = arith.addf %add3A_2253, %mul3A_2268 : vector<16xf32>
      %slice3A_2270 = vector.extract_strided_slice %max3A_2230 {offsets = [2], sizes = [1], strides = [1]} : vector<16xf32> to vector<1xf32>
      %squeeze3A_2271 = vector.extract %slice3A_2270[0] : f32 from vector<1xf32>
      %get3A_2272 = arith.constant 2 : i32
      %get3A_2273 = arith.index_cast %get3A_2272 : i32 to index
      %get3A_2274 = arith.constant 0 : index
      %get3A_2275 = tpu.vector_load %arg17[%get3A_2273, %get3A_2274] {strides = array<i32>} : memref<32x32xf32, #tpu.memory_space<vmem>>, vector<16xf32>,
      %mul3A_2276 = vector.broadcast %squeeze3A_2271 : f32 to vector<16xf32>
      %mul3A_2277 = arith.mulf %mul3A_2276, %get3A_2275 : vector<16xf32>
      %add3A_2278 = arith.addf %add3A_2262, %mul3A_2277 : vector<16xf32>
      %get3A_2279 = arith.constant 2 : i32
      %get3A_2280 = arith.index_cast %get3A_2279 : i32 to index
      %get3A_2281 = arith.constant 16 : index
      %get3A_2282 = tpu.vector_load %arg17[%get3A_2280, %get3A_2281] {strides = array<i32>} : memref<32x32xf32, #tpu.memory_space<vmem>>, vector<16xf32>,
      %mul3A_2283 = vector.broadcast %squeeze3A_2271 : f32 to vector<16xf32>
      %mul3A_2284 = arith.mulf %mul3A_2283, %get3A_2282 : vector<16xf32>
      %add3A_2285 = arith.addf %add3A_2269, %mul3A_2284 : vector<16xf32>
      %slice3A_2286 = vector.extract_strided_slice %max3A_2230 {offsets = [3], sizes = [1], strides = [1]} : vector<16xf32> to vector<1xf32>
      %squeeze3A_2287 = vector.extract %slice3A_2286[0] : f32 from vector<1xf32>
      %get3A_2288 = arith.constant 3 : i32
      %get3A_2289 = arith.index_cast %get3A_2288 : i32 to index
      %get3A_2290 = arith.constant 0 : index
      %get3A_2291 = tpu.vector_load %arg17[%get3A_2289, %get3A_2290] {strides = array<i32>} : memref<32x32xf32, #tpu.memory_space<vmem>>, vector<16xf32>,
      %mul3A_2292 = vector.broadcast %squeeze3A_2287 : f32 to vector<16xf32>
      %mul3A_2293 = arith.mulf %mul3A_2292, %get3A_2291 : vector<16xf32>
      %add3A_2294 = arith.addf %add3A_2278, %mul3A_2293 : vector<16xf32>
      %get3A_2295 = arith.constant 3 : i32
      %get3A_2296 = arith.index_cast %get3A_2295 : i32 to index
      %get3A_2297 = arith.constant 16 : index
      %get3A_2298 = tpu.vector_load %arg17[%get3A_2296, %get3A_2297] {strides = array<i32>} : memref<32x32xf32, #tpu.memory_space<vmem>>, vector<16xf32>,
      %mul3A_2299 = vector.broadcast %squeeze3A_2287 : f32 to vector<16xf32>
      %mul3A_2300 = arith.mulf %mul3A_2299, %get3A_2298 : vector<16xf32>
      %add3A_2301 = arith.addf %add3A_2285, %mul3A_2300 : vector<16xf32>
      %slice3A_2302 = vector.extract_strided_slice %max3A_2230 {offsets = [4], sizes = [1], strides = [1]} : vector<16xf32> to vector<1xf32>
      %squeeze3A_2303 = vector.extract %slice3A_2302[0] : f32 from vector<1xf32>
      %get3A_2304 = arith.constant 4 : i32
      %get3A_2305 = arith.index_cast %get3A_2304 : i32 to index
      %get3A_2306 = arith.constant 0 : index
      %get3A_2307 = tpu.vector_load %arg17[%get3A_2305, %get3A_2306] {strides = array<i32>} : memref<32x32xf32, #tpu.memory_space<vmem>>, vector<16xf32>,
      %mul3A_2308 = vector.broadcast %squeeze3A_2303 : f32 to vector<16xf32>
      %mul3A_2309 = arith.mulf %mul3A_2308, %get3A_2307 : vector<16xf32>
      %add3A_2310 = arith.addf %add3A_2294, %mul3A_2309 : vector<16xf32>
      %get3A_2311 = arith.constant 4 : i32
      %get3A_2312 = arith.index_cast %get3A_2311 : i32 to index
      %get3A_2313 = arith.constant 16 : index
      %get3A_2314 = tpu.vector_load %arg17[%get3A_2312, %get3A_2313] {strides = array<i32>} : memref<32x32xf32, #tpu.memory_space<vmem>>, vector<16xf32>,
      %mul3A_2315 = vector.broadcast %squeeze3A_2303 : f32 to vector<16xf32>
      %mul3A_2316 = arith.mulf %mul3A_2315, %get3A_2314 : vector<16xf32>
      %add3A_2317 = arith.addf %add3A_2301, %mul3A_2316 : vector<16xf32>
      %slice3A_2318 = vector.extract_strided_slice %max3A_2230 {offsets = [5], sizes = [1], strides = [1]} : vector<16xf32> to vector<1xf32>
      %squeeze3A_2319 = vector.extract %slice3A_2318[0] : f32 from vector<1xf32>
      %get3A_2320 = arith.constant 5 : i32
      %get3A_2321 = arith.index_cast %get3A_2320 : i32 to index
      %get3A_2322 = arith.constant 0 : index
      %get3A_2323 = tpu.vector_load %arg17[%get3A_2321, %get3A_2322] {strides = array<i32>} : memref<32x32xf32, #tpu.memory_space<vmem>>, vector<16xf32>,
      %mul3A_2324 = vector.broadcast %squeeze3A_2319 : f32 to vector<16xf32>
      %mul3A_2325 = arith.mulf %mul3A_2324, %get3A_2323 : vector<16xf32>
      %add3A_2326 = arith.addf %add3A_2310, %mul3A_2325 : vector<16xf32>
      %get3A_2327 = arith.constant 5 : i32
      %get3A_2328 = arith.index_cast %get3A_2327 : i32 to index
      %get3A_2329 = arith.constant 16 : index
      %get3A_2330 = tpu.vector_load %arg17[%get3A_2328, %get3A_2329] {strides = array<i32>} : memref<32x32xf32, #tpu.memory_space<vmem>>, vector<16xf32>,
      %mul3A_2331 = vector.broadcast %squeeze3A_2319 : f32 to vector<16xf32>
      %mul3A_2332 = arith.mulf %mul3A_2331, %get3A_2330 : vector<16xf32>
      %add3A_2333 = arith.addf %add3A_2317, %mul3A_2332 : vector<16xf32>
      %slice3A_2334 = vector.extract_strided_slice %max3A_2230 {offsets = [6], sizes = [1], strides = [1]} : vector<16xf32> to vector<1xf32>
      %squeeze3A_2335 = vector.extract %slice3A_2334[0] : f32 from vector<1xf32>
      %get3A_2336 = arith.constant 6 : i32
      %get3A_2337 = arith.index_cast %get3A_2336 : i32 to index
      %get3A_2338 = arith.constant 0 : index
      %get3A_2339 = tpu.vector_load %arg17[%get3A_2337, %get3A_2338] {strides = array<i32>} : memref<32x32xf32, #tpu.memory_space<vmem>>, vector<16xf32>,
      %mul3A_2340 = vector.broadcast %squeeze3A_2335 : f32 to vector<16xf32>
      %mul3A_2341 = arith.mulf %mul3A_2340, %get3A_2339 : vector<16xf32>
      %add3A_2342 = arith.addf %add3A_2326, %mul3A_2341 : vector<16xf32>
      %get3A_2343 = arith.constant 6 : i32
      %get3A_2344 = arith.index_cast %get3A_2343 : i32 to index
      %get3A_2345 = arith.constant 16 : index
      %get3A_2346 = tpu.vector_load %arg17[%get3A_2344, %get3A_2345] {strides = array<i32>} : memref<32x32xf32, #tpu.memory_space<vmem>>, vector<16xf32>,
      %mul3A_2347 = vector.broadcast %squeeze3A_2335 : f32 to vector<16xf32>
      %mul3A_2348 = arith.mulf %mul3A_2347, %get3A_2346 : vector<16xf32>
      %add3A_2349 = arith.addf %add3A_2333, %mul3A_2348 : vector<16xf32>
      %slice3A_2350 = vector.extract_strided_slice %max3A_2230 {offsets = [7], sizes = [1], strides = [1]} : vector<16xf32> to vector<1xf32>
      %squeeze3A_2351 = vector.extract %slice3A_2350[0] : f32 from vector<1xf32>
      %get3A_2352 = arith.constant 7 : i32
      %get3A_2353 = arith.index_cast %get3A_2352 : i32 to index
      %get3A_2354 = arith.constant 0 : index
      %get3A_2355 = tpu.vector_load %arg17[%get3A_2353, %get3A_2354] {strides = array<i32>} : memref<32x32xf32, #tpu.memory_space<vmem>>, vector<16xf32>,
      %mul3A_2356 = vector.broadcast %squeeze3A_2351 : f32 to vector<16xf32>
      %mul3A_2357 = arith.mulf %mul3A_2356, %get3A_2355 : vector<16xf32>
      %add3A_2358 = arith.addf %add3A_2342, %mul3A_2357 : vector<16xf32>
      %get3A_2359 = arith.constant 7 : i32
      %get3A_2360 = arith.index_cast %get3A_2359 : i32 to index
      %get3A_2361 = arith.constant 16 : index
      %get3A_2362 = tpu.vector_load %arg17[%get3A_2360, %get3A_2361] {strides = array<i32>} : memref<32x32xf32, #tpu.memory_space<vmem>>, vector<16xf32>,
      %mul3A_2363 = vector.broadcast %squeeze3A_2351 : f32 to vector<16xf32>
      %mul3A_2364 = arith.mulf %mul3A_2363, %get3A_2362 : vector<16xf32>
      %add3A_2365 = arith.addf %add3A_2349, %mul3A_2364 : vector<16xf32>
      %slice3A_2366 = vector.extract_strided_slice %max3A_2230 {offsets = [8], sizes = [1], strides = [1]} : vector<16xf32> to vector<1xf32>
      %squeeze3A_2367 = vector.extract %slice3A_2366[0] : f32 from vector<1xf32>
      %get3A_2368 = arith.constant 8 : i32
      %get3A_2369 = arith.index_cast %get3A_2368 : i32 to index
      %get3A_2370 = arith.constant 0 : index
      %get3A_2371 = tpu.vector_load %arg17[%get3A_2369, %get3A_2370] {strides = array<i32>} : memref<32x32xf32, #tpu.memory_space<vmem>>, vector<16xf32>,
      %mul3A_2372 = vector.broadcast %squeeze3A_2367 : f32 to vector<16xf32>
      %mul3A_2373 = arith.mulf %mul3A_2372, %get3A_2371 : vector<16xf32>
      %add3A_2374 = arith.addf %add3A_2358, %mul3A_2373 : vector<16xf32>
      %get3A_2375 = arith.constant 8 : i32
      %get3A_2376 = arith.index_cast %get3A_2375 : i32 to index
      %get3A_2377 = arith.constant 16 : index
      %get3A_2378 = tpu.vector_load %arg17[%get3A_2376, %get3A_2377] {strides = array<i32>} : memref<32x32xf32, #tpu.memory_space<vmem>>, vector<16xf32>,
      %mul3A_2379 = vector.broadcast %squeeze3A_2367 : f32 to vector<16xf32>
      %mul3A_2380 = arith.mulf %mul3A_2379, %get3A_2378 : vector<16xf32>
      %add3A_2381 = arith.addf %add3A_2365, %mul3A_2380 : vector<16xf32>
      %slice3A_2382 = vector.extract_strided_slice %max3A_2230 {offsets = [9], sizes = [1], strides = [1]} : vector<16xf32> to vector<1xf32>
      %squeeze3A_2383 = vector.extract %slice3A_2382[0] : f32 from vector<1xf32>
      %get3A_2384 = arith.constant 9 : i32
      %get3A_2385 = arith.index_cast %get3A_2384 : i32 to index
      %get3A_2386 = arith.constant 0 : index
      %get3A_2387 = tpu.vector_load %arg17[%get3A_2385, %get3A_2386] {strides = array<i32>} : memref<32x32xf32, #tpu.memory_space<vmem>>, vector<16xf32>,
      %mul3A_2388 = vector.broadcast %squeeze3A_2383 : f32 to vector<16xf32>
      %mul3A_2389 = arith.mulf %mul3A_2388, %get3A_2387 : vector<16xf32>
      %add3A_2390 = arith.addf %add3A_2374, %mul3A_2389 : vector<16xf32>
      %get3A_2391 = arith.constant 9 : i32
      %get3A_2392 = arith.index_cast %get3A_2391 : i32 to index
      %get3A_2393 = arith.constant 16 : index
      %get3A_2394 = tpu.vector_load %arg17[%get3A_2392, %get3A_2393] {strides = array<i32>} : memref<32x32xf32, #tpu.memory_space<vmem>>, vector<16xf32>,
      %mul3A_2395 = vector.broadcast %squeeze3A_2383 : f32 to vector<16xf32>
      %mul3A_2396 = arith.mulf %mul3A_2395, %get3A_2394 : vector<16xf32>
      %add3A_2397 = arith.addf %add3A_2381, %mul3A_2396 : vector<16xf32>
      %slice3A_2398 = vector.extract_strided_slice %max3A_2230 {offsets = [10], sizes = [1], strides = [1]} : vector<16xf32> to vector<1xf32>
      %squeeze3A_2399 = vector.extract %slice3A_2398[0] : f32 from vector<1xf32>
      %get3A_2400 = arith.constant 10 : i32
      %get3A_2401 = arith.index_cast %get3A_2400 : i32 to index
      %get3A_2402 = arith.constant 0 : index
      %get3A_2403 = tpu.vector_load %arg17[%get3A_2401, %get3A_2402] {strides = array<i32>} : memref<32x32xf32, #tpu.memory_space<vmem>>, vector<16xf32>,
      %mul3A_2404 = vector.broadcast %squeeze3A_2399 : f32 to vector<16xf32>
      %mul3A_2405 = arith.mulf %mul3A_2404, %get3A_2403 : vector<16xf32>
      %add3A_2406 = arith.addf %add3A_2390, %mul3A_2405 : vector<16xf32>
      %get3A_2407 = arith.constant 10 : i32
      %get3A_2408 = arith.index_cast %get3A_2407 : i32 to index
      %get3A_2409 = arith.constant 16 : index
      %get3A_2410 = tpu.vector_load %arg17[%get3A_2408, %get3A_2409] {strides = array<i32>} : memref<32x32xf32, #tpu.memory_space<vmem>>, vector<16xf32>,
      %mul3A_2411 = vector.broadcast %squeeze3A_2399 : f32 to vector<16xf32>
      %mul3A_2412 = arith.mulf %mul3A_2411, %get3A_2410 : vector<16xf32>
      %add3A_2413 = arith.addf %add3A_2397, %mul3A_2412 : vector<16xf32>
      %slice3A_2414 = vector.extract_strided_slice %max3A_2230 {offsets = [11], sizes = [1], strides = [1]} : vector<16xf32> to vector<1xf32>
      %squeeze3A_2415 = vector.extract %slice3A_2414[0] : f32 from vector<1xf32>
      %get3A_2416 = arith.constant 11 : i32
      %get3A_2417 = arith.index_cast %get3A_2416 : i32 to index
      %get3A_2418 = arith.constant 0 : index
      %get3A_2419 = tpu.vector_load %arg17[%get3A_2417, %get3A_2418] {strides = array<i32>} : memref<32x32xf32, #tpu.memory_space<vmem>>, vector<16xf32>,
      %mul3A_2420 = vector.broadcast %squeeze3A_2415 : f32 to vector<16xf32>
      %mul3A_2421 = arith.mulf %mul3A_2420, %get3A_2419 : vector<16xf32>
      %add3A_2422 = arith.addf %add3A_2406, %mul3A_2421 : vector<16xf32>
      %get3A_2423 = arith.constant 11 : i32
      %get3A_2424 = arith.index_cast %get3A_2423 : i32 to index
      %get3A_2425 = arith.constant 16 : index
      %get3A_2426 = tpu.vector_load %arg17[%get3A_2424, %get3A_2425] {strides = array<i32>} : memref<32x32xf32, #tpu.memory_space<vmem>>, vector<16xf32>,
      %mul3A_2427 = vector.broadcast %squeeze3A_2415 : f32 to vector<16xf32>
      %mul3A_2428 = arith.mulf %mul3A_2427, %get3A_2426 : vector<16xf32>
      %add3A_2429 = arith.addf %add3A_2413, %mul3A_2428 : vector<16xf32>
      %slice3A_2430 = vector.extract_strided_slice %max3A_2230 {offsets = [12], sizes = [1], strides = [1]} : vector<16xf32> to vector<1xf32>
      %squeeze3A_2431 = vector.extract %slice3A_2430[0] : f32 from vector<1xf32>
      %get3A_2432 = arith.constant 12 : i32
      %get3A_2433 = arith.index_cast %get3A_2432 : i32 to index
      %get3A_2434 = arith.constant 0 : index
      %get3A_2435 = tpu.vector_load %arg17[%get3A_2433, %get3A_2434] {strides = array<i32>} : memref<32x32xf32, #tpu.memory_space<vmem>>, vector<16xf32>,
      %mul3A_2436 = vector.broadcast %squeeze3A_2431 : f32 to vector<16xf32>
      %mul3A_2437 = arith.mulf %mul3A_2436, %get3A_2435 : vector<16xf32>
      %add3A_2438 = arith.addf %add3A_2422, %mul3A_2437 : vector<16xf32>
      %get3A_2439 = arith.constant 12 : i32
      %get3A_2440 = arith.index_cast %get3A_2439 : i32 to index
      %get3A_2441 = arith.constant 16 : index
      %get3A_2442 = tpu.vector_load %arg17[%get3A_2440, %get3A_2441] {strides = array<i32>} : memref<32x32xf32, #tpu.memory_space<vmem>>, vector<16xf32>,
      %mul3A_2443 = vector.broadcast %squeeze3A_2431 : f32 to vector<16xf32>
      %mul3A_2444 = arith.mulf %mul3A_2443, %get3A_2442 : vector<16xf32>
      %add3A_2445 = arith.addf %add3A_2429, %mul3A_2444 : vector<16xf32>
      %slice3A_2446 = vector.extract_strided_slice %max3A_2230 {offsets = [13], sizes = [1], strides = [1]} : vector<16xf32> to vector<1xf32>
      %squeeze3A_2447 = vector.extract %slice3A_2446[0] : f32 from vector<1xf32>
      %get3A_2448 = arith.constant 13 : i32
      %get3A_2449 = arith.index_cast %get3A_2448 : i32 to index
      %get3A_2450 = arith.constant 0 : index
      %get3A_2451 = tpu.vector_load %arg17[%get3A_2449, %get3A_2450] {strides = array<i32>} : memref<32x32xf32, #tpu.memory_space<vmem>>, vector<16xf32>,
      %mul3A_2452 = vector.broadcast %squeeze3A_2447 : f32 to vector<16xf32>
      %mul3A_2453 = arith.mulf %mul3A_2452, %get3A_2451 : vector<16xf32>
      %add3A_2454 = arith.addf %add3A_2438, %mul3A_2453 : vector<16xf32>
      %get3A_2455 = arith.constant 13 : i32
      %get3A_2456 = arith.index_cast %get3A_2455 : i32 to index
      %get3A_2457 = arith.constant 16 : index
      %get3A_2458 = tpu.vector_load %arg17[%get3A_2456, %get3A_2457] {strides = array<i32>} : memref<32x32xf32, #tpu.memory_space<vmem>>, vector<16xf32>,
      %mul3A_2459 = vector.broadcast %squeeze3A_2447 : f32 to vector<16xf32>
      %mul3A_2460 = arith.mulf %mul3A_2459, %get3A_2458 : vector<16xf32>
      %add3A_2461 = arith.addf %add3A_2445, %mul3A_2460 : vector<16xf32>
      %slice3A_2462 = vector.extract_strided_slice %max3A_2230 {offsets = [14], sizes = [1], strides = [1]} : vector<16xf32> to vector<1xf32>
      %squeeze3A_2463 = vector.extract %slice3A_2462[0] : f32 from vector<1xf32>
      %get3A_2464 = arith.constant 14 : i32
      %get3A_2465 = arith.index_cast %get3A_2464 : i32 to index
      %get3A_2466 = arith.constant 0 : index
      %get3A_2467 = tpu.vector_load %arg17[%get3A_2465, %get3A_2466] {strides = array<i32>} : memref<32x32xf32, #tpu.memory_space<vmem>>, vector<16xf32>,
      %mul3A_2468 = vector.broadcast %squeeze3A_2463 : f32 to vector<16xf32>
      %mul3A_2469 = arith.mulf %mul3A_2468, %get3A_2467 : vector<16xf32>
      %add3A_2470 = arith.addf %add3A_2454, %mul3A_2469 : vector<16xf32>
      %get3A_2471 = arith.constant 14 : i32
      %get3A_2472 = arith.index_cast %get3A_2471 : i32 to index
      %get3A_2473 = arith.constant 16 : index
      %get3A_2474 = tpu.vector_load %arg17[%get3A_2472, %get3A_2473] {strides = array<i32>} : memref<32x32xf32, #tpu.memory_space<vmem>>, vector<16xf32>,
      %mul3A_2475 = vector.broadcast %squeeze3A_2463 : f32 to vector<16xf32>
      %mul3A_2476 = arith.mulf %mul3A_2475, %get3A_2474 : vector<16xf32>
      %add3A_2477 = arith.addf %add3A_2461, %mul3A_2476 : vector<16xf32>
      %slice3A_2478 = vector.extract_strided_slice %max3A_2230 {offsets = [15], sizes = [1], strides = [1]} : vector<16xf32> to vector<1xf32>
      %squeeze3A_2479 = vector.extract %slice3A_2478[0] : f32 from vector<1xf32>
      %get3A_2480 = arith.constant 15 : i32
      %get3A_2481 = arith.index_cast %get3A_2480 : i32 to index
      %get3A_2482 = arith.constant 0 : index
      %get3A_2483 = tpu.vector_load %arg17[%get3A_2481, %get3A_2482] {strides = array<i32>} : memref<32x32xf32, #tpu.memory_space<vmem>>, vector<16xf32>,
      %mul3A_2484 = vector.broadcast %squeeze3A_2479 : f32 to vector<16xf32>
      %mul3A_2485 = arith.mulf %mul3A_2484, %get3A_2483 : vector<16xf32>
      %add3A_2486 = arith.addf %add3A_2470, %mul3A_2485 : vector<16xf32>
      %get3A_2487 = arith.constant 15 : i32
      %get3A_2488 = arith.index_cast %get3A_2487 : i32 to index
      %get3A_2489 = arith.constant 16 : index
      %get3A_2490 = tpu.vector_load %arg17[%get3A_2488, %get3A_2489] {strides = array<i32>} : memref<32x32xf32, #tpu.memory_space<vmem>>, vector<16xf32>,
      %mul3A_2491 = vector.broadcast %squeeze3A_2479 : f32 to vector<16xf32>
      %mul3A_2492 = arith.mulf %mul3A_2491, %get3A_2490 : vector<16xf32>
      %add3A_2493 = arith.addf %add3A_2477, %mul3A_2492 : vector<16xf32>
      %slice3A_2494 = vector.extract_strided_slice %max3A_2233 {offsets = [0], sizes = [1], strides = [1]} : vector<16xf32> to vector<1xf32>
      %squeeze3A_2495 = vector.extract %slice3A_2494[0] : f32 from vector<1xf32>
      %get3A_2496 = arith.constant 16 : i32
      %get3A_2497 = arith.index_cast %get3A_2496 : i32 to index
      %get3A_2498 = arith.constant 0 : index
      %get3A_2499 = tpu.vector_load %arg17[%get3A_2497, %get3A_2498] {strides = array<i32>} : memref<32x32xf32, #tpu.memory_space<vmem>>, vector<16xf32>,
      %mul3A_2500 = vector.broadcast %squeeze3A_2495 : f32 to vector<16xf32>
      %mul3A_2501 = arith.mulf %mul3A_2500, %get3A_2499 : vector<16xf32>
      %add3A_2502 = arith.addf %add3A_2486, %mul3A_2501 : vector<16xf32>
      %get3A_2503 = arith.constant 16 : i32
      %get3A_2504 = arith.index_cast %get3A_2503 : i32 to index
      %get3A_2505 = arith.constant 16 : index
      %get3A_2506 = tpu.vector_load %arg17[%get3A_2504, %get3A_2505] {strides = array<i32>} : memref<32x32xf32, #tpu.memory_space<vmem>>, vector<16xf32>,
      %mul3A_2507 = vector.broadcast %squeeze3A_2495 : f32 to vector<16xf32>
      %mul3A_2508 = arith.mulf %mul3A_2507, %get3A_2506 : vector<16xf32>
      %add3A_2509 = arith.addf %add3A_2493, %mul3A_2508 : vector<16xf32>
      %slice3A_2510 = vector.extract_strided_slice %max3A_2233 {offsets = [1], sizes = [1], strides = [1]} : vector<16xf32> to vector<1xf32>
      %squeeze3A_2511 = vector.extract %slice3A_2510[0] : f32 from vector<1xf32>
      %get3A_2512 = arith.constant 17 : i32
      %get3A_2513 = arith.index_cast %get3A_2512 : i32 to index
      %get3A_2514 = arith.constant 0 : index
      %get3A_2515 = tpu.vector_load %arg17[%get3A_2513, %get3A_2514] {strides = array<i32>} : memref<32x32xf32, #tpu.memory_space<vmem>>, vector<16xf32>,
      %mul3A_2516 = vector.broadcast %squeeze3A_2511 : f32 to vector<16xf32>
      %mul3A_2517 = arith.mulf %mul3A_2516, %get3A_2515 : vector<16xf32>
      %add3A_2518 = arith.addf %add3A_2502, %mul3A_2517 : vector<16xf32>
      %get3A_2519 = arith.constant 17 : i32
      %get3A_2520 = arith.index_cast %get3A_2519 : i32 to index
      %get3A_2521 = arith.constant 16 : index
      %get3A_2522 = tpu.vector_load %arg17[%get3A_2520, %get3A_2521] {strides = array<i32>} : memref<32x32xf32, #tpu.memory_space<vmem>>, vector<16xf32>,
      %mul3A_2523 = vector.broadcast %squeeze3A_2511 : f32 to vector<16xf32>
      %mul3A_2524 = arith.mulf %mul3A_2523, %get3A_2522 : vector<16xf32>
      %add3A_2525 = arith.addf %add3A_2509, %mul3A_2524 : vector<16xf32>
      %slice3A_2526 = vector.extract_strided_slice %max3A_2233 {offsets = [2], sizes = [1], strides = [1]} : vector<16xf32> to vector<1xf32>
      %squeeze3A_2527 = vector.extract %slice3A_2526[0] : f32 from vector<1xf32>
      %get3A_2528 = arith.constant 18 : i32
      %get3A_2529 = arith.index_cast %get3A_2528 : i32 to index
      %get3A_2530 = arith.constant 0 : index
      %get3A_2531 = tpu.vector_load %arg17[%get3A_2529, %get3A_2530] {strides = array<i32>} : memref<32x32xf32, #tpu.memory_space<vmem>>, vector<16xf32>,
      %mul3A_2532 = vector.broadcast %squeeze3A_2527 : f32 to vector<16xf32>
      %mul3A_2533 = arith.mulf %mul3A_2532, %get3A_2531 : vector<16xf32>
      %add3A_2534 = arith.addf %add3A_2518, %mul3A_2533 : vector<16xf32>
      %get3A_2535 = arith.constant 18 : i32
      %get3A_2536 = arith.index_cast %get3A_2535 : i32 to index
      %get3A_2537 = arith.constant 16 : index
      %get3A_2538 = tpu.vector_load %arg17[%get3A_2536, %get3A_2537] {strides = array<i32>} : memref<32x32xf32, #tpu.memory_space<vmem>>, vector<16xf32>,
      %mul3A_2539 = vector.broadcast %squeeze3A_2527 : f32 to vector<16xf32>
      %mul3A_2540 = arith.mulf %mul3A_2539, %get3A_2538 : vector<16xf32>
      %add3A_2541 = arith.addf %add3A_2525, %mul3A_2540 : vector<16xf32>
      %slice3A_2542 = vector.extract_strided_slice %max3A_2233 {offsets = [3], sizes = [1], strides = [1]} : vector<16xf32> to vector<1xf32>
      %squeeze3A_2543 = vector.extract %slice3A_2542[0] : f32 from vector<1xf32>
      %get3A_2544 = arith.constant 19 : i32
      %get3A_2545 = arith.index_cast %get3A_2544 : i32 to index
      %get3A_2546 = arith.constant 0 : index
      %get3A_2547 = tpu.vector_load %arg17[%get3A_2545, %get3A_2546] {strides = array<i32>} : memref<32x32xf32, #tpu.memory_space<vmem>>, vector<16xf32>,
      %mul3A_2548 = vector.broadcast %squeeze3A_2543 : f32 to vector<16xf32>
      %mul3A_2549 = arith.mulf %mul3A_2548, %get3A_2547 : vector<16xf32>
      %add3A_2550 = arith.addf %add3A_2534, %mul3A_2549 : vector<16xf32>
      %get3A_2551 = arith.constant 19 : i32
      %get3A_2552 = arith.index_cast %get3A_2551 : i32 to index
      %get3A_2553 = arith.constant 16 : index
      %get3A_2554 = tpu.vector_load %arg17[%get3A_2552, %get3A_2553] {strides = array<i32>} : memref<32x32xf32, #tpu.memory_space<vmem>>, vector<16xf32>,
      %mul3A_2555 = vector.broadcast %squeeze3A_2543 : f32 to vector<16xf32>
      %mul3A_2556 = arith.mulf %mul3A_2555, %get3A_2554 : vector<16xf32>
      %add3A_2557 = arith.addf %add3A_2541, %mul3A_2556 : vector<16xf32>
      %slice3A_2558 = vector.extract_strided_slice %max3A_2233 {offsets = [4], sizes = [1], strides = [1]} : vector<16xf32> to vector<1xf32>
      %squeeze3A_2559 = vector.extract %slice3A_2558[0] : f32 from vector<1xf32>
      %get3A_2560 = arith.constant 20 : i32
      %get3A_2561 = arith.index_cast %get3A_2560 : i32 to index
      %get3A_2562 = arith.constant 0 : index
      %get3A_2563 = tpu.vector_load %arg17[%get3A_2561, %get3A_2562] {strides = array<i32>} : memref<32x32xf32, #tpu.memory_space<vmem>>, vector<16xf32>,
      %mul3A_2564 = vector.broadcast %squeeze3A_2559 : f32 to vector<16xf32>
      %mul3A_2565 = arith.mulf %mul3A_2564, %get3A_2563 : vector<16xf32>
      %add3A_2566 = arith.addf %add3A_2550, %mul3A_2565 : vector<16xf32>
      %get3A_2567 = arith.constant 20 : i32
      %get3A_2568 = arith.index_cast %get3A_2567 : i32 to index
      %get3A_2569 = arith.constant 16 : index
      %get3A_2570 = tpu.vector_load %arg17[%get3A_2568, %get3A_2569] {strides = array<i32>} : memref<32x32xf32, #tpu.memory_space<vmem>>, vector<16xf32>,
      %mul3A_2571 = vector.broadcast %squeeze3A_2559 : f32 to vector<16xf32>
      %mul3A_2572 = arith.mulf %mul3A_2571, %get3A_2570 : vector<16xf32>
      %add3A_2573 = arith.addf %add3A_2557, %mul3A_2572 : vector<16xf32>
      %slice3A_2574 = vector.extract_strided_slice %max3A_2233 {offsets = [5], sizes = [1], strides = [1]} : vector<16xf32> to vector<1xf32>
      %squeeze3A_2575 = vector.extract %slice3A_2574[0] : f32 from vector<1xf32>
      %get3A_2576 = arith.constant 21 : i32
      %get3A_2577 = arith.index_cast %get3A_2576 : i32 to index
      %get3A_2578 = arith.constant 0 : index
      %get3A_2579 = tpu.vector_load %arg17[%get3A_2577, %get3A_2578] {strides = array<i32>} : memref<32x32xf32, #tpu.memory_space<vmem>>, vector<16xf32>,
      %mul3A_2580 = vector.broadcast %squeeze3A_2575 : f32 to vector<16xf32>
      %mul3A_2581 = arith.mulf %mul3A_2580, %get3A_2579 : vector<16xf32>
      %add3A_2582 = arith.addf %add3A_2566, %mul3A_2581 : vector<16xf32>
      %get3A_2583 = arith.constant 21 : i32
      %get3A_2584 = arith.index_cast %get3A_2583 : i32 to index
      %get3A_2585 = arith.constant 16 : index
      %get3A_2586 = tpu.vector_load %arg17[%get3A_2584, %get3A_2585] {strides = array<i32>} : memref<32x32xf32, #tpu.memory_space<vmem>>, vector<16xf32>,
      %mul3A_2587 = vector.broadcast %squeeze3A_2575 : f32 to vector<16xf32>
      %mul3A_2588 = arith.mulf %mul3A_2587, %get3A_2586 : vector<16xf32>
      %add3A_2589 = arith.addf %add3A_2573, %mul3A_2588 : vector<16xf32>
      %slice3A_2590 = vector.extract_strided_slice %max3A_2233 {offsets = [6], sizes = [1], strides = [1]} : vector<16xf32> to vector<1xf32>
      %squeeze3A_2591 = vector.extract %slice3A_2590[0] : f32 from vector<1xf32>
      %get3A_2592 = arith.constant 22 : i32
      %get3A_2593 = arith.index_cast %get3A_2592 : i32 to index
      %get3A_2594 = arith.constant 0 : index
      %get3A_2595 = tpu.vector_load %arg17[%get3A_2593, %get3A_2594] {strides = array<i32>} : memref<32x32xf32, #tpu.memory_space<vmem>>, vector<16xf32>,
      %mul3A_2596 = vector.broadcast %squeeze3A_2591 : f32 to vector<16xf32>
      %mul3A_2597 = arith.mulf %mul3A_2596, %get3A_2595 : vector<16xf32>
      %add3A_2598 = arith.addf %add3A_2582, %mul3A_2597 : vector<16xf32>
      %get3A_2599 = arith.constant 22 : i32
      %get3A_2600 = arith.index_cast %get3A_2599 : i32 to index
      %get3A_2601 = arith.constant 16 : index
      %get3A_2602 = tpu.vector_load %arg17[%get3A_2600, %get3A_2601] {strides = array<i32>} : memref<32x32xf32, #tpu.memory_space<vmem>>, vector<16xf32>,
      %mul3A_2603 = vector.broadcast %squeeze3A_2591 : f32 to vector<16xf32>
      %mul3A_2604 = arith.mulf %mul3A_2603, %get3A_2602 : vector<16xf32>
      %add3A_2605 = arith.addf %add3A_2589, %mul3A_2604 : vector<16xf32>
      %slice3A_2606 = vector.extract_strided_slice %max3A_2233 {offsets = [7], sizes = [1], strides = [1]} : vector<16xf32> to vector<1xf32>
      %squeeze3A_2607 = vector.extract %slice3A_2606[0] : f32 from vector<1xf32>
      %get3A_2608 = arith.constant 23 : i32
      %get3A_2609 = arith.index_cast %get3A_2608 : i32 to index
      %get3A_2610 = arith.constant 0 : index
      %get3A_2611 = tpu.vector_load %arg17[%get3A_2609, %get3A_2610] {strides = array<i32>} : memref<32x32xf32, #tpu.memory_space<vmem>>, vector<16xf32>,
      %mul3A_2612 = vector.broadcast %squeeze3A_2607 : f32 to vector<16xf32>
      %mul3A_2613 = arith.mulf %mul3A_2612, %get3A_2611 : vector<16xf32>
      %add3A_2614 = arith.addf %add3A_2598, %mul3A_2613 : vector<16xf32>
      %get3A_2615 = arith.constant 23 : i32
      %get3A_2616 = arith.index_cast %get3A_2615 : i32 to index
      %get3A_2617 = arith.constant 16 : index
      %get3A_2618 = tpu.vector_load %arg17[%get3A_2616, %get3A_2617] {strides = array<i32>} : memref<32x32xf32, #tpu.memory_space<vmem>>, vector<16xf32>,
      %mul3A_2619 = vector.broadcast %squeeze3A_2607 : f32 to vector<16xf32>
      %mul3A_2620 = arith.mulf %mul3A_2619, %get3A_2618 : vector<16xf32>
      %add3A_2621 = arith.addf %add3A_2605, %mul3A_2620 : vector<16xf32>
      %slice3A_2622 = vector.extract_strided_slice %max3A_2233 {offsets = [8], sizes = [1], strides = [1]} : vector<16xf32> to vector<1xf32>
      %squeeze3A_2623 = vector.extract %slice3A_2622[0] : f32 from vector<1xf32>
      %get3A_2624 = arith.constant 24 : i32
      %get3A_2625 = arith.index_cast %get3A_2624 : i32 to index
      %get3A_2626 = arith.constant 0 : index
      %get3A_2627 = tpu.vector_load %arg17[%get3A_2625, %get3A_2626] {strides = array<i32>} : memref<32x32xf32, #tpu.memory_space<vmem>>, vector<16xf32>,
      %mul3A_2628 = vector.broadcast %squeeze3A_2623 : f32 to vector<16xf32>
      %mul3A_2629 = arith.mulf %mul3A_2628, %get3A_2627 : vector<16xf32>
      %add3A_2630 = arith.addf %add3A_2614, %mul3A_2629 : vector<16xf32>
      %get3A_2631 = arith.constant 24 : i32
      %get3A_2632 = arith.index_cast %get3A_2631 : i32 to index
      %get3A_2633 = arith.constant 16 : index
      %get3A_2634 = tpu.vector_load %arg17[%get3A_2632, %get3A_2633] {strides = array<i32>} : memref<32x32xf32, #tpu.memory_space<vmem>>, vector<16xf32>,
      %mul3A_2635 = vector.broadcast %squeeze3A_2623 : f32 to vector<16xf32>
      %mul3A_2636 = arith.mulf %mul3A_2635, %get3A_2634 : vector<16xf32>
      %add3A_2637 = arith.addf %add3A_2621, %mul3A_2636 : vector<16xf32>
      %slice3A_2638 = vector.extract_strided_slice %max3A_2233 {offsets = [9], sizes = [1], strides = [1]} : vector<16xf32> to vector<1xf32>
      %squeeze3A_2639 = vector.extract %slice3A_2638[0] : f32 from vector<1xf32>
      %get3A_2640 = arith.constant 25 : i32
      %get3A_2641 = arith.index_cast %get3A_2640 : i32 to index
      %get3A_2642 = arith.constant 0 : index
      %get3A_2643 = tpu.vector_load %arg17[%get3A_2641, %get3A_2642] {strides = array<i32>} : memref<32x32xf32, #tpu.memory_space<vmem>>, vector<16xf32>,
      %mul3A_2644 = vector.broadcast %squeeze3A_2639 : f32 to vector<16xf32>
      %mul3A_2645 = arith.mulf %mul3A_2644, %get3A_2643 : vector<16xf32>
      %add3A_2646 = arith.addf %add3A_2630, %mul3A_2645 : vector<16xf32>
      %get3A_2647 = arith.constant 25 : i32
      %get3A_2648 = arith.index_cast %get3A_2647 : i32 to index
      %get3A_2649 = arith.constant 16 : index
      %get3A_2650 = tpu.vector_load %arg17[%get3A_2648, %get3A_2649] {strides = array<i32>} : memref<32x32xf32, #tpu.memory_space<vmem>>, vector<16xf32>,
      %mul3A_2651 = vector.broadcast %squeeze3A_2639 : f32 to vector<16xf32>
      %mul3A_2652 = arith.mulf %mul3A_2651, %get3A_2650 : vector<16xf32>
      %add3A_2653 = arith.addf %add3A_2637, %mul3A_2652 : vector<16xf32>
      %slice3A_2654 = vector.extract_strided_slice %max3A_2233 {offsets = [10], sizes = [1], strides = [1]} : vector<16xf32> to vector<1xf32>
      %squeeze3A_2655 = vector.extract %slice3A_2654[0] : f32 from vector<1xf32>
      %get3A_2656 = arith.constant 26 : i32
      %get3A_2657 = arith.index_cast %get3A_2656 : i32 to index
      %get3A_2658 = arith.constant 0 : index
      %get3A_2659 = tpu.vector_load %arg17[%get3A_2657, %get3A_2658] {strides = array<i32>} : memref<32x32xf32, #tpu.memory_space<vmem>>, vector<16xf32>,
      %mul3A_2660 = vector.broadcast %squeeze3A_2655 : f32 to vector<16xf32>
      %mul3A_2661 = arith.mulf %mul3A_2660, %get3A_2659 : vector<16xf32>
      %add3A_2662 = arith.addf %add3A_2646, %mul3A_2661 : vector<16xf32>
      %get3A_2663 = arith.constant 26 : i32
      %get3A_2664 = arith.index_cast %get3A_2663 : i32 to index
      %get3A_2665 = arith.constant 16 : index
      %get3A_2666 = tpu.vector_load %arg17[%get3A_2664, %get3A_2665] {strides = array<i32>} : memref<32x32xf32, #tpu.memory_space<vmem>>, vector<16xf32>,
      %mul3A_2667 = vector.broadcast %squeeze3A_2655 : f32 to vector<16xf32>
      %mul3A_2668 = arith.mulf %mul3A_2667, %get3A_2666 : vector<16xf32>
      %add3A_2669 = arith.addf %add3A_2653, %mul3A_2668 : vector<16xf32>
      %slice3A_2670 = vector.extract_strided_slice %max3A_2233 {offsets = [11], sizes = [1], strides = [1]} : vector<16xf32> to vector<1xf32>
      %squeeze3A_2671 = vector.extract %slice3A_2670[0] : f32 from vector<1xf32>
      %get3A_2672 = arith.constant 27 : i32
      %get3A_2673 = arith.index_cast %get3A_2672 : i32 to index
      %get3A_2674 = arith.constant 0 : index
      %get3A_2675 = tpu.vector_load %arg17[%get3A_2673, %get3A_2674] {strides = array<i32>} : memref<32x32xf32, #tpu.memory_space<vmem>>, vector<16xf32>,
      %mul3A_2676 = vector.broadcast %squeeze3A_2671 : f32 to vector<16xf32>
      %mul3A_2677 = arith.mulf %mul3A_2676, %get3A_2675 : vector<16xf32>
      %add3A_2678 = arith.addf %add3A_2662, %mul3A_2677 : vector<16xf32>
      %get3A_2679 = arith.constant 27 : i32
      %get3A_2680 = arith.index_cast %get3A_2679 : i32 to index
      %get3A_2681 = arith.constant 16 : index
      %get3A_2682 = tpu.vector_load %arg17[%get3A_2680, %get3A_2681] {strides = array<i32>} : memref<32x32xf32, #tpu.memory_space<vmem>>, vector<16xf32>,
      %mul3A_2683 = vector.broadcast %squeeze3A_2671 : f32 to vector<16xf32>
      %mul3A_2684 = arith.mulf %mul3A_2683, %get3A_2682 : vector<16xf32>
      %add3A_2685 = arith.addf %add3A_2669, %mul3A_2684 : vector<16xf32>
      %slice3A_2686 = vector.extract_strided_slice %max3A_2233 {offsets = [12], sizes = [1], strides = [1]} : vector<16xf32> to vector<1xf32>
      %squeeze3A_2687 = vector.extract %slice3A_2686[0] : f32 from vector<1xf32>
      %get3A_2688 = arith.constant 28 : i32
      %get3A_2689 = arith.index_cast %get3A_2688 : i32 to index
      %get3A_2690 = arith.constant 0 : index
      %get3A_2691 = tpu.vector_load %arg17[%get3A_2689, %get3A_2690] {strides = array<i32>} : memref<32x32xf32, #tpu.memory_space<vmem>>, vector<16xf32>,
      %mul3A_2692 = vector.broadcast %squeeze3A_2687 : f32 to vector<16xf32>
      %mul3A_2693 = arith.mulf %mul3A_2692, %get3A_2691 : vector<16xf32>
      %add3A_2694 = arith.addf %add3A_2678, %mul3A_2693 : vector<16xf32>
      %get3A_2695 = arith.constant 28 : i32
      %get3A_2696 = arith.index_cast %get3A_2695 : i32 to index
      %get3A_2697 = arith.constant 16 : index
      %get3A_2698 = tpu.vector_load %arg17[%get3A_2696, %get3A_2697] {strides = array<i32>} : memref<32x32xf32, #tpu.memory_space<vmem>>, vector<16xf32>,
      %mul3A_2699 = vector.broadcast %squeeze3A_2687 : f32 to vector<16xf32>
      %mul3A_2700 = arith.mulf %mul3A_2699, %get3A_2698 : vector<16xf32>
      %add3A_2701 = arith.addf %add3A_2685, %mul3A_2700 : vector<16xf32>
      %slice3A_2702 = vector.extract_strided_slice %max3A_2233 {offsets = [13], sizes = [1], strides = [1]} : vector<16xf32> to vector<1xf32>
      %squeeze3A_2703 = vector.extract %slice3A_2702[0] : f32 from vector<1xf32>
      %get3A_2704 = arith.constant 29 : i32
      %get3A_2705 = arith.index_cast %get3A_2704 : i32 to index
      %get3A_2706 = arith.constant 0 : index
      %get3A_2707 = tpu.vector_load %arg17[%get3A_2705, %get3A_2706] {strides = array<i32>} : memref<32x32xf32, #tpu.memory_space<vmem>>, vector<16xf32>,
      %mul3A_2708 = vector.broadcast %squeeze3A_2703 : f32 to vector<16xf32>
      %mul3A_2709 = arith.mulf %mul3A_2708, %get3A_2707 : vector<16xf32>
      %add3A_2710 = arith.addf %add3A_2694, %mul3A_2709 : vector<16xf32>
      %get3A_2711 = arith.constant 29 : i32
      %get3A_2712 = arith.index_cast %get3A_2711 : i32 to index
      %get3A_2713 = arith.constant 16 : index
      %get3A_2714 = tpu.vector_load %arg17[%get3A_2712, %get3A_2713] {strides = array<i32>} : memref<32x32xf32, #tpu.memory_space<vmem>>, vector<16xf32>,
      %mul3A_2715 = vector.broadcast %squeeze3A_2703 : f32 to vector<16xf32>
      %mul3A_2716 = arith.mulf %mul3A_2715, %get3A_2714 : vector<16xf32>
      %add3A_2717 = arith.addf %add3A_2701, %mul3A_2716 : vector<16xf32>
      %slice3A_2718 = vector.extract_strided_slice %max3A_2233 {offsets = [14], sizes = [1], strides = [1]} : vector<16xf32> to vector<1xf32>
      %squeeze3A_2719 = vector.extract %slice3A_2718[0] : f32 from vector<1xf32>
      %get3A_2720 = arith.constant 30 : i32
      %get3A_2721 = arith.index_cast %get3A_2720 : i32 to index
      %get3A_2722 = arith.constant 0 : index
      %get3A_2723 = tpu.vector_load %arg17[%get3A_2721, %get3A_2722] {strides = array<i32>} : memref<32x32xf32, #tpu.memory_space<vmem>>, vector<16xf32>,
      %mul3A_2724 = vector.broadcast %squeeze3A_2719 : f32 to vector<16xf32>
      %mul3A_2725 = arith.mulf %mul3A_2724, %get3A_2723 : vector<16xf32>
      %add3A_2726 = arith.addf %add3A_2710, %mul3A_2725 : vector<16xf32>
      %get3A_2727 = arith.constant 30 : i32
      %get3A_2728 = arith.index_cast %get3A_2727 : i32 to index
      %get3A_2729 = arith.constant 16 : index
      %get3A_2730 = tpu.vector_load %arg17[%get3A_2728, %get3A_2729] {strides = array<i32>} : memref<32x32xf32, #tpu.memory_space<vmem>>, vector<16xf32>,
      %mul3A_2731 = vector.broadcast %squeeze3A_2719 : f32 to vector<16xf32>
      %mul3A_2732 = arith.mulf %mul3A_2731, %get3A_2730 : vector<16xf32>
      %add3A_2733 = arith.addf %add3A_2717, %mul3A_2732 : vector<16xf32>
      %slice3A_2734 = vector.extract_strided_slice %max3A_2233 {offsets = [15], sizes = [1], strides = [1]} : vector<16xf32> to vector<1xf32>
      %squeeze3A_2735 = vector.extract %slice3A_2734[0] : f32 from vector<1xf32>
      %get3A_2736 = arith.constant 31 : i32
      %get3A_2737 = arith.index_cast %get3A_2736 : i32 to index
      %get3A_2738 = arith.constant 0 : index
      %get3A_2739 = tpu.vector_load %arg17[%get3A_2737, %get3A_2738] {strides = array<i32>} : memref<32x32xf32, #tpu.memory_space<vmem>>, vector<16xf32>,
      %mul3A_2740 = vector.broadcast %squeeze3A_2735 : f32 to vector<16xf32>
      %mul3A_2741 = arith.mulf %mul3A_2740, %get3A_2739 : vector<16xf32>
      %add3A_2742 = arith.addf %add3A_2726, %mul3A_2741 : vector<16xf32>
      %get3A_2743 = arith.constant 31 : i32
      %get3A_2744 = arith.index_cast %get3A_2743 : i32 to index
      %get3A_2745 = arith.constant 16 : index
      %get3A_2746 = tpu.vector_load %arg17[%get3A_2744, %get3A_2745] {strides = array<i32>} : memref<32x32xf32, #tpu.memory_space<vmem>>, vector<16xf32>,
      %mul3A_2747 = vector.broadcast %squeeze3A_2735 : f32 to vector<16xf32>
      %mul3A_2748 = arith.mulf %mul3A_2747, %get3A_2746 : vector<16xf32>
      %add3A_2749 = arith.addf %add3A_2733, %mul3A_2748 : vector<16xf32>
      %max3A_2750 = arith.constant 0.000000e+00 : f32
      %max3A_2751 = vector.broadcast %max3A_2750 : f32 to vector<16xf32>
      %max3A_2752 = arith.maximumf %add3A_2742, %max3A_2751 : vector<16xf32>
      %max3A_2753 = arith.constant 0.000000e+00 : f32
      %max3A_2754 = vector.broadcast %max3A_2753 : f32 to vector<16xf32>
      %max3A_2755 = arith.maximumf %add3A_2749, %max3A_2754 : vector<16xf32>
      %get3A_2756 = arith.constant 0 : index
      %get3A_2757 = tpu.vector_load %arg20[%get3A_2756] {strides = array<i32>} : memref<64xf32, #tpu.memory_space<vmem>>, vector<16xf32>,
      %get3A_2758 = arith.constant 16 : index
      %get3A_2759 = tpu.vector_load %arg20[%get3A_2758] {strides = array<i32>} : memref<64xf32, #tpu.memory_space<vmem>>, vector<16xf32>,
      %get3A_2760 = arith.constant 32 : index
      %get3A_2761 = tpu.vector_load %arg20[%get3A_2760] {strides = array<i32>} : memref<64xf32, #tpu.memory_space<vmem>>, vector<16xf32>,
      %get3A_2762 = arith.constant 48 : index
      %get3A_2763 = tpu.vector_load %arg20[%get3A_2762] {strides = array<i32>} : memref<64xf32, #tpu.memory_space<vmem>>, vector<16xf32>,
      %slice3A_2764 = vector.extract_strided_slice %max3A_2752 {offsets = [0], sizes = [1], strides = [1]} : vector<16xf32> to vector<1xf32>
      %squeeze3A_2765 = vector.extract %slice3A_2764[0] : f32 from vector<1xf32>
      %get3A_2766 = arith.constant 0 : i32
      %get3A_2767 = arith.index_cast %get3A_2766 : i32 to index
      %get3A_2768 = arith.constant 0 : index
      %get3A_2769 = tpu.vector_load %arg19[%get3A_2767, %get3A_2768] {strides = array<i32>} : memref<32x64xf32, #tpu.memory_space<vmem>>, vector<16xf32>,
      %mul3A_2770 = vector.broadcast %squeeze3A_2765 : f32 to vector<16xf32>
      %mul3A_2771 = arith.mulf %mul3A_2770, %get3A_2769 : vector<16xf32>
      %add3A_2772 = arith.addf %get3A_2757, %mul3A_2771 : vector<16xf32>
      %get3A_2773 = arith.constant 0 : i32
      %get3A_2774 = arith.index_cast %get3A_2773 : i32 to index
      %get3A_2775 = arith.constant 16 : index
      %get3A_2776 = tpu.vector_load %arg19[%get3A_2774, %get3A_2775] {strides = array<i32>} : memref<32x64xf32, #tpu.memory_space<vmem>>, vector<16xf32>,
      %mul3A_2777 = vector.broadcast %squeeze3A_2765 : f32 to vector<16xf32>
      %mul3A_2778 = arith.mulf %mul3A_2777, %get3A_2776 : vector<16xf32>
      %add3A_2779 = arith.addf %get3A_2759, %mul3A_2778 : vector<16xf32>
      %get3A_2780 = arith.constant 0 : i32
      %get3A_2781 = arith.index_cast %get3A_2780 : i32 to index
      %get3A_2782 = arith.constant 32 : index
      %get3A_2783 = tpu.vector_load %arg19[%get3A_2781, %get3A_2782] {strides = array<i32>} : memref<32x64xf32, #tpu.memory_space<vmem>>, vector<16xf32>,
      %mul3A_2784 = vector.broadcast %squeeze3A_2765 : f32 to vector<16xf32>
      %mul3A_2785 = arith.mulf %mul3A_2784, %get3A_2783 : vector<16xf32>
      %add3A_2786 = arith.addf %get3A_2761, %mul3A_2785 : vector<16xf32>
      %get3A_2787 = arith.constant 0 : i32
      %get3A_2788 = arith.index_cast %get3A_2787 : i32 to index
      %get3A_2789 = arith.constant 48 : index
      %get3A_2790 = tpu.vector_load %arg19[%get3A_2788, %get3A_2789] {strides = array<i32>} : memref<32x64xf32, #tpu.memory_space<vmem>>, vector<16xf32>,
      %mul3A_2791 = vector.broadcast %squeeze3A_2765 : f32 to vector<16xf32>
      %mul3A_2792 = arith.mulf %mul3A_2791, %get3A_2790 : vector<16xf32>
      %add3A_2793 = arith.addf %get3A_2763, %mul3A_2792 : vector<16xf32>
      %slice3A_2794 = vector.extract_strided_slice %max3A_2752 {offsets = [1], sizes = [1], strides = [1]} : vector<16xf32> to vector<1xf32>
      %squeeze3A_2795 = vector.extract %slice3A_2794[0] : f32 from vector<1xf32>
      %get3A_2796 = arith.constant 1 : i32
      %get3A_2797 = arith.index_cast %get3A_2796 : i32 to index
      %get3A_2798 = arith.constant 0 : index
      %get3A_2799 = tpu.vector_load %arg19[%get3A_2797, %get3A_2798] {strides = array<i32>} : memref<32x64xf32, #tpu.memory_space<vmem>>, vector<16xf32>,
      %mul3A_2800 = vector.broadcast %squeeze3A_2795 : f32 to vector<16xf32>
      %mul3A_2801 = arith.mulf %mul3A_2800, %get3A_2799 : vector<16xf32>
      %add3A_2802 = arith.addf %add3A_2772, %mul3A_2801 : vector<16xf32>
      %get3A_2803 = arith.constant 1 : i32
      %get3A_2804 = arith.index_cast %get3A_2803 : i32 to index
      %get3A_2805 = arith.constant 16 : index
      %get3A_2806 = tpu.vector_load %arg19[%get3A_2804, %get3A_2805] {strides = array<i32>} : memref<32x64xf32, #tpu.memory_space<vmem>>, vector<16xf32>,
      %mul3A_2807 = vector.broadcast %squeeze3A_2795 : f32 to vector<16xf32>
      %mul3A_2808 = arith.mulf %mul3A_2807, %get3A_2806 : vector<16xf32>
      %add3A_2809 = arith.addf %add3A_2779, %mul3A_2808 : vector<16xf32>
      %get3A_2810 = arith.constant 1 : i32
      %get3A_2811 = arith.index_cast %get3A_2810 : i32 to index
      %get3A_2812 = arith.constant 32 : index
      %get3A_2813 = tpu.vector_load %arg19[%get3A_2811, %get3A_2812] {strides = array<i32>} : memref<32x64xf32, #tpu.memory_space<vmem>>, vector<16xf32>,
      %mul3A_2814 = vector.broadcast %squeeze3A_2795 : f32 to vector<16xf32>
      %mul3A_2815 = arith.mulf %mul3A_2814, %get3A_2813 : vector<16xf32>
      %add3A_2816 = arith.addf %add3A_2786, %mul3A_2815 : vector<16xf32>
      %get3A_2817 = arith.constant 1 : i32
      %get3A_2818 = arith.index_cast %get3A_2817 : i32 to index
      %get3A_2819 = arith.constant 48 : index
      %get3A_2820 = tpu.vector_load %arg19[%get3A_2818, %get3A_2819] {strides = array<i32>} : memref<32x64xf32, #tpu.memory_space<vmem>>, vector<16xf32>,
      %mul3A_2821 = vector.broadcast %squeeze3A_2795 : f32 to vector<16xf32>
      %mul3A_2822 = arith.mulf %mul3A_2821, %get3A_2820 : vector<16xf32>
      %add3A_2823 = arith.addf %add3A_2793, %mul3A_2822 : vector<16xf32>
      %slice3A_2824 = vector.extract_strided_slice %max3A_2752 {offsets = [2], sizes = [1], strides = [1]} : vector<16xf32> to vector<1xf32>
      %squeeze3A_2825 = vector.extract %slice3A_2824[0] : f32 from vector<1xf32>
      %get3A_2826 = arith.constant 2 : i32
      %get3A_2827 = arith.index_cast %get3A_2826 : i32 to index
      %get3A_2828 = arith.constant 0 : index
      %get3A_2829 = tpu.vector_load %arg19[%get3A_2827, %get3A_2828] {strides = array<i32>} : memref<32x64xf32, #tpu.memory_space<vmem>>, vector<16xf32>,
      %mul3A_2830 = vector.broadcast %squeeze3A_2825 : f32 to vector<16xf32>
      %mul3A_2831 = arith.mulf %mul3A_2830, %get3A_2829 : vector<16xf32>
      %add3A_2832 = arith.addf %add3A_2802, %mul3A_2831 : vector<16xf32>
      %get3A_2833 = arith.constant 2 : i32
      %get3A_2834 = arith.index_cast %get3A_2833 : i32 to index
      %get3A_2835 = arith.constant 16 : index
      %get3A_2836 = tpu.vector_load %arg19[%get3A_2834, %get3A_2835] {strides = array<i32>} : memref<32x64xf32, #tpu.memory_space<vmem>>, vector<16xf32>,
      %mul3A_2837 = vector.broadcast %squeeze3A_2825 : f32 to vector<16xf32>
      %mul3A_2838 = arith.mulf %mul3A_2837, %get3A_2836 : vector<16xf32>
      %add3A_2839 = arith.addf %add3A_2809, %mul3A_2838 : vector<16xf32>
      %get3A_2840 = arith.constant 2 : i32
      %get3A_2841 = arith.index_cast %get3A_2840 : i32 to index
      %get3A_2842 = arith.constant 32 : index
      %get3A_2843 = tpu.vector_load %arg19[%get3A_2841, %get3A_2842] {strides = array<i32>} : memref<32x64xf32, #tpu.memory_space<vmem>>, vector<16xf32>,
      %mul3A_2844 = vector.broadcast %squeeze3A_2825 : f32 to vector<16xf32>
      %mul3A_2845 = arith.mulf %mul3A_2844, %get3A_2843 : vector<16xf32>
      %add3A_2846 = arith.addf %add3A_2816, %mul3A_2845 : vector<16xf32>
      %get3A_2847 = arith.constant 2 : i32
      %get3A_2848 = arith.index_cast %get3A_2847 : i32 to index
      %get3A_2849 = arith.constant 48 : index
      %get3A_2850 = tpu.vector_load %arg19[%get3A_2848, %get3A_2849] {strides = array<i32>} : memref<32x64xf32, #tpu.memory_space<vmem>>, vector<16xf32>,
      %mul3A_2851 = vector.broadcast %squeeze3A_2825 : f32 to vector<16xf32>
      %mul3A_2852 = arith.mulf %mul3A_2851, %get3A_2850 : vector<16xf32>
      %add3A_2853 = arith.addf %add3A_2823, %mul3A_2852 : vector<16xf32>
      %slice3A_2854 = vector.extract_strided_slice %max3A_2752 {offsets = [3], sizes = [1], strides = [1]} : vector<16xf32> to vector<1xf32>
      %squeeze3A_2855 = vector.extract %slice3A_2854[0] : f32 from vector<1xf32>
      %get3A_2856 = arith.constant 3 : i32
      %get3A_2857 = arith.index_cast %get3A_2856 : i32 to index
      %get3A_2858 = arith.constant 0 : index
      %get3A_2859 = tpu.vector_load %arg19[%get3A_2857, %get3A_2858] {strides = array<i32>} : memref<32x64xf32, #tpu.memory_space<vmem>>, vector<16xf32>,
      %mul3A_2860 = vector.broadcast %squeeze3A_2855 : f32 to vector<16xf32>
      %mul3A_2861 = arith.mulf %mul3A_2860, %get3A_2859 : vector<16xf32>
      %add3A_2862 = arith.addf %add3A_2832, %mul3A_2861 : vector<16xf32>
      %get3A_2863 = arith.constant 3 : i32
      %get3A_2864 = arith.index_cast %get3A_2863 : i32 to index
      %get3A_2865 = arith.constant 16 : index
      %get3A_2866 = tpu.vector_load %arg19[%get3A_2864, %get3A_2865] {strides = array<i32>} : memref<32x64xf32, #tpu.memory_space<vmem>>, vector<16xf32>,
      %mul3A_2867 = vector.broadcast %squeeze3A_2855 : f32 to vector<16xf32>
      %mul3A_2868 = arith.mulf %mul3A_2867, %get3A_2866 : vector<16xf32>
      %add3A_2869 = arith.addf %add3A_2839, %mul3A_2868 : vector<16xf32>
      %get3A_2870 = arith.constant 3 : i32
      %get3A_2871 = arith.index_cast %get3A_2870 : i32 to index
      %get3A_2872 = arith.constant 32 : index
      %get3A_2873 = tpu.vector_load %arg19[%get3A_2871, %get3A_2872] {strides = array<i32>} : memref<32x64xf32, #tpu.memory_space<vmem>>, vector<16xf32>,
      %mul3A_2874 = vector.broadcast %squeeze3A_2855 : f32 to vector<16xf32>
      %mul3A_2875 = arith.mulf %mul3A_2874, %get3A_2873 : vector<16xf32>
      %add3A_2876 = arith.addf %add3A_2846, %mul3A_2875 : vector<16xf32>
      %get3A_2877 = arith.constant 3 : i32
      %get3A_2878 = arith.index_cast %get3A_2877 : i32 to index
      %get3A_2879 = arith.constant 48 : index
      %get3A_2880 = tpu.vector_load %arg19[%get3A_2878, %get3A_2879] {strides = array<i32>} : memref<32x64xf32, #tpu.memory_space<vmem>>, vector<16xf32>,
      %mul3A_2881 = vector.broadcast %squeeze3A_2855 : f32 to vector<16xf32>
      %mul3A_2882 = arith.mulf %mul3A_2881, %get3A_2880 : vector<16xf32>
      %add3A_2883 = arith.addf %add3A_2853, %mul3A_2882 : vector<16xf32>
      %slice3A_2884 = vector.extract_strided_slice %max3A_2752 {offsets = [4], sizes = [1], strides = [1]} : vector<16xf32> to vector<1xf32>
      %squeeze3A_2885 = vector.extract %slice3A_2884[0] : f32 from vector<1xf32>
      %get3A_2886 = arith.constant 4 : i32
      %get3A_2887 = arith.index_cast %get3A_2886 : i32 to index
      %get3A_2888 = arith.constant 0 : index
      %get3A_2889 = tpu.vector_load %arg19[%get3A_2887, %get3A_2888] {strides = array<i32>} : memref<32x64xf32, #tpu.memory_space<vmem>>, vector<16xf32>,
      %mul3A_2890 = vector.broadcast %squeeze3A_2885 : f32 to vector<16xf32>
      %mul3A_2891 = arith.mulf %mul3A_2890, %get3A_2889 : vector<16xf32>
      %add3A_2892 = arith.addf %add3A_2862, %mul3A_2891 : vector<16xf32>
      %get3A_2893 = arith.constant 4 : i32
      %get3A_2894 = arith.index_cast %get3A_2893 : i32 to index
      %get3A_2895 = arith.constant 16 : index
      %get3A_2896 = tpu.vector_load %arg19[%get3A_2894, %get3A_2895] {strides = array<i32>} : memref<32x64xf32, #tpu.memory_space<vmem>>, vector<16xf32>,
      %mul3A_2897 = vector.broadcast %squeeze3A_2885 : f32 to vector<16xf32>
      %mul3A_2898 = arith.mulf %mul3A_2897, %get3A_2896 : vector<16xf32>
      %add3A_2899 = arith.addf %add3A_2869, %mul3A_2898 : vector<16xf32>
      %get3A_2900 = arith.constant 4 : i32
      %get3A_2901 = arith.index_cast %get3A_2900 : i32 to index
      %get3A_2902 = arith.constant 32 : index
      %get3A_2903 = tpu.vector_load %arg19[%get3A_2901, %get3A_2902] {strides = array<i32>} : memref<32x64xf32, #tpu.memory_space<vmem>>, vector<16xf32>,
      %mul3A_2904 = vector.broadcast %squeeze3A_2885 : f32 to vector<16xf32>
      %mul3A_2905 = arith.mulf %mul3A_2904, %get3A_2903 : vector<16xf32>
      %add3A_2906 = arith.addf %add3A_2876, %mul3A_2905 : vector<16xf32>
      %get3A_2907 = arith.constant 4 : i32
      %get3A_2908 = arith.index_cast %get3A_2907 : i32 to index
      %get3A_2909 = arith.constant 48 : index
      %get3A_2910 = tpu.vector_load %arg19[%get3A_2908, %get3A_2909] {strides = array<i32>} : memref<32x64xf32, #tpu.memory_space<vmem>>, vector<16xf32>,
      %mul3A_2911 = vector.broadcast %squeeze3A_2885 : f32 to vector<16xf32>
      %mul3A_2912 = arith.mulf %mul3A_2911, %get3A_2910 : vector<16xf32>
      %add3A_2913 = arith.addf %add3A_2883, %mul3A_2912 : vector<16xf32>
      %slice3A_2914 = vector.extract_strided_slice %max3A_2752 {offsets = [5], sizes = [1], strides = [1]} : vector<16xf32> to vector<1xf32>
      %squeeze3A_2915 = vector.extract %slice3A_2914[0] : f32 from vector<1xf32>
      %get3A_2916 = arith.constant 5 : i32
      %get3A_2917 = arith.index_cast %get3A_2916 : i32 to index
      %get3A_2918 = arith.constant 0 : index
      %get3A_2919 = tpu.vector_load %arg19[%get3A_2917, %get3A_2918] {strides = array<i32>} : memref<32x64xf32, #tpu.memory_space<vmem>>, vector<16xf32>,
      %mul3A_2920 = vector.broadcast %squeeze3A_2915 : f32 to vector<16xf32>
      %mul3A_2921 = arith.mulf %mul3A_2920, %get3A_2919 : vector<16xf32>
      %add3A_2922 = arith.addf %add3A_2892, %mul3A_2921 : vector<16xf32>
      %get3A_2923 = arith.constant 5 : i32
      %get3A_2924 = arith.index_cast %get3A_2923 : i32 to index
      %get3A_2925 = arith.constant 16 : index
      %get3A_2926 = tpu.vector_load %arg19[%get3A_2924, %get3A_2925] {strides = array<i32>} : memref<32x64xf32, #tpu.memory_space<vmem>>, vector<16xf32>,
      %mul3A_2927 = vector.broadcast %squeeze3A_2915 : f32 to vector<16xf32>
      %mul3A_2928 = arith.mulf %mul3A_2927, %get3A_2926 : vector<16xf32>
      %add3A_2929 = arith.addf %add3A_2899, %mul3A_2928 : vector<16xf32>
      %get3A_2930 = arith.constant 5 : i32
      %get3A_2931 = arith.index_cast %get3A_2930 : i32 to index
      %get3A_2932 = arith.constant 32 : index
      %get3A_2933 = tpu.vector_load %arg19[%get3A_2931, %get3A_2932] {strides = array<i32>} : memref<32x64xf32, #tpu.memory_space<vmem>>, vector<16xf32>,
      %mul3A_2934 = vector.broadcast %squeeze3A_2915 : f32 to vector<16xf32>
      %mul3A_2935 = arith.mulf %mul3A_2934, %get3A_2933 : vector<16xf32>
      %add3A_2936 = arith.addf %add3A_2906, %mul3A_2935 : vector<16xf32>
      %get3A_2937 = arith.constant 5 : i32
      %get3A_2938 = arith.index_cast %get3A_2937 : i32 to index
      %get3A_2939 = arith.constant 48 : index
      %get3A_2940 = tpu.vector_load %arg19[%get3A_2938, %get3A_2939] {strides = array<i32>} : memref<32x64xf32, #tpu.memory_space<vmem>>, vector<16xf32>,
      %mul3A_2941 = vector.broadcast %squeeze3A_2915 : f32 to vector<16xf32>
      %mul3A_2942 = arith.mulf %mul3A_2941, %get3A_2940 : vector<16xf32>
      %add3A_2943 = arith.addf %add3A_2913, %mul3A_2942 : vector<16xf32>
      %slice3A_2944 = vector.extract_strided_slice %max3A_2752 {offsets = [6], sizes = [1], strides = [1]} : vector<16xf32> to vector<1xf32>
      %squeeze3A_2945 = vector.extract %slice3A_2944[0] : f32 from vector<1xf32>
      %get3A_2946 = arith.constant 6 : i32
      %get3A_2947 = arith.index_cast %get3A_2946 : i32 to index
      %get3A_2948 = arith.constant 0 : index
      %get3A_2949 = tpu.vector_load %arg19[%get3A_2947, %get3A_2948] {strides = array<i32>} : memref<32x64xf32, #tpu.memory_space<vmem>>, vector<16xf32>,
      %mul3A_2950 = vector.broadcast %squeeze3A_2945 : f32 to vector<16xf32>
      %mul3A_2951 = arith.mulf %mul3A_2950, %get3A_2949 : vector<16xf32>
      %add3A_2952 = arith.addf %add3A_2922, %mul3A_2951 : vector<16xf32>
      %get3A_2953 = arith.constant 6 : i32
      %get3A_2954 = arith.index_cast %get3A_2953 : i32 to index
      %get3A_2955 = arith.constant 16 : index
      %get3A_2956 = tpu.vector_load %arg19[%get3A_2954, %get3A_2955] {strides = array<i32>} : memref<32x64xf32, #tpu.memory_space<vmem>>, vector<16xf32>,
      %mul3A_2957 = vector.broadcast %squeeze3A_2945 : f32 to vector<16xf32>
      %mul3A_2958 = arith.mulf %mul3A_2957, %get3A_2956 : vector<16xf32>
      %add3A_2959 = arith.addf %add3A_2929, %mul3A_2958 : vector<16xf32>
      %get3A_2960 = arith.constant 6 : i32
      %get3A_2961 = arith.index_cast %get3A_2960 : i32 to index
      %get3A_2962 = arith.constant 32 : index
      %get3A_2963 = tpu.vector_load %arg19[%get3A_2961, %get3A_2962] {strides = array<i32>} : memref<32x64xf32, #tpu.memory_space<vmem>>, vector<16xf32>,
      %mul3A_2964 = vector.broadcast %squeeze3A_2945 : f32 to vector<16xf32>
      %mul3A_2965 = arith.mulf %mul3A_2964, %get3A_2963 : vector<16xf32>
      %add3A_2966 = arith.addf %add3A_2936, %mul3A_2965 : vector<16xf32>
      %get3A_2967 = arith.constant 6 : i32
      %get3A_2968 = arith.index_cast %get3A_2967 : i32 to index
      %get3A_2969 = arith.constant 48 : index
      %get3A_2970 = tpu.vector_load %arg19[%get3A_2968, %get3A_2969] {strides = array<i32>} : memref<32x64xf32, #tpu.memory_space<vmem>>, vector<16xf32>,
      %mul3A_2971 = vector.broadcast %squeeze3A_2945 : f32 to vector<16xf32>
      %mul3A_2972 = arith.mulf %mul3A_2971, %get3A_2970 : vector<16xf32>
      %add3A_2973 = arith.addf %add3A_2943, %mul3A_2972 : vector<16xf32>
      %slice3A_2974 = vector.extract_strided_slice %max3A_2752 {offsets = [7], sizes = [1], strides = [1]} : vector<16xf32> to vector<1xf32>
      %squeeze3A_2975 = vector.extract %slice3A_2974[0] : f32 from vector<1xf32>
      %get3A_2976 = arith.constant 7 : i32
      %get3A_2977 = arith.index_cast %get3A_2976 : i32 to index
      %get3A_2978 = arith.constant 0 : index
      %get3A_2979 = tpu.vector_load %arg19[%get3A_2977, %get3A_2978] {strides = array<i32>} : memref<32x64xf32, #tpu.memory_space<vmem>>, vector<16xf32>,
      %mul3A_2980 = vector.broadcast %squeeze3A_2975 : f32 to vector<16xf32>
      %mul3A_2981 = arith.mulf %mul3A_2980, %get3A_2979 : vector<16xf32>
      %add3A_2982 = arith.addf %add3A_2952, %mul3A_2981 : vector<16xf32>
      %get3A_2983 = arith.constant 7 : i32
      %get3A_2984 = arith.index_cast %get3A_2983 : i32 to index
      %get3A_2985 = arith.constant 16 : index
      %get3A_2986 = tpu.vector_load %arg19[%get3A_2984, %get3A_2985] {strides = array<i32>} : memref<32x64xf32, #tpu.memory_space<vmem>>, vector<16xf32>,
      %mul3A_2987 = vector.broadcast %squeeze3A_2975 : f32 to vector<16xf32>
      %mul3A_2988 = arith.mulf %mul3A_2987, %get3A_2986 : vector<16xf32>
      %add3A_2989 = arith.addf %add3A_2959, %mul3A_2988 : vector<16xf32>
      %get3A_2990 = arith.constant 7 : i32
      %get3A_2991 = arith.index_cast %get3A_2990 : i32 to index
      %get3A_2992 = arith.constant 32 : index
      %get3A_2993 = tpu.vector_load %arg19[%get3A_2991, %get3A_2992] {strides = array<i32>} : memref<32x64xf32, #tpu.memory_space<vmem>>, vector<16xf32>,
      %mul3A_2994 = vector.broadcast %squeeze3A_2975 : f32 to vector<16xf32>
      %mul3A_2995 = arith.mulf %mul3A_2994, %get3A_2993 : vector<16xf32>
      %add3A_2996 = arith.addf %add3A_2966, %mul3A_2995 : vector<16xf32>
      %get3A_2997 = arith.constant 7 : i32
      %get3A_2998 = arith.index_cast %get3A_2997 : i32 to index
      %get3A_2999 = arith.constant 48 : index
      %get3A_3000 = tpu.vector_load %arg19[%get3A_2998, %get3A_2999] {strides = array<i32>} : memref<32x64xf32, #tpu.memory_space<vmem>>, vector<16xf32>,
      %mul3A_3001 = vector.broadcast %squeeze3A_2975 : f32 to vector<16xf32>
      %mul3A_3002 = arith.mulf %mul3A_3001, %get3A_3000 : vector<16xf32>
      %add3A_3003 = arith.addf %add3A_2973, %mul3A_3002 : vector<16xf32>
      %slice3A_3004 = vector.extract_strided_slice %max3A_2752 {offsets = [8], sizes = [1], strides = [1]} : vector<16xf32> to vector<1xf32>
      %squeeze3A_3005 = vector.extract %slice3A_3004[0] : f32 from vector<1xf32>
      %get3A_3006 = arith.constant 8 : i32
      %get3A_3007 = arith.index_cast %get3A_3006 : i32 to index
      %get3A_3008 = arith.constant 0 : index
      %get3A_3009 = tpu.vector_load %arg19[%get3A_3007, %get3A_3008] {strides = array<i32>} : memref<32x64xf32, #tpu.memory_space<vmem>>, vector<16xf32>,
      %mul3A_3010 = vector.broadcast %squeeze3A_3005 : f32 to vector<16xf32>
      %mul3A_3011 = arith.mulf %mul3A_3010, %get3A_3009 : vector<16xf32>
      %add3A_3012 = arith.addf %add3A_2982, %mul3A_3011 : vector<16xf32>
      %get3A_3013 = arith.constant 8 : i32
      %get3A_3014 = arith.index_cast %get3A_3013 : i32 to index
      %get3A_3015 = arith.constant 16 : index
      %get3A_3016 = tpu.vector_load %arg19[%get3A_3014, %get3A_3015] {strides = array<i32>} : memref<32x64xf32, #tpu.memory_space<vmem>>, vector<16xf32>,
      %mul3A_3017 = vector.broadcast %squeeze3A_3005 : f32 to vector<16xf32>
      %mul3A_3018 = arith.mulf %mul3A_3017, %get3A_3016 : vector<16xf32>
      %add3A_3019 = arith.addf %add3A_2989, %mul3A_3018 : vector<16xf32>
      %get3A_3020 = arith.constant 8 : i32
      %get3A_3021 = arith.index_cast %get3A_3020 : i32 to index
      %get3A_3022 = arith.constant 32 : index
      %get3A_3023 = tpu.vector_load %arg19[%get3A_3021, %get3A_3022] {strides = array<i32>} : memref<32x64xf32, #tpu.memory_space<vmem>>, vector<16xf32>,
      %mul3A_3024 = vector.broadcast %squeeze3A_3005 : f32 to vector<16xf32>
      %mul3A_3025 = arith.mulf %mul3A_3024, %get3A_3023 : vector<16xf32>
      %add3A_3026 = arith.addf %add3A_2996, %mul3A_3025 : vector<16xf32>
      %get3A_3027 = arith.constant 8 : i32
      %get3A_3028 = arith.index_cast %get3A_3027 : i32 to index
      %get3A_3029 = arith.constant 48 : index
      %get3A_3030 = tpu.vector_load %arg19[%get3A_3028, %get3A_3029] {strides = array<i32>} : memref<32x64xf32, #tpu.memory_space<vmem>>, vector<16xf32>,
      %mul3A_3031 = vector.broadcast %squeeze3A_3005 : f32 to vector<16xf32>
      %mul3A_3032 = arith.mulf %mul3A_3031, %get3A_3030 : vector<16xf32>
      %add3A_3033 = arith.addf %add3A_3003, %mul3A_3032 : vector<16xf32>
      %slice3A_3034 = vector.extract_strided_slice %max3A_2752 {offsets = [9], sizes = [1], strides = [1]} : vector<16xf32> to vector<1xf32>
      %squeeze3A_3035 = vector.extract %slice3A_3034[0] : f32 from vector<1xf32>
      %get3A_3036 = arith.constant 9 : i32
      %get3A_3037 = arith.index_cast %get3A_3036 : i32 to index
      %get3A_3038 = arith.constant 0 : index
      %get3A_3039 = tpu.vector_load %arg19[%get3A_3037, %get3A_3038] {strides = array<i32>} : memref<32x64xf32, #tpu.memory_space<vmem>>, vector<16xf32>,
      %mul3A_3040 = vector.broadcast %squeeze3A_3035 : f32 to vector<16xf32>
      %mul3A_3041 = arith.mulf %mul3A_3040, %get3A_3039 : vector<16xf32>
      %add3A_3042 = arith.addf %add3A_3012, %mul3A_3041 : vector<16xf32>
      %get3A_3043 = arith.constant 9 : i32
      %get3A_3044 = arith.index_cast %get3A_3043 : i32 to index
      %get3A_3045 = arith.constant 16 : index
      %get3A_3046 = tpu.vector_load %arg19[%get3A_3044, %get3A_3045] {strides = array<i32>} : memref<32x64xf32, #tpu.memory_space<vmem>>, vector<16xf32>,
      %mul3A_3047 = vector.broadcast %squeeze3A_3035 : f32 to vector<16xf32>
      %mul3A_3048 = arith.mulf %mul3A_3047, %get3A_3046 : vector<16xf32>
      %add3A_3049 = arith.addf %add3A_3019, %mul3A_3048 : vector<16xf32>
      %get3A_3050 = arith.constant 9 : i32
      %get3A_3051 = arith.index_cast %get3A_3050 : i32 to index
      %get3A_3052 = arith.constant 32 : index
      %get3A_3053 = tpu.vector_load %arg19[%get3A_3051, %get3A_3052] {strides = array<i32>} : memref<32x64xf32, #tpu.memory_space<vmem>>, vector<16xf32>,
      %mul3A_3054 = vector.broadcast %squeeze3A_3035 : f32 to vector<16xf32>
      %mul3A_3055 = arith.mulf %mul3A_3054, %get3A_3053 : vector<16xf32>
      %add3A_3056 = arith.addf %add3A_3026, %mul3A_3055 : vector<16xf32>
      %get3A_3057 = arith.constant 9 : i32
      %get3A_3058 = arith.index_cast %get3A_3057 : i32 to index
      %get3A_3059 = arith.constant 48 : index
      %get3A_3060 = tpu.vector_load %arg19[%get3A_3058, %get3A_3059] {strides = array<i32>} : memref<32x64xf32, #tpu.memory_space<vmem>>, vector<16xf32>,
      %mul3A_3061 = vector.broadcast %squeeze3A_3035 : f32 to vector<16xf32>
      %mul3A_3062 = arith.mulf %mul3A_3061, %get3A_3060 : vector<16xf32>
      %add3A_3063 = arith.addf %add3A_3033, %mul3A_3062 : vector<16xf32>
      %slice3A_3064 = vector.extract_strided_slice %max3A_2752 {offsets = [10], sizes = [1], strides = [1]} : vector<16xf32> to vector<1xf32>
      %squeeze3A_3065 = vector.extract %slice3A_3064[0] : f32 from vector<1xf32>
      %get3A_3066 = arith.constant 10 : i32
      %get3A_3067 = arith.index_cast %get3A_3066 : i32 to index
      %get3A_3068 = arith.constant 0 : index
      %get3A_3069 = tpu.vector_load %arg19[%get3A_3067, %get3A_3068] {strides = array<i32>} : memref<32x64xf32, #tpu.memory_space<vmem>>, vector<16xf32>,
      %mul3A_3070 = vector.broadcast %squeeze3A_3065 : f32 to vector<16xf32>
      %mul3A_3071 = arith.mulf %mul3A_3070, %get3A_3069 : vector<16xf32>
      %add3A_3072 = arith.addf %add3A_3042, %mul3A_3071 : vector<16xf32>
      %get3A_3073 = arith.constant 10 : i32
      %get3A_3074 = arith.index_cast %get3A_3073 : i32 to index
      %get3A_3075 = arith.constant 16 : index
      %get3A_3076 = tpu.vector_load %arg19[%get3A_3074, %get3A_3075] {strides = array<i32>} : memref<32x64xf32, #tpu.memory_space<vmem>>, vector<16xf32>,
      %mul3A_3077 = vector.broadcast %squeeze3A_3065 : f32 to vector<16xf32>
      %mul3A_3078 = arith.mulf %mul3A_3077, %get3A_3076 : vector<16xf32>
      %add3A_3079 = arith.addf %add3A_3049, %mul3A_3078 : vector<16xf32>
      %get3A_3080 = arith.constant 10 : i32
      %get3A_3081 = arith.index_cast %get3A_3080 : i32 to index
      %get3A_3082 = arith.constant 32 : index
      %get3A_3083 = tpu.vector_load %arg19[%get3A_3081, %get3A_3082] {strides = array<i32>} : memref<32x64xf32, #tpu.memory_space<vmem>>, vector<16xf32>,
      %mul3A_3084 = vector.broadcast %squeeze3A_3065 : f32 to vector<16xf32>
      %mul3A_3085 = arith.mulf %mul3A_3084, %get3A_3083 : vector<16xf32>
      %add3A_3086 = arith.addf %add3A_3056, %mul3A_3085 : vector<16xf32>
      %get3A_3087 = arith.constant 10 : i32
      %get3A_3088 = arith.index_cast %get3A_3087 : i32 to index
      %get3A_3089 = arith.constant 48 : index
      %get3A_3090 = tpu.vector_load %arg19[%get3A_3088, %get3A_3089] {strides = array<i32>} : memref<32x64xf32, #tpu.memory_space<vmem>>, vector<16xf32>,
      %mul3A_3091 = vector.broadcast %squeeze3A_3065 : f32 to vector<16xf32>
      %mul3A_3092 = arith.mulf %mul3A_3091, %get3A_3090 : vector<16xf32>
      %add3A_3093 = arith.addf %add3A_3063, %mul3A_3092 : vector<16xf32>
      %slice3A_3094 = vector.extract_strided_slice %max3A_2752 {offsets = [11], sizes = [1], strides = [1]} : vector<16xf32> to vector<1xf32>
      %squeeze3A_3095 = vector.extract %slice3A_3094[0] : f32 from vector<1xf32>
      %get3A_3096 = arith.constant 11 : i32
      %get3A_3097 = arith.index_cast %get3A_3096 : i32 to index
      %get3A_3098 = arith.constant 0 : index
      %get3A_3099 = tpu.vector_load %arg19[%get3A_3097, %get3A_3098] {strides = array<i32>} : memref<32x64xf32, #tpu.memory_space<vmem>>, vector<16xf32>,
      %mul3A_3100 = vector.broadcast %squeeze3A_3095 : f32 to vector<16xf32>
      %mul3A_3101 = arith.mulf %mul3A_3100, %get3A_3099 : vector<16xf32>
      %add3A_3102 = arith.addf %add3A_3072, %mul3A_3101 : vector<16xf32>
      %get3A_3103 = arith.constant 11 : i32
      %get3A_3104 = arith.index_cast %get3A_3103 : i32 to index
      %get3A_3105 = arith.constant 16 : index
      %get3A_3106 = tpu.vector_load %arg19[%get3A_3104, %get3A_3105] {strides = array<i32>} : memref<32x64xf32, #tpu.memory_space<vmem>>, vector<16xf32>,
      %mul3A_3107 = vector.broadcast %squeeze3A_3095 : f32 to vector<16xf32>
      %mul3A_3108 = arith.mulf %mul3A_3107, %get3A_3106 : vector<16xf32>
      %add3A_3109 = arith.addf %add3A_3079, %mul3A_3108 : vector<16xf32>
      %get3A_3110 = arith.constant 11 : i32
      %get3A_3111 = arith.index_cast %get3A_3110 : i32 to index
      %get3A_3112 = arith.constant 32 : index
      %get3A_3113 = tpu.vector_load %arg19[%get3A_3111, %get3A_3112] {strides = array<i32>} : memref<32x64xf32, #tpu.memory_space<vmem>>, vector<16xf32>,
      %mul3A_3114 = vector.broadcast %squeeze3A_3095 : f32 to vector<16xf32>
      %mul3A_3115 = arith.mulf %mul3A_3114, %get3A_3113 : vector<16xf32>
      %add3A_3116 = arith.addf %add3A_3086, %mul3A_3115 : vector<16xf32>
      %get3A_3117 = arith.constant 11 : i32
      %get3A_3118 = arith.index_cast %get3A_3117 : i32 to index
      %get3A_3119 = arith.constant 48 : index
      %get3A_3120 = tpu.vector_load %arg19[%get3A_3118, %get3A_3119] {strides = array<i32>} : memref<32x64xf32, #tpu.memory_space<vmem>>, vector<16xf32>,
      %mul3A_3121 = vector.broadcast %squeeze3A_3095 : f32 to vector<16xf32>
      %mul3A_3122 = arith.mulf %mul3A_3121, %get3A_3120 : vector<16xf32>
      %add3A_3123 = arith.addf %add3A_3093, %mul3A_3122 : vector<16xf32>
      %slice3A_3124 = vector.extract_strided_slice %max3A_2752 {offsets = [12], sizes = [1], strides = [1]} : vector<16xf32> to vector<1xf32>
      %squeeze3A_3125 = vector.extract %slice3A_3124[0] : f32 from vector<1xf32>
      %get3A_3126 = arith.constant 12 : i32
      %get3A_3127 = arith.index_cast %get3A_3126 : i32 to index
      %get3A_3128 = arith.constant 0 : index
      %get3A_3129 = tpu.vector_load %arg19[%get3A_3127, %get3A_3128] {strides = array<i32>} : memref<32x64xf32, #tpu.memory_space<vmem>>, vector<16xf32>,
      %mul3A_3130 = vector.broadcast %squeeze3A_3125 : f32 to vector<16xf32>
      %mul3A_3131 = arith.mulf %mul3A_3130, %get3A_3129 : vector<16xf32>
      %add3A_3132 = arith.addf %add3A_3102, %mul3A_3131 : vector<16xf32>
      %get3A_3133 = arith.constant 12 : i32
      %get3A_3134 = arith.index_cast %get3A_3133 : i32 to index
      %get3A_3135 = arith.constant 16 : index
      %get3A_3136 = tpu.vector_load %arg19[%get3A_3134, %get3A_3135] {strides = array<i32>} : memref<32x64xf32, #tpu.memory_space<vmem>>, vector<16xf32>,
      %mul3A_3137 = vector.broadcast %squeeze3A_3125 : f32 to vector<16xf32>
      %mul3A_3138 = arith.mulf %mul3A_3137, %get3A_3136 : vector<16xf32>
      %add3A_3139 = arith.addf %add3A_3109, %mul3A_3138 : vector<16xf32>
      %get3A_3140 = arith.constant 12 : i32
      %get3A_3141 = arith.index_cast %get3A_3140 : i32 to index
      %get3A_3142 = arith.constant 32 : index
      %get3A_3143 = tpu.vector_load %arg19[%get3A_3141, %get3A_3142] {strides = array<i32>} : memref<32x64xf32, #tpu.memory_space<vmem>>, vector<16xf32>,
      %mul3A_3144 = vector.broadcast %squeeze3A_3125 : f32 to vector<16xf32>
      %mul3A_3145 = arith.mulf %mul3A_3144, %get3A_3143 : vector<16xf32>
      %add3A_3146 = arith.addf %add3A_3116, %mul3A_3145 : vector<16xf32>
      %get3A_3147 = arith.constant 12 : i32
      %get3A_3148 = arith.index_cast %get3A_3147 : i32 to index
      %get3A_3149 = arith.constant 48 : index
      %get3A_3150 = tpu.vector_load %arg19[%get3A_3148, %get3A_3149] {strides = array<i32>} : memref<32x64xf32, #tpu.memory_space<vmem>>, vector<16xf32>,
      %mul3A_3151 = vector.broadcast %squeeze3A_3125 : f32 to vector<16xf32>
      %mul3A_3152 = arith.mulf %mul3A_3151, %get3A_3150 : vector<16xf32>
      %add3A_3153 = arith.addf %add3A_3123, %mul3A_3152 : vector<16xf32>
      %slice3A_3154 = vector.extract_strided_slice %max3A_2752 {offsets = [13], sizes = [1], strides = [1]} : vector<16xf32> to vector<1xf32>
      %squeeze3A_3155 = vector.extract %slice3A_3154[0] : f32 from vector<1xf32>
      %get3A_3156 = arith.constant 13 : i32
      %get3A_3157 = arith.index_cast %get3A_3156 : i32 to index
      %get3A_3158 = arith.constant 0 : index
      %get3A_3159 = tpu.vector_load %arg19[%get3A_3157, %get3A_3158] {strides = array<i32>} : memref<32x64xf32, #tpu.memory_space<vmem>>, vector<16xf32>,
      %mul3A_3160 = vector.broadcast %squeeze3A_3155 : f32 to vector<16xf32>
      %mul3A_3161 = arith.mulf %mul3A_3160, %get3A_3159 : vector<16xf32>
      %add3A_3162 = arith.addf %add3A_3132, %mul3A_3161 : vector<16xf32>
      %get3A_3163 = arith.constant 13 : i32
      %get3A_3164 = arith.index_cast %get3A_3163 : i32 to index
      %get3A_3165 = arith.constant 16 : index
      %get3A_3166 = tpu.vector_load %arg19[%get3A_3164, %get3A_3165] {strides = array<i32>} : memref<32x64xf32, #tpu.memory_space<vmem>>, vector<16xf32>,
      %mul3A_3167 = vector.broadcast %squeeze3A_3155 : f32 to vector<16xf32>
      %mul3A_3168 = arith.mulf %mul3A_3167, %get3A_3166 : vector<16xf32>
      %add3A_3169 = arith.addf %add3A_3139, %mul3A_3168 : vector<16xf32>
      %get3A_3170 = arith.constant 13 : i32
      %get3A_3171 = arith.index_cast %get3A_3170 : i32 to index
      %get3A_3172 = arith.constant 32 : index
      %get3A_3173 = tpu.vector_load %arg19[%get3A_3171, %get3A_3172] {strides = array<i32>} : memref<32x64xf32, #tpu.memory_space<vmem>>, vector<16xf32>,
      %mul3A_3174 = vector.broadcast %squeeze3A_3155 : f32 to vector<16xf32>
      %mul3A_3175 = arith.mulf %mul3A_3174, %get3A_3173 : vector<16xf32>
      %add3A_3176 = arith.addf %add3A_3146, %mul3A_3175 : vector<16xf32>
      %get3A_3177 = arith.constant 13 : i32
      %get3A_3178 = arith.index_cast %get3A_3177 : i32 to index
      %get3A_3179 = arith.constant 48 : index
      %get3A_3180 = tpu.vector_load %arg19[%get3A_3178, %get3A_3179] {strides = array<i32>} : memref<32x64xf32, #tpu.memory_space<vmem>>, vector<16xf32>,
      %mul3A_3181 = vector.broadcast %squeeze3A_3155 : f32 to vector<16xf32>
      %mul3A_3182 = arith.mulf %mul3A_3181, %get3A_3180 : vector<16xf32>
      %add3A_3183 = arith.addf %add3A_3153, %mul3A_3182 : vector<16xf32>
      %slice3A_3184 = vector.extract_strided_slice %max3A_2752 {offsets = [14], sizes = [1], strides = [1]} : vector<16xf32> to vector<1xf32>
      %squeeze3A_3185 = vector.extract %slice3A_3184[0] : f32 from vector<1xf32>
      %get3A_3186 = arith.constant 14 : i32
      %get3A_3187 = arith.index_cast %get3A_3186 : i32 to index
      %get3A_3188 = arith.constant 0 : index
      %get3A_3189 = tpu.vector_load %arg19[%get3A_3187, %get3A_3188] {strides = array<i32>} : memref<32x64xf32, #tpu.memory_space<vmem>>, vector<16xf32>,
      %mul3A_3190 = vector.broadcast %squeeze3A_3185 : f32 to vector<16xf32>
      %mul3A_3191 = arith.mulf %mul3A_3190, %get3A_3189 : vector<16xf32>
      %add3A_3192 = arith.addf %add3A_3162, %mul3A_3191 : vector<16xf32>
      %get3A_3193 = arith.constant 14 : i32
      %get3A_3194 = arith.index_cast %get3A_3193 : i32 to index
      %get3A_3195 = arith.constant 16 : index
      %get3A_3196 = tpu.vector_load %arg19[%get3A_3194, %get3A_3195] {strides = array<i32>} : memref<32x64xf32, #tpu.memory_space<vmem>>, vector<16xf32>,
      %mul3A_3197 = vector.broadcast %squeeze3A_3185 : f32 to vector<16xf32>
      %mul3A_3198 = arith.mulf %mul3A_3197, %get3A_3196 : vector<16xf32>
      %add3A_3199 = arith.addf %add3A_3169, %mul3A_3198 : vector<16xf32>
      %get3A_3200 = arith.constant 14 : i32
      %get3A_3201 = arith.index_cast %get3A_3200 : i32 to index
      %get3A_3202 = arith.constant 32 : index
      %get3A_3203 = tpu.vector_load %arg19[%get3A_3201, %get3A_3202] {strides = array<i32>} : memref<32x64xf32, #tpu.memory_space<vmem>>, vector<16xf32>,
      %mul3A_3204 = vector.broadcast %squeeze3A_3185 : f32 to vector<16xf32>
      %mul3A_3205 = arith.mulf %mul3A_3204, %get3A_3203 : vector<16xf32>
      %add3A_3206 = arith.addf %add3A_3176, %mul3A_3205 : vector<16xf32>
      %get3A_3207 = arith.constant 14 : i32
      %get3A_3208 = arith.index_cast %get3A_3207 : i32 to index
      %get3A_3209 = arith.constant 48 : index
      %get3A_3210 = tpu.vector_load %arg19[%get3A_3208, %get3A_3209] {strides = array<i32>} : memref<32x64xf32, #tpu.memory_space<vmem>>, vector<16xf32>,
      %mul3A_3211 = vector.broadcast %squeeze3A_3185 : f32 to vector<16xf32>
      %mul3A_3212 = arith.mulf %mul3A_3211, %get3A_3210 : vector<16xf32>
      %add3A_3213 = arith.addf %add3A_3183, %mul3A_3212 : vector<16xf32>
      %slice3A_3214 = vector.extract_strided_slice %max3A_2752 {offsets = [15], sizes = [1], strides = [1]} : vector<16xf32> to vector<1xf32>
      %squeeze3A_3215 = vector.extract %slice3A_3214[0] : f32 from vector<1xf32>
      %get3A_3216 = arith.constant 15 : i32
      %get3A_3217 = arith.index_cast %get3A_3216 : i32 to index
      %get3A_3218 = arith.constant 0 : index
      %get3A_3219 = tpu.vector_load %arg19[%get3A_3217, %get3A_3218] {strides = array<i32>} : memref<32x64xf32, #tpu.memory_space<vmem>>, vector<16xf32>,
      %mul3A_3220 = vector.broadcast %squeeze3A_3215 : f32 to vector<16xf32>
      %mul3A_3221 = arith.mulf %mul3A_3220, %get3A_3219 : vector<16xf32>
      %add3A_3222 = arith.addf %add3A_3192, %mul3A_3221 : vector<16xf32>
      %get3A_3223 = arith.constant 15 : i32
      %get3A_3224 = arith.index_cast %get3A_3223 : i32 to index
      %get3A_3225 = arith.constant 16 : index
      %get3A_3226 = tpu.vector_load %arg19[%get3A_3224, %get3A_3225] {strides = array<i32>} : memref<32x64xf32, #tpu.memory_space<vmem>>, vector<16xf32>,
      %mul3A_3227 = vector.broadcast %squeeze3A_3215 : f32 to vector<16xf32>
      %mul3A_3228 = arith.mulf %mul3A_3227, %get3A_3226 : vector<16xf32>
      %add3A_3229 = arith.addf %add3A_3199, %mul3A_3228 : vector<16xf32>
      %get3A_3230 = arith.constant 15 : i32
      %get3A_3231 = arith.index_cast %get3A_3230 : i32 to index
      %get3A_3232 = arith.constant 32 : index
      %get3A_3233 = tpu.vector_load %arg19[%get3A_3231, %get3A_3232] {strides = array<i32>} : memref<32x64xf32, #tpu.memory_space<vmem>>, vector<16xf32>,
      %mul3A_3234 = vector.broadcast %squeeze3A_3215 : f32 to vector<16xf32>
      %mul3A_3235 = arith.mulf %mul3A_3234, %get3A_3233 : vector<16xf32>
      %add3A_3236 = arith.addf %add3A_3206, %mul3A_3235 : vector<16xf32>
      %get3A_3237 = arith.constant 15 : i32
      %get3A_3238 = arith.index_cast %get3A_3237 : i32 to index
      %get3A_3239 = arith.constant 48 : index
      %get3A_3240 = tpu.vector_load %arg19[%get3A_3238, %get3A_3239] {strides = array<i32>} : memref<32x64xf32, #tpu.memory_space<vmem>>, vector<16xf32>,
      %mul3A_3241 = vector.broadcast %squeeze3A_3215 : f32 to vector<16xf32>
      %mul3A_3242 = arith.mulf %mul3A_3241, %get3A_3240 : vector<16xf32>
      %add3A_3243 = arith.addf %add3A_3213, %mul3A_3242 : vector<16xf32>
      %slice3A_3244 = vector.extract_strided_slice %max3A_2755 {offsets = [0], sizes = [1], strides = [1]} : vector<16xf32> to vector<1xf32>
      %squeeze3A_3245 = vector.extract %slice3A_3244[0] : f32 from vector<1xf32>
      %get3A_3246 = arith.constant 16 : i32
      %get3A_3247 = arith.index_cast %get3A_3246 : i32 to index
      %get3A_3248 = arith.constant 0 : index
      %get3A_3249 = tpu.vector_load %arg19[%get3A_3247, %get3A_3248] {strides = array<i32>} : memref<32x64xf32, #tpu.memory_space<vmem>>, vector<16xf32>,
      %mul3A_3250 = vector.broadcast %squeeze3A_3245 : f32 to vector<16xf32>
      %mul3A_3251 = arith.mulf %mul3A_3250, %get3A_3249 : vector<16xf32>
      %add3A_3252 = arith.addf %add3A_3222, %mul3A_3251 : vector<16xf32>
      %get3A_3253 = arith.constant 16 : i32
      %get3A_3254 = arith.index_cast %get3A_3253 : i32 to index
      %get3A_3255 = arith.constant 16 : index
      %get3A_3256 = tpu.vector_load %arg19[%get3A_3254, %get3A_3255] {strides = array<i32>} : memref<32x64xf32, #tpu.memory_space<vmem>>, vector<16xf32>,
      %mul3A_3257 = vector.broadcast %squeeze3A_3245 : f32 to vector<16xf32>
      %mul3A_3258 = arith.mulf %mul3A_3257, %get3A_3256 : vector<16xf32>
      %add3A_3259 = arith.addf %add3A_3229, %mul3A_3258 : vector<16xf32>
      %get3A_3260 = arith.constant 16 : i32
      %get3A_3261 = arith.index_cast %get3A_3260 : i32 to index
      %get3A_3262 = arith.constant 32 : index
      %get3A_3263 = tpu.vector_load %arg19[%get3A_3261, %get3A_3262] {strides = array<i32>} : memref<32x64xf32, #tpu.memory_space<vmem>>, vector<16xf32>,
      %mul3A_3264 = vector.broadcast %squeeze3A_3245 : f32 to vector<16xf32>
      %mul3A_3265 = arith.mulf %mul3A_3264, %get3A_3263 : vector<16xf32>
      %add3A_3266 = arith.addf %add3A_3236, %mul3A_3265 : vector<16xf32>
      %get3A_3267 = arith.constant 16 : i32
      %get3A_3268 = arith.index_cast %get3A_3267 : i32 to index
      %get3A_3269 = arith.constant 48 : index
      %get3A_3270 = tpu.vector_load %arg19[%get3A_3268, %get3A_3269] {strides = array<i32>} : memref<32x64xf32, #tpu.memory_space<vmem>>, vector<16xf32>,
      %mul3A_3271 = vector.broadcast %squeeze3A_3245 : f32 to vector<16xf32>
      %mul3A_3272 = arith.mulf %mul3A_3271, %get3A_3270 : vector<16xf32>
      %add3A_3273 = arith.addf %add3A_3243, %mul3A_3272 : vector<16xf32>
      %slice3A_3274 = vector.extract_strided_slice %max3A_2755 {offsets = [1], sizes = [1], strides = [1]} : vector<16xf32> to vector<1xf32>
      %squeeze3A_3275 = vector.extract %slice3A_3274[0] : f32 from vector<1xf32>
      %get3A_3276 = arith.constant 17 : i32
      %get3A_3277 = arith.index_cast %get3A_3276 : i32 to index
      %get3A_3278 = arith.constant 0 : index
      %get3A_3279 = tpu.vector_load %arg19[%get3A_3277, %get3A_3278] {strides = array<i32>} : memref<32x64xf32, #tpu.memory_space<vmem>>, vector<16xf32>,
      %mul3A_3280 = vector.broadcast %squeeze3A_3275 : f32 to vector<16xf32>
      %mul3A_3281 = arith.mulf %mul3A_3280, %get3A_3279 : vector<16xf32>
      %add3A_3282 = arith.addf %add3A_3252, %mul3A_3281 : vector<16xf32>
      %get3A_3283 = arith.constant 17 : i32
      %get3A_3284 = arith.index_cast %get3A_3283 : i32 to index
      %get3A_3285 = arith.constant 16 : index
      %get3A_3286 = tpu.vector_load %arg19[%get3A_3284, %get3A_3285] {strides = array<i32>} : memref<32x64xf32, #tpu.memory_space<vmem>>, vector<16xf32>,
      %mul3A_3287 = vector.broadcast %squeeze3A_3275 : f32 to vector<16xf32>
      %mul3A_3288 = arith.mulf %mul3A_3287, %get3A_3286 : vector<16xf32>
      %add3A_3289 = arith.addf %add3A_3259, %mul3A_3288 : vector<16xf32>
      %get3A_3290 = arith.constant 17 : i32
      %get3A_3291 = arith.index_cast %get3A_3290 : i32 to index
      %get3A_3292 = arith.constant 32 : index
      %get3A_3293 = tpu.vector_load %arg19[%get3A_3291, %get3A_3292] {strides = array<i32>} : memref<32x64xf32, #tpu.memory_space<vmem>>, vector<16xf32>,
      %mul3A_3294 = vector.broadcast %squeeze3A_3275 : f32 to vector<16xf32>
      %mul3A_3295 = arith.mulf %mul3A_3294, %get3A_3293 : vector<16xf32>
      %add3A_3296 = arith.addf %add3A_3266, %mul3A_3295 : vector<16xf32>
      %get3A_3297 = arith.constant 17 : i32
      %get3A_3298 = arith.index_cast %get3A_3297 : i32 to index
      %get3A_3299 = arith.constant 48 : index
      %get3A_3300 = tpu.vector_load %arg19[%get3A_3298, %get3A_3299] {strides = array<i32>} : memref<32x64xf32, #tpu.memory_space<vmem>>, vector<16xf32>,
      %mul3A_3301 = vector.broadcast %squeeze3A_3275 : f32 to vector<16xf32>
      %mul3A_3302 = arith.mulf %mul3A_3301, %get3A_3300 : vector<16xf32>
      %add3A_3303 = arith.addf %add3A_3273, %mul3A_3302 : vector<16xf32>
      %slice3A_3304 = vector.extract_strided_slice %max3A_2755 {offsets = [2], sizes = [1], strides = [1]} : vector<16xf32> to vector<1xf32>
      %squeeze3A_3305 = vector.extract %slice3A_3304[0] : f32 from vector<1xf32>
      %get3A_3306 = arith.constant 18 : i32
      %get3A_3307 = arith.index_cast %get3A_3306 : i32 to index
      %get3A_3308 = arith.constant 0 : index
      %get3A_3309 = tpu.vector_load %arg19[%get3A_3307, %get3A_3308] {strides = array<i32>} : memref<32x64xf32, #tpu.memory_space<vmem>>, vector<16xf32>,
      %mul3A_3310 = vector.broadcast %squeeze3A_3305 : f32 to vector<16xf32>
      %mul3A_3311 = arith.mulf %mul3A_3310, %get3A_3309 : vector<16xf32>
      %add3A_3312 = arith.addf %add3A_3282, %mul3A_3311 : vector<16xf32>
      %get3A_3313 = arith.constant 18 : i32
      %get3A_3314 = arith.index_cast %get3A_3313 : i32 to index
      %get3A_3315 = arith.constant 16 : index
      %get3A_3316 = tpu.vector_load %arg19[%get3A_3314, %get3A_3315] {strides = array<i32>} : memref<32x64xf32, #tpu.memory_space<vmem>>, vector<16xf32>,
      %mul3A_3317 = vector.broadcast %squeeze3A_3305 : f32 to vector<16xf32>
      %mul3A_3318 = arith.mulf %mul3A_3317, %get3A_3316 : vector<16xf32>
      %add3A_3319 = arith.addf %add3A_3289, %mul3A_3318 : vector<16xf32>
      %get3A_3320 = arith.constant 18 : i32
      %get3A_3321 = arith.index_cast %get3A_3320 : i32 to index
      %get3A_3322 = arith.constant 32 : index
      %get3A_3323 = tpu.vector_load %arg19[%get3A_3321, %get3A_3322] {strides = array<i32>} : memref<32x64xf32, #tpu.memory_space<vmem>>, vector<16xf32>,
      %mul3A_3324 = vector.broadcast %squeeze3A_3305 : f32 to vector<16xf32>
      %mul3A_3325 = arith.mulf %mul3A_3324, %get3A_3323 : vector<16xf32>
      %add3A_3326 = arith.addf %add3A_3296, %mul3A_3325 : vector<16xf32>
      %get3A_3327 = arith.constant 18 : i32
      %get3A_3328 = arith.index_cast %get3A_3327 : i32 to index
      %get3A_3329 = arith.constant 48 : index
      %get3A_3330 = tpu.vector_load %arg19[%get3A_3328, %get3A_3329] {strides = array<i32>} : memref<32x64xf32, #tpu.memory_space<vmem>>, vector<16xf32>,
      %mul3A_3331 = vector.broadcast %squeeze3A_3305 : f32 to vector<16xf32>
      %mul3A_3332 = arith.mulf %mul3A_3331, %get3A_3330 : vector<16xf32>
      %add3A_3333 = arith.addf %add3A_3303, %mul3A_3332 : vector<16xf32>
      %slice3A_3334 = vector.extract_strided_slice %max3A_2755 {offsets = [3], sizes = [1], strides = [1]} : vector<16xf32> to vector<1xf32>
      %squeeze3A_3335 = vector.extract %slice3A_3334[0] : f32 from vector<1xf32>
      %get3A_3336 = arith.constant 19 : i32
      %get3A_3337 = arith.index_cast %get3A_3336 : i32 to index
      %get3A_3338 = arith.constant 0 : index
      %get3A_3339 = tpu.vector_load %arg19[%get3A_3337, %get3A_3338] {strides = array<i32>} : memref<32x64xf32, #tpu.memory_space<vmem>>, vector<16xf32>,
      %mul3A_3340 = vector.broadcast %squeeze3A_3335 : f32 to vector<16xf32>
      %mul3A_3341 = arith.mulf %mul3A_3340, %get3A_3339 : vector<16xf32>
      %add3A_3342 = arith.addf %add3A_3312, %mul3A_3341 : vector<16xf32>
      %get3A_3343 = arith.constant 19 : i32
      %get3A_3344 = arith.index_cast %get3A_3343 : i32 to index
      %get3A_3345 = arith.constant 16 : index
      %get3A_3346 = tpu.vector_load %arg19[%get3A_3344, %get3A_3345] {strides = array<i32>} : memref<32x64xf32, #tpu.memory_space<vmem>>, vector<16xf32>,
      %mul3A_3347 = vector.broadcast %squeeze3A_3335 : f32 to vector<16xf32>
      %mul3A_3348 = arith.mulf %mul3A_3347, %get3A_3346 : vector<16xf32>
      %add3A_3349 = arith.addf %add3A_3319, %mul3A_3348 : vector<16xf32>
      %get3A_3350 = arith.constant 19 : i32
      %get3A_3351 = arith.index_cast %get3A_3350 : i32 to index
      %get3A_3352 = arith.constant 32 : index
      %get3A_3353 = tpu.vector_load %arg19[%get3A_3351, %get3A_3352] {strides = array<i32>} : memref<32x64xf32, #tpu.memory_space<vmem>>, vector<16xf32>,
      %mul3A_3354 = vector.broadcast %squeeze3A_3335 : f32 to vector<16xf32>
      %mul3A_3355 = arith.mulf %mul3A_3354, %get3A_3353 : vector<16xf32>
      %add3A_3356 = arith.addf %add3A_3326, %mul3A_3355 : vector<16xf32>
      %get3A_3357 = arith.constant 19 : i32
      %get3A_3358 = arith.index_cast %get3A_3357 : i32 to index
      %get3A_3359 = arith.constant 48 : index
      %get3A_3360 = tpu.vector_load %arg19[%get3A_3358, %get3A_3359] {strides = array<i32>} : memref<32x64xf32, #tpu.memory_space<vmem>>, vector<16xf32>,
      %mul3A_3361 = vector.broadcast %squeeze3A_3335 : f32 to vector<16xf32>
      %mul3A_3362 = arith.mulf %mul3A_3361, %get3A_3360 : vector<16xf32>
      %add3A_3363 = arith.addf %add3A_3333, %mul3A_3362 : vector<16xf32>
      %slice3A_3364 = vector.extract_strided_slice %max3A_2755 {offsets = [4], sizes = [1], strides = [1]} : vector<16xf32> to vector<1xf32>
      %squeeze3A_3365 = vector.extract %slice3A_3364[0] : f32 from vector<1xf32>
      %get3A_3366 = arith.constant 20 : i32
      %get3A_3367 = arith.index_cast %get3A_3366 : i32 to index
      %get3A_3368 = arith.constant 0 : index
      %get3A_3369 = tpu.vector_load %arg19[%get3A_3367, %get3A_3368] {strides = array<i32>} : memref<32x64xf32, #tpu.memory_space<vmem>>, vector<16xf32>,
      %mul3A_3370 = vector.broadcast %squeeze3A_3365 : f32 to vector<16xf32>
      %mul3A_3371 = arith.mulf %mul3A_3370, %get3A_3369 : vector<16xf32>
      %add3A_3372 = arith.addf %add3A_3342, %mul3A_3371 : vector<16xf32>
      %get3A_3373 = arith.constant 20 : i32
      %get3A_3374 = arith.index_cast %get3A_3373 : i32 to index
      %get3A_3375 = arith.constant 16 : index
      %get3A_3376 = tpu.vector_load %arg19[%get3A_3374, %get3A_3375] {strides = array<i32>} : memref<32x64xf32, #tpu.memory_space<vmem>>, vector<16xf32>,
      %mul3A_3377 = vector.broadcast %squeeze3A_3365 : f32 to vector<16xf32>
      %mul3A_3378 = arith.mulf %mul3A_3377, %get3A_3376 : vector<16xf32>
      %add3A_3379 = arith.addf %add3A_3349, %mul3A_3378 : vector<16xf32>
      %get3A_3380 = arith.constant 20 : i32
      %get3A_3381 = arith.index_cast %get3A_3380 : i32 to index
      %get3A_3382 = arith.constant 32 : index
      %get3A_3383 = tpu.vector_load %arg19[%get3A_3381, %get3A_3382] {strides = array<i32>} : memref<32x64xf32, #tpu.memory_space<vmem>>, vector<16xf32>,
      %mul3A_3384 = vector.broadcast %squeeze3A_3365 : f32 to vector<16xf32>
      %mul3A_3385 = arith.mulf %mul3A_3384, %get3A_3383 : vector<16xf32>
      %add3A_3386 = arith.addf %add3A_3356, %mul3A_3385 : vector<16xf32>
      %get3A_3387 = arith.constant 20 : i32
      %get3A_3388 = arith.index_cast %get3A_3387 : i32 to index
      %get3A_3389 = arith.constant 48 : index
      %get3A_3390 = tpu.vector_load %arg19[%get3A_3388, %get3A_3389] {strides = array<i32>} : memref<32x64xf32, #tpu.memory_space<vmem>>, vector<16xf32>,
      %mul3A_3391 = vector.broadcast %squeeze3A_3365 : f32 to vector<16xf32>
      %mul3A_3392 = arith.mulf %mul3A_3391, %get3A_3390 : vector<16xf32>
      %add3A_3393 = arith.addf %add3A_3363, %mul3A_3392 : vector<16xf32>
      %slice3A_3394 = vector.extract_strided_slice %max3A_2755 {offsets = [5], sizes = [1], strides = [1]} : vector<16xf32> to vector<1xf32>
      %squeeze3A_3395 = vector.extract %slice3A_3394[0] : f32 from vector<1xf32>
      %get3A_3396 = arith.constant 21 : i32
      %get3A_3397 = arith.index_cast %get3A_3396 : i32 to index
      %get3A_3398 = arith.constant 0 : index
      %get3A_3399 = tpu.vector_load %arg19[%get3A_3397, %get3A_3398] {strides = array<i32>} : memref<32x64xf32, #tpu.memory_space<vmem>>, vector<16xf32>,
      %mul3A_3400 = vector.broadcast %squeeze3A_3395 : f32 to vector<16xf32>
      %mul3A_3401 = arith.mulf %mul3A_3400, %get3A_3399 : vector<16xf32>
      %add3A_3402 = arith.addf %add3A_3372, %mul3A_3401 : vector<16xf32>
      %get3A_3403 = arith.constant 21 : i32
      %get3A_3404 = arith.index_cast %get3A_3403 : i32 to index
      %get3A_3405 = arith.constant 16 : index
      %get3A_3406 = tpu.vector_load %arg19[%get3A_3404, %get3A_3405] {strides = array<i32>} : memref<32x64xf32, #tpu.memory_space<vmem>>, vector<16xf32>,
      %mul3A_3407 = vector.broadcast %squeeze3A_3395 : f32 to vector<16xf32>
      %mul3A_3408 = arith.mulf %mul3A_3407, %get3A_3406 : vector<16xf32>
      %add3A_3409 = arith.addf %add3A_3379, %mul3A_3408 : vector<16xf32>
      %get3A_3410 = arith.constant 21 : i32
      %get3A_3411 = arith.index_cast %get3A_3410 : i32 to index
      %get3A_3412 = arith.constant 32 : index
      %get3A_3413 = tpu.vector_load %arg19[%get3A_3411, %get3A_3412] {strides = array<i32>} : memref<32x64xf32, #tpu.memory_space<vmem>>, vector<16xf32>,
      %mul3A_3414 = vector.broadcast %squeeze3A_3395 : f32 to vector<16xf32>
      %mul3A_3415 = arith.mulf %mul3A_3414, %get3A_3413 : vector<16xf32>
      %add3A_3416 = arith.addf %add3A_3386, %mul3A_3415 : vector<16xf32>
      %get3A_3417 = arith.constant 21 : i32
      %get3A_3418 = arith.index_cast %get3A_3417 : i32 to index
      %get3A_3419 = arith.constant 48 : index
      %get3A_3420 = tpu.vector_load %arg19[%get3A_3418, %get3A_3419] {strides = array<i32>} : memref<32x64xf32, #tpu.memory_space<vmem>>, vector<16xf32>,
      %mul3A_3421 = vector.broadcast %squeeze3A_3395 : f32 to vector<16xf32>
      %mul3A_3422 = arith.mulf %mul3A_3421, %get3A_3420 : vector<16xf32>
      %add3A_3423 = arith.addf %add3A_3393, %mul3A_3422 : vector<16xf32>
      %slice3A_3424 = vector.extract_strided_slice %max3A_2755 {offsets = [6], sizes = [1], strides = [1]} : vector<16xf32> to vector<1xf32>
      %squeeze3A_3425 = vector.extract %slice3A_3424[0] : f32 from vector<1xf32>
      %get3A_3426 = arith.constant 22 : i32
      %get3A_3427 = arith.index_cast %get3A_3426 : i32 to index
      %get3A_3428 = arith.constant 0 : index
      %get3A_3429 = tpu.vector_load %arg19[%get3A_3427, %get3A_3428] {strides = array<i32>} : memref<32x64xf32, #tpu.memory_space<vmem>>, vector<16xf32>,
      %mul3A_3430 = vector.broadcast %squeeze3A_3425 : f32 to vector<16xf32>
      %mul3A_3431 = arith.mulf %mul3A_3430, %get3A_3429 : vector<16xf32>
      %add3A_3432 = arith.addf %add3A_3402, %mul3A_3431 : vector<16xf32>
      %get3A_3433 = arith.constant 22 : i32
      %get3A_3434 = arith.index_cast %get3A_3433 : i32 to index
      %get3A_3435 = arith.constant 16 : index
      %get3A_3436 = tpu.vector_load %arg19[%get3A_3434, %get3A_3435] {strides = array<i32>} : memref<32x64xf32, #tpu.memory_space<vmem>>, vector<16xf32>,
      %mul3A_3437 = vector.broadcast %squeeze3A_3425 : f32 to vector<16xf32>
      %mul3A_3438 = arith.mulf %mul3A_3437, %get3A_3436 : vector<16xf32>
      %add3A_3439 = arith.addf %add3A_3409, %mul3A_3438 : vector<16xf32>
      %get3A_3440 = arith.constant 22 : i32
      %get3A_3441 = arith.index_cast %get3A_3440 : i32 to index
      %get3A_3442 = arith.constant 32 : index
      %get3A_3443 = tpu.vector_load %arg19[%get3A_3441, %get3A_3442] {strides = array<i32>} : memref<32x64xf32, #tpu.memory_space<vmem>>, vector<16xf32>,
      %mul3A_3444 = vector.broadcast %squeeze3A_3425 : f32 to vector<16xf32>
      %mul3A_3445 = arith.mulf %mul3A_3444, %get3A_3443 : vector<16xf32>
      %add3A_3446 = arith.addf %add3A_3416, %mul3A_3445 : vector<16xf32>
      %get3A_3447 = arith.constant 22 : i32
      %get3A_3448 = arith.index_cast %get3A_3447 : i32 to index
      %get3A_3449 = arith.constant 48 : index
      %get3A_3450 = tpu.vector_load %arg19[%get3A_3448, %get3A_3449] {strides = array<i32>} : memref<32x64xf32, #tpu.memory_space<vmem>>, vector<16xf32>,
      %mul3A_3451 = vector.broadcast %squeeze3A_3425 : f32 to vector<16xf32>
      %mul3A_3452 = arith.mulf %mul3A_3451, %get3A_3450 : vector<16xf32>
      %add3A_3453 = arith.addf %add3A_3423, %mul3A_3452 : vector<16xf32>
      %slice3A_3454 = vector.extract_strided_slice %max3A_2755 {offsets = [7], sizes = [1], strides = [1]} : vector<16xf32> to vector<1xf32>
      %squeeze3A_3455 = vector.extract %slice3A_3454[0] : f32 from vector<1xf32>
      %get3A_3456 = arith.constant 23 : i32
      %get3A_3457 = arith.index_cast %get3A_3456 : i32 to index
      %get3A_3458 = arith.constant 0 : index
      %get3A_3459 = tpu.vector_load %arg19[%get3A_3457, %get3A_3458] {strides = array<i32>} : memref<32x64xf32, #tpu.memory_space<vmem>>, vector<16xf32>,
      %mul3A_3460 = vector.broadcast %squeeze3A_3455 : f32 to vector<16xf32>
      %mul3A_3461 = arith.mulf %mul3A_3460, %get3A_3459 : vector<16xf32>
      %add3A_3462 = arith.addf %add3A_3432, %mul3A_3461 : vector<16xf32>
      %get3A_3463 = arith.constant 23 : i32
      %get3A_3464 = arith.index_cast %get3A_3463 : i32 to index
      %get3A_3465 = arith.constant 16 : index
      %get3A_3466 = tpu.vector_load %arg19[%get3A_3464, %get3A_3465] {strides = array<i32>} : memref<32x64xf32, #tpu.memory_space<vmem>>, vector<16xf32>,
      %mul3A_3467 = vector.broadcast %squeeze3A_3455 : f32 to vector<16xf32>
      %mul3A_3468 = arith.mulf %mul3A_3467, %get3A_3466 : vector<16xf32>
      %add3A_3469 = arith.addf %add3A_3439, %mul3A_3468 : vector<16xf32>
      %get3A_3470 = arith.constant 23 : i32
      %get3A_3471 = arith.index_cast %get3A_3470 : i32 to index
      %get3A_3472 = arith.constant 32 : index
      %get3A_3473 = tpu.vector_load %arg19[%get3A_3471, %get3A_3472] {strides = array<i32>} : memref<32x64xf32, #tpu.memory_space<vmem>>, vector<16xf32>,
      %mul3A_3474 = vector.broadcast %squeeze3A_3455 : f32 to vector<16xf32>
      %mul3A_3475 = arith.mulf %mul3A_3474, %get3A_3473 : vector<16xf32>
      %add3A_3476 = arith.addf %add3A_3446, %mul3A_3475 : vector<16xf32>
      %get3A_3477 = arith.constant 23 : i32
      %get3A_3478 = arith.index_cast %get3A_3477 : i32 to index
      %get3A_3479 = arith.constant 48 : index
      %get3A_3480 = tpu.vector_load %arg19[%get3A_3478, %get3A_3479] {strides = array<i32>} : memref<32x64xf32, #tpu.memory_space<vmem>>, vector<16xf32>,
      %mul3A_3481 = vector.broadcast %squeeze3A_3455 : f32 to vector<16xf32>
      %mul3A_3482 = arith.mulf %mul3A_3481, %get3A_3480 : vector<16xf32>
      %add3A_3483 = arith.addf %add3A_3453, %mul3A_3482 : vector<16xf32>
      %slice3A_3484 = vector.extract_strided_slice %max3A_2755 {offsets = [8], sizes = [1], strides = [1]} : vector<16xf32> to vector<1xf32>
      %squeeze3A_3485 = vector.extract %slice3A_3484[0] : f32 from vector<1xf32>
      %get3A_3486 = arith.constant 24 : i32
      %get3A_3487 = arith.index_cast %get3A_3486 : i32 to index
      %get3A_3488 = arith.constant 0 : index
      %get3A_3489 = tpu.vector_load %arg19[%get3A_3487, %get3A_3488] {strides = array<i32>} : memref<32x64xf32, #tpu.memory_space<vmem>>, vector<16xf32>,
      %mul3A_3490 = vector.broadcast %squeeze3A_3485 : f32 to vector<16xf32>
      %mul3A_3491 = arith.mulf %mul3A_3490, %get3A_3489 : vector<16xf32>
      %add3A_3492 = arith.addf %add3A_3462, %mul3A_3491 : vector<16xf32>
      %get3A_3493 = arith.constant 24 : i32
      %get3A_3494 = arith.index_cast %get3A_3493 : i32 to index
      %get3A_3495 = arith.constant 16 : index
      %get3A_3496 = tpu.vector_load %arg19[%get3A_3494, %get3A_3495] {strides = array<i32>} : memref<32x64xf32, #tpu.memory_space<vmem>>, vector<16xf32>,
      %mul3A_3497 = vector.broadcast %squeeze3A_3485 : f32 to vector<16xf32>
      %mul3A_3498 = arith.mulf %mul3A_3497, %get3A_3496 : vector<16xf32>
      %add3A_3499 = arith.addf %add3A_3469, %mul3A_3498 : vector<16xf32>
      %get3A_3500 = arith.constant 24 : i32
      %get3A_3501 = arith.index_cast %get3A_3500 : i32 to index
      %get3A_3502 = arith.constant 32 : index
      %get3A_3503 = tpu.vector_load %arg19[%get3A_3501, %get3A_3502] {strides = array<i32>} : memref<32x64xf32, #tpu.memory_space<vmem>>, vector<16xf32>,
      %mul3A_3504 = vector.broadcast %squeeze3A_3485 : f32 to vector<16xf32>
      %mul3A_3505 = arith.mulf %mul3A_3504, %get3A_3503 : vector<16xf32>
      %add3A_3506 = arith.addf %add3A_3476, %mul3A_3505 : vector<16xf32>
      %get3A_3507 = arith.constant 24 : i32
      %get3A_3508 = arith.index_cast %get3A_3507 : i32 to index
      %get3A_3509 = arith.constant 48 : index
      %get3A_3510 = tpu.vector_load %arg19[%get3A_3508, %get3A_3509] {strides = array<i32>} : memref<32x64xf32, #tpu.memory_space<vmem>>, vector<16xf32>,
      %mul3A_3511 = vector.broadcast %squeeze3A_3485 : f32 to vector<16xf32>
      %mul3A_3512 = arith.mulf %mul3A_3511, %get3A_3510 : vector<16xf32>
      %add3A_3513 = arith.addf %add3A_3483, %mul3A_3512 : vector<16xf32>
      %slice3A_3514 = vector.extract_strided_slice %max3A_2755 {offsets = [9], sizes = [1], strides = [1]} : vector<16xf32> to vector<1xf32>
      %squeeze3A_3515 = vector.extract %slice3A_3514[0] : f32 from vector<1xf32>
      %get3A_3516 = arith.constant 25 : i32
      %get3A_3517 = arith.index_cast %get3A_3516 : i32 to index
      %get3A_3518 = arith.constant 0 : index
      %get3A_3519 = tpu.vector_load %arg19[%get3A_3517, %get3A_3518] {strides = array<i32>} : memref<32x64xf32, #tpu.memory_space<vmem>>, vector<16xf32>,
      %mul3A_3520 = vector.broadcast %squeeze3A_3515 : f32 to vector<16xf32>
      %mul3A_3521 = arith.mulf %mul3A_3520, %get3A_3519 : vector<16xf32>
      %add3A_3522 = arith.addf %add3A_3492, %mul3A_3521 : vector<16xf32>
      %get3A_3523 = arith.constant 25 : i32
      %get3A_3524 = arith.index_cast %get3A_3523 : i32 to index
      %get3A_3525 = arith.constant 16 : index
      %get3A_3526 = tpu.vector_load %arg19[%get3A_3524, %get3A_3525] {strides = array<i32>} : memref<32x64xf32, #tpu.memory_space<vmem>>, vector<16xf32>,
      %mul3A_3527 = vector.broadcast %squeeze3A_3515 : f32 to vector<16xf32>
      %mul3A_3528 = arith.mulf %mul3A_3527, %get3A_3526 : vector<16xf32>
      %add3A_3529 = arith.addf %add3A_3499, %mul3A_3528 : vector<16xf32>
      %get3A_3530 = arith.constant 25 : i32
      %get3A_3531 = arith.index_cast %get3A_3530 : i32 to index
      %get3A_3532 = arith.constant 32 : index
      %get3A_3533 = tpu.vector_load %arg19[%get3A_3531, %get3A_3532] {strides = array<i32>} : memref<32x64xf32, #tpu.memory_space<vmem>>, vector<16xf32>,
      %mul3A_3534 = vector.broadcast %squeeze3A_3515 : f32 to vector<16xf32>
      %mul3A_3535 = arith.mulf %mul3A_3534, %get3A_3533 : vector<16xf32>
      %add3A_3536 = arith.addf %add3A_3506, %mul3A_3535 : vector<16xf32>
      %get3A_3537 = arith.constant 25 : i32
      %get3A_3538 = arith.index_cast %get3A_3537 : i32 to index
      %get3A_3539 = arith.constant 48 : index
      %get3A_3540 = tpu.vector_load %arg19[%get3A_3538, %get3A_3539] {strides = array<i32>} : memref<32x64xf32, #tpu.memory_space<vmem>>, vector<16xf32>,
      %mul3A_3541 = vector.broadcast %squeeze3A_3515 : f32 to vector<16xf32>
      %mul3A_3542 = arith.mulf %mul3A_3541, %get3A_3540 : vector<16xf32>
      %add3A_3543 = arith.addf %add3A_3513, %mul3A_3542 : vector<16xf32>
      %slice3A_3544 = vector.extract_strided_slice %max3A_2755 {offsets = [10], sizes = [1], strides = [1]} : vector<16xf32> to vector<1xf32>
      %squeeze3A_3545 = vector.extract %slice3A_3544[0] : f32 from vector<1xf32>
      %get3A_3546 = arith.constant 26 : i32
      %get3A_3547 = arith.index_cast %get3A_3546 : i32 to index
      %get3A_3548 = arith.constant 0 : index
      %get3A_3549 = tpu.vector_load %arg19[%get3A_3547, %get3A_3548] {strides = array<i32>} : memref<32x64xf32, #tpu.memory_space<vmem>>, vector<16xf32>,
      %mul3A_3550 = vector.broadcast %squeeze3A_3545 : f32 to vector<16xf32>
      %mul3A_3551 = arith.mulf %mul3A_3550, %get3A_3549 : vector<16xf32>
      %add3A_3552 = arith.addf %add3A_3522, %mul3A_3551 : vector<16xf32>
      %get3A_3553 = arith.constant 26 : i32
      %get3A_3554 = arith.index_cast %get3A_3553 : i32 to index
      %get3A_3555 = arith.constant 16 : index
      %get3A_3556 = tpu.vector_load %arg19[%get3A_3554, %get3A_3555] {strides = array<i32>} : memref<32x64xf32, #tpu.memory_space<vmem>>, vector<16xf32>,
      %mul3A_3557 = vector.broadcast %squeeze3A_3545 : f32 to vector<16xf32>
      %mul3A_3558 = arith.mulf %mul3A_3557, %get3A_3556 : vector<16xf32>
      %add3A_3559 = arith.addf %add3A_3529, %mul3A_3558 : vector<16xf32>
      %get3A_3560 = arith.constant 26 : i32
      %get3A_3561 = arith.index_cast %get3A_3560 : i32 to index
      %get3A_3562 = arith.constant 32 : index
      %get3A_3563 = tpu.vector_load %arg19[%get3A_3561, %get3A_3562] {strides = array<i32>} : memref<32x64xf32, #tpu.memory_space<vmem>>, vector<16xf32>,
      %mul3A_3564 = vector.broadcast %squeeze3A_3545 : f32 to vector<16xf32>
      %mul3A_3565 = arith.mulf %mul3A_3564, %get3A_3563 : vector<16xf32>
      %add3A_3566 = arith.addf %add3A_3536, %mul3A_3565 : vector<16xf32>
      %get3A_3567 = arith.constant 26 : i32
      %get3A_3568 = arith.index_cast %get3A_3567 : i32 to index
      %get3A_3569 = arith.constant 48 : index
      %get3A_3570 = tpu.vector_load %arg19[%get3A_3568, %get3A_3569] {strides = array<i32>} : memref<32x64xf32, #tpu.memory_space<vmem>>, vector<16xf32>,
      %mul3A_3571 = vector.broadcast %squeeze3A_3545 : f32 to vector<16xf32>
      %mul3A_3572 = arith.mulf %mul3A_3571, %get3A_3570 : vector<16xf32>
      %add3A_3573 = arith.addf %add3A_3543, %mul3A_3572 : vector<16xf32>
      %slice3A_3574 = vector.extract_strided_slice %max3A_2755 {offsets = [11], sizes = [1], strides = [1]} : vector<16xf32> to vector<1xf32>
      %squeeze3A_3575 = vector.extract %slice3A_3574[0] : f32 from vector<1xf32>
      %get3A_3576 = arith.constant 27 : i32
      %get3A_3577 = arith.index_cast %get3A_3576 : i32 to index
      %get3A_3578 = arith.constant 0 : index
      %get3A_3579 = tpu.vector_load %arg19[%get3A_3577, %get3A_3578] {strides = array<i32>} : memref<32x64xf32, #tpu.memory_space<vmem>>, vector<16xf32>,
      %mul3A_3580 = vector.broadcast %squeeze3A_3575 : f32 to vector<16xf32>
      %mul3A_3581 = arith.mulf %mul3A_3580, %get3A_3579 : vector<16xf32>
      %add3A_3582 = arith.addf %add3A_3552, %mul3A_3581 : vector<16xf32>
      %get3A_3583 = arith.constant 27 : i32
      %get3A_3584 = arith.index_cast %get3A_3583 : i32 to index
      %get3A_3585 = arith.constant 16 : index
      %get3A_3586 = tpu.vector_load %arg19[%get3A_3584, %get3A_3585] {strides = array<i32>} : memref<32x64xf32, #tpu.memory_space<vmem>>, vector<16xf32>,
      %mul3A_3587 = vector.broadcast %squeeze3A_3575 : f32 to vector<16xf32>
      %mul3A_3588 = arith.mulf %mul3A_3587, %get3A_3586 : vector<16xf32>
      %add3A_3589 = arith.addf %add3A_3559, %mul3A_3588 : vector<16xf32>
      %get3A_3590 = arith.constant 27 : i32
      %get3A_3591 = arith.index_cast %get3A_3590 : i32 to index
      %get3A_3592 = arith.constant 32 : index
      %get3A_3593 = tpu.vector_load %arg19[%get3A_3591, %get3A_3592] {strides = array<i32>} : memref<32x64xf32, #tpu.memory_space<vmem>>, vector<16xf32>,
      %mul3A_3594 = vector.broadcast %squeeze3A_3575 : f32 to vector<16xf32>
      %mul3A_3595 = arith.mulf %mul3A_3594, %get3A_3593 : vector<16xf32>
      %add3A_3596 = arith.addf %add3A_3566, %mul3A_3595 : vector<16xf32>
      %get3A_3597 = arith.constant 27 : i32
      %get3A_3598 = arith.index_cast %get3A_3597 : i32 to index
      %get3A_3599 = arith.constant 48 : index
      %get3A_3600 = tpu.vector_load %arg19[%get3A_3598, %get3A_3599] {strides = array<i32>} : memref<32x64xf32, #tpu.memory_space<vmem>>, vector<16xf32>,
      %mul3A_3601 = vector.broadcast %squeeze3A_3575 : f32 to vector<16xf32>
      %mul3A_3602 = arith.mulf %mul3A_3601, %get3A_3600 : vector<16xf32>
      %add3A_3603 = arith.addf %add3A_3573, %mul3A_3602 : vector<16xf32>
      %slice3A_3604 = vector.extract_strided_slice %max3A_2755 {offsets = [12], sizes = [1], strides = [1]} : vector<16xf32> to vector<1xf32>
      %squeeze3A_3605 = vector.extract %slice3A_3604[0] : f32 from vector<1xf32>
      %get3A_3606 = arith.constant 28 : i32
      %get3A_3607 = arith.index_cast %get3A_3606 : i32 to index
      %get3A_3608 = arith.constant 0 : index
      %get3A_3609 = tpu.vector_load %arg19[%get3A_3607, %get3A_3608] {strides = array<i32>} : memref<32x64xf32, #tpu.memory_space<vmem>>, vector<16xf32>,
      %mul3A_3610 = vector.broadcast %squeeze3A_3605 : f32 to vector<16xf32>
      %mul3A_3611 = arith.mulf %mul3A_3610, %get3A_3609 : vector<16xf32>
      %add3A_3612 = arith.addf %add3A_3582, %mul3A_3611 : vector<16xf32>
      %get3A_3613 = arith.constant 28 : i32
      %get3A_3614 = arith.index_cast %get3A_3613 : i32 to index
      %get3A_3615 = arith.constant 16 : index
      %get3A_3616 = tpu.vector_load %arg19[%get3A_3614, %get3A_3615] {strides = array<i32>} : memref<32x64xf32, #tpu.memory_space<vmem>>, vector<16xf32>,
      %mul3A_3617 = vector.broadcast %squeeze3A_3605 : f32 to vector<16xf32>
      %mul3A_3618 = arith.mulf %mul3A_3617, %get3A_3616 : vector<16xf32>
      %add3A_3619 = arith.addf %add3A_3589, %mul3A_3618 : vector<16xf32>
      %get3A_3620 = arith.constant 28 : i32
      %get3A_3621 = arith.index_cast %get3A_3620 : i32 to index
      %get3A_3622 = arith.constant 32 : index
      %get3A_3623 = tpu.vector_load %arg19[%get3A_3621, %get3A_3622] {strides = array<i32>} : memref<32x64xf32, #tpu.memory_space<vmem>>, vector<16xf32>,
      %mul3A_3624 = vector.broadcast %squeeze3A_3605 : f32 to vector<16xf32>
      %mul3A_3625 = arith.mulf %mul3A_3624, %get3A_3623 : vector<16xf32>
      %add3A_3626 = arith.addf %add3A_3596, %mul3A_3625 : vector<16xf32>
      %get3A_3627 = arith.constant 28 : i32
      %get3A_3628 = arith.index_cast %get3A_3627 : i32 to index
      %get3A_3629 = arith.constant 48 : index
      %get3A_3630 = tpu.vector_load %arg19[%get3A_3628, %get3A_3629] {strides = array<i32>} : memref<32x64xf32, #tpu.memory_space<vmem>>, vector<16xf32>,
      %mul3A_3631 = vector.broadcast %squeeze3A_3605 : f32 to vector<16xf32>
      %mul3A_3632 = arith.mulf %mul3A_3631, %get3A_3630 : vector<16xf32>
      %add3A_3633 = arith.addf %add3A_3603, %mul3A_3632 : vector<16xf32>
      %slice3A_3634 = vector.extract_strided_slice %max3A_2755 {offsets = [13], sizes = [1], strides = [1]} : vector<16xf32> to vector<1xf32>
      %squeeze3A_3635 = vector.extract %slice3A_3634[0] : f32 from vector<1xf32>
      %get3A_3636 = arith.constant 29 : i32
      %get3A_3637 = arith.index_cast %get3A_3636 : i32 to index
      %get3A_3638 = arith.constant 0 : index
      %get3A_3639 = tpu.vector_load %arg19[%get3A_3637, %get3A_3638] {strides = array<i32>} : memref<32x64xf32, #tpu.memory_space<vmem>>, vector<16xf32>,
      %mul3A_3640 = vector.broadcast %squeeze3A_3635 : f32 to vector<16xf32>
      %mul3A_3641 = arith.mulf %mul3A_3640, %get3A_3639 : vector<16xf32>
      %add3A_3642 = arith.addf %add3A_3612, %mul3A_3641 : vector<16xf32>
      %get3A_3643 = arith.constant 29 : i32
      %get3A_3644 = arith.index_cast %get3A_3643 : i32 to index
      %get3A_3645 = arith.constant 16 : index
      %get3A_3646 = tpu.vector_load %arg19[%get3A_3644, %get3A_3645] {strides = array<i32>} : memref<32x64xf32, #tpu.memory_space<vmem>>, vector<16xf32>,
      %mul3A_3647 = vector.broadcast %squeeze3A_3635 : f32 to vector<16xf32>
      %mul3A_3648 = arith.mulf %mul3A_3647, %get3A_3646 : vector<16xf32>
      %add3A_3649 = arith.addf %add3A_3619, %mul3A_3648 : vector<16xf32>
      %get3A_3650 = arith.constant 29 : i32
      %get3A_3651 = arith.index_cast %get3A_3650 : i32 to index
      %get3A_3652 = arith.constant 32 : index
      %get3A_3653 = tpu.vector_load %arg19[%get3A_3651, %get3A_3652] {strides = array<i32>} : memref<32x64xf32, #tpu.memory_space<vmem>>, vector<16xf32>,
      %mul3A_3654 = vector.broadcast %squeeze3A_3635 : f32 to vector<16xf32>
      %mul3A_3655 = arith.mulf %mul3A_3654, %get3A_3653 : vector<16xf32>
      %add3A_3656 = arith.addf %add3A_3626, %mul3A_3655 : vector<16xf32>
      %get3A_3657 = arith.constant 29 : i32
      %get3A_3658 = arith.index_cast %get3A_3657 : i32 to index
      %get3A_3659 = arith.constant 48 : index
      %get3A_3660 = tpu.vector_load %arg19[%get3A_3658, %get3A_3659] {strides = array<i32>} : memref<32x64xf32, #tpu.memory_space<vmem>>, vector<16xf32>,
      %mul3A_3661 = vector.broadcast %squeeze3A_3635 : f32 to vector<16xf32>
      %mul3A_3662 = arith.mulf %mul3A_3661, %get3A_3660 : vector<16xf32>
      %add3A_3663 = arith.addf %add3A_3633, %mul3A_3662 : vector<16xf32>
      %slice3A_3664 = vector.extract_strided_slice %max3A_2755 {offsets = [14], sizes = [1], strides = [1]} : vector<16xf32> to vector<1xf32>
      %squeeze3A_3665 = vector.extract %slice3A_3664[0] : f32 from vector<1xf32>
      %get3A_3666 = arith.constant 30 : i32
      %get3A_3667 = arith.index_cast %get3A_3666 : i32 to index
      %get3A_3668 = arith.constant 0 : index
      %get3A_3669 = tpu.vector_load %arg19[%get3A_3667, %get3A_3668] {strides = array<i32>} : memref<32x64xf32, #tpu.memory_space<vmem>>, vector<16xf32>,
      %mul3A_3670 = vector.broadcast %squeeze3A_3665 : f32 to vector<16xf32>
      %mul3A_3671 = arith.mulf %mul3A_3670, %get3A_3669 : vector<16xf32>
      %add3A_3672 = arith.addf %add3A_3642, %mul3A_3671 : vector<16xf32>
      %get3A_3673 = arith.constant 30 : i32
      %get3A_3674 = arith.index_cast %get3A_3673 : i32 to index
      %get3A_3675 = arith.constant 16 : index
      %get3A_3676 = tpu.vector_load %arg19[%get3A_3674, %get3A_3675] {strides = array<i32>} : memref<32x64xf32, #tpu.memory_space<vmem>>, vector<16xf32>,
      %mul3A_3677 = vector.broadcast %squeeze3A_3665 : f32 to vector<16xf32>
      %mul3A_3678 = arith.mulf %mul3A_3677, %get3A_3676 : vector<16xf32>
      %add3A_3679 = arith.addf %add3A_3649, %mul3A_3678 : vector<16xf32>
      %get3A_3680 = arith.constant 30 : i32
      %get3A_3681 = arith.index_cast %get3A_3680 : i32 to index
      %get3A_3682 = arith.constant 32 : index
      %get3A_3683 = tpu.vector_load %arg19[%get3A_3681, %get3A_3682] {strides = array<i32>} : memref<32x64xf32, #tpu.memory_space<vmem>>, vector<16xf32>,
      %mul3A_3684 = vector.broadcast %squeeze3A_3665 : f32 to vector<16xf32>
      %mul3A_3685 = arith.mulf %mul3A_3684, %get3A_3683 : vector<16xf32>
      %add3A_3686 = arith.addf %add3A_3656, %mul3A_3685 : vector<16xf32>
      %get3A_3687 = arith.constant 30 : i32
      %get3A_3688 = arith.index_cast %get3A_3687 : i32 to index
      %get3A_3689 = arith.constant 48 : index
      %get3A_3690 = tpu.vector_load %arg19[%get3A_3688, %get3A_3689] {strides = array<i32>} : memref<32x64xf32, #tpu.memory_space<vmem>>, vector<16xf32>,
      %mul3A_3691 = vector.broadcast %squeeze3A_3665 : f32 to vector<16xf32>
      %mul3A_3692 = arith.mulf %mul3A_3691, %get3A_3690 : vector<16xf32>
      %add3A_3693 = arith.addf %add3A_3663, %mul3A_3692 : vector<16xf32>
      %slice3A_3694 = vector.extract_strided_slice %max3A_2755 {offsets = [15], sizes = [1], strides = [1]} : vector<16xf32> to vector<1xf32>
      %squeeze3A_3695 = vector.extract %slice3A_3694[0] : f32 from vector<1xf32>
      %get3A_3696 = arith.constant 31 : i32
      %get3A_3697 = arith.index_cast %get3A_3696 : i32 to index
      %get3A_3698 = arith.constant 0 : index
      %get3A_3699 = tpu.vector_load %arg19[%get3A_3697, %get3A_3698] {strides = array<i32>} : memref<32x64xf32, #tpu.memory_space<vmem>>, vector<16xf32>,
      %mul3A_3700 = vector.broadcast %squeeze3A_3695 : f32 to vector<16xf32>
      %mul3A_3701 = arith.mulf %mul3A_3700, %get3A_3699 : vector<16xf32>
      %add3A_3702 = arith.addf %add3A_3672, %mul3A_3701 : vector<16xf32>
      %get3A_3703 = arith.constant 31 : i32
      %get3A_3704 = arith.index_cast %get3A_3703 : i32 to index
      %get3A_3705 = arith.constant 16 : index
      %get3A_3706 = tpu.vector_load %arg19[%get3A_3704, %get3A_3705] {strides = array<i32>} : memref<32x64xf32, #tpu.memory_space<vmem>>, vector<16xf32>,
      %mul3A_3707 = vector.broadcast %squeeze3A_3695 : f32 to vector<16xf32>
      %mul3A_3708 = arith.mulf %mul3A_3707, %get3A_3706 : vector<16xf32>
      %add3A_3709 = arith.addf %add3A_3679, %mul3A_3708 : vector<16xf32>
      %get3A_3710 = arith.constant 31 : i32
      %get3A_3711 = arith.index_cast %get3A_3710 : i32 to index
      %get3A_3712 = arith.constant 32 : index
      %get3A_3713 = tpu.vector_load %arg19[%get3A_3711, %get3A_3712] {strides = array<i32>} : memref<32x64xf32, #tpu.memory_space<vmem>>, vector<16xf32>,
      %mul3A_3714 = vector.broadcast %squeeze3A_3695 : f32 to vector<16xf32>
      %mul3A_3715 = arith.mulf %mul3A_3714, %get3A_3713 : vector<16xf32>
      %add3A_3716 = arith.addf %add3A_3686, %mul3A_3715 : vector<16xf32>
      %get3A_3717 = arith.constant 31 : i32
      %get3A_3718 = arith.index_cast %get3A_3717 : i32 to index
      %get3A_3719 = arith.constant 48 : index
      %get3A_3720 = tpu.vector_load %arg19[%get3A_3718, %get3A_3719] {strides = array<i32>} : memref<32x64xf32, #tpu.memory_space<vmem>>, vector<16xf32>,
      %mul3A_3721 = vector.broadcast %squeeze3A_3695 : f32 to vector<16xf32>
      %mul3A_3722 = arith.mulf %mul3A_3721, %get3A_3720 : vector<16xf32>
      %add3A_3723 = arith.addf %add3A_3693, %mul3A_3722 : vector<16xf32>
      %max3A_3724 = arith.constant 0.000000e+00 : f32
      %max3A_3725 = vector.broadcast %max3A_3724 : f32 to vector<16xf32>
      %max3A_3726 = arith.maximumf %add3A_3702, %max3A_3725 : vector<16xf32>
      %swap3A = arith.constant 0 : i32
      %swap3A_3727 = arith.index_cast %swap3A : i32 to index
      %swap3A_3728 = arith.constant 0 : index
      %swap3A_3729 = tpu.vector_load %arg21[%swap3A_3727, %swap3A_3728] {strides = array<i32>} : memref<1x64xf32, #tpu.memory_space<vmem>>, vector<16xf32>,
      tpu.vector_store %arg21[%swap3A_3727, %swap3A_3728], %max3A_3726 {strides = array<i32>} : memref<1x64xf32, #tpu.memory_space<vmem>>, vector<16xf32>,
      %max3A_3730 = arith.constant 0.000000e+00 : f32
      %max3A_3731 = vector.broadcast %max3A_3730 : f32 to vector<16xf32>
      %max3A_3732 = arith.maximumf %add3A_3709, %max3A_3731 : vector<16xf32>
      %swap3A_3733 = arith.constant 0 : i32
      %swap3A_3734 = arith.index_cast %swap3A_3733 : i32 to index
      %swap3A_3735 = arith.constant 16 : index
      %swap3A_3736 = tpu.vector_load %arg21[%swap3A_3734, %swap3A_3735] {strides = array<i32>} : memref<1x64xf32, #tpu.memory_space<vmem>>, vector<16xf32>,
      tpu.vector_store %arg21[%swap3A_3734, %swap3A_3735], %max3A_3732 {strides = array<i32>} : memref<1x64xf32, #tpu.memory_space<vmem>>, vector<16xf32>,
      %max3A_3737 = arith.constant 0.000000e+00 : f32
      %max3A_3738 = vector.broadcast %max3A_3737 : f32 to vector<16xf32>
      %max3A_3739 = arith.maximumf %add3A_3716, %max3A_3738 : vector<16xf32>
      %swap3A_3740 = arith.constant 0 : i32
      %swap3A_3741 = arith.index_cast %swap3A_3740 : i32 to index
      %swap3A_3742 = arith.constant 32 : index
      %swap3A_3743 = tpu.vector_load %arg21[%swap3A_3741, %swap3A_3742] {strides = array<i32>} : memref<1x64xf32, #tpu.memory_space<vmem>>, vector<16xf32>,
      tpu.vector_store %arg21[%swap3A_3741, %swap3A_3742], %max3A_3739 {strides = array<i32>} : memref<1x64xf32, #tpu.memory_space<vmem>>, vector<16xf32>,
      %max3A_3744 = arith.constant 0.000000e+00 : f32
      %max3A_3745 = vector.broadcast %max3A_3744 : f32 to vector<16xf32>
      %max3A_3746 = arith.maximumf %add3A_3723, %max3A_3745 : vector<16xf32>
      %swap3A_3747 = arith.constant 0 : i32
      %swap3A_3748 = arith.index_cast %swap3A_3747 : i32 to index
      %swap3A_3749 = arith.constant 48 : index
      %swap3A_3750 = tpu.vector_load %arg21[%swap3A_3748, %swap3A_3749] {strides = array<i32>} : memref<1x64xf32, #tpu.memory_space<vmem>>, vector<16xf32>,
      tpu.vector_store %arg21[%swap3A_3748, %swap3A_3749], %max3A_3746 {strides = array<i32>} : memref<1x64xf32, #tpu.memory_space<vmem>>, vector<16xf32>,
      "tpu.region"() ({
        %run_scoped3A = tpu.sem_alloc : memref<!tpu.dma_semaphore, #tpu.memory_space<semaphore_mem>>
        tpu.enqueue_dma source(%arg21 : memref<1x64xf32, #tpu.memory_space<vmem>>) target(%arg10 : memref<1x64xf32, #tpu.memory_space<hbm>>) target_semaphore(%run_scoped3A : memref<!tpu.dma_semaphore, #tpu.memory_space<semaphore_mem>>)
        tpu.wait_dma2 semaphore(%run_scoped3A : memref<!tpu.dma_semaphore, #tpu.memory_space<semaphore_mem>>) src(%arg21 : memref<1x64xf32, #tpu.memory_space<vmem>>) dst(%arg10 : memref<1x64xf32, #tpu.memory_space<hbm>>)
        tpu.yield
      }) : () -> ()
    } else {
    }
    return
  }
}

</mosaic_0001>

<sc_bundles>
// kernel: _run.3.cloned.1.call-start
scs
__scs_entry_jumppad:
0x0: {  	(pc) =	sbr.rel $0x88, $3  }
0x1: {  	(tag) =	ssettag $0x0;
	lr =	simm.s32 $0x1  }
0x2: {  	[smem:$0x3F99] =	sst lr;
	_ =	strace $0xD0000000  }
0x3: {  	_ = 	snop  }
0x4: {  	_ = 	snop  }
0x5: {  	_ = 	snop  }
0x6: {  	_ = 	snop  }
0x7: {  	_ = 	snop  }
__scs_overlays_trampoline_lowered:
0x8: {  	[smem:$0x3FA8] =	sst s0  }
0x9: {  	[smem:$0x3FA9] =	sst s1  }
0xa: {  	[smem:$0x3FAA] =	sst s2  }
0xb: {  	[smem:$0x3FAB] =	sst s3  }
0xc: {  	[smem:$0x3FAC] =	sst s4  }
0xd: {  	[smem:$0x3FAD] =	sst s5  }
0xe: {  	[smem:$0x3FAE] =	sst s6  }
0xf: {  	[smem:$0x3FAF] =	sst s7  }
0x10: {  	[smem:$0x3FB0] =	sst s8  }
0x11: {  	[smem:$0x3FB1] =	sst s9;
	s0 =	simm.s32 @!p0 $0x0  }
0x12: {  	s1 =	sld [smem:$0x3F97];
	s0 =	simm.s32 @p0 $0x1  }
0x13: {  	[smem:$0x3FB2] =	sst s0;
	s0 =	simm.s32 @!p1 $0x0  }
0x14: {  	s2 =	sld [smem:$0x3F96];
	s0 =	simm.s32 @p1 $0x1  }
0x15: {  	[smem:$0x3FB3] =	sst s0;
	s0 =	simm.s32 @!p2 $0x0  }
0x16: {  	s3 =	sld [smem:$0x3FDB];
	s0 =	simm.s32 @p2 $0x1  }
0x17: {  	s4 =	simm.s32 $0x1BF5;
	[smem:$0x3FB5] =	sst s0  }
0x18: {  	s0 =	sld [smem:$0x3F98];
	_ =	swait.ge [sflag:s4], $0x0  }
0x19: {  	s7 =	sld [smem:$0x3F99]  }
0x1a: {  	s8 =	sadd.s32 $0xFFFFE003, lr  }
0x1b: {  	s9 =	sadd.s32 $0xFFFFFEF7, lr;
	s5 =	simm.s32 $0xFFFFFFFF;
	p2 =	slt.u32 s8, $0xFFFFF086  }
0x1c: {  	p1 =	slt.u32 s9, $0xF7A;
	s5 =	simm.s32 @!p2 $0x0  }
0x1d: {  	s5 =	simm.s32 @p1 $0x1;
	p0 =	seq.s32 s7, s2  }
0x1e: {  	s7 =	smul.u32 @!p0 $0xF7A, s2;
	p2 =	seq.s32 @!p0 s5, $0x0  }
0x1f: {  	s9 =	smul.u32 $0xF7A, s1;
	s8 =	simm.s32 @!p0 $0x1BF5;
	p2 =	por !p2, p0  }
0x20: {  	[sflag:s8] =	ssyncset.s32 @!p0 $0xFFFFF086;
	s6 =	sadd.s32 @!p0 s3, s7;
	s7 =	simm.s32 @!p0 $0x108  }
0x21: {  	s3 =	sadd.s32 s3, s9;
	s6 =	sadd.s32 @!p0 $0x88, s6;
	s7 =	simm.s32 @p2 $0x1082  }
0x22: {  	[simem:s7], [sflag:s8] =	dma.local @!p0 [hbm:s6], $0xF7A  }
0x23: {  	s9 =	sor.u32 $0xD0000000, s2;
	s6 =	simm.s32 $0x108;
	_ =	swait.ge @!p0 [sflag:s8], $0x0  }
0x24: {  	s3 =	sadd.s32 $0x88, s3;
	s6 =	simm.s32 @!p1 $0x1082;
	[sflag:s4] =	ssyncset.s32 $0xFFFFF086  }
0x25: {  	[simem:s6], [sflag:s4] =	dma.local [hbm:s3], $0xF7A  }
0x26: {  	[smem:$0x3F99] =	sst s1;
	(tag) =	ssettag s2;
	_ =	strace s9  }
0x27: {  	s1 =	sld [smem:$0x3FA9]  }
0x28: {  	s2 =	sld [smem:$0x3FAA]  }
0x29: {  	s4 =	sld [smem:$0x3FAC]  }
0x2a: {  	p0 =	seq.s32 s5, $0x0;
	s5 =	sld [smem:$0x3FAD]  }
0x2b: {  	s6 =	sld [smem:$0x3FAE]  }
0x2c: {  	s7 =	sld [smem:$0x3FAF]  }
0x2d: {  	s3 =	simm.s32 $0x108;
	s8 =	sld [smem:$0x3FB0]  }
0x2e: {  	s3 =	simm.s32 @!p0 $0x1082;
	s9 =	sld [smem:$0x3FB1]  }
0x2f: {  	lr =	sadd.s32 s0, s3;
	s0 =	sld [smem:$0x3FA8]  }
0x30: {  	s3 =	sld [smem:$0x3FAB]  }
0x31: {  	[smem:$0x3FB4] =	sst s10  }
0x32: {  	s10 =	sld [smem:$0x3FB2];
	_ =	sdelay $0x3  }
0x33: {  	p0 =	seq.s32 s10, $0x1;
	s10 =	sld [smem:$0x3FB4];
	_ =	sdelay $0x3  }
0x34: {  	[smem:$0x3FB4] =	sst s10  }
0x35: {  	s10 =	sld [smem:$0x3FB3];
	_ =	sdelay $0x3  }
0x36: {  	p1 =	seq.s32 s10, $0x1;
	s10 =	sld [smem:$0x3FB4];
	_ =	sdelay $0x3  }
0x37: {  	[smem:$0x3FB4] =	sst s10  }
0x38: {  	s10 =	sld [smem:$0x3FB5]  }
0x39: {  	_ = 	snop;
	(pc) =	sbr.ind lr, $3  }
0x3a: {  	_ = 	snop  }
0x3b: {  	_ = 	snop  }
0x3c: {  	p2 =	seq.s32 s10, $0x1;
	s10 =	sld [smem:$0x3FB4]  }
0x3d: {  	_ =	shalt  }
0x3e: {  	_ =	shalt  }
0x3f: {  	_ =	shalt  }
0x40: {  	_ =	shalt  }
0x41: {  	_ =	shalt  }
0x42: {  	_ =	shalt  }
0x43: {  	_ =	shalt  }
0x44: {  	_ =	shalt  }
0x45: {  	_ =	shalt  }
0x46: {  	_ =	shalt  }
0x47: {  	_ =	shalt  }
0x48: {  	_ =	shalt  }
0x49: {  	_ =	shalt  }
0x4a: {  	_ =	shalt  }
0x4b: {  	_ =	shalt  }
0x4c: {  	_ =	shalt  }
0x4d: {  	_ =	shalt  }
0x4e: {  	_ =	shalt  }
0x4f: {  	_ =	shalt  }
0x50: {  	_ =	shalt  }
0x51: {  	_ =	shalt  }
0x52: {  	_ =	shalt  }
0x53: {  	_ =	shalt  }
0x54: {  	_ =	shalt  }
0x55: {  	_ =	shalt  }
0x56: {  	_ =	shalt  }
0x57: {  	_ =	shalt  }
0x58: {  	_ =	shalt  }
0x59: {  	_ =	shalt  }
0x5a: {  	_ =	shalt  }
0x5b: {  	_ =	shalt  }
0x5c: {  	_ =	shalt  }
0x5d: {  	_ =	shalt  }
0x5e: {  	_ =	shalt  }
0x5f: {  	_ =	shalt  }
0x60: {  	_ =	shalt  }
0x61: {  	_ =	shalt  }
0x62: {  	_ =	shalt  }
0x63: {  	_ =	shalt  }
0x64: {  	_ =	shalt  }
0x65: {  	_ =	shalt  }
0x66: {  	_ =	shalt  }
0x67: {  	_ =	shalt  }
0x68: {  	_ =	shalt  }
0x69: {  	_ =	shalt  }
0x6a: {  	_ =	shalt  }
0x6b: {  	_ =	shalt  }
0x6c: {  	_ =	shalt  }
0x6d: {  	_ =	shalt  }
0x6e: {  	_ =	shalt  }
0x6f: {  	_ =	shalt  }
0x70: {  	_ =	shalt  }
0x71: {  	_ =	shalt  }
0x72: {  	_ =	shalt  }
0x73: {  	_ =	shalt  }
0x74: {  	_ =	shalt  }
0x75: {  	_ =	shalt  }
0x76: {  	_ =	shalt  }
0x77: {  	_ =	shalt  }
0x78: {  	_ =	shalt  }
0x79: {  	_ =	shalt  }
0x7a: {  	_ =	shalt  }
0x7b: {  	_ =	shalt  }
0x7c: {  	_ =	shalt  }
0x7d: {  	_ =	shalt  }
0x7e: {  	_ =	shalt  }
0x7f: {  	_ =	shalt  }
0x80: {  	_ =	shalt  }
0x81: {  	_ =	shalt  }
0x82: {  	_ =	shalt  }
0x83: {  	_ =	shalt  }
0x84: {  	_ =	shalt  }
0x85: {  	_ =	shalt  }
0x86: {  	_ =	shalt  }
0x87: {  	_ =	shalt  }
.Lfunc_end0:
.L_simem_size_0:
called_computation_lowered:
.L_overlay_start_0:
0x88: {  	s2 =	sld [smem:$0x3FD9]  }
0x89: {  	s3 =	sld [smem:$0x3FFE];
	_ =	sdelay $0x1  }
0x8a: {  	s1 =	srdreg.scid  }
0x8b: {  	s0 =	sand.u32 $0x1, s1  }
0x8c: {  	s17 =	sshll.u32 s0, $0xA;
	s2 =	sadd.s32 s3, s2  }
0x8d: {  	s2 =	sadd.s32 s2, s17  }
0x8e: {  	[smem:$0x3FC0] =	sst s2  }
0x8f: {  	_ = 	snop  }
0x90: {  	s2 =	sld [smem:$0x3FC9]  }
0x91: {  	s18 =	sld [smem:$0x3FC8]  }
0x92: {  	s4 =	sld [smem:$0x3FC6]  }
0x93: {  	s5 =	sld [smem:$0x3FC5]  }
0x94: {  	s6 =	sld [smem:$0x3FC4]  }
0x95: {  	s7 =	sld [smem:$0x3FC3]  }
0x96: {  	s8 =	sld [smem:$0x3FC2]  }
0x97: {  	s9 =	sld [smem:$0x3FD0];
	(tm) =	ssettm $0x1  }
0x98: {  	s10 =	sld [smem:$0x3FFB];
	_ =	sdelay $0x3  }
0x99: {  	_ =	strace s10  }
0x9a: {  	s10 =	sld [smem:$0x3FFC];
	_ =	sdelay $0x3  }
0x9b: {  	_ =	strace s10  }
0x9c: {  	s10 =	sld [smem:$0x3FFD];
	_ =	sdelay $0x3  }
0x9d: {  	_ =	strace s10  }
0x9e: {  	_ =	strace $0x8FFFFFFF  }
0x9f: {  	s19 =	sld [smem:$0x3FDB];
	_ =	sdelay $0x1  }
0xa0: {  	s11 =	simm.s32 $_scs_section_size  }
0xa1: {  	s12 =	simm.s32 $_size__tile_overlayer_lowered;
	s13 =	simm.s32 $_tile_overlayer_lowered  }
0xa2: {  	s22 =	simm.s32 $0x1BFF;
	s21 =	sshll.u32 s13, $0x1;
	s10 =	sadd.s32 s11, s19  }
0xa3: {  	s14 =	simm.s32 $0x0;
	s20 =	sshll.u32 s12, $0x1;
	s12 =	sadd.s32 s21, s10  }
0xa4: {  	[timem:s14], [sflag:s22] =	dma.local [hbm:s12], s20  }
0xa5: {  	_ =	swait.ge [sflag:s22], s20  }
0xa6: {  	s11 =	ssub.s32 $0x0, s20;
	[sflag:s22] =	ssyncset.done $0x0  }
0xa7: {  	[sflag:s22] =	ssyncadd.s32 s11;
	_ =	sdelay $0x1  }
0xa8: {  	s23 =	simm.s32 $0x1B8B  }
0xa9: {  	_ =	swait.ge [sflag:s23], $0x1  }
0xaa: {  	[sflag:s23] =	ssyncset.done $0x0  }
0xab: {  	s25 =	simm.s32 $0x1B8E;
	s24 =	sld [smem:$0x3FFE];
	[sflag:s23] =	ssyncadd.s32 $0xFFFFFFFF  }
0xac: {  	s26 =	simm.s32 $execute0_lowered;
	[smem:$0x3FD2] =	sst s25  }
0xad: {  	s12 =	sshll.u32 s26, $0x1;
	_ =	strace $0x80000046;
	[dreg:$0x1] =	wrdreg $0xFFFFFFFF  }
0xae: {  	s28 =	simm.s32 $_size_execute0_lowered;
	s10 =	sadd.s32 s10, s12;
	[dreg:$0x0] =	wrdreg $0x0  }
0xaf: {  	s12 =	sshll.u32 s28, $0x1;
	[dreg:$0x2] =	wrdreg s10  }
0xb0: {  	[dreg:$0x3] =	wrdreg s12  }
0xb1: {  	[dreg:$0x4] =	wrdreg $0xC0  }
0xb2: {  	_ =	task [dreg:s14], $0x5FFFF  }
0xb3: {  	[dreg:$0x1] =	wrdreg $0xFFFFFFFF  }
0xb4: {  	[dreg:$0x0] =	wrdreg $0x60  }
0xb5: {  	[dreg:$0x2] =	wrdreg s2  }
0xb6: {  	[dreg:$0x3] =	wrdreg s18  }
0xb7: {  	[dreg:$0x4] =	wrdreg s24  }
0xb8: {  	[dreg:$0x5] =	wrdreg s4  }
0xb9: {  	[dreg:$0x6] =	wrdreg s5  }
0xba: {  	[dreg:$0x7] =	wrdreg s6  }
0xbb: {  	[dreg:$0x8] =	wrdreg s7  }
0xbc: {  	[dreg:$0x9] =	wrdreg s8  }
0xbd: {  	[dreg:$0xa] =	wrdreg s9  }
0xbe: {  	[dreg:$0xb] =	wrdreg $0x9  }
0xbf: {  	_ =	task.clear_ibuf [dreg:s14], $0xCFFFF;
	_ =	strace $0x90000046  }
0xc0: {  	s29 =	simm.s32 $0x9;
	_ =	strace $0x80000048  }
0xc1: {  	_ =	swait.ge [sflag:s29], $0x1  }
0xc2: {  	[sflag:s29] =	ssyncadd.s32 $0xFFFFFFFF  }
0xc3: {  	_ =	strace $0x90000048  }
0xc4: {  	_ =	sfence  }
0xc5: {  	s30 =	sld [smem:$0x0];
	_ =	sdelay $0x2  }
0xc6: {  	s31 =	sshll.u32 s1, $0xD;
	s1 =	sshrl.u32 s1, $0x2  }
0xc7: {  	s3 =	sand.u32 $0x4000, s31;
	s1 =	sadd.s32 s1, s30  }
0xc8: {  	s0 =	sor.u32 s3, s0;
	s1 =	sshll.u32 s1, $0x11  }
0xc9: {  	s0 =	sor.u32 s1, s0  }
0xca: {  	s0 =	sadd.s32 $0x8F2B, s0  }
0xcb: {  	[sflag:s0] =	ssyncadd.remote.s32 $0x1  }
0xcc: {  	_ =	sfence.sel $0xFFFF  }
0xcd: {  	[dreg:$0x0] =	wrdreg $0xFFFFFFFF;
	(pc) =	sbr.abs _section_cstart, $3  }
0xce: {  	[dreg:$0x1] =	wrdreg $0xFFFFFFFF  }
0xcf: {  	_ =	task.clear_ibuf [dreg:s14], $0x2FFFF;
	_ =	strace $0x9FFFFFFF  }
0xd0: {  	(tm) =	ssettm $0x7FFFFFFF  }
0xd1: {  	_ =	shalt  }
tec
execute0_lowered:
.L_overlay_start_1:
0x0: {  	(tag) =	ssettag $0x1  }
0x1: {  	s0 =	rddreg [dreg:$0x0]  }
0x2: {  	s4 =	rddreg [dreg:$0x2]  }
0x3: {  	s1 =	rddreg [dreg:$0x3]  }
0x4: {  	s26 =	rddreg [dreg:$0x4]  }
0x5: {  	s28 =	rddreg [dreg:$0x5]  }
0x6: {  	s29 =	rddreg [dreg:$0x6]  }
0x7: {  	s30 =	rddreg [dreg:$0x7]  }
0x8: {  	s31 =	rddreg [dreg:$0x8]  }
0x9: {  	[dreg:$0xa] =	wrdreg s0  }
0xa: {  	s2 =	srdreg.scid;
	s0 =	rddreg [dreg:$0x1]  }
0xb: {  	[dreg:$0xc] =	wrdreg s1;
	s5 =	sand.u32 $0x1, s2;
	s2 =	stileid.u32  }
0xc: {  	[dreg:$0xd] =	wrdreg s26;
	s6 =	sor.u32 s2, s5  }
0xd: {  	[dreg:$0xe] =	wrdreg s28;
	p0 =	sne.s32 s6, $0x0  }
.Ltmp0:
0xe: {  	[dreg:$0xf] =	wrdreg s29;
	(pc) =	sbr.rel @p0 .LBB2_3-.Ltmp0, $4  }
0xf: {  	[dreg:$0x10] =	wrdreg s30  }
0x10: {  	s3 =	simm.s32 $0x0;
	[dreg:$0x11] =	wrdreg s31  }
0x11: {  	[smem:$0x7FF] =	sst s3  }
0x12: {  	s1 =	rddreg [dreg:$0x9];
	_ =	strace $0x80000047  }
0x13: {  	s4 =	sadd.s32 $0x400, s4  }
0x14: {  	s25 =	sadd.s32 $0xF4200, s0;
	[dreg:$0xb] =	wrdreg s4  }
0x15: {  	s26 =	simm.s32 $0x6080;
	s28 =	simm.s32 $0xA080;
	[dreg:$0x12] =	wrdreg s25  }
0x16: {  	s29 =	simm.s32 $0xA100;
	s5 =	ssub.s32 $0x2, s5;
	[dreg:$0x13] =	wrdreg s26  }
0x17: {  	s30 =	simm.s32 $0xB100;
	s7 =	simm.s32 $0xB180;
	v0 =	vlaneseq.u32;
	[dreg:$0x14] =	wrdreg s28  }
0x18: {  	s31 =	simm.s32 $0xC180;
	s8 =	simm.s32 $0x4;
	[dreg:$0x15] =	wrdreg s29;
	v0 =	vmul.u32 $0x80, v0  }
0x19: {  	s9 =	simm.s32 $0x1;
	s10 =	simm.s32 $0x80;
	[dreg:$0x16] =	wrdreg s30  }
0x1a: {  	s11 =	simm.s32 $0x2080;
	s14 =	simm.s32 $0xC200;
	[dreg:$0x17] =	wrdreg s7;
	v1 =	vor.u32 $0x800, v0;
	[tilespmem:$0x1FFE0] =	vst v0  }
0x1b: {  	s12 =	simm.s32 $0x2;
	s13 =	simm.s32 $0x3;
	[dreg:$0x18] =	wrdreg s31;
	v63 =	vor.u32 $0x1000, v0;
	[tilespmem:$0x1FFC0] =	vst v1  }
0x1c: {  	s6 =	sshrl.u32 s5, $0x1;
	s7 =	simm.s32 $0x4080;
	[dreg:$0x19] =	wrdreg s14;
	v0 =	vor.u32 $0x1800, v0;
	[tilespmem:$0x1FFD0] =	vst v63  }
0x1d: {  	s4 =	ssub.s32 s5, s6;
	s5 =	simm.s32 $0x400;
	s6 =	simm.s32 $0x7A1400;
	[tilespmem:$0x1FFF0] =	vst v0  }
.LBB2_2:
0x1e: {  	s14 =	rddreg [dreg:$0xb]  }
0x1f: {  	s15 =	rddreg [dreg:$0x13]  }
0x20: {  	s16 =	rddreg [dreg:$0xc]  }
0x21: {  	s17 =	rddreg [dreg:$0x14]  }
0x22: {  	s23 =	rddreg [dreg:$0xd]  }
0x23: {  	s24 =	rddreg [dreg:$0x15]  }
0x24: {  	s25 =	rddreg [dreg:$0xe]  }
0x25: {  	[tilespmem:s15], [sflag:$0x1] =	stream.linear.gather [hbm4b:s14+s3], $0x4000, $0x38;
	[tilespmem:$0xC280] =	vst v63  }
0x26: {  	s26 =	rddreg [dreg:$0x16]  }
0x27: {  	[tilespmem:s17], [sflag:$0x1] =	stream.linear.gather [hbm4b:s16+s3], $0x80, $0x38;
	[tilespmem:$0xC280] =	vst v63  }
0x28: {  	s28 =	rddreg [dreg:$0xf]  }
0x29: {  	[tilespmem:s24], [sflag:$0x1] =	stream.linear.gather [hbm4b:s23+s3], $0x1000, $0x38;
	[tilespmem:$0xC280] =	vst v63  }
0x2a: {  	s29 =	rddreg [dreg:$0x17]  }
0x2b: {  	[tilespmem:s26], [sflag:$0x1] =	stream.linear.gather [hbm4b:s25+s3], $0x80, $0x38;
	[tilespmem:$0xC280] =	vst v63  }
0x2c: {  	s30 =	rddreg [dreg:$0x10]  }
0x2d: {  	[tilespmem:s29], [sflag:$0x1] =	stream.linear.gather [hbm4b:s28+s3], $0x1000, $0x38;
	[tilespmem:$0xC280] =	vst v63  }
0x2e: {  	s31 =	rddreg [dreg:$0x18]  }
0x2f: {  	[tilespmem:s31], [sflag:$0x1] =	stream.linear.gather [hbm4b:s30+s3], $0x80, $0x38;
	[tilespmem:$0xC280] =	vst v63  }
0x30: {  	s18 =	rddreg [dreg:$0x12]  }
0x31: {  	[tilespmem:s7], [sflag:$0x1] =	stream.strided.gather [hbm4b:s18+s5], $0x2000, s6, s5, $0x38;
	[tilespmem:$0xC280] =	vst v63  }
0x32: {  	s19 =	rddreg [dreg:$0xa]  }
0x33: {  	[tilespmem:s3], [sflag:$0x4] =	stream.linear.gather [hbm4b:s19+s3], $0x2, $0x38;
	[tilespmem:$0xC280] =	vst v63  }
0x34: {  	_ =	swait.ge [sflag:s8], $0x2  }
0x35: {  	[sflag:s8] =	ssyncset.done $0x0  }
0x36: {  	[sflag:s8] =	ssyncadd.s32 $0xFFFFFFFE  }
0x37: {  	v4 =	vld [tilespmem:$0x0];
	_ =	sdelay $0x4  }
0x38: {  	(v2sf) =	vpush v4, $0x0;
	_ =	sdelay $0x1  }
0x39: {  	(v2sf) =	vpush v4, $0x1;
	_ =	sdelay $0xc  }
0x3a: {  	s20 =	spop (v2sf)  }
0x3b: {  	s17 =	simm.s32 $0x1;
	s21 =	sand.u32 $0x7F, s20;
	p0 =	slt.s32 s20, $0x1  }
0x3c: {  	s22 =	spop (v2sf);
	s23 =	sshra.s32 s20, $0x1F;
	p1 =	sne.s32 s21, $0x0  }
0x3d: {  	s16 =	sshrl.u32 s23, $0x19;
	s18 =	sand.u32 $0x7F, s22;
	s19 =	sshra.s32 s22, $0x1F  }
0x3e: {  	p3 =	slt.s32 s22, $0x1;
	p0 =	por !p0, !p1;
	s16 =	sadd.s32 s16, s20  }
0x3f: {  	p4 =	sne.s32 s18, $0x0;
	s24 =	sshrl.u32 s19, $0x19;
	p0 =	por !p0, !p0  }
0x40: {  	s19 =	simm.s32 $0x1;
	s17 =	simm.s32 @!p0 $0x0;
	p0 =	por !p3, !p4  }
0x41: {  	s16 =	sshrl.u32 s16, $0x7;
	s18 =	sadd.s32 s24, s22;
	p0 =	por !p0, !p0  }
0x42: {  	s25 =	sshrl.u32 s18, $0x7;
	s16 =	ssub.s32 s16, s17;
	s19 =	simm.s32 @!p0 $0x0  }
0x43: {  	s16 =	sshll.u32 s16, $0x7;
	s17 =	ssub.s32 s25, s19  }
0x44: {  	p0 =	slt.s32 s16, $0xF4180;
	s17 =	sshll.u32 s17, $0x7  }
0x45: {  	s16 =	simm.s32 @!p0 $0xF4180;
	p0 =	slt.s32 s17, $0xF4180  }
0x46: {  	s26 =	sadd.s32 s0, s16;
	s17 =	simm.s32 @!p0 $0xF4180  }
0x47: {  	[tilespmem:s10], [sflag:$0x2] =	stream.strided.gather [hbm4b:s26+s5], $0x2000, s6, s5, $0x38;
	[tilespmem:$0xC280] =	vst v63  }
0x48: {  	s28 =	sadd.s32 s0, s17  }
0x49: {  	[tilespmem:s11], [sflag:$0x3] =	stream.strided.gather [hbm4b:s28+s5], $0x2000, s6, s5, $0x38;
	[tilespmem:$0xC280] =	vst v63  }
0x4a: {  	_ =	swait.ge [sflag:s12], $0x2000  }
0x4b: {  	[sflag:s12] =	ssyncset.done $0x0  }
0x4c: {  	[sflag:s12] =	ssyncadd.s32 $0xFFFFE000  }
0x4d: {  	_ =	swait.ge [sflag:s13], $0x2000  }
0x4e: {  	[sflag:s13] =	ssyncset.done $0x0  }
0x4f: {  	[sflag:s13] =	ssyncadd.s32 $0xFFFFE000  }
0x50: {  	_ =	swait.ge [sflag:s9], $0x4000  }
0x51: {  	[sflag:s9] =	ssyncset.done $0x0  }
0x52: {  	[sflag:s9] =	ssyncadd.s32 $0xFFFFC000  }
0x53: {  	_ =	swait.ge [sflag:s9], $0x80  }
0x54: {  	[sflag:s9] =	ssyncset.done $0x0  }
0x55: {  	[sflag:s9] =	ssyncadd.s32 $0xFFFFFF80  }
0x56: {  	_ =	swait.ge [sflag:s9], $0x1000  }
0x57: {  	[sflag:s9] =	ssyncset.done $0x0  }
0x58: {  	[sflag:s9] =	ssyncadd.s32 $0xFFFFF000  }
0x59: {  	_ =	swait.ge [sflag:s9], $0x80  }
0x5a: {  	[sflag:s9] =	ssyncset.done $0x0  }
0x5b: {  	[sflag:s9] =	ssyncadd.s32 $0xFFFFFF80  }
0x5c: {  	_ =	swait.ge [sflag:s9], $0x1000  }
0x5d: {  	[sflag:s9] =	ssyncset.done $0x0  }
0x5e: {  	[sflag:s9] =	ssyncadd.s32 $0xFFFFF000  }
0x5f: {  	_ =	swait.ge [sflag:s9], $0x80  }
0x60: {  	[sflag:s9] =	ssyncset.done $0x0  }
0x61: {  	[sflag:s9] =	ssyncadd.s32 $0xFFFFFF80  }
0x62: {  	v0 =	vld [tilespmem:$0x1FFE0];
	_ =	swait.ge [sflag:s9], $0x2000  }
0x63: {  	s16 =	ssub.s32 s20, s16;
	v1 =	vld [tilespmem:$0x1FFC0]  }
0x64: {  	p0 =	slt.s32 s16, $0x7F;
	s17 =	ssub.s32 s22, s17  }
0x65: {  	s18 =	sadd.s32 $0xFFF0BE00, s20;
	s16 =	simm.s32 @!p0 $0x7F;
	p0 =	slt.s32 s17, $0x7F;
	v2 =	vld [tilespmem:$0x1FFD0]  }
0x66: {  	p1 =	sgt.s32 s18, $0x0;
	s17 =	simm.s32 @!p0 $0x7F;
	v3 =	vld [tilespmem:$0x1FFF0]  }
0x67: {  	s18 =	simm.s32 @!p1 $0x0;
	v56 =	vadd.s32 s17, v0  }
0x68: {  	s18 =	smin.u32 s18, $0x3F;
	v6 =	vadd.s32 s16, v1  }
0x69: {  	s19 =	sadd.s32 $0xFFF0BE00, s22;
	v7 =	vor.u32 s18, v1  }
0x6a: {  	p1 =	sgt.s32 s19, $0x0;
	[sflag:s9] =	ssyncset.done $0x0;
	v8 =	vadd.s32 s16, v2  }
0x6b: {  	s19 =	simm.s32 @!p1 $0x0;
	[sflag:s9] =	ssyncadd.s32 $0xFFFFE000;
	v9 =	vadd.s32 s16, v3  }
0x6c: {  	s29 =	smin.u32 s19, $0x3F;
	v55 =	vor.u32 s18, v3;
	v63 =	vld.idx.msk [tilespmem:v56+s11+$0x0], $0xffff  }
0x6d: {  	v57 =	vor.u32 s29, v0;
	v21 =	vld.idx.msk [tilespmem:v6+s10+$0x0], $0xffff  }
0x6e: {  	v58 =	vadd.s32 s17, v1;
	v22 =	vld.idx.msk [tilespmem:v7+s7+$0x0], $0xffff  }
0x6f: {  	v60 =	vor.u32 s29, v1;
	v14 =	vld.idx.msk [tilespmem:v8+s10+$0x0], $0xffff  }
0x70: {  	v62 =	vadd.s32 s17, v2;
	v59 =	vld.idx.msk [tilespmem:v9+s10+$0x0], $0xffff  }
0x71: {  	v61 =	vld.idx.msk [tilespmem:v55+s7+$0x0], $0xffff  }
0x72: {  	v6 =	vld.idx.msk [tilespmem:v57+s7+$0x0], $0xffff  }
0x73: {  	v53 =	vadd.s32 s16, v0;
	v7 =	vld.idx.msk [tilespmem:v58+s11+$0x0], $0xffff  }
0x74: {  	v5 =	vor.u32 s18, v0;
	v8 =	vld.idx.msk [tilespmem:v60+s7+$0x0], $0xffff;
	[tilespmem:$0x1FEB0] =	vst v63  }
0x75: {  	v54 =	vor.u32 s18, v2;
	v9 =	vld.idx.msk [tilespmem:v62+s11+$0x0], $0xffff;
	[tilespmem:$0x1FE90] =	vst v59  }
0x76: {  	v18 =	vor.u32 s29, v2;
	[tilespmem:$0x1FEA0] =	vst v61  }
0x77: {  	v19 =	vadd.s32 s17, v3;
	[tilespmem:$0x1FEC0] =	vst v6  }
0x78: {  	v20 =	vor.u32 s29, v3;
	v16 =	vld.idx.msk [tilespmem:v53+s10+$0x0], $0xffff;
	[tilespmem:$0x1FEF0] =	vst v7  }
0x79: {  	v17 =	vld.idx.msk [tilespmem:v5+s7+$0x0], $0xffff;
	[tilespmem:$0x1FF00] =	vst v8  }
0x7a: {  	v15 =	vld.idx.msk [tilespmem:v54+s7+$0x0], $0xffff;
	[tilespmem:$0x1FF30] =	vst v9  }
0x7b: {  	v0 =	vld.idx.msk [tilespmem:v18+s7+$0x0], $0xffff  }
0x7c: {  	v10 =	vld.idx.msk [tilespmem:v19+s11+$0x0], $0xffff  }
0x7d: {  	v11 =	vld.idx.msk [tilespmem:v20+s7+$0x0], $0xffff  }
0x7e: {  	v12 =	vld [tilespmem:$0xA080]  }
0x7f: {  	v19 =	vld [tilespmem:$0xA090]  }
0x80: {  	v13 =	vld [tilespmem:$0x6080]  }
0x81: {  	v23 =	vld [tilespmem:$0x6090]  }
0x82: {  	v24 =	vld [tilespmem:$0x6100]  }
0x83: {  	v43 =	vld [tilespmem:$0x6110]  }
0x84: {  	v34 =	vld [tilespmem:$0x6180]  }
0x85: {  	v44 =	vld [tilespmem:$0x6190]  }
0x86: {  	v35 =	vld [tilespmem:$0x6200]  }
0x87: {  	v45 =	vld [tilespmem:$0x6210]  }
0x88: {  	v37 =	vld [tilespmem:$0x6280]  }
0x89: {  	v46 =	vld [tilespmem:$0x6290]  }
0x8a: {  	v38 =	vld [tilespmem:$0x6300]  }
0x8b: {  	v47 =	vld [tilespmem:$0x6310]  }
0x8c: {  	v39 =	vld [tilespmem:$0x6380]  }
0x8d: {  	v48 =	vld [tilespmem:$0x6390]  }
0x8e: {  	v49 =	vld [tilespmem:$0x6400]  }
0x8f: {  	v50 =	vld [tilespmem:$0x6410]  }
0x90: {  	v51 =	vld [tilespmem:$0x6480]  }
0x91: {  	v36 =	vld [tilespmem:$0x6490]  }
0x92: {  	v52 =	vld [tilespmem:$0x6500]  }
0x93: {  	v25 =	vld [tilespmem:$0x6510]  }
0x94: {  	v53 =	vld [tilespmem:$0x6580]  }
0x95: {  	v26 =	vld [tilespmem:$0x6590]  }
0x96: {  	v54 =	vld [tilespmem:$0x6600]  }
0x97: {  	v27 =	vld [tilespmem:$0x6610]  }
0x98: {  	v55 =	vld [tilespmem:$0x6680]  }
0x99: {  	v28 =	vld [tilespmem:$0x6690]  }
0x9a: {  	v56 =	vld [tilespmem:$0x6700]  }
0x9b: {  	v29 =	vld [tilespmem:$0x6710]  }
0x9c: {  	p5 =	slt.s32 s20, $0xF4200;
	v57 =	vld [tilespmem:$0x6780]  }
0x9d: {  	v58 =	vpsel p5, v16, v17;
	v30 =	vld [tilespmem:$0x6790]  }
0x9e: {  	v16 =	vbroadcast v58, $0x0;
	v59 =	vld [tilespmem:$0x6800]  }
0x9f: {  	v31 =	vld [tilespmem:$0x6810]  }
0xa0: {  	v61 =	vbroadcast v58, $0x1;
	v60 =	vld [tilespmem:$0x6880];
	v20 =	vmul.f32 v13, v16  }
0xa1: {  	v32 =	vld [tilespmem:$0x6890]  }
0xa2: {  	v62 =	vld [tilespmem:$0x6900];
	v40 =	vmul.f32 v24, v61;
	v24 =	vbroadcast v58, $0x2;
	v17 =	vadd.f32 v20, v12  }
0xa3: {  	v33 =	vld [tilespmem:$0x6910]  }
0xa4: {  	v1 =	vbroadcast v58, $0x3;
	v63 =	vld [tilespmem:$0x6980];
	v41 =	vmul.f32 v34, v24;
	v17 =	vadd.f32 v40, v17  }
0xa5: {  	v5 =	vld [tilespmem:$0x6A00]  }
0xa6: {  	v3 =	vbroadcast v58, $0x4;
	v6 =	vld [tilespmem:$0x6A80];
	v42 =	vmul.f32 v35, v1;
	v17 =	vadd.f32 v41, v17  }
0xa7: {  	v7 =	vld [tilespmem:$0x6B00]  }
0xa8: {  	v8 =	vld [tilespmem:$0x6B80];
	v2 =	vmul.f32 v37, v3;
	v20 =	vbroadcast v58, $0x5;
	v17 =	vadd.f32 v42, v17  }
0xa9: {  	v9 =	vld [tilespmem:$0x6C00]  }
0xaa: {  	[tilespmem:$0x1FF40] =	vst v0;
	v35 =	vld [tilespmem:$0x6A10];
	v37 =	vbroadcast v58, $0x6;
	v4 =	vmul.f32 v38, v20;
	v17 =	vadd.f32 v2, v17  }
0xab: {  	[tilespmem:$0x1FF70] =	vst v10;
	v10 =	vld [tilespmem:$0x6C80]  }
0xac: {  	[tilespmem:$0x1FF80] =	vst v11;
	v0 =	vbroadcast v58, $0x7;
	v11 =	vld [tilespmem:$0x6D00];
	v12 =	vmul.f32 v39, v37;
	v17 =	vadd.f32 v4, v17  }
0xad: {  	v23 =	vmul.f32 v23, v16;
	v16 =	vld [tilespmem:$0x6E10];
	v1 =	vmul.f32 v45, v1  }
0xae: {  	v45 =	vld [tilespmem:$0x6F80];
	v13 =	vmul.f32 v49, v0;
	v49 =	vbroadcast v58, $0x8;
	v17 =	vadd.f32 v12, v17  }
0xaf: {  	v3 =	vmul.f32 v46, v3;
	v46 =	vld [tilespmem:$0x7000];
	v19 =	vadd.f32 v23, v19;
	v23 =	vmul.f32 v43, v61  }
0xb0: {  	v34 =	vld [tilespmem:$0x6990];
	v51 =	vmul.f32 v51, v49;
	v2 =	vbroadcast v58, $0x9;
	v17 =	vadd.f32 v13, v17  }
0xb1: {  	v39 =	vld [tilespmem:$0x6C10];
	v19 =	vadd.f32 v23, v19;
	v23 =	vmul.f32 v44, v24  }
0xb2: {  	v43 =	vld [tilespmem:$0x6E80];
	v4 =	vmul.f32 v52, v2;
	v52 =	vbroadcast v58, $0xA;
	v17 =	vadd.f32 v51, v17  }
0xb3: {  	v40 =	vld [tilespmem:$0x6B90];
	v23 =	vadd.f32 v23, v19  }
0xb4: {  	v38 =	vld [tilespmem:$0x6C90];
	v18 =	vmul.f32 v53, v52;
	v17 =	vadd.f32 v4, v17;
	v4 =	vbroadcast v58, $0xB  }
0xb5: {  	v44 =	vld [tilespmem:$0x6F00];
	v1 =	vadd.f32 v1, v23  }
0xb6: {  	v41 =	vld [tilespmem:$0x6A90];
	v17 =	vadd.f32 v18, v17;
	v18 =	vmul.f32 v54, v4;
	v54 =	vbroadcast v58, $0xC  }
0xb7: {  	v19 =	vld [tilespmem:$0x6F90];
	v1 =	vadd.f32 v3, v1;
	v3 =	vmul.f32 v47, v20  }
0xb8: {  	v61 =	vbroadcast v58, $0xD;
	v42 =	vld [tilespmem:$0x6B10];
	v18 =	vadd.f32 v18, v17;
	v55 =	vmul.f32 v55, v54  }
0xb9: {  	v20 =	vld [tilespmem:$0x7080];
	v1 =	vadd.f32 v3, v1;
	v3 =	vmul.f32 v48, v37  }
0xba: {  	v37 =	vld [tilespmem:$0x7100];
	v24 =	vadd.f32 v55, v18;
	v55 =	vmul.f32 v56, v61;
	v56 =	vbroadcast v58, $0xE  }
0xbb: {  	v12 =	vld [tilespmem:$0x6D80]  }
0xbc: {  	v53 =	vld [tilespmem:$0x6D90];
	v24 =	vadd.f32 v55, v24;
	v55 =	vmul.f32 v57, v56;
	v57 =	vbroadcast v58, $0xF  }
0xbd: {  	v0 =	vmul.f32 v50, v0;
	v1 =	vadd.f32 v3, v1;
	v3 =	vld [tilespmem:$0x7180];
	v58 =	vpsel p5, v21, v22  }
0xbe: {  	v13 =	vld [tilespmem:$0x6E00];
	v22 =	vadd.f32 v55, v24;
	v24 =	vmul.f32 v59, v57;
	v55 =	vbroadcast v58, $0x0  }
0xbf: {  	v0 =	vadd.f32 v0, v1;
	v1 =	vmul.f32 v29, v61;
	v29 =	vld [tilespmem:$0x7490]  }
0xc0: {  	v51 =	vld [tilespmem:$0x6D10];
	v47 =	vbroadcast v58, $0x1;
	v23 =	vadd.f32 v24, v22;
	v59 =	vmul.f32 v60, v55  }
0xc1: {  	v17 =	vld [tilespmem:$0x6E90]  }
0xc2: {  	v18 =	vld [tilespmem:$0x6F10];
	v60 =	vmul.f32 v62, v47;
	v24 =	vadd.f32 v59, v23;
	v59 =	vbroadcast v58, $0x2  }
0xc3: {  	v61 =	vld [tilespmem:$0x7480]  }
0xc4: {  	v21 =	vld [tilespmem:$0x7010];
	v48 =	vadd.f32 v60, v24;
	v50 =	vmul.f32 v63, v59;
	v60 =	vbroadcast v58, $0x3  }
0xc5: {  	v22 =	vld [tilespmem:$0x7090];
	v62 =	vmul.f32 v36, v49  }
0xc6: {  	v49 =	vld [tilespmem:$0x7200];
	v48 =	vadd.f32 v50, v48;
	v5 =	vmul.f32 v5, v60;
	v50 =	vbroadcast v58, $0x4  }
0xc7: {  	v36 =	vld [tilespmem:$0x7210];
	v0 =	vadd.f32 v62, v0;
	v63 =	vmul.f32 v25, v2  }
0xc8: {  	v23 =	vld [tilespmem:$0x7110];
	v5 =	vadd.f32 v5, v48;
	v6 =	vmul.f32 v6, v50;
	v48 =	vbroadcast v58, $0x5  }
0xc9: {  	v62 =	vmul.f32 v26, v52;
	v52 =	vld [tilespmem:$0x7300];
	v0 =	vadd.f32 v63, v0  }
0xca: {  	v26 =	vld [tilespmem:$0x7310];
	v5 =	vadd.f32 v6, v5;
	v63 =	vmul.f32 v7, v48;
	v7 =	vbroadcast v58, $0x6  }
0xcb: {  	v24 =	vld [tilespmem:$0x7190];
	v0 =	vadd.f32 v62, v0;
	v62 =	vmul.f32 v27, v4  }
0xcc: {  	v2 =	vld [tilespmem:$0x7280];
	v5 =	vadd.f32 v63, v5;
	v63 =	vmul.f32 v8, v7;
	v8 =	vbroadcast v58, $0x7  }
0xcd: {  	v25 =	vld [tilespmem:$0x7290];
	v0 =	vadd.f32 v62, v0;
	v62 =	vmul.f32 v28, v54  }
0xce: {  	v4 =	vld [tilespmem:$0x7380];
	v5 =	vadd.f32 v63, v5;
	v6 =	vmul.f32 v9, v8;
	v9 =	vbroadcast v58, $0x8  }
0xcf: {  	v27 =	vld [tilespmem:$0x7390];
	v0 =	vadd.f32 v62, v0  }
0xd0: {  	v54 =	vld [tilespmem:$0x7400];
	v5 =	vadd.f32 v6, v5;
	v63 =	vmul.f32 v10, v9;
	v10 =	vbroadcast v58, $0x9  }
0xd1: {  	v28 =	vld [tilespmem:$0x7410];
	v62 =	vmul.f32 v30, v56;
	v0 =	vadd.f32 v1, v0  }
0xd2: {  	v56 =	vld [tilespmem:$0x7500];
	v5 =	vadd.f32 v63, v5;
	v63 =	vmul.f32 v11, v10;
	v11 =	vbroadcast v58, $0xA  }
0xd3: {  	v30 =	vld [tilespmem:$0x7510];
	v1 =	vmul.f32 v33, v47;
	v0 =	vadd.f32 v62, v0;
	v62 =	vmul.f32 v31, v57  }
0xd4: {  	v47 =	vld [tilespmem:$0x7680];
	v5 =	vadd.f32 v63, v5;
	v63 =	vmul.f32 v12, v11;
	v12 =	vbroadcast v58, $0xB  }
0xd5: {  	v33 =	vld [tilespmem:$0x7690];
	v0 =	vadd.f32 v62, v0;
	v62 =	vmul.f32 v32, v55  }
0xd6: {  	v57 =	vld [tilespmem:$0x7580];
	v5 =	vadd.f32 v63, v5;
	v63 =	vmul.f32 v13, v12;
	v13 =	vbroadcast v58, $0xC  }
0xd7: {  	v31 =	vld [tilespmem:$0x7590];
	v0 =	vadd.f32 v62, v0  }
0xd8: {  	v55 =	vld [tilespmem:$0x7600];
	v62 =	vbroadcast v58, $0xD;
	v5 =	vadd.f32 v63, v5;
	v43 =	vmul.f32 v43, v13  }
0xd9: {  	v10 =	vmul.f32 v51, v10;
	v51 =	vld [tilespmem:$0x7A90];
	v0 =	vadd.f32 v1, v0;
	v1 =	vmul.f32 v34, v59  }
0xda: {  	v32 =	vld [tilespmem:$0x7610];
	v63 =	vbroadcast v58, $0xE;
	v5 =	vadd.f32 v43, v5;
	v43 =	vmul.f32 v44, v62  }
0xdb: {  	v11 =	vmul.f32 v53, v11;
	v53 =	vld [tilespmem:$0x7C00];
	v0 =	vadd.f32 v1, v0;
	v44 =	vmul.f32 v35, v60  }
0xdc: {  	v59 =	vld [tilespmem:$0x7700];
	v58 =	vbroadcast v58, $0xF;
	v45 =	vmul.f32 v45, v63;
	v5 =	vadd.f32 v43, v5  }
0xdd: {  	v14 =	vpsel p5, v14, v15;
	v34 =	vld [tilespmem:$0x7710];
	v1 =	vmul.f32 v41, v50;
	v0 =	vadd.f32 v44, v0  }
0xde: {  	[tilespmem:$0x1FED0] =	vst v51;
	v51 =	vld [tilespmem:$0x7B00];
	v15 =	vmul.f32 v46, v58;
	v46 =	vbroadcast v14, $0x0;
	v5 =	vadd.f32 v45, v5  }
0xdf: {  	v50 =	vld [tilespmem:$0x7800];
	v0 =	vadd.f32 v1, v0;
	v45 =	vmul.f32 v42, v48  }
0xe0: {  	v41 =	vld [tilespmem:$0x7810];
	v20 =	vmul.f32 v20, v46;
	v5 =	vadd.f32 v15, v5;
	v15 =	vbroadcast v14, $0x1  }
0xe1: {  	v60 =	vld [tilespmem:$0x7780];
	v0 =	vadd.f32 v45, v0;
	v45 =	vmul.f32 v40, v7  }
0xe2: {  	v35 =	vld [tilespmem:$0x7790];
	v5 =	vadd.f32 v20, v5;
	v20 =	vmul.f32 v37, v15;
	v37 =	vbroadcast v14, $0x2  }
0xe3: {  	v62 =	vmul.f32 v18, v62;
	v18 =	vld [tilespmem:$0x7C90];
	v40 =	vmul.f32 v39, v8;
	v0 =	vadd.f32 v45, v0  }
0xe4: {  	v6 =	vbroadcast v14, $0x3;
	v43 =	vld [tilespmem:$0x7910];
	v5 =	vadd.f32 v20, v5;
	v3 =	vmul.f32 v3, v37  }
0xe5: {  	v44 =	vld [tilespmem:$0x7990];
	v0 =	vadd.f32 v40, v0;
	v20 =	vmul.f32 v38, v9  }
0xe6: {  	v48 =	vld [tilespmem:$0x7880];
	v40 =	vmul.f32 v49, v6;
	v38 =	vbroadcast v14, $0x4;
	v3 =	vadd.f32 v3, v5  }
0xe7: {  	v42 =	vld [tilespmem:$0x7890];
	v1 =	vadd.f32 v20, v0  }
0xe8: {  	v2 =	vmul.f32 v2, v38;
	v5 =	vbroadcast v14, $0x5;
	v20 =	vld [tilespmem:$0x7B10];
	v3 =	vadd.f32 v40, v3  }
0xe9: {  	v7 =	vld [tilespmem:$0x7900];
	v10 =	vadd.f32 v10, v1  }
0xea: {  	v8 =	vld [tilespmem:$0x7980];
	v39 =	vbroadcast v14, $0x6;
	v2 =	vadd.f32 v2, v3;
	v3 =	vmul.f32 v52, v5  }
0xeb: {  	v45 =	vld [tilespmem:$0x7A10];
	v40 =	vmul.f32 v16, v12;
	v10 =	vadd.f32 v11, v10  }
0xec: {  	v9 =	vld [tilespmem:$0x7A00];
	v12 =	vmul.f32 v4, v39;
	v4 =	vbroadcast v14, $0x7;
	v2 =	vadd.f32 v3, v2  }
0xed: {  	v49 =	vld [tilespmem:$0x7A80];
	v6 =	vmul.f32 v36, v6;
	[tilespmem:$0x1FEE0] =	vst v20;
	v20 =	vmul.f32 v17, v13;
	v10 =	vadd.f32 v40, v10  }
0xee: {  	v36 =	vld [tilespmem:$0x1FE90];
	v40 =	vmul.f32 v54, v4;
	v2 =	vadd.f32 v12, v2;
	v12 =	vbroadcast v14, $0x8  }
0xef: {  	v0 =	vld [tilespmem:$0x8100];
	v10 =	vadd.f32 v20, v10  }
0xf0: {  	v16 =	vld [tilespmem:$0x7B90];
	v13 =	vbroadcast v14, $0x9;
	v2 =	vadd.f32 v40, v2;
	v40 =	vmul.f32 v61, v12  }
0xf1: {  	v27 =	vmul.f32 v27, v39;
	v39 =	vld [tilespmem:$0x8190];
	v11 =	vmul.f32 v19, v63;
	v10 =	vadd.f32 v62, v10  }
0xf2: {  	v1 =	vld [tilespmem:$0x8200];
	v2 =	vadd.f32 v40, v2;
	v40 =	vmul.f32 v56, v13;
	v56 =	vbroadcast v14, $0xA  }
0xf3: {  	v52 =	vld [tilespmem:$0x7B80];
	v4 =	vmul.f32 v28, v4;
	v62 =	vmul.f32 v21, v58;
	v10 =	vadd.f32 v11, v10  }
0xf4: {  	v19 =	vld [tilespmem:$0x7D10];
	v2 =	vadd.f32 v40, v2;
	v63 =	vmul.f32 v57, v56;
	v57 =	vbroadcast v14, $0xB  }
0xf5: {  	v17 =	vld [tilespmem:$0x7C10];
	v28 =	vmul.f32 v30, v13;
	v10 =	vadd.f32 v62, v10;
	v40 =	vmul.f32 v22, v46  }
0xf6: {  	v54 =	vld [tilespmem:$0x7C80];
	v2 =	vadd.f32 v63, v2;
	v62 =	vmul.f32 v55, v57;
	v55 =	vbroadcast v14, $0xC  }
0xf7: {  	v30 =	vld [tilespmem:$0x8290];
	v10 =	vadd.f32 v40, v10;
	v63 =	vmul.f32 v23, v15;
	v40 =	vmul.f32 v24, v37  }
0xf8: {  	v37 =	vld [tilespmem:$0x1FEA0];
	v2 =	vadd.f32 v62, v2;
	v3 =	vmul.f32 v47, v55;
	v47 =	vbroadcast v14, $0xD  }
0xf9: {  	v20 =	vld [tilespmem:$0x7D90];
	v10 =	vadd.f32 v63, v10  }
0xfa: {  	v61 =	vld [tilespmem:$0x7D00];
	v2 =	vadd.f32 v3, v2;
	v24 =	vmul.f32 v59, v47;
	v59 =	vbroadcast v14, $0xE  }
0xfb: {  	v58 =	vld [tilespmem:$0x7D80];
	v10 =	vadd.f32 v40, v10  }
0xfc: {  	v21 =	vld [tilespmem:$0x7E10];
	v14 =	vbroadcast v14, $0xF;
	v2 =	vadd.f32 v24, v2;
	v3 =	vmul.f32 v60, v59  }
0xfd: {  	v11 =	vld [tilespmem:$0x7F80];
	v40 =	vmul.f32 v25, v38;
	v60 =	vpsel p5, v36, v37;
	v6 =	vadd.f32 v6, v10  }
0xfe: {  	v13 =	vld [tilespmem:$0x8310];
	v25 =	vmul.f32 v50, v14;
	v50 =	vbroadcast v60, $0x0;
	v2 =	vadd.f32 v3, v2  }
0xff: {  	v5 =	vmul.f32 v26, v5;
	v46 =	vld [tilespmem:$0x7E00];
	v6 =	vadd.f32 v40, v6  }
0x100: {  	v22 =	vld [tilespmem:$0x7E90];
	v26 =	vmul.f32 v48, v50;
	v48 =	vbroadcast v60, $0x1;
	v2 =	vadd.f32 v25, v2  }
0x101: {  	v31 =	vmul.f32 v31, v56;
	v56 =	vld [tilespmem:$0x8300];
	v5 =	vadd.f32 v5, v6  }
0x102: {  	v15 =	vld [tilespmem:$0x7E80];
	v40 =	vmul.f32 v7, v48;
	v7 =	vbroadcast v60, $0x2;
	v2 =	vadd.f32 v26, v2  }
0x103: {  	v23 =	vld [tilespmem:$0x7F10];
	v5 =	vadd.f32 v27, v5  }
0x104: {  	v62 =	vld [tilespmem:$0x7F00];
	v25 =	vmul.f32 v8, v7;
	v8 =	vbroadcast v60, $0x3;
	v2 =	vadd.f32 v40, v2  }
0x105: {  	v63 =	vld [tilespmem:$0x8000];
	v26 =	vmul.f32 v29, v12;
	v4 =	vadd.f32 v4, v5  }
0x106: {  	v38 =	vld [tilespmem:$0x8110];
	v27 =	vmul.f32 v9, v8;
	v9 =	vbroadcast v60, $0x4;
	v2 =	vadd.f32 v25, v2  }
0x107: {  	v24 =	vld [tilespmem:$0x7F90];
	v4 =	vadd.f32 v26, v4  }
0x108: {  	v36 =	vld [tilespmem:$0x8010];
	v29 =	vmul.f32 v49, v9;
	v49 =	vbroadcast v60, $0x5;
	v3 =	vadd.f32 v27, v2  }
0x109: {  	v10 =	vld [tilespmem:$0x8080];
	v4 =	vadd.f32 v28, v4  }
0x10a: {  	v37 =	vld [tilespmem:$0x8090];
	v28 =	vmul.f32 v51, v49;
	v51 =	vbroadcast v60, $0x6;
	v3 =	vadd.f32 v29, v3  }
0x10b: {  	v35 =	vmul.f32 v35, v59;
	v59 =	vld [tilespmem:$0x8500];
	v4 =	vadd.f32 v31, v4;
	v29 =	vmul.f32 v32, v57  }
0x10c: {  	[tilespmem:$0x1FF10] =	vst v30;
	v6 =	vld [tilespmem:$0x8180];
	v30 =	vmul.f32 v52, v51;
	v52 =	vbroadcast v60, $0x7;
	v3 =	vadd.f32 v28, v3  }
0x10d: {  	v12 =	vld [tilespmem:$0x8280];
	v31 =	vmul.f32 v33, v55;
	v4 =	vadd.f32 v29, v4  }
0x10e: {  	v40 =	vld [tilespmem:$0x8210];
	v32 =	vmul.f32 v53, v52;
	v53 =	vbroadcast v60, $0x8;
	v3 =	vadd.f32 v30, v3  }
0x10f: {  	v25 =	vld [tilespmem:$0x8390];
	v33 =	vmul.f32 v34, v47;
	v4 =	vadd.f32 v31, v4  }
0x110: {  	v26 =	vld [tilespmem:$0x8410];
	v34 =	vmul.f32 v54, v53;
	v54 =	vbroadcast v60, $0x9;
	v3 =	vadd.f32 v32, v3  }
0x111: {  	v27 =	vld [tilespmem:$0x8490];
	v4 =	vadd.f32 v33, v4  }
0x112: {  	v2 =	vld [tilespmem:$0x8580];
	v32 =	vmul.f32 v61, v54;
	v61 =	vbroadcast v60, $0xA;
	v3 =	vadd.f32 v34, v3  }
0x113: {  	v57 =	vld [tilespmem:$0x8380];
	v33 =	vmul.f32 v41, v14;
	v4 =	vadd.f32 v35, v4  }
0x114: {  	v55 =	vld [tilespmem:$0x8400];
	v34 =	vmul.f32 v58, v61;
	v58 =	vbroadcast v60, $0xB;
	v3 =	vadd.f32 v32, v3  }
0x115: {  	v47 =	vld [tilespmem:$0x8480];
	v16 =	vmul.f32 v16, v51;
	v35 =	vmul.f32 v42, v50;
	v4 =	vadd.f32 v33, v4  }
0x116: {  	v51 =	vld [tilespmem:$0x8900];
	v41 =	vmul.f32 v46, v58;
	v46 =	vbroadcast v60, $0xC;
	v3 =	vadd.f32 v34, v3  }
0x117: {  	v28 =	vld [tilespmem:$0x8510];
	v42 =	vmul.f32 v43, v48;
	v4 =	vadd.f32 v35, v4  }
0x118: {  	v29 =	vld [tilespmem:$0x8590];
	v32 =	vbroadcast v60, $0xD;
	v43 =	vmul.f32 v15, v46;
	v3 =	vadd.f32 v41, v3  }
0x119: {  	v35 =	vmul.f32 v44, v7;
	v34 =	vld [tilespmem:$0x1FEB0];
	v4 =	vadd.f32 v42, v4  }
0x11a: {  	v41 =	vmul.f32 v62, v32;
	v42 =	vld [tilespmem:$0x8710];
	v14 =	vadd.f32 v43, v3  }
0x11b: {  	v4 =	vadd.f32 v35, v4;
	v35 =	vld [tilespmem:$0x1FEC0]  }
0x11c: {  	v43 =	vmul.f32 v45, v8;
	v45 =	vbroadcast v60, $0xF;
	v14 =	vadd.f32 v41, v14;
	v41 =	vld [tilespmem:$0x1FED0]  }
0x11d: {  	v17 =	vmul.f32 v17, v52;
	v52 =	vld [tilespmem:$0x8980]  }
0x11e: {  	v44 =	vbroadcast v60, $0xE;
	v4 =	vadd.f32 v43, v4;
	v43 =	vmul.f32 v63, v45;
	v63 =	vld [tilespmem:$0x1FEE0]  }
0x11f: {  	v30 =	vld [tilespmem:$0x8610]  }
0x120: {  	p6 =	slt.s32 s22, $0xF4200;
	v31 =	vld [tilespmem:$0x8690];
	v11 =	vmul.f32 v11, v44  }
0x121: {  	v18 =	vmul.f32 v18, v53;
	v53 =	vld [tilespmem:$0x8A00];
	[tilespmem:$0x1FF20] =	vst v42;
	v60 =	vpsel p6, v34, v35;
	v42 =	vmul.f32 v41, v9  }
0x122: {  	v19 =	vmul.f32 v19, v54;
	v54 =	vld [tilespmem:$0x8A80];
	v11 =	vadd.f32 v11, v14;
	v62 =	vbroadcast v60, $0x0  }
0x123: {  	v50 =	vld [tilespmem:$0x8600];
	v15 =	vmul.f32 v63, v49;
	v4 =	vadd.f32 v42, v4  }
0x124: {  	v48 =	vld [tilespmem:$0x8680];
	v11 =	vadd.f32 v43, v11;
	v63 =	vbroadcast v60, $0x1;
	v10 =	vmul.f32 v10, v62  }
0x125: {  	v33 =	vld [tilespmem:$0x8790];
	v4 =	vadd.f32 v15, v4  }
0x126: {  	v7 =	vld [tilespmem:$0x8700];
	v0 =	vmul.f32 v0, v63;
	v10 =	vadd.f32 v10, v11;
	v11 =	vbroadcast v60, $0x2  }
0x127: {  	v5 =	vmul.f32 v23, v32;
	v32 =	vld [tilespmem:$0x8C80];
	v4 =	vadd.f32 v16, v4  }
0x128: {  	v8 =	vld [tilespmem:$0x8780];
	v0 =	vadd.f32 v0, v10;
	v6 =	vmul.f32 v6, v11;
	v10 =	vbroadcast v60, $0x3  }
0x129: {  	v3 =	vld [tilespmem:$0x9300];
	v4 =	vadd.f32 v17, v4  }
0x12a: {  	v14 =	vld [tilespmem:$0x8B90];
	v0 =	vadd.f32 v6, v0;
	v1 =	vmul.f32 v1, v10;
	v6 =	vbroadcast v60, $0x4  }
0x12b: {  	v34 =	vld [tilespmem:$0x8810];
	v4 =	vadd.f32 v18, v4  }
0x12c: {  	v35 =	vld [tilespmem:$0x8890];
	v0 =	vadd.f32 v1, v0;
	v12 =	vmul.f32 v12, v6;
	v1 =	vbroadcast v60, $0x5  }
0x12d: {  	v43 =	vld [tilespmem:$0x8A10];
	v16 =	vmul.f32 v20, v61;
	v4 =	vadd.f32 v19, v4  }
0x12e: {  	v9 =	vld [tilespmem:$0x8800];
	v12 =	vadd.f32 v12, v0;
	v17 =	vmul.f32 v56, v1;
	v56 =	vbroadcast v60, $0x6  }
0x12f: {  	v15 =	vld [tilespmem:$0x8A90];
	v19 =	vmul.f32 v21, v58;
	v4 =	vadd.f32 v16, v4  }
0x130: {  	v49 =	vld [tilespmem:$0x8880];
	v12 =	vadd.f32 v17, v12;
	v20 =	vmul.f32 v57, v56;
	v57 =	vbroadcast v60, $0x7  }
0x131: {  	v41 =	vld [tilespmem:$0x8910];
	v21 =	vmul.f32 v22, v46;
	v4 =	vadd.f32 v19, v4  }
0x132: {  	v42 =	vld [tilespmem:$0x8990];
	v12 =	vadd.f32 v20, v12;
	v22 =	vmul.f32 v55, v57;
	v55 =	vbroadcast v60, $0x8  }
0x133: {  	v61 =	vld [tilespmem:$0x8B00];
	v4 =	vadd.f32 v21, v4  }
0x134: {  	v23 =	vbroadcast v60, $0x9;
	[tilespmem:$0x1FF50] =	vst v15;
	v15 =	vld [tilespmem:$0x8C10];
	v12 =	vadd.f32 v22, v12;
	v0 =	vmul.f32 v47, v55  }
0x135: {  	v18 =	vld [tilespmem:$0x8B10];
	v22 =	vmul.f32 v24, v44;
	v24 =	vbroadcast v60, $0xA;
	v4 =	vadd.f32 v5, v4  }
0x136: {  	v58 =	vld [tilespmem:$0x8B80];
	v47 =	vbroadcast v60, $0xB;
	v12 =	vadd.f32 v0, v12;
	v0 =	vmul.f32 v59, v23  }
0x137: {  	v46 =	vld [tilespmem:$0x8C00];
	v21 =	vmul.f32 v36, v45;
	v4 =	vadd.f32 v22, v4  }
0x138: {  	v17 =	vld [tilespmem:$0x8D10];
	v2 =	vmul.f32 v2, v24;
	v36 =	vmul.f32 v50, v47;
	v12 =	vadd.f32 v0, v12  }
0x139: {  	v16 =	vld [tilespmem:$0x8C90];
	v50 =	vbroadcast v60, $0xC;
	v22 =	vmul.f32 v37, v62;
	v4 =	vadd.f32 v21, v4  }
0x13a: {  	[tilespmem:$0x1FF60] =	vst v18;
	v18 =	vld [tilespmem:$0x8D90];
	v2 =	vadd.f32 v2, v12  }
0x13b: {  	v20 =	vld [tilespmem:$0x8E90];
	v37 =	vmul.f32 v38, v63;
	v38 =	vmul.f32 v48, v50;
	v4 =	vadd.f32 v22, v4  }
0x13c: {  	v19 =	vld [tilespmem:$0x8E10];
	v63 =	vmul.f32 v39, v11;
	v39 =	vbroadcast v60, $0xE;
	v2 =	vadd.f32 v36, v2  }
0x13d: {  	v12 =	vld [tilespmem:$0x1FF10];
	v4 =	vadd.f32 v37, v4  }
0x13e: {  	v2 =	vadd.f32 v38, v2;
	v38 =	vmul.f32 v8, v39;
	v8 =	vld [tilespmem:$0x1FF00]  }
0x13f: {  	v48 =	vbroadcast v60, $0xD;
	v4 =	vadd.f32 v63, v4;
	v63 =	vld [tilespmem:$0x1FEF0]  }
0x140: {  	v44 =	vld [tilespmem:$0x8D00];
	v37 =	vmul.f32 v40, v10  }
0x141: {  	v45 =	vld [tilespmem:$0x8D80];
	v7 =	vmul.f32 v7, v48  }
0x142: {  	v59 =	vld [tilespmem:$0x8E00];
	v36 =	vmul.f32 v12, v6;
	v4 =	vadd.f32 v37, v4  }
0x143: {  	v5 =	vld [tilespmem:$0x9080];
	v40 =	vbroadcast v60, $0xF;
	v2 =	vadd.f32 v7, v2  }
0x144: {  	v1 =	vmul.f32 v13, v1;
	v0 =	vld [tilespmem:$0x9280];
	v4 =	vadd.f32 v36, v4;
	v60 =	vpsel p6, v63, v8  }
0x145: {  	v62 =	vld [tilespmem:$0x8E80];
	v2 =	vadd.f32 v38, v2;
	v37 =	vmul.f32 v9, v40;
	v63 =	vbroadcast v60, $0x0  }
0x146: {  	v31 =	vmul.f32 v31, v50;
	v11 =	vld [tilespmem:$0x8F00];
	v12 =	vmul.f32 v25, v56;
	v1 =	vadd.f32 v1, v4  }
0x147: {  	v50 =	vld [tilespmem:$0x9400];
	v2 =	vadd.f32 v37, v2;
	v38 =	vmul.f32 v49, v63;
	v49 =	vbroadcast v60, $0x1  }
0x148: {  	v21 =	vld [tilespmem:$0x8F10];
	v25 =	vmul.f32 v26, v57;
	v1 =	vadd.f32 v12, v1  }
0x149: {  	v22 =	vld [tilespmem:$0x8F90];
	v2 =	vadd.f32 v38, v2;
	v13 =	vmul.f32 v51, v49;
	v51 =	vbroadcast v60, $0x2  }
0x14a: {  	v10 =	vld [tilespmem:$0x8F80];
	v12 =	vmul.f32 v27, v55;
	v1 =	vadd.f32 v25, v1  }
0x14b: {  	v6 =	vld [tilespmem:$0x9000];
	v2 =	vadd.f32 v13, v2;
	v26 =	vmul.f32 v52, v51;
	v52 =	vbroadcast v60, $0x3  }
0x14c: {  	v56 =	vld [tilespmem:$0x9100];
	v25 =	vmul.f32 v28, v23;
	v1 =	vadd.f32 v12, v1  }
0x14d: {  	v57 =	vld [tilespmem:$0x9180];
	v2 =	vadd.f32 v26, v2;
	v13 =	vmul.f32 v53, v52;
	v53 =	vbroadcast v60, $0x4  }
0x14e: {  	v9 =	vld [tilespmem:$0x9090];
	v27 =	vmul.f32 v29, v24;
	v1 =	vadd.f32 v25, v1  }
0x14f: {  	v36 =	vld [tilespmem:$0x9110];
	v2 =	vadd.f32 v13, v2;
	v26 =	vmul.f32 v54, v53  }
0x150: {  	v37 =	vld [tilespmem:$0x9190];
	v29 =	vmul.f32 v30, v47;
	v54 =	vbroadcast v60, $0x5;
	v1 =	vadd.f32 v27, v1  }
0x151: {  	v8 =	vld [tilespmem:$0x9010];
	v2 =	vadd.f32 v26, v2  }
0x152: {  	v28 =	vmul.f32 v61, v54;
	v61 =	vbroadcast v60, $0x6;
	v1 =	vadd.f32 v29, v1;
	v29 =	vld [tilespmem:$0x1FF20]  }
0x153: {  	v55 =	vld [tilespmem:$0x9200]  }
0x154: {  	v47 =	vld [tilespmem:$0x9380];
	v2 =	vadd.f32 v28, v2;
	v30 =	vmul.f32 v58, v61;
	v58 =	vbroadcast v60, $0x7  }
0x155: {  	v24 =	vld [tilespmem:$0x9410]  }
0x156: {  	v38 =	vld [tilespmem:$0x9210];
	v2 =	vadd.f32 v30, v2;
	v28 =	vmul.f32 v46, v58;
	v46 =	vbroadcast v60, $0x8  }
0x157: {  	v23 =	vld [tilespmem:$0x9390];
	v49 =	vmul.f32 v41, v49;
	v1 =	vadd.f32 v31, v1;
	v4 =	vmul.f32 v29, v48  }
0x158: {  	v41 =	vld [tilespmem:$0x9680];
	v26 =	vbroadcast v60, $0x9;
	v2 =	vadd.f32 v28, v2;
	v30 =	vmul.f32 v32, v46  }
0x159: {  	v12 =	vld [tilespmem:$0x9290];
	v31 =	vmul.f32 v33, v39;
	v4 =	vadd.f32 v4, v1  }
0x15a: {  	v25 =	vld [tilespmem:$0x9490];
	v7 =	vmul.f32 v44, v26;
	v39 =	vbroadcast v60, $0xA;
	v2 =	vadd.f32 v30, v2  }
0x15b: {  	v13 =	vld [tilespmem:$0x9310];
	v44 =	vmul.f32 v34, v40;
	v4 =	vadd.f32 v31, v4  }
0x15c: {  	v27 =	vld [tilespmem:$0x9590];
	v40 =	vbroadcast v60, $0xB;
	v45 =	vmul.f32 v45, v39;
	v2 =	vadd.f32 v7, v2  }
0x15d: {  	v33 =	vld [tilespmem:$0x9500];
	v29 =	vmul.f32 v35, v63;
	v4 =	vadd.f32 v44, v4  }
0x15e: {  	v34 =	vld [tilespmem:$0x9580];
	v63 =	vmul.f32 v59, v40;
	v44 =	vbroadcast v60, $0xC;
	v2 =	vadd.f32 v45, v2  }
0x15f: {  	v17 =	vmul.f32 v17, v26;
	v26 =	vld [tilespmem:$0x9A80];
	v4 =	vadd.f32 v29, v4  }
0x160: {  	v48 =	vld [tilespmem:$0x9480];
	v45 =	vbroadcast v60, $0xD;
	v59 =	vmul.f32 v62, v44;
	v2 =	vadd.f32 v63, v2  }
0x161: {  	v35 =	vld [tilespmem:$0x9600];
	v62 =	vmul.f32 v42, v51;
	v4 =	vadd.f32 v49, v4  }
0x162: {  	v19 =	vmul.f32 v19, v40;
	v40 =	vld [tilespmem:$0x9B80];
	v63 =	vmul.f32 v11, v45;
	v2 =	vadd.f32 v59, v2  }
0x163: {  	v4 =	vadd.f32 v62, v4;
	v62 =	vld [tilespmem:$0x1FF30]  }
0x164: {  	v2 =	vadd.f32 v63, v2;
	v63 =	vld [tilespmem:$0x1FF40]  }
0x165: {  	v28 =	vld [tilespmem:$0x9610]  }
0x166: {  	v32 =	vld [tilespmem:$0x1FF50];
	v49 =	vbroadcast v60, $0xE  }
0x167: {  	v1 =	vld [tilespmem:$0x9510]  }
0x168: {  	v30 =	vld [tilespmem:$0x9710];
	v51 =	vbroadcast v60, $0xF;
	v59 =	vmul.f32 v10, v49  }
0x169: {  	v31 =	vld [tilespmem:$0x9790];
	v11 =	vmul.f32 v43, v52;
	v52 =	vpsel p6, v62, v63  }
0x16a: {  	v6 =	vmul.f32 v6, v51;
	v2 =	vadd.f32 v59, v2;
	v59 =	vld [tilespmem:$0x1FF60];
	v7 =	vbroadcast v52, $0x0  }
0x16b: {  	v29 =	vld [tilespmem:$0x9690];
	v20 =	vmul.f32 v20, v44  }
0x16c: {  	v42 =	vld [tilespmem:$0x9700];
	v2 =	vadd.f32 v6, v2;
	v6 =	vbroadcast v52, $0x1;
	v5 =	vmul.f32 v5, v7  }
0x16d: {  	v44 =	vld [tilespmem:$0x9C00];
	v60 =	vmul.f32 v14, v61;
	v10 =	vmul.f32 v32, v53;
	v4 =	vadd.f32 v11, v4  }
0x16e: {  	v43 =	vld [tilespmem:$0x9780];
	v61 =	vmul.f32 v56, v6;
	v56 =	vbroadcast v52, $0x2;
	v2 =	vadd.f32 v5, v2  }
0x16f: {  	v21 =	vmul.f32 v21, v45;
	v45 =	vld [tilespmem:$0x9C80];
	v4 =	vadd.f32 v10, v4;
	v10 =	vmul.f32 v59, v54  }
0x170: {  	v14 =	vld [tilespmem:$0x9910];
	v63 =	vmul.f32 v57, v56;
	v57 =	vbroadcast v52, $0x3;
	v2 =	vadd.f32 v61, v2  }
0x171: {  	v8 =	vmul.f32 v8, v51;
	v51 =	vld [tilespmem:$0x9E00];
	v4 =	vadd.f32 v10, v4  }
0x172: {  	v53 =	vld [tilespmem:$0x9800];
	v61 =	vmul.f32 v55, v57;
	v55 =	vbroadcast v52, $0x4;
	v2 =	vadd.f32 v63, v2  }
0x173: {  	v32 =	vld [tilespmem:$0x9810];
	v22 =	vmul.f32 v22, v49;
	v62 =	vmul.f32 v15, v58;
	v4 =	vadd.f32 v60, v4  }
0x174: {  	v49 =	vld [tilespmem:$0x9D00];
	v5 =	vbroadcast v52, $0x5;
	v0 =	vmul.f32 v0, v55;
	v2 =	vadd.f32 v61, v2  }
0x175: {  	v11 =	vld [tilespmem:$0x9890];
	v60 =	vmul.f32 v16, v46;
	v4 =	vadd.f32 v62, v4  }
0x176: {  	v58 =	vld [tilespmem:$0x9980];
	v62 =	vmul.f32 v3, v5;
	v3 =	vbroadcast v52, $0x6;
	v0 =	vadd.f32 v0, v2  }
0x177: {  	v18 =	vmul.f32 v18, v39;
	v15 =	vld [tilespmem:$0x9990];
	v39 =	vbroadcast v52, $0x7;
	v4 =	vadd.f32 v60, v4  }
0x178: {  	v54 =	vld [tilespmem:$0x9880];
	v63 =	vmul.f32 v47, v3;
	v0 =	vadd.f32 v62, v0  }
0x179: {  	v59 =	vld [tilespmem:$0x9900];
	v50 =	vmul.f32 v50, v39;
	v4 =	vadd.f32 v17, v4  }
0x17a: {  	v7 =	vmul.f32 v9, v7;
	v9 =	vld [tilespmem:$0x9E10];
	v47 =	vbroadcast v52, $0x8;
	v0 =	vadd.f32 v63, v0  }
0x17b: {  	v10 =	vld [tilespmem:$0x9A90];
	v4 =	vadd.f32 v18, v4  }
0x17c: {  	v46 =	vld [tilespmem:$0x9A00];
	v61 =	vmul.f32 v48, v47;
	v48 =	vbroadcast v52, $0x9;
	v0 =	vadd.f32 v50, v0  }
0x17d: {  	v16 =	vld [tilespmem:$0x9A10];
	v57 =	vmul.f32 v38, v57;
	v4 =	vadd.f32 v19, v4  }
0x17e: {  	v38 =	vld [tilespmem:$0x9F80];
	v62 =	vmul.f32 v33, v48;
	v33 =	vbroadcast v52, $0xA;
	v0 =	vadd.f32 v61, v0  }
0x17f: {  	v5 =	vmul.f32 v13, v5;
	v13 =	vld [tilespmem:$0xB110];
	v12 =	vmul.f32 v12, v55;
	v4 =	vadd.f32 v20, v4  }
0x180: {  	v55 =	vld [tilespmem:$0xA000];
	v63 =	vmul.f32 v34, v33;
	v34 =	vbroadcast v52, $0xB;
	v0 =	vadd.f32 v62, v0  }
0x181: {  	v60 =	vld [tilespmem:$0x9B00];
	v4 =	vadd.f32 v21, v4  }
0x182: {  	v17 =	vld [tilespmem:$0x9B10];
	v35 =	vmul.f32 v35, v34;
	v61 =	vbroadcast v52, $0xC;
	v0 =	vadd.f32 v63, v0  }
0x183: {  	v24 =	vmul.f32 v24, v39;
	v39 =	vmul.f32 v25, v47;
	v47 =	vld [tilespmem:$0xA200];
	v4 =	vadd.f32 v22, v4  }
0x184: {  	v18 =	vld [tilespmem:$0x9B90];
	v41 =	vmul.f32 v41, v61;
	v63 =	vbroadcast v52, $0xD;
	v0 =	vadd.f32 v35, v0  }
0x185: {  	v1 =	vmul.f32 v1, v48;
	v48 =	vld [tilespmem:$0xA280]  }
0x186: {  	v4 =	vadd.f32 v8, v4;
	v0 =	vadd.f32 v41, v0;
	v41 =	vmul.f32 v42, v63;
	v42 =	vld [tilespmem:$0x9F10]  }
0x187: {  	v6 =	vmul.f32 v36, v6;
	v19 =	vld [tilespmem:$0x9C10]  }
0x188: {  	v20 =	vld [tilespmem:$0x9C90];
	v4 =	vadd.f32 v7, v4;
	v35 =	vmul.f32 v37, v56;
	v56 =	vbroadcast v52, $0xE  }
0x189: {  	v50 =	vld [tilespmem:$0x9D80]  }
0x18a: {  	v4 =	vadd.f32 v6, v4;
	v36 =	vmul.f32 v43, v56;
	v43 =	vbroadcast v52, $0xF;
	v52 =	vld [tilespmem:$0x1FF80]  }
0x18b: {  	[tilespmem:$0x1FF90] =	vst v42;
	v42 =	vld [tilespmem:$0x1FF70]  }
0x18c: {  	v28 =	vmul.f32 v28, v34;
	v34 =	vld [tilespmem:$0xA390];
	v4 =	vadd.f32 v35, v4  }
0x18d: {  	v21 =	vld [tilespmem:$0x9D10]  }
0x18e: {  	v0 =	vadd.f32 v41, v0;
	v41 =	vld [tilespmem:$0x9F90];
	v35 =	vadd.f32 v57, v4  }
0x18f: {  	v22 =	vld [tilespmem:$0x9D90]  }
0x190: {  	v62 =	vld [tilespmem:$0x9E80];
	v12 =	vadd.f32 v12, v35;
	v52 =	vpsel p6, v42, v52  }
0x191: {  	v57 =	vmul.f32 v53, v43;
	v0 =	vadd.f32 v36, v0;
	v36 =	vld [tilespmem:$0xA010];
	v53 =	vbroadcast v52, $0x0  }
0x192: {  	v3 =	vmul.f32 v23, v3;
	v8 =	vld [tilespmem:$0x9E90];
	v5 =	vadd.f32 v5, v12  }
0x193: {  	v37 =	vld [tilespmem:$0x9F00];
	v0 =	vadd.f32 v57, v0;
	[tilespmem:$0x1FFA0] =	vst v41;
	v41 =	vmul.f32 v54, v53;
	v54 =	vbroadcast v52, $0x1  }
0x194: {  	v6 =	vld [tilespmem:$0xA380];
	v3 =	vadd.f32 v3, v5;
	v23 =	vbroadcast v52, $0x2  }
0x195: {  	v4 =	vld [tilespmem:$0xA300];
	v0 =	vadd.f32 v41, v0;
	v42 =	vmul.f32 v59, v54  }
0x196: {  	v35 =	vld [tilespmem:$0xB100];
	[tilespmem:$0x1FFB0] =	vst v36;
	v3 =	vadd.f32 v24, v3;
	v36 =	vmul.f32 v58, v23;
	v58 =	vbroadcast v52, $0x3  }
0x197: {  	v57 =	vld [tilespmem:$0xA100];
	v0 =	vadd.f32 v42, v0  }
0x198: {  	v12 =	vld [tilespmem:$0xA110];
	v3 =	vadd.f32 v39, v3;
	v24 =	vmul.f32 v46, v58;
	v46 =	vbroadcast v52, $0x4  }
0x199: {  	v39 =	vld [tilespmem:$0xA290];
	v11 =	vmul.f32 v11, v53;
	v0 =	vadd.f32 v36, v0  }
0x19a: {  	v53 =	vld [tilespmem:$0xA600];
	v1 =	vadd.f32 v1, v3;
	v25 =	vmul.f32 v26, v46;
	v26 =	vmul.f32 v27, v33  }
0x19b: {  	v5 =	vbroadcast v52, $0x5;
	v59 =	vld [tilespmem:$0xA180];
	v0 =	vadd.f32 v24, v0  }
0x19c: {  	v43 =	vmul.f32 v32, v43;
	v41 =	vld [tilespmem:$0xA190];
	v32 =	vmul.f32 v14, v54;
	v1 =	vadd.f32 v26, v1  }
0x19d: {  	v54 =	vld [tilespmem:$0xA680];
	v27 =	vmul.f32 v60, v5;
	v60 =	vbroadcast v52, $0x6;
	v0 =	vadd.f32 v25, v0  }
0x19e: {  	v16 =	vmul.f32 v16, v58;
	v58 =	vld [tilespmem:$0xA780];
	v1 =	vadd.f32 v28, v1;
	v28 =	vmul.f32 v29, v61  }
0x19f: {  	v14 =	vld [tilespmem:$0xA910];
	v7 =	vmul.f32 v40, v60;
	v24 =	vbroadcast v52, $0x7;
	v0 =	vadd.f32 v27, v0  }
0x1a0: {  	v42 =	vld [tilespmem:$0xA210];
	v40 =	vmul.f32 v30, v63;
	v1 =	vadd.f32 v28, v1  }
0x1a1: {  	v33 =	vld [tilespmem:$0xA410];
	v29 =	vmul.f32 v44, v24;
	v25 =	vbroadcast v52, $0x8;
	v0 =	vadd.f32 v7, v0  }
0x1a2: {  	v36 =	vld [tilespmem:$0xA310];
	v26 =	vmul.f32 v31, v56;
	v1 =	vadd.f32 v40, v1  }
0x1a3: {  	v63 =	vld [tilespmem:$0xA480];
	v7 =	vmul.f32 v45, v25;
	v45 =	vbroadcast v52, $0x9;
	v0 =	vadd.f32 v29, v0  }
0x1a4: {  	v30 =	vld [tilespmem:$0xA490];
	v1 =	vadd.f32 v26, v1  }
0x1a5: {  	v56 =	vld [tilespmem:$0xA500];
	v40 =	vmul.f32 v49, v45;
	v49 =	vbroadcast v52, $0xA;
	v0 =	vadd.f32 v7, v0  }
0x1a6: {  	v61 =	vld [tilespmem:$0xA400];
	v1 =	vadd.f32 v43, v1  }
0x1a7: {  	v28 =	vld [tilespmem:$0xA590];
	v44 =	vmul.f32 v50, v49;
	v50 =	vbroadcast v52, $0xB;
	v0 =	vadd.f32 v40, v0  }
0x1a8: {  	v27 =	vld [tilespmem:$0xA610];
	v1 =	vadd.f32 v11, v1  }
0x1a9: {  	v26 =	vld [tilespmem:$0xA690];
	v31 =	vmul.f32 v51, v50;
	v51 =	vbroadcast v52, $0xC;
	v0 =	vadd.f32 v44, v0  }
0x1aa: {  	v29 =	vld [tilespmem:$0xA510];
	v43 =	vmul.f32 v15, v23;
	v1 =	vadd.f32 v32, v1  }
0x1ab: {  	v7 =	vld [tilespmem:$0xA580];
	v40 =	vmul.f32 v62, v51;
	v62 =	vbroadcast v52, $0xD;
	v0 =	vadd.f32 v31, v0  }
0x1ac: {  	v15 =	vbroadcast v52, $0xE;
	v11 =	vld [tilespmem:$0xA700]  }
0x1ad: {  	v3 =	vadd.f32 v43, v1;
	v1 =	vld [tilespmem:$0xA790];
	v44 =	vmul.f32 v37, v62;
	v2 =	vadd.f32 v40, v0  }
0x1ae: {  	v10 =	vmul.f32 v10, v46;
	v23 =	vmul.f32 v38, v15;
	v43 =	vld [tilespmem:$0xA880]  }
0x1af: {  	v52 =	vbroadcast v52, $0xF;
	v3 =	vadd.f32 v16, v3;
	v16 =	vld [tilespmem:$0xA890];
	v2 =	vadd.f32 v44, v2  }
0x1b0: {  	v5 =	vmul.f32 v17, v5;
	v37 =	vld [tilespmem:$0xA980]  }
0x1b1: {  	v31 =	vmul.f32 v55, v52;
	v0 =	vld [tilespmem:$0xA710];
	v3 =	vadd.f32 v10, v3;
	v2 =	vadd.f32 v23, v2  }
0x1b2: {  	v40 =	vld [tilespmem:$0xA900]  }
0x1b3: {  	v32 =	vmul.f32 v18, v60;
	v44 =	vld [tilespmem:$0xA800];
	v3 =	vadd.f32 v5, v3;
	v2 =	vadd.f32 v31, v2  }
0x1b4: {  	v23 =	vld [tilespmem:$0xA810]  }
0x1b5: {  	v21 =	vmul.f32 v21, v45;
	v5 =	vadd.f32 v32, v3;
	v3 =	vld [tilespmem:$0xA990];
	v46 =	vmax.f32 v2, $0.0e+00  }
0x1b6: {  	v38 =	vmul.f32 v19, v24;
	v32 =	vld [tilespmem:$0xAA80];
	v2 =	vbroadcast v46, $0x0  }
0x1b7: {  	v31 =	vld [tilespmem:$0xAA00];
	v18 =	vbroadcast v46, $0x1;
	v60 =	vbroadcast v46, $0x2  }
0x1b8: {  	v10 =	vadd.f32 v38, v5;
	v5 =	vld [tilespmem:$0xAA10];
	v45 =	vbroadcast v46, $0x3;
	v55 =	vmul.f32 v57, v2  }
0x1b9: {  	v57 =	vmul.f32 v20, v25;
	v2 =	vmul.f32 v12, v2;
	v12 =	vld [tilespmem:$0xAB10]  }
0x1ba: {  	v59 =	vmul.f32 v59, v18;
	v18 =	vmul.f32 v41, v18;
	v41 =	vld [tilespmem:$0xAC00]  }
0x1bb: {  	v38 =	vmul.f32 v47, v60;
	v47 =	vmul.f32 v22, v49;
	v25 =	vld [tilespmem:$0xAC90];
	v17 =	vadd.f32 v55, v35  }
0x1bc: {  	v49 =	vmul.f32 v48, v45;
	v45 =	vmul.f32 v39, v45;
	v39 =	vld [tilespmem:$0xAD00]  }
0x1bd: {  	v19 =	vadd.f32 v57, v10;
	v10 =	vld [tilespmem:$0xAA90];
	v17 =	vadd.f32 v59, v17  }
0x1be: {  	v24 =	vbroadcast v46, $0x6;
	v20 =	vbroadcast v46, $0x5;
	v35 =	vld [tilespmem:$0xAB00]  }
0x1bf: {  	v55 =	vbroadcast v46, $0x4;
	v2 =	vadd.f32 v2, v13;
	v13 =	vld [tilespmem:$0xAB90];
	v17 =	vadd.f32 v38, v17  }
0x1c0: {  	v48 =	vbroadcast v46, $0x7;
	v57 =	vmul.f32 v9, v50;
	v9 =	vld [tilespmem:$0xAC10];
	v19 =	vadd.f32 v21, v19  }
0x1c1: {  	v4 =	vmul.f32 v4, v55;
	v59 =	vmul.f32 v42, v60;
	v42 =	vld [tilespmem:$0xAC80];
	v17 =	vadd.f32 v49, v17  }
0x1c2: {  	v2 =	vadd.f32 v18, v2;
	v50 =	vmul.f32 v36, v55;
	v55 =	vbroadcast v46, $0x8;
	v36 =	vld [tilespmem:$0xAD80]  }
0x1c3: {  	v6 =	vmul.f32 v6, v20;
	v38 =	vld [tilespmem:$0xAB80];
	v19 =	vadd.f32 v47, v19;
	v4 =	vadd.f32 v4, v17  }
0x1c4: {  	v2 =	vadd.f32 v59, v2;
	v47 =	vmul.f32 v61, v24;
	v59 =	vmul.f32 v56, v55;
	v61 =	vld [tilespmem:$0x1FF90]  }
0x1c5: {  	v24 =	vmul.f32 v33, v24;
	v33 =	vld [tilespmem:$0xAE80];
	v22 =	vmul.f32 v29, v55;
	v4 =	vadd.f32 v6, v4  }
0x1c6: {  	v29 =	vld [tilespmem:$0xB180];
	v60 =	vadd.f32 v57, v19;
	v49 =	vmul.f32 v8, v51;
	v2 =	vadd.f32 v45, v2  }
0x1c7: {  	v8 =	vld [tilespmem:$0xAD10];
	v51 =	vmul.f32 v63, v48;
	v57 =	vmul.f32 v34, v20;
	v4 =	vadd.f32 v47, v4  }
0x1c8: {  	v34 =	vld [tilespmem:$0xAE00];
	v63 =	vbroadcast v46, $0xA;
	v19 =	vmul.f32 v30, v48;
	v2 =	vadd.f32 v50, v2  }
0x1c9: {  	v30 =	vld [tilespmem:$0xAF00];
	v21 =	vadd.f32 v49, v60;
	v60 =	vbroadcast v46, $0x9;
	v4 =	vadd.f32 v51, v4  }
0x1ca: {  	v48 =	vld [tilespmem:$0xB000];
	v45 =	vmul.f32 v61, v62;
	v18 =	vadd.f32 v57, v2  }
0x1cb: {  	v62 =	vmul.f32 v7, v60;
	v51 =	vmul.f32 v53, v63;
	v53 =	vld [tilespmem:$0x1FFA0];
	v4 =	vadd.f32 v59, v4  }
0x1cc: {  	v55 =	vbroadcast v46, $0xC;
	v17 =	vld [tilespmem:$0xAD90];
	v24 =	vadd.f32 v24, v18  }
0x1cd: {  	v20 =	vmul.f32 v28, v60;
	v60 =	vld [tilespmem:$0x1FFB0];
	v47 =	vbroadcast v46, $0xB;
	v4 =	vadd.f32 v62, v4  }
0x1ce: {  	v49 =	vld [tilespmem:$0xB080];
	v19 =	vadd.f32 v19, v24  }
0x1cf: {  	v11 =	vmul.f32 v11, v55;
	v2 =	vld [tilespmem:$0xAE10];
	v54 =	vmul.f32 v54, v47;
	v4 =	vadd.f32 v51, v4  }
0x1d0: {  	v6 =	vld [tilespmem:$0xAF10];
	v21 =	vadd.f32 v45, v21;
	v56 =	vadd.f32 v22, v19;
	v15 =	vmul.f32 v53, v15  }
0x1d1: {  	v7 =	vmul.f32 v27, v63;
	v27 =	vld [tilespmem:$0xB290];
	v59 =	vbroadcast v46, $0xD;
	v57 =	vadd.f32 v54, v4  }
0x1d2: {  	v28 =	vld [tilespmem:$0xBA30];
	v61 =	vmul.f32 v60, v52;
	v20 =	vadd.f32 v20, v56;
	v15 =	vadd.f32 v15, v21  }
0x1d3: {  	v45 =	vld [tilespmem:$0xAF80];
	v63 =	vbroadcast v46, $0xE;
	v62 =	vmul.f32 v58, v59;
	v11 =	vadd.f32 v11, v57  }
0x1d4: {  	v18 =	vld [tilespmem:$0xAE90];
	v52 =	vmul.f32 v26, v47;
	v7 =	vadd.f32 v7, v20;
	v15 =	vadd.f32 v61, v15  }
0x1d5: {  	v24 =	vld [tilespmem:$0xC1A0];
	v53 =	vmul.f32 v44, v63;
	v54 =	vbroadcast v46, $0xF;
	v11 =	vadd.f32 v62, v11  }
0x1d6: {  	v0 =	vmul.f32 v0, v55;
	v26 =	vld [tilespmem:$0xB090];
	v7 =	vadd.f32 v52, v7;
	v15 =	vmax.f32 v15, $0.0e+00  }
0x1d7: {  	v19 =	vld [tilespmem:$0xAF90];
	v55 =	vmul.f32 v43, v54;
	v56 =	vbroadcast v15, $0x0;
	v11 =	vadd.f32 v53, v11  }
0x1d8: {  	v22 =	vld [tilespmem:$0xC1B0];
	v60 =	vmul.f32 v23, v63;
	v1 =	vmul.f32 v1, v59;
	v0 =	vadd.f32 v0, v7  }
0x1d9: {  	v23 =	vld [tilespmem:$0xB190];
	v59 =	vbroadcast v15, $0x1;
	v58 =	vmul.f32 v40, v56;
	v57 =	vadd.f32 v55, v11  }
0x1da: {  	v20 =	vld [tilespmem:$0xC180];
	v0 =	vadd.f32 v1, v0  }
0x1db: {  	v21 =	vld [tilespmem:$0xC190];
	v62 =	vbroadcast v15, $0x2;
	v61 =	vmul.f32 v37, v59;
	v7 =	vadd.f32 v58, v57  }
0x1dc: {  	v4 =	vld [tilespmem:$0xB010];
	v63 =	vmul.f32 v16, v54;
	v0 =	vadd.f32 v60, v0  }
0x1dd: {  	v16 =	vld [tilespmem:$0xB1B0];
	v46 =	vbroadcast v15, $0x3;
	v44 =	vmul.f32 v31, v62;
	v7 =	vadd.f32 v61, v7  }
0x1de: {  	v43 =	vld [tilespmem:$0xB220];
	v47 =	vmul.f32 v14, v56;
	v0 =	vadd.f32 v63, v0  }
0x1df: {  	v51 =	vbroadcast v15, $0x4;
	v1 =	vld [tilespmem:$0xB510];
	v50 =	vmul.f32 v32, v46;
	v7 =	vadd.f32 v44, v7  }
0x1e0: {  	v37 =	vld [tilespmem:$0xB1A0];
	v52 =	vmul.f32 v3, v59;
	v0 =	vadd.f32 v47, v0  }
0x1e1: {  	v54 =	vbroadcast v15, $0x5;
	v40 =	vld [tilespmem:$0xB200];
	v53 =	vmul.f32 v35, v51;
	v7 =	vadd.f32 v50, v7  }
0x1e2: {  	v14 =	vld [tilespmem:$0xB210];
	v55 =	vmul.f32 v5, v62;
	v0 =	vadd.f32 v52, v0  }
0x1e3: {  	v3 =	vld [tilespmem:$0xB230];
	v57 =	vmul.f32 v38, v54;
	v58 =	vbroadcast v15, $0x6;
	v56 =	vadd.f32 v53, v7  }
0x1e4: {  	v35 =	vld [tilespmem:$0xB280];
	v59 =	vmul.f32 v10, v46;
	v0 =	vadd.f32 v55, v0  }
0x1e5: {  	v10 =	vld [tilespmem:$0xB2B0];
	v60 =	vmul.f32 v41, v58;
	v61 =	vbroadcast v15, $0x7;
	v5 =	vadd.f32 v57, v56  }
0x1e6: {  	v31 =	vld [tilespmem:$0xB500];
	v62 =	vmul.f32 v12, v51;
	v0 =	vadd.f32 v59, v0  }
0x1e7: {  	v46 =	vbroadcast v15, $0x8;
	v32 =	vld [tilespmem:$0xB520];
	v63 =	vmul.f32 v42, v61;
	v5 =	vadd.f32 v60, v5  }
0x1e8: {  	v12 =	vld [tilespmem:$0xB310];
	v47 =	vmul.f32 v13, v54;
	v0 =	vadd.f32 v62, v0  }
0x1e9: {  	v51 =	vbroadcast v15, $0x9;
	v11 =	vld [tilespmem:$0xB5A0];
	v50 =	vmul.f32 v39, v46;
	v5 =	vadd.f32 v63, v5  }
0x1ea: {  	v38 =	vld [tilespmem:$0xB2A0];
	v52 =	vmul.f32 v9, v58;
	v0 =	vadd.f32 v47, v0  }
0x1eb: {  	v13 =	vld [tilespmem:$0xB330];
	v54 =	vbroadcast v15, $0xA;
	v53 =	vmul.f32 v36, v51;
	v5 =	vadd.f32 v50, v5  }
0x1ec: {  	v41 =	vld [tilespmem:$0xB300];
	v55 =	vmul.f32 v25, v61;
	v0 =	vadd.f32 v52, v0  }
0x1ed: {  	v9 =	vld [tilespmem:$0xB390];
	v56 =	vmul.f32 v34, v54;
	v57 =	vbroadcast v15, $0xB;
	v5 =	vadd.f32 v53, v5  }
0x1ee: {  	v58 =	vmul.f32 v8, v46;
	v8 =	vld [tilespmem:$0xB410];
	v0 =	vadd.f32 v55, v0  }
0x1ef: {  	v42 =	vld [tilespmem:$0xB320];
	v59 =	vmul.f32 v33, v57;
	v60 =	vbroadcast v15, $0xC;
	v5 =	vadd.f32 v56, v5  }
0x1f0: {  	v25 =	vld [tilespmem:$0xB3B0];
	v61 =	vmul.f32 v17, v51;
	v0 =	vadd.f32 v58, v0  }
0x1f1: {  	v17 =	vld [tilespmem:$0xB430];
	v62 =	vmul.f32 v30, v60;
	v63 =	vbroadcast v15, $0xD;
	v5 =	vadd.f32 v59, v5  }
0x1f2: {  	v44 =	vld [tilespmem:$0xB4A0];
	v50 =	vmul.f32 v2, v54;
	v0 =	vadd.f32 v61, v0  }
0x1f3: {  	v39 =	vld [tilespmem:$0xB380];
	v52 =	vbroadcast v15, $0xE;
	v51 =	vmul.f32 v45, v63;
	v5 =	vadd.f32 v62, v5  }
0x1f4: {  	v46 =	vld [tilespmem:$0xB5B0];
	v53 =	vmul.f32 v18, v57;
	v0 =	vadd.f32 v50, v0  }
0x1f5: {  	v36 =	vld [tilespmem:$0xB3A0];
	v15 =	vbroadcast v15, $0xF;
	v54 =	vmul.f32 v48, v52;
	v5 =	vadd.f32 v51, v5  }
0x1f6: {  	v7 =	vld [tilespmem:$0xB580];
	v6 =	vmul.f32 v6, v60;
	v0 =	vadd.f32 v53, v0  }
0x1f7: {  	v34 =	vld [tilespmem:$0xB400];
	v55 =	vmul.f32 v49, v15;
	v5 =	vadd.f32 v54, v5  }
0x1f8: {  	v33 =	vld [tilespmem:$0xB420];
	v56 =	vmul.f32 v19, v63;
	v0 =	vadd.f32 v6, v0  }
0x1f9: {  	v30 =	vld [tilespmem:$0xB480];
	v5 =	vadd.f32 v55, v5  }
0x1fa: {  	v2 =	vld [tilespmem:$0xB490];
	v57 =	vmul.f32 v4, v52;
	v0 =	vadd.f32 v56, v0  }
0x1fb: {  	v45 =	vld [tilespmem:$0xB530];
	v59 =	vmul.f32 v26, v15;
	v4 =	vmax.f32 v5, $0.0e+00  }
0x1fc: {  	v18 =	vld [tilespmem:$0xB4B0];
	v0 =	vadd.f32 v57, v0;
	v58 =	vbroadcast v4, $0x0;
	v62 =	vbroadcast v4, $0x1  }
0x1fd: {  	v19 =	vld [tilespmem:$0xB590];
	v49 =	vbroadcast v4, $0x2;
	v53 =	vbroadcast v4, $0x3  }
0x1fe: {  	v26 =	vld [tilespmem:$0xB610];
	v5 =	vadd.f32 v59, v0;
	v56 =	vbroadcast v4, $0x4;
	v59 =	vbroadcast v4, $0x5  }
0x1ff: {  	v6 =	vld [tilespmem:$0xB600];
	v60 =	vmul.f32 v29, v58;
	v23 =	vmul.f32 v23, v58  }
0x200: {  	v61 =	vmul.f32 v37, v58;
	v37 =	vld [tilespmem:$0xB620];
	v16 =	vmul.f32 v16, v58  }
0x201: {  	v47 =	vmul.f32 v40, v62;
	v14 =	vmul.f32 v14, v62;
	v40 =	vld [tilespmem:$0xB690]  }
0x202: {  	v48 =	vmul.f32 v43, v62;
	v51 =	vmul.f32 v27, v49;
	v27 =	vld [tilespmem:$0xB6B0]  }
0x203: {  	v3 =	vmul.f32 v3, v62;
	v50 =	vmul.f32 v35, v49;
	v35 =	vld [tilespmem:$0xB700]  }
0x204: {  	v52 =	vmul.f32 v38, v49;
	v10 =	vmul.f32 v10, v49;
	v38 =	vld [tilespmem:$0xB730]  }
0x205: {  	v54 =	vmul.f32 v41, v53;
	v58 =	vmul.f32 v36, v56;
	v36 =	vld [tilespmem:$0xB7A0]  }
0x206: {  	v12 =	vmul.f32 v12, v53;
	v62 =	vmul.f32 v33, v59;
	v33 =	vld [tilespmem:$0xB810]  }
0x207: {  	v57 =	vmul.f32 v39, v56;
	v39 =	vmul.f32 v17, v59;
	v17 =	vld [tilespmem:$0xB830]  }
0x208: {  	v55 =	vmul.f32 v42, v53;
	v13 =	vmul.f32 v13, v53;
	v29 =	vld [tilespmem:$0xB920]  }
0x209: {  	v9 =	vmul.f32 v9, v56;
	v8 =	vmul.f32 v8, v59;
	v63 =	vadd.f32 v23, v21;
	v21 =	vld [tilespmem:$0xB630]  }
0x20a: {  	v43 =	vbroadcast v4, $0x7;
	v49 =	vbroadcast v4, $0x8;
	v0 =	vadd.f32 v61, v24;
	v24 =	vld [tilespmem:$0xB680]  }
0x20b: {  	v53 =	vbroadcast v4, $0x9;
	v15 =	vadd.f32 v60, v20;
	v20 =	vld [tilespmem:$0xB6A0];
	v60 =	vmul.f32 v25, v56  }
0x20c: {  	v16 =	vadd.f32 v16, v22;
	v22 =	vld [tilespmem:$0xB710];
	v61 =	vmul.f32 v34, v59;
	v1 =	vmul.f32 v1, v43  }
0x20d: {  	v23 =	vld [tilespmem:$0xB720];
	v7 =	vmul.f32 v7, v49;
	v56 =	vmul.f32 v26, v53;
	v15 =	vadd.f32 v47, v15  }
0x20e: {  	v25 =	vld [tilespmem:$0xB800];
	v14 =	vadd.f32 v14, v63;
	v0 =	vadd.f32 v48, v0;
	v63 =	vbroadcast v4, $0x6  }
0x20f: {  	v26 =	vld [tilespmem:$0xB980];
	v3 =	vadd.f32 v3, v16;
	v47 =	vmul.f32 v31, v43;
	v48 =	vmul.f32 v32, v43  }
0x210: {  	v16 =	vld [tilespmem:$0xB790];
	v15 =	vadd.f32 v50, v15;
	v41 =	vmul.f32 v30, v63;
	v2 =	vmul.f32 v2, v63  }
0x211: {  	v31 =	vld [tilespmem:$0xB8B0];
	v14 =	vadd.f32 v51, v14;
	v42 =	vmul.f32 v44, v63;
	v44 =	vmul.f32 v18, v63  }
0x212: {  	v32 =	vld [tilespmem:$0xB990];
	v0 =	vadd.f32 v52, v0;
	v50 =	vmul.f32 v45, v43;
	v51 =	vmul.f32 v19, v49  }
0x213: {  	v3 =	vadd.f32 v10, v3;
	v30 =	vld [tilespmem:$0xB880];
	v52 =	vmul.f32 v11, v49;
	v63 =	vbroadcast v4, $0xB  }
0x214: {  	v18 =	vld [tilespmem:$0xB8A0];
	v45 =	vbroadcast v4, $0xD;
	v59 =	vmul.f32 v21, v53;
	v15 =	vadd.f32 v54, v15  }
0x215: {  	v19 =	vld [tilespmem:$0xB910];
	v12 =	vadd.f32 v12, v14;
	v0 =	vadd.f32 v55, v0;
	v54 =	vmul.f32 v46, v49  }
0x216: {  	v11 =	vld [tilespmem:$0xBA10];
	v3 =	vadd.f32 v13, v3;
	v55 =	vmul.f32 v6, v53;
	v22 =	vmul.f32 v22, v63  }
0x217: {  	v21 =	vld [tilespmem:$0xB9B0];
	v49 =	vmul.f32 v33, v45;
	v10 =	vadd.f32 v57, v15;
	v9 =	vadd.f32 v9, v12  }
0x218: {  	v14 =	vld [tilespmem:$0xB780];
	v0 =	vadd.f32 v58, v0;
	v3 =	vadd.f32 v60, v3;
	v58 =	vbroadcast v4, $0xA  }
0x219: {  	v13 =	vld [tilespmem:$0xB820];
	v57 =	vmul.f32 v37, v53;
	v37 =	vmul.f32 v35, v63;
	v10 =	vadd.f32 v61, v10  }
0x21a: {  	v46 =	vld [tilespmem:$0xBAA0];
	v8 =	vadd.f32 v8, v9;
	v0 =	vadd.f32 v62, v0;
	v60 =	vmul.f32 v24, v58  }
0x21b: {  	v15 =	vld [tilespmem:$0xB7B0];
	v3 =	vadd.f32 v39, v3;
	v61 =	vmul.f32 v40, v58;
	v62 =	vmul.f32 v20, v58  }
0x21c: {  	v12 =	vld [tilespmem:$0xB890];
	v34 =	vmul.f32 v27, v58;
	v40 =	vbroadcast v4, $0xC;
	v10 =	vadd.f32 v41, v10  }
0x21d: {  	v35 =	vld [tilespmem:$0xBC30];
	v39 =	vmul.f32 v23, v63;
	v2 =	vadd.f32 v2, v8;
	v0 =	vadd.f32 v42, v0  }
0x21e: {  	v24 =	vld [tilespmem:$0xBA00];
	v3 =	vadd.f32 v44, v3;
	v41 =	vmul.f32 v38, v63;
	v42 =	vmul.f32 v14, v40  }
0x21f: {  	v27 =	vld [tilespmem:$0xBA20];
	v43 =	vmul.f32 v16, v40;
	v44 =	vmul.f32 v36, v40;
	v9 =	vadd.f32 v47, v10  }
0x220: {  	v20 =	vld [tilespmem:$0xBA80];
	v1 =	vadd.f32 v1, v2;
	v0 =	vadd.f32 v48, v0;
	v47 =	vmul.f32 v15, v40  }
0x221: {  	v23 =	vld [tilespmem:$0xBB00];
	v2 =	vadd.f32 v50, v3;
	v48 =	vmul.f32 v25, v45;
	v50 =	vmul.f32 v13, v45  }
0x222: {  	v16 =	vld [tilespmem:$0xBA90];
	v7 =	vadd.f32 v7, v9;
	v1 =	vadd.f32 v51, v1;
	v51 =	vbroadcast v4, $0xE  }
0x223: {  	v10 =	vld [tilespmem:$0xB900];
	v0 =	vadd.f32 v52, v0;
	v2 =	vadd.f32 v54, v2;
	v52 =	vmul.f32 v17, v45  }
0x224: {  	v9 =	vld [tilespmem:$0xB930];
	v3 =	vadd.f32 v55, v7;
	v1 =	vadd.f32 v56, v1;
	v53 =	vmul.f32 v30, v51  }
0x225: {  	v14 =	vld [tilespmem:$0xBAB0];
	v0 =	vadd.f32 v57, v0;
	v12 =	vmul.f32 v12, v51;
	v54 =	vmul.f32 v18, v51  }
0x226: {  	v8 =	vld [tilespmem:$0xBB90];
	v55 =	vbroadcast v4, $0xF;
	v4 =	vmax.f32 v5, $0.0e+00;
	v56 =	vmul.f32 v31, v51  }
0x227: {  	v25 =	vld [tilespmem:$0xBB10];
	v2 =	vadd.f32 v59, v2;
	v59 =	vbroadcast v4, $0x0;
	v31 =	vbroadcast v4, $0x6  }
0x228: {  	v7 =	vld [tilespmem:$0xB9A0];
	v3 =	vadd.f32 v60, v3;
	v57 =	vmul.f32 v10, v55;
	v58 =	vmul.f32 v19, v55  }
0x229: {  	v15 =	vld [tilespmem:$0xBB20];
	v1 =	vadd.f32 v61, v1;
	v60 =	vmul.f32 v29, v55;
	v9 =	vmul.f32 v9, v55  }
0x22a: {  	v13 =	vld [tilespmem:$0xBBB0];
	v0 =	vadd.f32 v62, v0;
	v61 =	vmul.f32 v26, v59;
	v62 =	vmul.f32 v32, v59  }
0x22b: {  	v40 =	vld [tilespmem:$0xBC90];
	v2 =	vadd.f32 v34, v2;
	v32 =	vbroadcast v4, $0x1;
	v33 =	vmul.f32 v21, v59  }
0x22c: {  	v17 =	vld [tilespmem:$0xBB30];
	v3 =	vadd.f32 v37, v3;
	v0 =	vadd.f32 v39, v0;
	v39 =	vbroadcast v4, $0x2  }
0x22d: {  	v18 =	vld [tilespmem:$0xBC00];
	v1 =	vadd.f32 v22, v1;
	v63 =	vmul.f32 v7, v59;
	v36 =	vmul.f32 v24, v32  }
0x22e: {  	v51 =	vld [tilespmem:$0xBD20];
	v2 =	vadd.f32 v41, v2;
	v38 =	vmul.f32 v11, v32;
	v41 =	vmul.f32 v27, v32  }
0x22f: {  	v10 =	vld [tilespmem:$0xBBA0];
	v7 =	vmul.f32 v28, v32;
	v3 =	vadd.f32 v42, v3;
	v1 =	vadd.f32 v43, v1  }
0x230: {  	v29 =	vld [tilespmem:$0xBC20];
	v0 =	vadd.f32 v44, v0;
	v2 =	vadd.f32 v47, v2;
	v43 =	vmul.f32 v20, v39  }
0x231: {  	v34 =	vld [tilespmem:$0xBE20];
	v45 =	vmul.f32 v46, v39;
	v46 =	vbroadcast v4, $0x3;
	v3 =	vadd.f32 v48, v3  }
0x232: {  	v26 =	vld [tilespmem:$0xBC10];
	v16 =	vmul.f32 v16, v39;
	v1 =	vadd.f32 v49, v1;
	v0 =	vadd.f32 v50, v0  }
0x233: {  	v22 =	vld [tilespmem:$0xBB80];
	v2 =	vadd.f32 v52, v2;
	v48 =	vmul.f32 v14, v39;
	v50 =	vmul.f32 v23, v46  }
0x234: {  	v37 =	vld [tilespmem:$0xBC80];
	v52 =	vmul.f32 v25, v46;
	v55 =	vmul.f32 v15, v46;
	v3 =	vadd.f32 v53, v3  }
0x235: {  	v59 =	vld [tilespmem:$0xBD90];
	v39 =	vbroadcast v4, $0x7;
	v1 =	vadd.f32 v12, v1;
	v0 =	vadd.f32 v54, v0  }
0x236: {  	v24 =	vld [tilespmem:$0xBDB0];
	v2 =	vadd.f32 v56, v2;
	v53 =	vbroadcast v4, $0x4;
	v56 =	vmul.f32 v17, v46  }
0x237: {  	v28 =	vld [tilespmem:$0xBE00];
	v46 =	vbroadcast v4, $0x8;
	v3 =	vadd.f32 v57, v3;
	v1 =	vadd.f32 v58, v1  }
0x238: {  	v42 =	vld [tilespmem:$0xBCA0];
	v0 =	vadd.f32 v60, v0;
	v2 =	vadd.f32 v9, v2;
	v58 =	vmul.f32 v22, v53  }
0x239: {  	v44 =	vld [tilespmem:$0xBCB0];
	v8 =	vmul.f32 v8, v53;
	v3 =	vadd.f32 v61, v3;
	v61 =	vbroadcast v4, $0x5  }
0x23a: {  	v47 =	vld [tilespmem:$0xBD00];
	v60 =	vmul.f32 v10, v53;
	v1 =	vadd.f32 v62, v1;
	v0 =	vadd.f32 v63, v0  }
0x23b: {  	v49 =	vld [tilespmem:$0xBD10];
	v2 =	vadd.f32 v33, v2;
	v63 =	vmul.f32 v13, v53;
	v25 =	vmul.f32 v18, v61  }
0x23c: {  	v54 =	vld [tilespmem:$0xBD30];
	v3 =	vadd.f32 v36, v3;
	v30 =	vmul.f32 v26, v61;
	v33 =	vmul.f32 v29, v61  }
0x23d: {  	v57 =	vld [tilespmem:$0xBD80];
	v1 =	vadd.f32 v38, v1;
	v9 =	vmul.f32 v35, v61;
	v35 =	vmul.f32 v37, v31  }
0x23e: {  	v62 =	vld [tilespmem:$0xBDA0];
	v0 =	vadd.f32 v41, v0;
	v36 =	vmul.f32 v40, v31;
	v38 =	vmul.f32 v42, v31  }
0x23f: {  	v32 =	vld [tilespmem:$0xBE10];
	v2 =	vadd.f32 v7, v2;
	v41 =	vmul.f32 v44, v31;
	v29 =	vbroadcast v4, $0xB  }
0x240: {  	v53 =	vld [tilespmem:$0xBF10];
	v3 =	vadd.f32 v43, v3;
	v0 =	vadd.f32 v45, v0;
	v43 =	vmul.f32 v47, v39  }
0x241: {  	v40 =	vld [tilespmem:$0xBE80];
	v2 =	vadd.f32 v48, v2;
	v45 =	vmul.f32 v49, v39;
	v48 =	vmul.f32 v51, v39  }
0x242: {  	v37 =	vld [tilespmem:$0xBE30];
	v1 =	vadd.f32 v16, v1;
	v49 =	vmul.f32 v54, v39;
	v51 =	vmul.f32 v57, v46  }
0x243: {  	v42 =	vld [tilespmem:$0xBE90];
	v57 =	vmul.f32 v24, v46;
	v54 =	vmul.f32 v62, v46;
	v3 =	vadd.f32 v50, v3  }
0x244: {  	v44 =	vld [tilespmem:$0xBEA0];
	v62 =	vbroadcast v4, $0xA;
	v1 =	vadd.f32 v52, v1;
	v0 =	vadd.f32 v55, v0  }
0x245: {  	v47 =	vld [tilespmem:$0xBEB0];
	v2 =	vadd.f32 v56, v2;
	v52 =	vmul.f32 v59, v46;
	v55 =	vbroadcast v4, $0x9  }
0x246: {  	v50 =	vld [tilespmem:$0xBF00];
	v26 =	vmul.f32 v40, v62;
	v3 =	vadd.f32 v58, v3;
	v1 =	vadd.f32 v8, v1  }
0x247: {  	v56 =	vld [tilespmem:$0xBF20];
	v0 =	vadd.f32 v60, v0;
	v59 =	vmul.f32 v28, v55;
	v61 =	vmul.f32 v32, v55  }
0x248: {  	v2 =	vadd.f32 v63, v2;
	v58 =	vld [tilespmem:$0xBF30];
	v23 =	vmul.f32 v34, v55;
	v24 =	vmul.f32 v37, v55  }
0x249: {  	v60 =	vld [tilespmem:$0xBF80];
	v28 =	vmul.f32 v44, v62;
	v44 =	vbroadcast v4, $0xD;
	v3 =	vadd.f32 v25, v3  }
0x24a: {  	v32 =	vld [tilespmem:$0xC010];
	v31 =	vmul.f32 v47, v62;
	v1 =	vadd.f32 v30, v1;
	v0 =	vadd.f32 v33, v0  }
0x24b: {  	v34 =	vld [tilespmem:$0xC020];
	v2 =	vadd.f32 v9, v2;
	v9 =	vmul.f32 v42, v62;
	v3 =	vadd.f32 v35, v3  }
0x24c: {  	v63 =	vld [tilespmem:$0xBF90];
	v33 =	vmul.f32 v50, v29;
	v1 =	vadd.f32 v36, v1;
	v0 =	vadd.f32 v38, v0  }
0x24d: {  	v27 =	vld [tilespmem:$0xBFB0];
	v2 =	vadd.f32 v41, v2;
	v35 =	vmul.f32 v53, v29;
	v36 =	vbroadcast v4, $0xC  }
0x24e: {  	v25 =	vld [tilespmem:$0xBFA0];
	v38 =	vmul.f32 v56, v29;
	v7 =	vmul.f32 v58, v29;
	v3 =	vadd.f32 v43, v3  }
0x24f: {  	v30 =	vld [tilespmem:$0xC000];
	v50 =	vmul.f32 v32, v44;
	v1 =	vadd.f32 v45, v1;
	v0 =	vadd.f32 v48, v0  }
0x250: {  	v53 =	vmul.f32 v34, v44;
	v2 =	vadd.f32 v49, v2;
	v3 =	vadd.f32 v51, v3  }
0x251: {  	v37 =	vld [tilespmem:$0xC030];
	v40 =	vmul.f32 v60, v36;
	v41 =	vmul.f32 v63, v36;
	v1 =	vadd.f32 v52, v1  }
0x252: {  	v46 =	vmul.f32 v27, v36;
	v0 =	vadd.f32 v54, v0;
	v3 =	vadd.f32 v59, v3  }
0x253: {  	v39 =	vld [tilespmem:$0xC080];
	v43 =	vmul.f32 v25, v36;
	v2 =	vadd.f32 v57, v2;
	v1 =	vadd.f32 v61, v1  }
0x254: {  	v42 =	vld [tilespmem:$0xC090];
	v48 =	vmul.f32 v30, v44;
	v0 =	vadd.f32 v23, v0;
	v3 =	vadd.f32 v26, v3  }
0x255: {  	v47 =	vld [tilespmem:$0xC0B0];
	v51 =	vbroadcast v4, $0xE;
	v2 =	vadd.f32 v24, v2;
	v1 =	vadd.f32 v9, v1  }
0x256: {  	v45 =	vld [tilespmem:$0xC0A0];
	v54 =	vmul.f32 v37, v44;
	v0 =	vadd.f32 v28, v0;
	v3 =	vadd.f32 v33, v3  }
0x257: {  	v49 =	vld [tilespmem:$0xC100];
	v4 =	vbroadcast v4, $0xF;
	v2 =	vadd.f32 v31, v2;
	v1 =	vadd.f32 v35, v1  }
0x258: {  	v52 =	vld [tilespmem:$0xC110];
	v56 =	vmul.f32 v39, v51;
	v0 =	vadd.f32 v38, v0;
	v3 =	vadd.f32 v40, v3  }
0x259: {  	v55 =	vld [tilespmem:$0xC120];
	v58 =	vmul.f32 v42, v51;
	v2 =	vadd.f32 v7, v2;
	v1 =	vadd.f32 v41, v1  }
0x25a: {  	v57 =	vld [tilespmem:$0xC130];
	v60 =	vmul.f32 v47, v51;
	v0 =	vadd.f32 v43, v0;
	v3 =	vadd.f32 v48, v3  }
0x25b: {  	v59 =	vmul.f32 v45, v51;
	v2 =	vadd.f32 v46, v2;
	v1 =	vadd.f32 v50, v1  }
0x25c: {  	v8 =	vmul.f32 v49, v4;
	v0 =	vadd.f32 v53, v0;
	v3 =	vadd.f32 v56, v3  }
0x25d: {  	v61 =	vmul.f32 v52, v4;
	v2 =	vadd.f32 v54, v2;
	v1 =	vadd.f32 v58, v1  }
0x25e: {  	v62 =	vmul.f32 v55, v4;
	v0 =	vadd.f32 v59, v0;
	v3 =	vadd.f32 v8, v3  }
0x25f: {  	v4 =	vmul.f32 v57, v4;
	v2 =	vadd.f32 v60, v2;
	v1 =	vadd.f32 v61, v1  }
0x260: {  	v0 =	vadd.f32 v62, v0;
	v3 =	vmax.f32 v3, $0.0e+00  }
0x261: {  	v2 =	vadd.f32 v4, v2;
	v1 =	vmax.f32 v1, $0.0e+00;
	[tilespmem:$0xC200] =	vst v3  }
0x262: {  	v0 =	vmax.f32 v0, $0.0e+00;
	[tilespmem:$0xC210] =	vst v1  }
0x263: {  	p0 =	sne.s32 s4, $0x1;
	s30 =	rddreg [dreg:$0x11];
	v63 =	vmax.f32 v2, $0.0e+00;
	[tilespmem:$0xC220] =	vst v0  }
.Ltmp1:
0x264: {  	s31 =	rddreg [dreg:$0x19];
	[tilespmem:$0xC230] =	vst v63;
	(pc) =	sbr.rel @p0 .LBB2_2-.Ltmp1, $4  }
0x265: {  	[hbm4b:s30+s3] =	stream.linear.scatter [tilespmem:s31], [sflag:$0x4], $0x80, $0x38;
	[tilespmem:$0xC280] =	vst v63  }
0x266: {  	_ =	swait.ge [sflag:s8], $0x80  }
0x267: {  	[sflag:s8] =	ssyncset.done $0x0  }
0x268: {  	s4 =	sadd.s32 $0xFFFFFFFF, s4;
	[sflag:s8] =	ssyncadd.s32 $0xFFFFFF80  }
.LBB2_3:
0x269: {  	_ =	sfence.sel $0x180000  }
0x26a: {  	[bflag:$0x0] =	sbarrier.arrive $0xFFFF  }
0x26b: {  	p0 =	sne.s32 s2, $0x0;
	_ =	strace $0x90000047  }
0x26c: {  	s0 =	sadd.s32 @!p0 $0x100000, s1;
	[bflag:$0x2] =	sbarrier.arrive $0xFFFF  }
0x26d: {  	[sflag:s0] =	ssyncadd.tile.s32 @!p0 $0x1;
	_ =	shalt  }
.Lfunc_end2:
_tile_overlayer_lowered:
.L_overlay_start_2:
0x26e: {  	(tag) =	ssettag $0x2  }
0x26f: {  	s0 =	rddreg [dreg:$0x0];
	s2 =	stileid.u32  }
0x270: {  	s1 =	rddreg [dreg:$0x1];
	p0 =	sne.s32 s2, $0x0  }
0x271: {  	s3 =	rddreg [dreg:$0x2];
	[bflag:$0x3] =	sbarrier.arrive $0xFFFF;
	s2 =	simm.s32 @!p0 $0x1C04  }
0x272: {  	[timem:s3], [sflag:s2] =	dma.local @!p0 [hbm:s0], s1  }
0x273: {  	s0 =	simm.s32 @!p0 $0x4  }
0x274: {  	_ =	swait.ge @!p0 [sflag:s0], s1  }
0x275: {  	s1 =	ssub.s32 @!p0 $0x0, s1;
	[sflag:s0] =	ssyncset.done @!p0 $0x0  }
0x276: {  	[sflag:s0] =	ssyncadd.s32 @!p0 s1  }
0x277: {  	[bflag:$0x3] =	sbarrier.arrive $0xFFFF  }
0x278: {  	_ =	shalt  }

</sc_bundles>
